<compile_context>
chip_gen: v7x
topology: tpu7x:2x2x1
jax: 0.10.2.dev20260603
libtpu: 0.0.44.dev20260713+nightly
codegen_flags: <defaults>
</compile_context>

<pallas_src>
import functools

import jax
import jax.numpy as jnp
import numpy as np
from jax import lax
from jax.experimental import pallas as pl
from jax.experimental.pallas import tpu as pltpu
from jax.experimental.pallas import tpu_sc as plsc

_ANCHOR_BASES = np.array(
    [[-84.0, -40.0, 99.0, 55.0], [-176.0, -88.0, 191.0, 103.0],
     [-360.0, -184.0, 375.0, 199.0], [-56.0, -56.0, 71.0, 71.0],
     [-120.0, -120.0, 135.0, 135.0], [-248.0, -248.0, 263.0, 263.0],
     [-36.0, -80.0, 51.0, 95.0], [-80.0, -168.0, 95.0, 183.0],
     [-168.0, -344.0, 183.0, 359.0]], dtype=np.float32)
_STRIDE = 16
_PRE_NMS_TOP_N = 6000
_POST_NMS_TOP_N = 300
_NMS_THRESH = 0.7

_B = 4
_H = _W = 48
_A = 9
_HW = _H * _W
_HWB = _HW // 128
_N = _HW * _A
_AROWS = _A * _HWB
_ROWS = 168
_NPAD = _ROWS * 128
_G = _B * _NPAD
_CROWS = 48
_CPAD = _CROWS * 128
_CTOT = _B * _CPAD
_SLOT_TOT = _CTOT + 128
_NULL_IDX = _AROWS * 128
_NW = 32
_P1_BLKS = 32
_P2_ROWS = _CTOT // _NW


def _np_anchors():
    shift_x = np.arange(0, _W) * _STRIDE
    shift_y = np.arange(0, _H) * _STRIDE
    sx, sy = np.meshgrid(shift_x, shift_y)
    shifts = np.stack([sx.ravel(), sy.ravel(), sx.ravel(), sy.ravel()],
                      axis=1).astype(np.float32)
    anchors = _ANCHOR_BASES.reshape(1, _A, 4) + shifts.reshape(-1, 1, 4)
    return anchors.reshape(_N, 4)


_ANCHORS_NP = _np_anchors()


def _anchor_consts():
    ab = _ANCHOR_BASES
    w_a = ab[:, 2] - ab[:, 0] + 1.0
    h_a = ab[:, 3] - ab[:, 1] + 1.0
    cx_a = ab[:, 0] + 0.5 * w_a
    cy_a = ab[:, 1] + 0.5 * h_a
    hw = np.arange(_HW, dtype=np.float32)
    sx = (np.arange(_HW) % _W * _STRIDE).astype(np.float32)
    sy = (np.arange(_HW) // _W * _STRIDE).astype(np.float32)
    del hw
    out = np.zeros((4, _ROWS * 128), dtype=np.float32)
    for a in range(_A):
        sl = slice(a * _HW, (a + 1) * _HW)
        out[0, sl] = w_a[a]
        out[1, sl] = h_a[a]
        out[2, sl] = cx_a[a] + sx
        out[3, sl] = cy_a[a] + sy
    out[0, _N:] = 1.0
    out[1, _N:] = 1.0
    return out.reshape(4, _ROWS, 128)


_ANC4_NP = _anchor_consts()
_SRCG_NP = np.arange(_G, dtype=np.int32).reshape(_P1_BLKS, 21, 128)
_NULL_NP = np.full((_SLOT_TOT,), _NULL_IDX, dtype=np.int32)


def _stage_a_kernel(s_ref, d_ref, anc_ref, hm_ref, wm_ref,
                    x1o, y1o, x2o, y2o, slot_o):
    f32 = jnp.float32
    sv = s_ref[...].reshape(_B, _AROWS, 128)
    padm1 = jnp.full((_B, _ROWS - _AROWS, 128), -1.0, f32)
    padz = jnp.zeros((_B, _ROWS - _AROWS, 128), f32)
    scv = jnp.concatenate([sv, padm1], axis=1)
    dv = d_ref[...]

    def chan(k):
        rows = jnp.concatenate([dv[:, a * 4 + k] for a in range(_A)], axis=1)
        return jnp.concatenate([rows, padz], axis=1)

    dx = chan(0)
    dy = chan(1)
    dw = chan(2)
    dh = chan(3)

    WA = anc_ref[0][None]
    HA = anc_ref[1][None]
    CX = anc_ref[2][None]
    CY = anc_ref[3][None]
    hm = jnp.max(hm_ref[...], axis=(1, 2), keepdims=True)
    wm = jnp.max(wm_ref[...], axis=(1, 2), keepdims=True)

    pcx = dx * WA + CX
    pcy = dy * HA + CY
    pw = jnp.exp(dw) * WA
    ph = jnp.exp(dh) * HA
    x1 = jnp.minimum(jnp.maximum(pcx - 0.5 * pw, 0.0), wm)
    y1 = jnp.minimum(jnp.maximum(pcy - 0.5 * ph, 0.0), hm)
    x2 = jnp.minimum(jnp.maximum(pcx + 0.5 * pw, 0.0), wm)
    y2 = jnp.minimum(jnp.maximum(pcy + 0.5 * ph, 0.0), hm)

    lin = (lax.broadcasted_iota(jnp.int32, (_B, _ROWS, 128), 1) * 128
           + lax.broadcasted_iota(jnp.int32, (_B, _ROWS, 128), 2))

    bits = lax.bitcast_convert_type(scv, jnp.int32)
    K = _PRE_NMS_TOP_N

    def sel_body(t, pfx):
        cand = pfx | (jnp.int32(1) << (jnp.int32(30) - t))
        cnt = jnp.sum((bits >= cand).astype(jnp.int32), axis=(1, 2),
                      keepdims=True)
        return jnp.where(cnt >= K, cand, pfx)

    v = lax.fori_loop(0, 31, sel_body, jnp.zeros((_B, 1, 1), jnp.int32))

    gt = bits > v
    eq = bits == v
    cnt_gt = jnp.sum(gt.astype(jnp.int32), axis=(1, 2), keepdims=True)
    m = (K - cnt_gt).astype(f32)

    b0 = lax.broadcasted_iota(jnp.int32, (_HWB, _ROWS), 0)
    r1b = lax.broadcasted_iota(jnp.int32, (_HWB, _ROWS), 1)
    M = (((r1b % _HWB) == b0) & (r1b < _AROWS)).astype(f32)
    M2 = (((r1b % _HWB) < b0) & (r1b < _AROWS)).astype(f32)
    c0 = lax.broadcasted_iota(jnp.int32, (128, 128), 0)
    c1 = lax.broadcasted_iota(jnp.int32, (128, 128), 1)
    MU = (c0 < c1).astype(f32)
    r0 = lax.broadcasted_iota(jnp.int32, (_ROWS, _ROWS), 0)
    r1 = lax.broadcasted_iota(jnp.int32, (_ROWS, _ROWS), 1)
    Km = (((r0 % _HWB) == (r1 % _HWB)) & ((r1 // _HWB) < (r0 // _HWB))
          & (r1 < _AROWS) & (r0 < _AROWS)).astype(f32)
    zpad6 = jnp.zeros((_ROWS - _AROWS, 128), f32)

    def prefix_ref(maskf):
        lanepart = lax.dot(M, lax.dot(maskf, MU, preferred_element_type=f32),
                           preferred_element_type=f32)
        rowpart = jnp.sum(lax.dot(M2, maskf, preferred_element_type=f32),
                          axis=1, keepdims=True)
        p1 = rowpart + lanepart
        t1 = jnp.concatenate([p1] * _A + [zpad6], axis=0)
        t2 = lax.dot(Km, maskf, preferred_element_type=f32)
        return t1 + t2

    eqf = eq.astype(f32)
    pcs = [prefix_ref(eqf[i])[None] for i in range(_B)]
    pc = jnp.concatenate(pcs, axis=0)
    cand = gt | (eq & (pc < m))

    candf = cand.astype(f32)
    rks = [prefix_ref(candf[i])[None] for i in range(_B)]
    rank = jnp.concatenate(rks, axis=0).astype(jnp.int32)

    img_off = lax.broadcasted_iota(jnp.int32, (_B, 1, 1), 0) * _CPAD
    dummy = _CTOT + (lin % 128)
    slot = jnp.where(cand, img_off + rank, dummy)

    x1o[...] = x1
    y1o[...] = y1
    x2o[...] = x2
    y2o[...] = y2
    slot_o[...] = slot


def _sc_compact_body(slot_hbm, src_hbm, null_hbm,
                     x1_hbm, y1_hbm, x2_hbm, y2_hbm, sc_hbm,
                     ox1, oy1, ox2, oy2, osc,
                     idxsp, slot_v, src_v, null_v, idx_v, vals_v,
                     sem1, sem2):
    c = lax.axis_index("c")
    s = lax.axis_index("s")
    wid = c * 16 + s
    chunk = _SLOT_TOT // 16
    pltpu.sync_copy(null_hbm.at[pl.ds(s * chunk, chunk)], null_v)
    pltpu.sync_copy(null_v, idxsp.at[pl.ds(s * chunk, chunk)])
    for j0 in (0, 16):
        j = s + j0
        pltpu.sync_copy(slot_hbm.at[j], slot_v)
        pltpu.sync_copy(src_hbm.at[j], src_v)
        descs = []
        for k in range(21):
            descs.append(
                pltpu.async_copy(src_v.at[k], idxsp.at[slot_v.at[k]], sem1))
        for d in descs:
            d.wait()
    plsc.subcore_barrier()
    pltpu.sync_copy(idxsp.at[pl.ds(wid * _P2_ROWS, _P2_ROWS)], idx_v)
    srcs = (x1_hbm, y1_hbm, x2_hbm, y2_hbm, sc_hbm)
    outs = (ox1, oy1, ox2, oy2, osc)
    descs = []
    for a in range(5):
        for k in range(_P2_ROWS // 128):
            descs.append(
                pltpu.async_copy(srcs[a].at[idx_v.at[pl.ds(k * 128, 128)]],
                                 vals_v.at[a, pl.ds(k * 128, 128)], sem2))
    for d in descs:
        d.wait()
    for a in range(5):
        pltpu.sync_copy(vals_v.at[a],
                        outs[a].at[pl.ds(wid * _P2_ROWS, _P2_ROWS)])


@functools.cache
def _sc_compact_callable():
    return pl.kernel(
        _sc_compact_body,
        out_type=[jax.ShapeDtypeStruct((_CTOT,), jnp.float32)] * 5,
        mesh=plsc.VectorSubcoreMesh(core_axis_name="c", subcore_axis_name="s",
                                    num_cores=2, num_subcores=16),
        scratch_types=[
            pltpu.VMEM_SHARED((_SLOT_TOT,), jnp.int32),
            pltpu.VMEM((21, 128), jnp.int32),
            pltpu.VMEM((21, 128), jnp.int32),
            pltpu.VMEM((_SLOT_TOT // 16,), jnp.int32),
            pltpu.VMEM((_P2_ROWS,), jnp.int32),
            pltpu.VMEM((5, _P2_ROWS), jnp.float32),
            pltpu.SemaphoreType.DMA,
            pltpu.SemaphoreType.DMA,
        ],
        compiler_params=pltpu.CompilerParams(use_tc_tiling_on_sc=False),
    )


def _sc_compact(*args):
    return _sc_compact_callable()(*args)


def _stage_b_kernel(sc_ref, x1_ref, y1_ref, x2_ref, y2_ref,
                    so_ref, bo_ref):
    f32 = jnp.float32
    scv = sc_ref[...]
    x1 = x1_ref[...]
    y1 = y1_ref[...]
    x2 = x2_ref[...]
    y2 = y2_ref[...]
    areas = (x2 - x1 + 1.0) * (y2 - y1 + 1.0)
    lin = (lax.broadcasted_iota(jnp.int32, (_B, _CROWS, 128), 1) * 128
           + lax.broadcasted_iota(jnp.int32, (_B, _CROWS, 128), 2))

    i8 = lax.broadcasted_iota(jnp.int32, (8, 128), 0)
    i128 = lax.broadcasted_iota(jnp.int32, (8, 128), 1)
    img_id = lax.broadcasted_iota(jnp.int32, (_B, 1, 1), 0).astype(f32)
    BIG = jnp.int32(2 ** 30)

    def body(r, carry):
        ms, sa, xa, ya, x2a, y2a = carry
        mx = jnp.max(ms, axis=(1, 2), keepdims=True)
        validr = mx >= 0.0
        hit = ms == mx
        idx = jnp.min(jnp.where(hit, lin, BIG), axis=(1, 2), keepdims=True)
        sel = hit & (lin == idx)
        sm = sel.astype(f32)
        bx1 = jnp.sum(sm * x1, axis=(1, 2), keepdims=True)
        by1 = jnp.sum(sm * y1, axis=(1, 2), keepdims=True)
        bx2 = jnp.sum(sm * x2, axis=(1, 2), keepdims=True)
        by2 = jnp.sum(sm * y2, axis=(1, 2), keepdims=True)
        barea = (bx2 - bx1 + 1.0) * (by2 - by1 + 1.0)
        xx1 = jnp.maximum(bx1, x1)
        yy1 = jnp.maximum(by1, y1)
        xx2 = jnp.minimum(bx2, x2)
        yy2 = jnp.minimum(by2, y2)
        iw = jnp.maximum(0.0, xx2 - xx1 + 1.0)
        ih = jnp.maximum(0.0, yy2 - yy1 + 1.0)
        inter = iw * ih
        iou = inter / (barea + areas - inter)
        ms = jnp.where(iou > _NMS_THRESH, -1.0, ms)
        wmask = ((i8 == (r // 128)) & (i128 == (r % 128)))[None]
        sval = jnp.where(validr, mx, img_id)
        sa = jnp.where(wmask, sval, sa)
        xa = jnp.where(wmask, jnp.where(validr, bx1, 0.0), xa)
        ya = jnp.where(wmask, jnp.where(validr, by1, 0.0), ya)
        x2a = jnp.where(wmask, jnp.where(validr, bx2, 0.0), x2a)
        y2a = jnp.where(wmask, jnp.where(validr, by2, 0.0), y2a)
        return ms, sa, xa, ya, x2a, y2a

    z = jnp.zeros((_B, 8, 128), f32)
    _, sa, xa, ya, x2a, y2a = lax.fori_loop(
        0, _POST_NMS_TOP_N, body, (scv, z, z, z, z, z))
    so_ref[...] = sa
    bo_ref[:, 0] = xa
    bo_ref[:, 1] = ya
    bo_ref[:, 2] = x2a
    bo_ref[:, 3] = y2a


def kernel(scores, bbox_deltas, im_info):
    f32 = jnp.float32
    B = _B
    sv = scores[:, _A:, :, :].reshape(B, _A, _HWB, 128)
    dv = bbox_deltas.reshape(B, 4 * _A, _HWB, 128)
    anc4 = jnp.asarray(_ANC4_NP)
    hmb = jnp.broadcast_to((im_info[:, 0] - 1.0)[:, None, None], (B, 8, 128))
    wmb = jnp.broadcast_to((im_info[:, 1] - 1.0)[:, None, None], (B, 8, 128))

    x1d, y1d, x2d, y2d, slot = pl.pallas_call(
        _stage_a_kernel,
        out_shape=[
            jax.ShapeDtypeStruct((B, _ROWS, 128), f32),
            jax.ShapeDtypeStruct((B, _ROWS, 128), f32),
            jax.ShapeDtypeStruct((B, _ROWS, 128), f32),
            jax.ShapeDtypeStruct((B, _ROWS, 128), f32),
            jax.ShapeDtypeStruct((B, _ROWS, 128), jnp.int32),
        ],
    )(sv, dv, anc4, hmb, wmb)

    scp = jnp.concatenate(
        [scores[:, _A:, :, :].reshape(B, _AROWS, 128),
         jnp.full((B, _ROWS - _AROWS, 128), -1.0, f32)], axis=1)

    slotg = slot.reshape(_P1_BLKS, 21, 128)
    gx1, gy1, gx2, gy2, gsc = _sc_compact(
        slotg, jnp.asarray(_SRCG_NP), jnp.asarray(_NULL_NP),
        x1d.reshape(_G), y1d.reshape(_G), x2d.reshape(_G), y2d.reshape(_G),
        scp.reshape(_G))

    csc = gsc.reshape(B, _CROWS, 128)
    cx1 = gx1.reshape(B, _CROWS, 128)
    cy1 = gy1.reshape(B, _CROWS, 128)
    cx2 = gx2.reshape(B, _CROWS, 128)
    cy2 = gy2.reshape(B, _CROWS, 128)

    so, bo = pl.pallas_call(
        _stage_b_kernel,
        out_shape=[
            jax.ShapeDtypeStruct((B, 8, 128), f32),
            jax.ShapeDtypeStruct((B, 4, 8, 128), f32),
        ],
    )(csc, cx1, cy1, cx2, cy2)

    s = so.reshape(B, 8 * 128)[:, :_POST_NMS_TOP_N][..., None]
    b = jnp.transpose(bo.reshape(B, 4, 8 * 128)[:, :, :_POST_NMS_TOP_N],
                      (0, 2, 1))
    bcol = jnp.broadcast_to(
        jnp.arange(B, dtype=f32)[:, None, None], (B, _POST_NMS_TOP_N, 1))
    rpn_bbox = jnp.concatenate([bcol, b], axis=2)
    anchors = jnp.asarray(_ANCHORS_NP)
    return s, rpn_bbox, anchors

# --- scband reference (transcript-rebuilt; emitter-appended) ---
"""Pipeline reference for scband-rpnproposal-53145925320991 (READ-ONLY COPY).

The authoritative reference and input builder live on the scoring server;
editing this copy changes nothing except your own understanding.
"""

import jax, jax.numpy as jnp
import numpy as np

ANCHOR_BASES = np.array([[-84.0,-40.0,99.0,55.0],[-176.0,-88.0,191.0,103.0],[-360.0,-184.0,375.0,199.0],[-56.0,-56.0,71.0,71.0],[-120.0,-120.0,135.0,135.0],[-248.0,-248.0,263.0,263.0],[-36.0,-80.0,51.0,95.0],[-80.0,-168.0,95.0,183.0],[-168.0,-344.0,183.0,359.0]], dtype=np.float32)
STRIDE = 16
PRE_NMS_TOP_N = 6000
POST_NMS_TOP_N = 300
NMS_THRESH = 0.7

def shift_anchor_bases(anchor_bases, stride, feat_hw):
    H, W = feat_hw
    shift_x = np.arange(0, W) * stride
    shift_y = np.arange(0, H) * stride
    sx, sy = np.meshgrid(shift_x, shift_y)
    shifts = np.stack([sx.ravel(), sy.ravel(), sx.ravel(), sy.ravel()], axis=1).astype(np.float32)
    A = anchor_bases.shape[0]
    K = shifts.shape[0]
    anchors = anchor_bases.reshape(1, A, 4) + shifts.reshape(K, 1, 4)
    return anchors.reshape(K * A, 4)

def bbox_transform_inv(anchors, deltas):
    widths = anchors[:, 2] - anchors[:, 0] + 1.0
    heights = anchors[:, 3] - anchors[:, 1] + 1.0
    ctr_x = anchors[:, 0] + 0.5 * widths
    ctr_y = anchors[:, 1] + 0.5 * heights
    dx = deltas[..., 0]
    dy = deltas[..., 1]
    dw = deltas[..., 2]
    dh = deltas[..., 3]
    pred_ctr_x = dx * widths + ctr_x
    pred_ctr_y = dy * heights + ctr_y
    pred_w = jnp.exp(dw) * widths
    pred_h = jnp.exp(dh) * heights
    return jnp.stack([pred_ctr_x - 0.5 * pred_w, pred_ctr_y - 0.5 * pred_h, pred_ctr_x + 0.5 * pred_w, pred_ctr_y + 0.5 * pred_h], axis=-1)

def clip_boxes(boxes, im_info):
    h = im_info[:, 0][:, None]
    w = im_info[:, 1][:, None]
    x1 = jnp.clip(boxes[..., 0], 0.0, w - 1.0)
    y1 = jnp.clip(boxes[..., 1], 0.0, h - 1.0)
    x2 = jnp.clip(boxes[..., 2], 0.0, w - 1.0)
    y2 = jnp.clip(boxes[..., 3], 0.0, h - 1.0)
    return jnp.stack([x1, y1, x2, y2], axis=-1)

def greedy_nms(boxes, thresh):
    n = boxes.shape[0]
    areas = (boxes[:, 2] - boxes[:, 0] + 1.0) * (boxes[:, 3] - boxes[:, 1] + 1.0)
    idxs = jnp.arange(n)
    def body(i, keep):
        b = boxes[i]
        xx1 = jnp.maximum(b[0], boxes[:, 0])
        yy1 = jnp.maximum(b[1], boxes[:, 1])
        xx2 = jnp.minimum(b[2], boxes[:, 2])
        yy2 = jnp.minimum(b[3], boxes[:, 3])
        w = jnp.maximum(0.0, xx2 - xx1 + 1.0)
        h = jnp.maximum(0.0, yy2 - yy1 + 1.0)
        inter = w * h
        iou = inter / (areas[i] + areas - inter)
        suppress = (iou > thresh) & (idxs > i) & keep[i]
        return keep & (~suppress)
    return jax.lax.fori_loop(0, n, body, jnp.ones((n,), dtype=bool))

def _forward(scores, bbox_deltas, im_info):
    num_anchors = ANCHOR_BASES.shape[0]
    B = scores.shape[0]
    H = scores.shape[2]
    W = scores.shape[3]
    fg_scores = scores[:, num_anchors:, :, :]
    anchors = jnp.asarray(shift_anchor_bases(ANCHOR_BASES, STRIDE, (H, W)))
    deltas = jnp.transpose(bbox_deltas, (0, 2, 3, 1)).reshape(B, -1, 4)
    sc = jnp.transpose(fg_scores, (0, 2, 3, 1)).reshape(B, -1)
    proposals = bbox_transform_inv(anchors, deltas)
    proposals = clip_boxes(proposals, im_info)
    rpn_scores_list = []
    rpn_bbox_list = []
    for i in range(B):
        order = jnp.argsort(-sc[i])[:PRE_NMS_TOP_N]
        p = proposals[i][order]
        s = sc[i][order]
        keep = greedy_nms(jax.lax.stop_gradient(p), NMS_THRESH)
        n = p.shape[0]
        rank = jnp.cumsum(keep.astype(jnp.int32)) - 1
        pos = jnp.where(keep & (rank < POST_NMS_TOP_N), rank, POST_NMS_TOP_N)
        sel = jnp.full((POST_NMS_TOP_N + 1,), n, dtype=jnp.int32).at[pos].set(jnp.arange(n, dtype=jnp.int32))[:POST_NMS_TOP_N]
        valid = sel < n
        p_pad = jnp.concatenate([p, jnp.zeros((1, 4), dtype=p.dtype)], axis=0)
        s_pad = jnp.concatenate([s, jnp.zeros((1,), dtype=s.dtype)], axis=0)
        g_boxes = p_pad[sel]
        g_scores = s_pad[sel]
        score_col = jnp.where(valid, g_scores, jnp.float32(i))[:, None]
        batch_col = jnp.full((POST_NMS_TOP_N, 1), float(i), dtype=p.dtype)
        coords = jnp.where(valid[:, None], g_boxes, 0.0)
        rpn_scores_list.append(score_col)
        rpn_bbox_list.append(jnp.concatenate([batch_col, coords], axis=1))
    return jnp.stack(rpn_scores_list, axis=0), jnp.stack(rpn_bbox_list, axis=0), anchors

def setup_inputs(seed: int = 0):
    key = jax.random.key(seed)
    k1, k2 = jax.random.split(key)
    scores = jax.random.uniform(k1, (4, 18, 48, 48), dtype=jnp.float32)
    bbox_deltas = jax.random.normal(k2, (4, 36, 48, 48), dtype=jnp.float32) * 0.1
    im_info = jnp.tile(jnp.array([[768.0, 768.0, 1.0]], dtype=jnp.float32), (4, 1))
    return {"scores": scores, "bbox_deltas": bbox_deltas, "im_info": im_info}

def reference(scores, bbox_deltas, im_info):
    return _forward(scores, bbox_deltas, im_info)

if __name__ == "__main__":
    import jax
    _d = setup_inputs()
    print(jax.jit(kernel)(*tuple(_d.values())))

</pallas_src>

<mosaic_0001>
#map = affine_map<(d0, d1) -> (0, 0, 0)>
#map1 = affine_map<(d0, d1) -> (0)>
module attributes {stable_mosaic.version = 14 : i64} {
  func.func @_sc_compact_body(%arg0: i32, %arg1: i32, %arg2: memref<32x21x128xi32, #tpu.memory_space<hbm>>, %arg3: memref<32x21x128xi32, #tpu.memory_space<hbm>>, %arg4: memref<24704xi32, #tpu.memory_space<hbm>>, %arg5: memref<86016xf32, #tpu.memory_space<hbm>>, %arg6: memref<86016xf32, #tpu.memory_space<hbm>>, %arg7: memref<86016xf32, #tpu.memory_space<hbm>>, %arg8: memref<86016xf32, #tpu.memory_space<hbm>>, %arg9: memref<86016xf32, #tpu.memory_space<hbm>>, %arg10: memref<24576xf32, #tpu.memory_space<hbm>>, %arg11: memref<24576xf32, #tpu.memory_space<hbm>>, %arg12: memref<24576xf32, #tpu.memory_space<hbm>>, %arg13: memref<24576xf32, #tpu.memory_space<hbm>>, %arg14: memref<24576xf32, #tpu.memory_space<hbm>>, %arg15: memref<24704xi32, #tpu.memory_space<vmem_shared>>, %arg16: memref<21x128xi32, #tpu.memory_space<vmem>>, %arg17: memref<21x128xi32, #tpu.memory_space<vmem>>, %arg18: memref<1544xi32, #tpu.memory_space<vmem>>, %arg19: memref<768xi32, #tpu.memory_space<vmem>>, %arg20: memref<5x768xf32, #tpu.memory_space<vmem>>, %arg21: memref<!tpu.dma_semaphore, #tpu.memory_space<semaphore_mem>>, %arg22: memref<!tpu.dma_semaphore, #tpu.memory_space<semaphore_mem>>) attributes {dimension_semantics = [#tpu.dimension_semantics<core_parallel>, #tpu.dimension_semantics<subcore_parallel>], iteration_bounds = array<i64: 2, 16>, scalar_prefetch = 0 : i64, scratch_operands = 8 : i64, tpu.core_type = #tpu.core_type<sc_vector_subcore>, window_params = [{transform_indices = #map}, {transform_indices = #map}, {transform_indices = #map1}, {transform_indices = #map1}, {transform_indices = #map1}, {transform_indices = #map1}, {transform_indices = #map1}, {transform_indices = #map1}, {transform_indices = #map1}, {transform_indices = #map1}, {transform_indices = #map1}, {transform_indices = #map1}, {transform_indices = #map1}]} {
    %mul3A = arith.constant 16 : i32
    %mul3A_0 = arith.muli %arg0, %mul3A : i32
    %add3A = arith.addi %mul3A_0, %arg1 : i32
    %mul3A_1 = arith.constant 1544 : i32
    %mul3A_2 = arith.muli %arg1, %mul3A_1 : i32
    "tpu.region"() ({
      %run_scoped3A_1343 = tpu.sem_alloc : memref<!tpu.dma_semaphore, #tpu.memory_space<semaphore_mem>>
      %dma_start3A_1344 = tpu.memref_slice %arg4[%mul3A_2] : memref<24704xi32, #tpu.memory_space<hbm>> -> memref<1544xi32, #tpu.memory_space<hbm>>
      %dma_start3A_1345 = tpu.memref_slice %arg4[%mul3A_2] : memref<24704xi32, #tpu.memory_space<hbm>> -> memref<1544xi32, #tpu.memory_space<hbm>>
      tpu.enqueue_dma source(%dma_start3A_1345 : memref<1544xi32, #tpu.memory_space<hbm>>) target(%arg18 : memref<1544xi32, #tpu.memory_space<vmem>>) target_semaphore(%run_scoped3A_1343 : memref<!tpu.dma_semaphore, #tpu.memory_space<semaphore_mem>>)
      %dma_wait3A_1346 = tpu.memref_slice %arg4[%mul3A_2] : memref<24704xi32, #tpu.memory_space<hbm>> -> memref<1544xi32, #tpu.memory_space<hbm>>
      %dma_wait3A_1347 = tpu.memref_slice %arg4[%mul3A_2] : memref<24704xi32, #tpu.memory_space<hbm>> -> memref<1544xi32, #tpu.memory_space<hbm>>
      tpu.wait_dma2 semaphore(%run_scoped3A_1343 : memref<!tpu.dma_semaphore, #tpu.memory_space<semaphore_mem>>) src(%dma_wait3A_1347 : memref<1544xi32, #tpu.memory_space<hbm>>) dst(%arg18 : memref<1544xi32, #tpu.memory_space<vmem>>)
      tpu.yield
    }) : () -> ()
    %mul3A_3 = arith.constant 1544 : i32
    %mul3A_4 = arith.muli %arg1, %mul3A_3 : i32
    "tpu.region"() ({
      %run_scoped3A_1343 = tpu.sem_alloc : memref<!tpu.dma_semaphore, #tpu.memory_space<semaphore_mem>>
      %dma_start3A_1344 = tpu.memref_slice %arg15[%mul3A_4] : memref<24704xi32, #tpu.memory_space<vmem_shared>> -> memref<1544xi32, #tpu.memory_space<vmem_shared>>
      %dma_start3A_1345 = tpu.memref_slice %arg15[%mul3A_4] : memref<24704xi32, #tpu.memory_space<vmem_shared>> -> memref<1544xi32, #tpu.memory_space<vmem_shared>>
      tpu.enqueue_dma source(%arg18 : memref<1544xi32, #tpu.memory_space<vmem>>) target(%dma_start3A_1345 : memref<1544xi32, #tpu.memory_space<vmem_shared>>) target_semaphore(%run_scoped3A_1343 : memref<!tpu.dma_semaphore, #tpu.memory_space<semaphore_mem>>)
      %dma_wait3A_1346 = tpu.memref_slice %arg15[%mul3A_4] : memref<24704xi32, #tpu.memory_space<vmem_shared>> -> memref<1544xi32, #tpu.memory_space<vmem_shared>>
      %dma_wait3A_1347 = tpu.memref_slice %arg15[%mul3A_4] : memref<24704xi32, #tpu.memory_space<vmem_shared>> -> memref<1544xi32, #tpu.memory_space<vmem_shared>>
      tpu.wait_dma2 semaphore(%run_scoped3A_1343 : memref<!tpu.dma_semaphore, #tpu.memory_space<semaphore_mem>>) src(%arg18 : memref<1544xi32, #tpu.memory_space<vmem>>) dst(%dma_wait3A_1347 : memref<1544xi32, #tpu.memory_space<vmem_shared>>)
      tpu.yield
    }) : () -> ()
    %add3A_5 = arith.constant 0 : i32
    %add3A_6 = arith.addi %arg1, %add3A_5 : i32
    "tpu.region"() ({
      %run_scoped3A_1343 = tpu.sem_alloc : memref<!tpu.dma_semaphore, #tpu.memory_space<semaphore_mem>>
      %dma_start3A_1344 = arith.constant 0 : i32
      %dma_start3A_1345 = arith.constant 0 : i32
      %dma_start3A_1346 = tpu.memref_slice %arg2[%add3A_6, %dma_start3A_1344, %dma_start3A_1345] : memref<32x21x128xi32, #tpu.memory_space<hbm>> -> memref<1x21x128xi32, #tpu.memory_space<hbm>>
      %dma_start3A_1347 = tpu.memref_squeeze %dma_start3A_1346 : memref<1x21x128xi32, #tpu.memory_space<hbm>> -> memref<21x128xi32, #tpu.memory_space<hbm>>
      %dma_start3A_1348 = arith.constant 0 : i32
      %dma_start3A_1349 = arith.constant 0 : i32
      %dma_start3A_1350 = tpu.memref_slice %arg2[%add3A_6, %dma_start3A_1348, %dma_start3A_1349] : memref<32x21x128xi32, #tpu.memory_space<hbm>> -> memref<1x21x128xi32, #tpu.memory_space<hbm>>
      %dma_start3A_1351 = tpu.memref_squeeze %dma_start3A_1350 : memref<1x21x128xi32, #tpu.memory_space<hbm>> -> memref<21x128xi32, #tpu.memory_space<hbm>>
      tpu.enqueue_dma source(%dma_start3A_1351 : memref<21x128xi32, #tpu.memory_space<hbm>>) target(%arg16 : memref<21x128xi32, #tpu.memory_space<vmem>>) target_semaphore(%run_scoped3A_1343 : memref<!tpu.dma_semaphore, #tpu.memory_space<semaphore_mem>>)
      %dma_wait3A_1352 = arith.constant 0 : i32
      %dma_wait3A_1353 = arith.constant 0 : i32
      %dma_wait3A_1354 = tpu.memref_slice %arg2[%add3A_6, %dma_wait3A_1352, %dma_wait3A_1353] : memref<32x21x128xi32, #tpu.memory_space<hbm>> -> memref<1x21x128xi32, #tpu.memory_space<hbm>>
      %dma_wait3A_1355 = tpu.memref_squeeze %dma_wait3A_1354 : memref<1x21x128xi32, #tpu.memory_space<hbm>> -> memref<21x128xi32, #tpu.memory_space<hbm>>
      %dma_wait3A_1356 = arith.constant 0 : i32
      %dma_wait3A_1357 = arith.constant 0 : i32
      %dma_wait3A_1358 = tpu.memref_slice %arg2[%add3A_6, %dma_wait3A_1356, %dma_wait3A_1357] : memref<32x21x128xi32, #tpu.memory_space<hbm>> -> memref<1x21x128xi32, #tpu.memory_space<hbm>>
      %dma_wait3A_1359 = tpu.memref_squeeze %dma_wait3A_1358 : memref<1x21x128xi32, #tpu.memory_space<hbm>> -> memref<21x128xi32, #tpu.memory_space<hbm>>
      tpu.wait_dma2 semaphore(%run_scoped3A_1343 : memref<!tpu.dma_semaphore, #tpu.memory_space<semaphore_mem>>) src(%dma_wait3A_1359 : memref<21x128xi32, #tpu.memory_space<hbm>>) dst(%arg16 : memref<21x128xi32, #tpu.memory_space<vmem>>)
      tpu.yield
    }) : () -> ()
    "tpu.region"() ({
      %run_scoped3A_1343 = tpu.sem_alloc : memref<!tpu.dma_semaphore, #tpu.memory_space<semaphore_mem>>
      %dma_start3A_1344 = arith.constant 0 : i32
      %dma_start3A_1345 = arith.constant 0 : i32
      %dma_start3A_1346 = tpu.memref_slice %arg3[%add3A_6, %dma_start3A_1344, %dma_start3A_1345] : memref<32x21x128xi32, #tpu.memory_space<hbm>> -> memref<1x21x128xi32, #tpu.memory_space<hbm>>
      %dma_start3A_1347 = tpu.memref_squeeze %dma_start3A_1346 : memref<1x21x128xi32, #tpu.memory_space<hbm>> -> memref<21x128xi32, #tpu.memory_space<hbm>>
      %dma_start3A_1348 = arith.constant 0 : i32
      %dma_start3A_1349 = arith.constant 0 : i32
      %dma_start3A_1350 = tpu.memref_slice %arg3[%add3A_6, %dma_start3A_1348, %dma_start3A_1349] : memref<32x21x128xi32, #tpu.memory_space<hbm>> -> memref<1x21x128xi32, #tpu.memory_space<hbm>>
      %dma_start3A_1351 = tpu.memref_squeeze %dma_start3A_1350 : memref<1x21x128xi32, #tpu.memory_space<hbm>> -> memref<21x128xi32, #tpu.memory_space<hbm>>
      tpu.enqueue_dma source(%dma_start3A_1351 : memref<21x128xi32, #tpu.memory_space<hbm>>) target(%arg17 : memref<21x128xi32, #tpu.memory_space<vmem>>) target_semaphore(%run_scoped3A_1343 : memref<!tpu.dma_semaphore, #tpu.memory_space<semaphore_mem>>)
      %dma_wait3A_1352 = arith.constant 0 : i32
      %dma_wait3A_1353 = arith.constant 0 : i32
      %dma_wait3A_1354 = tpu.memref_slice %arg3[%add3A_6, %dma_wait3A_1352, %dma_wait3A_1353] : memref<32x21x128xi32, #tpu.memory_space<hbm>> -> memref<1x21x128xi32, #tpu.memory_space<hbm>>
      %dma_wait3A_1355 = tpu.memref_squeeze %dma_wait3A_1354 : memref<1x21x128xi32, #tpu.memory_space<hbm>> -> memref<21x128xi32, #tpu.memory_space<hbm>>
      %dma_wait3A_1356 = arith.constant 0 : i32
      %dma_wait3A_1357 = arith.constant 0 : i32
      %dma_wait3A_1358 = tpu.memref_slice %arg3[%add3A_6, %dma_wait3A_1356, %dma_wait3A_1357] : memref<32x21x128xi32, #tpu.memory_space<hbm>> -> memref<1x21x128xi32, #tpu.memory_space<hbm>>
      %dma_wait3A_1359 = tpu.memref_squeeze %dma_wait3A_1358 : memref<1x21x128xi32, #tpu.memory_space<hbm>> -> memref<21x128xi32, #tpu.memory_space<hbm>>
      tpu.wait_dma2 semaphore(%run_scoped3A_1343 : memref<!tpu.dma_semaphore, #tpu.memory_space<semaphore_mem>>) src(%dma_wait3A_1359 : memref<21x128xi32, #tpu.memory_space<hbm>>) dst(%arg17 : memref<21x128xi32, #tpu.memory_space<vmem>>)
      tpu.yield
    }) : () -> ()
    %dma_start3A = arith.constant 0 : i32
    %dma_start3A_7 = arith.constant 0 : i32
    %dma_start3A_8 = arith.constant 0 : i32
    %dma_start3A_9 = tpu.memref_slice %arg17[%dma_start3A, %dma_start3A_8] : memref<21x128xi32, #tpu.memory_space<vmem>> -> memref<1x128xi32, #tpu.memory_space<vmem>>
    %dma_start3A_10 = tpu.memref_squeeze %dma_start3A_9 : memref<1x128xi32, #tpu.memory_space<vmem>> -> memref<128xi32, #tpu.memory_space<vmem>>
    %dma_start3A_11 = arith.constant 0 : i32
    %dma_start3A_12 = tpu.memref_slice %arg16[%dma_start3A_7, %dma_start3A_11] : memref<21x128xi32, #tpu.memory_space<vmem>> -> memref<1x128xi32, #tpu.memory_space<vmem>>
    %dma_start3A_13 = tpu.memref_squeeze %dma_start3A_12 : memref<1x128xi32, #tpu.memory_space<vmem>> -> memref<128xi32, #tpu.memory_space<vmem>>
    %dma_start3A_14 = arith.constant 0 : i32
    %dma_start3A_15 = tpu.memref_slice %arg15[%dma_start3A_14] : memref<24704xi32, #tpu.memory_space<vmem_shared>> -> memref<24704xi32, #tpu.memory_space<vmem_shared>>
    tpu.enqueue_indirect_dma source(%dma_start3A_10 : memref<128xi32, #tpu.memory_space<vmem>>) target(%dma_start3A_15 : memref<24704xi32, #tpu.memory_space<vmem_shared>>) offsets(%dma_start3A_13 : memref<128xi32, #tpu.memory_space<vmem>>) semaphore(%arg21 : memref<!tpu.dma_semaphore, #tpu.memory_space<semaphore_mem>>)
    %dma_start3A_16 = arith.constant 1 : i32
    %dma_start3A_17 = arith.constant 1 : i32
    %dma_start3A_18 = arith.constant 0 : i32
    %dma_start3A_19 = tpu.memref_slice %arg17[%dma_start3A_16, %dma_start3A_18] : memref<21x128xi32, #tpu.memory_space<vmem>> -> memref<1x128xi32, #tpu.memory_space<vmem>>
    %dma_start3A_20 = tpu.memref_squeeze %dma_start3A_19 : memref<1x128xi32, #tpu.memory_space<vmem>> -> memref<128xi32, #tpu.memory_space<vmem>>
    %dma_start3A_21 = arith.constant 0 : i32
    %dma_start3A_22 = tpu.memref_slice %arg16[%dma_start3A_17, %dma_start3A_21] : memref<21x128xi32, #tpu.memory_space<vmem>> -> memref<1x128xi32, #tpu.memory_space<vmem>>
    %dma_start3A_23 = tpu.memref_squeeze %dma_start3A_22 : memref<1x128xi32, #tpu.memory_space<vmem>> -> memref<128xi32, #tpu.memory_space<vmem>>
    %dma_start3A_24 = arith.constant 0 : i32
    %dma_start3A_25 = tpu.memref_slice %arg15[%dma_start3A_24] : memref<24704xi32, #tpu.memory_space<vmem_shared>> -> memref<24704xi32, #tpu.memory_space<vmem_shared>>
    tpu.enqueue_indirect_dma source(%dma_start3A_20 : memref<128xi32, #tpu.memory_space<vmem>>) target(%dma_start3A_25 : memref<24704xi32, #tpu.memory_space<vmem_shared>>) offsets(%dma_start3A_23 : memref<128xi32, #tpu.memory_space<vmem>>) semaphore(%arg21 : memref<!tpu.dma_semaphore, #tpu.memory_space<semaphore_mem>>)
    %dma_start3A_26 = arith.constant 2 : i32
    %dma_start3A_27 = arith.constant 2 : i32
    %dma_start3A_28 = arith.constant 0 : i32
    %dma_start3A_29 = tpu.memref_slice %arg17[%dma_start3A_26, %dma_start3A_28] : memref<21x128xi32, #tpu.memory_space<vmem>> -> memref<1x128xi32, #tpu.memory_space<vmem>>
    %dma_start3A_30 = tpu.memref_squeeze %dma_start3A_29 : memref<1x128xi32, #tpu.memory_space<vmem>> -> memref<128xi32, #tpu.memory_space<vmem>>
    %dma_start3A_31 = arith.constant 0 : i32
    %dma_start3A_32 = tpu.memref_slice %arg16[%dma_start3A_27, %dma_start3A_31] : memref<21x128xi32, #tpu.memory_space<vmem>> -> memref<1x128xi32, #tpu.memory_space<vmem>>
    %dma_start3A_33 = tpu.memref_squeeze %dma_start3A_32 : memref<1x128xi32, #tpu.memory_space<vmem>> -> memref<128xi32, #tpu.memory_space<vmem>>
    %dma_start3A_34 = arith.constant 0 : i32
    %dma_start3A_35 = tpu.memref_slice %arg15[%dma_start3A_34] : memref<24704xi32, #tpu.memory_space<vmem_shared>> -> memref<24704xi32, #tpu.memory_space<vmem_shared>>
    tpu.enqueue_indirect_dma source(%dma_start3A_30 : memref<128xi32, #tpu.memory_space<vmem>>) target(%dma_start3A_35 : memref<24704xi32, #tpu.memory_space<vmem_shared>>) offsets(%dma_start3A_33 : memref<128xi32, #tpu.memory_space<vmem>>) semaphore(%arg21 : memref<!tpu.dma_semaphore, #tpu.memory_space<semaphore_mem>>)
    %dma_start3A_36 = arith.constant 3 : i32
    %dma_start3A_37 = arith.constant 3 : i32
    %dma_start3A_38 = arith.constant 0 : i32
    %dma_start3A_39 = tpu.memref_slice %arg17[%dma_start3A_36, %dma_start3A_38] : memref<21x128xi32, #tpu.memory_space<vmem>> -> memref<1x128xi32, #tpu.memory_space<vmem>>
    %dma_start3A_40 = tpu.memref_squeeze %dma_start3A_39 : memref<1x128xi32, #tpu.memory_space<vmem>> -> memref<128xi32, #tpu.memory_space<vmem>>
    %dma_start3A_41 = arith.constant 0 : i32
    %dma_start3A_42 = tpu.memref_slice %arg16[%dma_start3A_37, %dma_start3A_41] : memref<21x128xi32, #tpu.memory_space<vmem>> -> memref<1x128xi32, #tpu.memory_space<vmem>>
    %dma_start3A_43 = tpu.memref_squeeze %dma_start3A_42 : memref<1x128xi32, #tpu.memory_space<vmem>> -> memref<128xi32, #tpu.memory_space<vmem>>
    %dma_start3A_44 = arith.constant 0 : i32
    %dma_start3A_45 = tpu.memref_slice %arg15[%dma_start3A_44] : memref<24704xi32, #tpu.memory_space<vmem_shared>> -> memref<24704xi32, #tpu.memory_space<vmem_shared>>
    tpu.enqueue_indirect_dma source(%dma_start3A_40 : memref<128xi32, #tpu.memory_space<vmem>>) target(%dma_start3A_45 : memref<24704xi32, #tpu.memory_space<vmem_shared>>) offsets(%dma_start3A_43 : memref<128xi32, #tpu.memory_space<vmem>>) semaphore(%arg21 : memref<!tpu.dma_semaphore, #tpu.memory_space<semaphore_mem>>)
    %dma_start3A_46 = arith.constant 4 : i32
    %dma_start3A_47 = arith.constant 4 : i32
    %dma_start3A_48 = arith.constant 0 : i32
    %dma_start3A_49 = tpu.memref_slice %arg17[%dma_start3A_46, %dma_start3A_48] : memref<21x128xi32, #tpu.memory_space<vmem>> -> memref<1x128xi32, #tpu.memory_space<vmem>>
    %dma_start3A_50 = tpu.memref_squeeze %dma_start3A_49 : memref<1x128xi32, #tpu.memory_space<vmem>> -> memref<128xi32, #tpu.memory_space<vmem>>
    %dma_start3A_51 = arith.constant 0 : i32
    %dma_start3A_52 = tpu.memref_slice %arg16[%dma_start3A_47, %dma_start3A_51] : memref<21x128xi32, #tpu.memory_space<vmem>> -> memref<1x128xi32, #tpu.memory_space<vmem>>
    %dma_start3A_53 = tpu.memref_squeeze %dma_start3A_52 : memref<1x128xi32, #tpu.memory_space<vmem>> -> memref<128xi32, #tpu.memory_space<vmem>>
    %dma_start3A_54 = arith.constant 0 : i32
    %dma_start3A_55 = tpu.memref_slice %arg15[%dma_start3A_54] : memref<24704xi32, #tpu.memory_space<vmem_shared>> -> memref<24704xi32, #tpu.memory_space<vmem_shared>>
    tpu.enqueue_indirect_dma source(%dma_start3A_50 : memref<128xi32, #tpu.memory_space<vmem>>) target(%dma_start3A_55 : memref<24704xi32, #tpu.memory_space<vmem_shared>>) offsets(%dma_start3A_53 : memref<128xi32, #tpu.memory_space<vmem>>) semaphore(%arg21 : memref<!tpu.dma_semaphore, #tpu.memory_space<semaphore_mem>>)
    %dma_start3A_56 = arith.constant 5 : i32
    %dma_start3A_57 = arith.constant 5 : i32
    %dma_start3A_58 = arith.constant 0 : i32
    %dma_start3A_59 = tpu.memref_slice %arg17[%dma_start3A_56, %dma_start3A_58] : memref<21x128xi32, #tpu.memory_space<vmem>> -> memref<1x128xi32, #tpu.memory_space<vmem>>
    %dma_start3A_60 = tpu.memref_squeeze %dma_start3A_59 : memref<1x128xi32, #tpu.memory_space<vmem>> -> memref<128xi32, #tpu.memory_space<vmem>>
    %dma_start3A_61 = arith.constant 0 : i32
    %dma_start3A_62 = tpu.memref_slice %arg16[%dma_start3A_57, %dma_start3A_61] : memref<21x128xi32, #tpu.memory_space<vmem>> -> memref<1x128xi32, #tpu.memory_space<vmem>>
    %dma_start3A_63 = tpu.memref_squeeze %dma_start3A_62 : memref<1x128xi32, #tpu.memory_space<vmem>> -> memref<128xi32, #tpu.memory_space<vmem>>
    %dma_start3A_64 = arith.constant 0 : i32
    %dma_start3A_65 = tpu.memref_slice %arg15[%dma_start3A_64] : memref<24704xi32, #tpu.memory_space<vmem_shared>> -> memref<24704xi32, #tpu.memory_space<vmem_shared>>
    tpu.enqueue_indirect_dma source(%dma_start3A_60 : memref<128xi32, #tpu.memory_space<vmem>>) target(%dma_start3A_65 : memref<24704xi32, #tpu.memory_space<vmem_shared>>) offsets(%dma_start3A_63 : memref<128xi32, #tpu.memory_space<vmem>>) semaphore(%arg21 : memref<!tpu.dma_semaphore, #tpu.memory_space<semaphore_mem>>)
    %dma_start3A_66 = arith.constant 6 : i32
    %dma_start3A_67 = arith.constant 6 : i32
    %dma_start3A_68 = arith.constant 0 : i32
    %dma_start3A_69 = tpu.memref_slice %arg17[%dma_start3A_66, %dma_start3A_68] : memref<21x128xi32, #tpu.memory_space<vmem>> -> memref<1x128xi32, #tpu.memory_space<vmem>>
    %dma_start3A_70 = tpu.memref_squeeze %dma_start3A_69 : memref<1x128xi32, #tpu.memory_space<vmem>> -> memref<128xi32, #tpu.memory_space<vmem>>
    %dma_start3A_71 = arith.constant 0 : i32
    %dma_start3A_72 = tpu.memref_slice %arg16[%dma_start3A_67, %dma_start3A_71] : memref<21x128xi32, #tpu.memory_space<vmem>> -> memref<1x128xi32, #tpu.memory_space<vmem>>
    %dma_start3A_73 = tpu.memref_squeeze %dma_start3A_72 : memref<1x128xi32, #tpu.memory_space<vmem>> -> memref<128xi32, #tpu.memory_space<vmem>>
    %dma_start3A_74 = arith.constant 0 : i32
    %dma_start3A_75 = tpu.memref_slice %arg15[%dma_start3A_74] : memref<24704xi32, #tpu.memory_space<vmem_shared>> -> memref<24704xi32, #tpu.memory_space<vmem_shared>>
    tpu.enqueue_indirect_dma source(%dma_start3A_70 : memref<128xi32, #tpu.memory_space<vmem>>) target(%dma_start3A_75 : memref<24704xi32, #tpu.memory_space<vmem_shared>>) offsets(%dma_start3A_73 : memref<128xi32, #tpu.memory_space<vmem>>) semaphore(%arg21 : memref<!tpu.dma_semaphore, #tpu.memory_space<semaphore_mem>>)
    %dma_start3A_76 = arith.constant 7 : i32
    %dma_start3A_77 = arith.constant 7 : i32
    %dma_start3A_78 = arith.constant 0 : i32
    %dma_start3A_79 = tpu.memref_slice %arg17[%dma_start3A_76, %dma_start3A_78] : memref<21x128xi32, #tpu.memory_space<vmem>> -> memref<1x128xi32, #tpu.memory_space<vmem>>
    %dma_start3A_80 = tpu.memref_squeeze %dma_start3A_79 : memref<1x128xi32, #tpu.memory_space<vmem>> -> memref<128xi32, #tpu.memory_space<vmem>>
    %dma_start3A_81 = arith.constant 0 : i32
    %dma_start3A_82 = tpu.memref_slice %arg16[%dma_start3A_77, %dma_start3A_81] : memref<21x128xi32, #tpu.memory_space<vmem>> -> memref<1x128xi32, #tpu.memory_space<vmem>>
    %dma_start3A_83 = tpu.memref_squeeze %dma_start3A_82 : memref<1x128xi32, #tpu.memory_space<vmem>> -> memref<128xi32, #tpu.memory_space<vmem>>
    %dma_start3A_84 = arith.constant 0 : i32
    %dma_start3A_85 = tpu.memref_slice %arg15[%dma_start3A_84] : memref<24704xi32, #tpu.memory_space<vmem_shared>> -> memref<24704xi32, #tpu.memory_space<vmem_shared>>
    tpu.enqueue_indirect_dma source(%dma_start3A_80 : memref<128xi32, #tpu.memory_space<vmem>>) target(%dma_start3A_85 : memref<24704xi32, #tpu.memory_space<vmem_shared>>) offsets(%dma_start3A_83 : memref<128xi32, #tpu.memory_space<vmem>>) semaphore(%arg21 : memref<!tpu.dma_semaphore, #tpu.memory_space<semaphore_mem>>)
    %dma_start3A_86 = arith.constant 8 : i32
    %dma_start3A_87 = arith.constant 8 : i32
    %dma_start3A_88 = arith.constant 0 : i32
    %dma_start3A_89 = tpu.memref_slice %arg17[%dma_start3A_86, %dma_start3A_88] : memref<21x128xi32, #tpu.memory_space<vmem>> -> memref<1x128xi32, #tpu.memory_space<vmem>>
    %dma_start3A_90 = tpu.memref_squeeze %dma_start3A_89 : memref<1x128xi32, #tpu.memory_space<vmem>> -> memref<128xi32, #tpu.memory_space<vmem>>
    %dma_start3A_91 = arith.constant 0 : i32
    %dma_start3A_92 = tpu.memref_slice %arg16[%dma_start3A_87, %dma_start3A_91] : memref<21x128xi32, #tpu.memory_space<vmem>> -> memref<1x128xi32, #tpu.memory_space<vmem>>
    %dma_start3A_93 = tpu.memref_squeeze %dma_start3A_92 : memref<1x128xi32, #tpu.memory_space<vmem>> -> memref<128xi32, #tpu.memory_space<vmem>>
    %dma_start3A_94 = arith.constant 0 : i32
    %dma_start3A_95 = tpu.memref_slice %arg15[%dma_start3A_94] : memref<24704xi32, #tpu.memory_space<vmem_shared>> -> memref<24704xi32, #tpu.memory_space<vmem_shared>>
    tpu.enqueue_indirect_dma source(%dma_start3A_90 : memref<128xi32, #tpu.memory_space<vmem>>) target(%dma_start3A_95 : memref<24704xi32, #tpu.memory_space<vmem_shared>>) offsets(%dma_start3A_93 : memref<128xi32, #tpu.memory_space<vmem>>) semaphore(%arg21 : memref<!tpu.dma_semaphore, #tpu.memory_space<semaphore_mem>>)
    %dma_start3A_96 = arith.constant 9 : i32
    %dma_start3A_97 = arith.constant 9 : i32
    %dma_start3A_98 = arith.constant 0 : i32
    %dma_start3A_99 = tpu.memref_slice %arg17[%dma_start3A_96, %dma_start3A_98] : memref<21x128xi32, #tpu.memory_space<vmem>> -> memref<1x128xi32, #tpu.memory_space<vmem>>
    %dma_start3A_100 = tpu.memref_squeeze %dma_start3A_99 : memref<1x128xi32, #tpu.memory_space<vmem>> -> memref<128xi32, #tpu.memory_space<vmem>>
    %dma_start3A_101 = arith.constant 0 : i32
    %dma_start3A_102 = tpu.memref_slice %arg16[%dma_start3A_97, %dma_start3A_101] : memref<21x128xi32, #tpu.memory_space<vmem>> -> memref<1x128xi32, #tpu.memory_space<vmem>>
    %dma_start3A_103 = tpu.memref_squeeze %dma_start3A_102 : memref<1x128xi32, #tpu.memory_space<vmem>> -> memref<128xi32, #tpu.memory_space<vmem>>
    %dma_start3A_104 = arith.constant 0 : i32
    %dma_start3A_105 = tpu.memref_slice %arg15[%dma_start3A_104] : memref<24704xi32, #tpu.memory_space<vmem_shared>> -> memref<24704xi32, #tpu.memory_space<vmem_shared>>
    tpu.enqueue_indirect_dma source(%dma_start3A_100 : memref<128xi32, #tpu.memory_space<vmem>>) target(%dma_start3A_105 : memref<24704xi32, #tpu.memory_space<vmem_shared>>) offsets(%dma_start3A_103 : memref<128xi32, #tpu.memory_space<vmem>>) semaphore(%arg21 : memref<!tpu.dma_semaphore, #tpu.memory_space<semaphore_mem>>)
    %dma_start3A_106 = arith.constant 10 : i32
    %dma_start3A_107 = arith.constant 10 : i32
    %dma_start3A_108 = arith.constant 0 : i32
    %dma_start3A_109 = tpu.memref_slice %arg17[%dma_start3A_106, %dma_start3A_108] : memref<21x128xi32, #tpu.memory_space<vmem>> -> memref<1x128xi32, #tpu.memory_space<vmem>>
    %dma_start3A_110 = tpu.memref_squeeze %dma_start3A_109 : memref<1x128xi32, #tpu.memory_space<vmem>> -> memref<128xi32, #tpu.memory_space<vmem>>
    %dma_start3A_111 = arith.constant 0 : i32
    %dma_start3A_112 = tpu.memref_slice %arg16[%dma_start3A_107, %dma_start3A_111] : memref<21x128xi32, #tpu.memory_space<vmem>> -> memref<1x128xi32, #tpu.memory_space<vmem>>
    %dma_start3A_113 = tpu.memref_squeeze %dma_start3A_112 : memref<1x128xi32, #tpu.memory_space<vmem>> -> memref<128xi32, #tpu.memory_space<vmem>>
    %dma_start3A_114 = arith.constant 0 : i32
    %dma_start3A_115 = tpu.memref_slice %arg15[%dma_start3A_114] : memref<24704xi32, #tpu.memory_space<vmem_shared>> -> memref<24704xi32, #tpu.memory_space<vmem_shared>>
    tpu.enqueue_indirect_dma source(%dma_start3A_110 : memref<128xi32, #tpu.memory_space<vmem>>) target(%dma_start3A_115 : memref<24704xi32, #tpu.memory_space<vmem_shared>>) offsets(%dma_start3A_113 : memref<128xi32, #tpu.memory_space<vmem>>) semaphore(%arg21 : memref<!tpu.dma_semaphore, #tpu.memory_space<semaphore_mem>>)
    %dma_start3A_116 = arith.constant 11 : i32
    %dma_start3A_117 = arith.constant 11 : i32
    %dma_start3A_118 = arith.constant 0 : i32
    %dma_start3A_119 = tpu.memref_slice %arg17[%dma_start3A_116, %dma_start3A_118] : memref<21x128xi32, #tpu.memory_space<vmem>> -> memref<1x128xi32, #tpu.memory_space<vmem>>
    %dma_start3A_120 = tpu.memref_squeeze %dma_start3A_119 : memref<1x128xi32, #tpu.memory_space<vmem>> -> memref<128xi32, #tpu.memory_space<vmem>>
    %dma_start3A_121 = arith.constant 0 : i32
    %dma_start3A_122 = tpu.memref_slice %arg16[%dma_start3A_117, %dma_start3A_121] : memref<21x128xi32, #tpu.memory_space<vmem>> -> memref<1x128xi32, #tpu.memory_space<vmem>>
    %dma_start3A_123 = tpu.memref_squeeze %dma_start3A_122 : memref<1x128xi32, #tpu.memory_space<vmem>> -> memref<128xi32, #tpu.memory_space<vmem>>
    %dma_start3A_124 = arith.constant 0 : i32
    %dma_start3A_125 = tpu.memref_slice %arg15[%dma_start3A_124] : memref<24704xi32, #tpu.memory_space<vmem_shared>> -> memref<24704xi32, #tpu.memory_space<vmem_shared>>
    tpu.enqueue_indirect_dma source(%dma_start3A_120 : memref<128xi32, #tpu.memory_space<vmem>>) target(%dma_start3A_125 : memref<24704xi32, #tpu.memory_space<vmem_shared>>) offsets(%dma_start3A_123 : memref<128xi32, #tpu.memory_space<vmem>>) semaphore(%arg21 : memref<!tpu.dma_semaphore, #tpu.memory_space<semaphore_mem>>)
    %dma_start3A_126 = arith.constant 12 : i32
    %dma_start3A_127 = arith.constant 12 : i32
    %dma_start3A_128 = arith.constant 0 : i32
    %dma_start3A_129 = tpu.memref_slice %arg17[%dma_start3A_126, %dma_start3A_128] : memref<21x128xi32, #tpu.memory_space<vmem>> -> memref<1x128xi32, #tpu.memory_space<vmem>>
    %dma_start3A_130 = tpu.memref_squeeze %dma_start3A_129 : memref<1x128xi32, #tpu.memory_space<vmem>> -> memref<128xi32, #tpu.memory_space<vmem>>
    %dma_start3A_131 = arith.constant 0 : i32
    %dma_start3A_132 = tpu.memref_slice %arg16[%dma_start3A_127, %dma_start3A_131] : memref<21x128xi32, #tpu.memory_space<vmem>> -> memref<1x128xi32, #tpu.memory_space<vmem>>
    %dma_start3A_133 = tpu.memref_squeeze %dma_start3A_132 : memref<1x128xi32, #tpu.memory_space<vmem>> -> memref<128xi32, #tpu.memory_space<vmem>>
    %dma_start3A_134 = arith.constant 0 : i32
    %dma_start3A_135 = tpu.memref_slice %arg15[%dma_start3A_134] : memref<24704xi32, #tpu.memory_space<vmem_shared>> -> memref<24704xi32, #tpu.memory_space<vmem_shared>>
    tpu.enqueue_indirect_dma source(%dma_start3A_130 : memref<128xi32, #tpu.memory_space<vmem>>) target(%dma_start3A_135 : memref<24704xi32, #tpu.memory_space<vmem_shared>>) offsets(%dma_start3A_133 : memref<128xi32, #tpu.memory_space<vmem>>) semaphore(%arg21 : memref<!tpu.dma_semaphore, #tpu.memory_space<semaphore_mem>>)
    %dma_start3A_136 = arith.constant 13 : i32
    %dma_start3A_137 = arith.constant 13 : i32
    %dma_start3A_138 = arith.constant 0 : i32
    %dma_start3A_139 = tpu.memref_slice %arg17[%dma_start3A_136, %dma_start3A_138] : memref<21x128xi32, #tpu.memory_space<vmem>> -> memref<1x128xi32, #tpu.memory_space<vmem>>
    %dma_start3A_140 = tpu.memref_squeeze %dma_start3A_139 : memref<1x128xi32, #tpu.memory_space<vmem>> -> memref<128xi32, #tpu.memory_space<vmem>>
    %dma_start3A_141 = arith.constant 0 : i32
    %dma_start3A_142 = tpu.memref_slice %arg16[%dma_start3A_137, %dma_start3A_141] : memref<21x128xi32, #tpu.memory_space<vmem>> -> memref<1x128xi32, #tpu.memory_space<vmem>>
    %dma_start3A_143 = tpu.memref_squeeze %dma_start3A_142 : memref<1x128xi32, #tpu.memory_space<vmem>> -> memref<128xi32, #tpu.memory_space<vmem>>
    %dma_start3A_144 = arith.constant 0 : i32
    %dma_start3A_145 = tpu.memref_slice %arg15[%dma_start3A_144] : memref<24704xi32, #tpu.memory_space<vmem_shared>> -> memref<24704xi32, #tpu.memory_space<vmem_shared>>
    tpu.enqueue_indirect_dma source(%dma_start3A_140 : memref<128xi32, #tpu.memory_space<vmem>>) target(%dma_start3A_145 : memref<24704xi32, #tpu.memory_space<vmem_shared>>) offsets(%dma_start3A_143 : memref<128xi32, #tpu.memory_space<vmem>>) semaphore(%arg21 : memref<!tpu.dma_semaphore, #tpu.memory_space<semaphore_mem>>)
    %dma_start3A_146 = arith.constant 14 : i32
    %dma_start3A_147 = arith.constant 14 : i32
    %dma_start3A_148 = arith.constant 0 : i32
    %dma_start3A_149 = tpu.memref_slice %arg17[%dma_start3A_146, %dma_start3A_148] : memref<21x128xi32, #tpu.memory_space<vmem>> -> memref<1x128xi32, #tpu.memory_space<vmem>>
    %dma_start3A_150 = tpu.memref_squeeze %dma_start3A_149 : memref<1x128xi32, #tpu.memory_space<vmem>> -> memref<128xi32, #tpu.memory_space<vmem>>
    %dma_start3A_151 = arith.constant 0 : i32
    %dma_start3A_152 = tpu.memref_slice %arg16[%dma_start3A_147, %dma_start3A_151] : memref<21x128xi32, #tpu.memory_space<vmem>> -> memref<1x128xi32, #tpu.memory_space<vmem>>
    %dma_start3A_153 = tpu.memref_squeeze %dma_start3A_152 : memref<1x128xi32, #tpu.memory_space<vmem>> -> memref<128xi32, #tpu.memory_space<vmem>>
    %dma_start3A_154 = arith.constant 0 : i32
    %dma_start3A_155 = tpu.memref_slice %arg15[%dma_start3A_154] : memref<24704xi32, #tpu.memory_space<vmem_shared>> -> memref<24704xi32, #tpu.memory_space<vmem_shared>>
    tpu.enqueue_indirect_dma source(%dma_start3A_150 : memref<128xi32, #tpu.memory_space<vmem>>) target(%dma_start3A_155 : memref<24704xi32, #tpu.memory_space<vmem_shared>>) offsets(%dma_start3A_153 : memref<128xi32, #tpu.memory_space<vmem>>) semaphore(%arg21 : memref<!tpu.dma_semaphore, #tpu.memory_space<semaphore_mem>>)
    %dma_start3A_156 = arith.constant 15 : i32
    %dma_start3A_157 = arith.constant 15 : i32
    %dma_start3A_158 = arith.constant 0 : i32
    %dma_start3A_159 = tpu.memref_slice %arg17[%dma_start3A_156, %dma_start3A_158] : memref<21x128xi32, #tpu.memory_space<vmem>> -> memref<1x128xi32, #tpu.memory_space<vmem>>
    %dma_start3A_160 = tpu.memref_squeeze %dma_start3A_159 : memref<1x128xi32, #tpu.memory_space<vmem>> -> memref<128xi32, #tpu.memory_space<vmem>>
    %dma_start3A_161 = arith.constant 0 : i32
    %dma_start3A_162 = tpu.memref_slice %arg16[%dma_start3A_157, %dma_start3A_161] : memref<21x128xi32, #tpu.memory_space<vmem>> -> memref<1x128xi32, #tpu.memory_space<vmem>>
    %dma_start3A_163 = tpu.memref_squeeze %dma_start3A_162 : memref<1x128xi32, #tpu.memory_space<vmem>> -> memref<128xi32, #tpu.memory_space<vmem>>
    %dma_start3A_164 = arith.constant 0 : i32
    %dma_start3A_165 = tpu.memref_slice %arg15[%dma_start3A_164] : memref<24704xi32, #tpu.memory_space<vmem_shared>> -> memref<24704xi32, #tpu.memory_space<vmem_shared>>
    tpu.enqueue_indirect_dma source(%dma_start3A_160 : memref<128xi32, #tpu.memory_space<vmem>>) target(%dma_start3A_165 : memref<24704xi32, #tpu.memory_space<vmem_shared>>) offsets(%dma_start3A_163 : memref<128xi32, #tpu.memory_space<vmem>>) semaphore(%arg21 : memref<!tpu.dma_semaphore, #tpu.memory_space<semaphore_mem>>)
    %dma_start3A_166 = arith.constant 16 : i32
    %dma_start3A_167 = arith.constant 16 : i32
    %dma_start3A_168 = arith.constant 0 : i32
    %dma_start3A_169 = tpu.memref_slice %arg17[%dma_start3A_166, %dma_start3A_168] : memref<21x128xi32, #tpu.memory_space<vmem>> -> memref<1x128xi32, #tpu.memory_space<vmem>>
    %dma_start3A_170 = tpu.memref_squeeze %dma_start3A_169 : memref<1x128xi32, #tpu.memory_space<vmem>> -> memref<128xi32, #tpu.memory_space<vmem>>
    %dma_start3A_171 = arith.constant 0 : i32
    %dma_start3A_172 = tpu.memref_slice %arg16[%dma_start3A_167, %dma_start3A_171] : memref<21x128xi32, #tpu.memory_space<vmem>> -> memref<1x128xi32, #tpu.memory_space<vmem>>
    %dma_start3A_173 = tpu.memref_squeeze %dma_start3A_172 : memref<1x128xi32, #tpu.memory_space<vmem>> -> memref<128xi32, #tpu.memory_space<vmem>>
    %dma_start3A_174 = arith.constant 0 : i32
    %dma_start3A_175 = tpu.memref_slice %arg15[%dma_start3A_174] : memref<24704xi32, #tpu.memory_space<vmem_shared>> -> memref<24704xi32, #tpu.memory_space<vmem_shared>>
    tpu.enqueue_indirect_dma source(%dma_start3A_170 : memref<128xi32, #tpu.memory_space<vmem>>) target(%dma_start3A_175 : memref<24704xi32, #tpu.memory_space<vmem_shared>>) offsets(%dma_start3A_173 : memref<128xi32, #tpu.memory_space<vmem>>) semaphore(%arg21 : memref<!tpu.dma_semaphore, #tpu.memory_space<semaphore_mem>>)
    %dma_start3A_176 = arith.constant 17 : i32
    %dma_start3A_177 = arith.constant 17 : i32
    %dma_start3A_178 = arith.constant 0 : i32
    %dma_start3A_179 = tpu.memref_slice %arg17[%dma_start3A_176, %dma_start3A_178] : memref<21x128xi32, #tpu.memory_space<vmem>> -> memref<1x128xi32, #tpu.memory_space<vmem>>
    %dma_start3A_180 = tpu.memref_squeeze %dma_start3A_179 : memref<1x128xi32, #tpu.memory_space<vmem>> -> memref<128xi32, #tpu.memory_space<vmem>>
    %dma_start3A_181 = arith.constant 0 : i32
    %dma_start3A_182 = tpu.memref_slice %arg16[%dma_start3A_177, %dma_start3A_181] : memref<21x128xi32, #tpu.memory_space<vmem>> -> memref<1x128xi32, #tpu.memory_space<vmem>>
    %dma_start3A_183 = tpu.memref_squeeze %dma_start3A_182 : memref<1x128xi32, #tpu.memory_space<vmem>> -> memref<128xi32, #tpu.memory_space<vmem>>
    %dma_start3A_184 = arith.constant 0 : i32
    %dma_start3A_185 = tpu.memref_slice %arg15[%dma_start3A_184] : memref<24704xi32, #tpu.memory_space<vmem_shared>> -> memref<24704xi32, #tpu.memory_space<vmem_shared>>
    tpu.enqueue_indirect_dma source(%dma_start3A_180 : memref<128xi32, #tpu.memory_space<vmem>>) target(%dma_start3A_185 : memref<24704xi32, #tpu.memory_space<vmem_shared>>) offsets(%dma_start3A_183 : memref<128xi32, #tpu.memory_space<vmem>>) semaphore(%arg21 : memref<!tpu.dma_semaphore, #tpu.memory_space<semaphore_mem>>)
    %dma_start3A_186 = arith.constant 18 : i32
    %dma_start3A_187 = arith.constant 18 : i32
    %dma_start3A_188 = arith.constant 0 : i32
    %dma_start3A_189 = tpu.memref_slice %arg17[%dma_start3A_186, %dma_start3A_188] : memref<21x128xi32, #tpu.memory_space<vmem>> -> memref<1x128xi32, #tpu.memory_space<vmem>>
    %dma_start3A_190 = tpu.memref_squeeze %dma_start3A_189 : memref<1x128xi32, #tpu.memory_space<vmem>> -> memref<128xi32, #tpu.memory_space<vmem>>
    %dma_start3A_191 = arith.constant 0 : i32
    %dma_start3A_192 = tpu.memref_slice %arg16[%dma_start3A_187, %dma_start3A_191] : memref<21x128xi32, #tpu.memory_space<vmem>> -> memref<1x128xi32, #tpu.memory_space<vmem>>
    %dma_start3A_193 = tpu.memref_squeeze %dma_start3A_192 : memref<1x128xi32, #tpu.memory_space<vmem>> -> memref<128xi32, #tpu.memory_space<vmem>>
    %dma_start3A_194 = arith.constant 0 : i32
    %dma_start3A_195 = tpu.memref_slice %arg15[%dma_start3A_194] : memref<24704xi32, #tpu.memory_space<vmem_shared>> -> memref<24704xi32, #tpu.memory_space<vmem_shared>>
    tpu.enqueue_indirect_dma source(%dma_start3A_190 : memref<128xi32, #tpu.memory_space<vmem>>) target(%dma_start3A_195 : memref<24704xi32, #tpu.memory_space<vmem_shared>>) offsets(%dma_start3A_193 : memref<128xi32, #tpu.memory_space<vmem>>) semaphore(%arg21 : memref<!tpu.dma_semaphore, #tpu.memory_space<semaphore_mem>>)
    %dma_start3A_196 = arith.constant 19 : i32
    %dma_start3A_197 = arith.constant 19 : i32
    %dma_start3A_198 = arith.constant 0 : i32
    %dma_start3A_199 = tpu.memref_slice %arg17[%dma_start3A_196, %dma_start3A_198] : memref<21x128xi32, #tpu.memory_space<vmem>> -> memref<1x128xi32, #tpu.memory_space<vmem>>
    %dma_start3A_200 = tpu.memref_squeeze %dma_start3A_199 : memref<1x128xi32, #tpu.memory_space<vmem>> -> memref<128xi32, #tpu.memory_space<vmem>>
    %dma_start3A_201 = arith.constant 0 : i32
    %dma_start3A_202 = tpu.memref_slice %arg16[%dma_start3A_197, %dma_start3A_201] : memref<21x128xi32, #tpu.memory_space<vmem>> -> memref<1x128xi32, #tpu.memory_space<vmem>>
    %dma_start3A_203 = tpu.memref_squeeze %dma_start3A_202 : memref<1x128xi32, #tpu.memory_space<vmem>> -> memref<128xi32, #tpu.memory_space<vmem>>
    %dma_start3A_204 = arith.constant 0 : i32
    %dma_start3A_205 = tpu.memref_slice %arg15[%dma_start3A_204] : memref<24704xi32, #tpu.memory_space<vmem_shared>> -> memref<24704xi32, #tpu.memory_space<vmem_shared>>
    tpu.enqueue_indirect_dma source(%dma_start3A_200 : memref<128xi32, #tpu.memory_space<vmem>>) target(%dma_start3A_205 : memref<24704xi32, #tpu.memory_space<vmem_shared>>) offsets(%dma_start3A_203 : memref<128xi32, #tpu.memory_space<vmem>>) semaphore(%arg21 : memref<!tpu.dma_semaphore, #tpu.memory_space<semaphore_mem>>)
    %dma_start3A_206 = arith.constant 20 : i32
    %dma_start3A_207 = arith.constant 20 : i32
    %dma_start3A_208 = arith.constant 0 : i32
    %dma_start3A_209 = tpu.memref_slice %arg17[%dma_start3A_206, %dma_start3A_208] : memref<21x128xi32, #tpu.memory_space<vmem>> -> memref<1x128xi32, #tpu.memory_space<vmem>>
    %dma_start3A_210 = tpu.memref_squeeze %dma_start3A_209 : memref<1x128xi32, #tpu.memory_space<vmem>> -> memref<128xi32, #tpu.memory_space<vmem>>
    %dma_start3A_211 = arith.constant 0 : i32
    %dma_start3A_212 = tpu.memref_slice %arg16[%dma_start3A_207, %dma_start3A_211] : memref<21x128xi32, #tpu.memory_space<vmem>> -> memref<1x128xi32, #tpu.memory_space<vmem>>
    %dma_start3A_213 = tpu.memref_squeeze %dma_start3A_212 : memref<1x128xi32, #tpu.memory_space<vmem>> -> memref<128xi32, #tpu.memory_space<vmem>>
    %dma_start3A_214 = arith.constant 0 : i32
    %dma_start3A_215 = tpu.memref_slice %arg15[%dma_start3A_214] : memref<24704xi32, #tpu.memory_space<vmem_shared>> -> memref<24704xi32, #tpu.memory_space<vmem_shared>>
    tpu.enqueue_indirect_dma source(%dma_start3A_210 : memref<128xi32, #tpu.memory_space<vmem>>) target(%dma_start3A_215 : memref<24704xi32, #tpu.memory_space<vmem_shared>>) offsets(%dma_start3A_213 : memref<128xi32, #tpu.memory_space<vmem>>) semaphore(%arg21 : memref<!tpu.dma_semaphore, #tpu.memory_space<semaphore_mem>>)
    %dma_wait3A = arith.constant 0 : i32
    %dma_wait3A_216 = arith.constant 0 : i32
    %dma_wait3A_217 = arith.constant 0 : i32
    %dma_wait3A_218 = tpu.memref_slice %arg17[%dma_wait3A, %dma_wait3A_217] : memref<21x128xi32, #tpu.memory_space<vmem>> -> memref<1x128xi32, #tpu.memory_space<vmem>>
    %dma_wait3A_219 = tpu.memref_squeeze %dma_wait3A_218 : memref<1x128xi32, #tpu.memory_space<vmem>> -> memref<128xi32, #tpu.memory_space<vmem>>
    %dma_wait3A_220 = arith.constant 0 : i32
    %dma_wait3A_221 = tpu.memref_slice %arg16[%dma_wait3A_216, %dma_wait3A_220] : memref<21x128xi32, #tpu.memory_space<vmem>> -> memref<1x128xi32, #tpu.memory_space<vmem>>
    %dma_wait3A_222 = tpu.memref_squeeze %dma_wait3A_221 : memref<1x128xi32, #tpu.memory_space<vmem>> -> memref<128xi32, #tpu.memory_space<vmem>>
    %dma_wait3A_223 = arith.constant 0 : i32
    %dma_wait3A_224 = tpu.memref_slice %arg15[%dma_wait3A_223] : memref<24704xi32, #tpu.memory_space<vmem_shared>> -> memref<24704xi32, #tpu.memory_space<vmem_shared>>
    tpu.wait_indirect_dma semaphore(%arg21 : memref<!tpu.dma_semaphore, #tpu.memory_space<semaphore_mem>>) src(%dma_wait3A_219 : memref<128xi32, #tpu.memory_space<vmem>>) dst(%dma_wait3A_224 : memref<24704xi32, #tpu.memory_space<vmem_shared>>)
    %dma_wait3A_225 = arith.constant 1 : i32
    %dma_wait3A_226 = arith.constant 1 : i32
    %dma_wait3A_227 = arith.constant 0 : i32
    %dma_wait3A_228 = tpu.memref_slice %arg17[%dma_wait3A_225, %dma_wait3A_227] : memref<21x128xi32, #tpu.memory_space<vmem>> -> memref<1x128xi32, #tpu.memory_space<vmem>>
    %dma_wait3A_229 = tpu.memref_squeeze %dma_wait3A_228 : memref<1x128xi32, #tpu.memory_space<vmem>> -> memref<128xi32, #tpu.memory_space<vmem>>
    %dma_wait3A_230 = arith.constant 0 : i32
    %dma_wait3A_231 = tpu.memref_slice %arg16[%dma_wait3A_226, %dma_wait3A_230] : memref<21x128xi32, #tpu.memory_space<vmem>> -> memref<1x128xi32, #tpu.memory_space<vmem>>
    %dma_wait3A_232 = tpu.memref_squeeze %dma_wait3A_231 : memref<1x128xi32, #tpu.memory_space<vmem>> -> memref<128xi32, #tpu.memory_space<vmem>>
    %dma_wait3A_233 = arith.constant 0 : i32
    %dma_wait3A_234 = tpu.memref_slice %arg15[%dma_wait3A_233] : memref<24704xi32, #tpu.memory_space<vmem_shared>> -> memref<24704xi32, #tpu.memory_space<vmem_shared>>
    tpu.wait_indirect_dma semaphore(%arg21 : memref<!tpu.dma_semaphore, #tpu.memory_space<semaphore_mem>>) src(%dma_wait3A_229 : memref<128xi32, #tpu.memory_space<vmem>>) dst(%dma_wait3A_234 : memref<24704xi32, #tpu.memory_space<vmem_shared>>)
    %dma_wait3A_235 = arith.constant 2 : i32
    %dma_wait3A_236 = arith.constant 2 : i32
    %dma_wait3A_237 = arith.constant 0 : i32
    %dma_wait3A_238 = tpu.memref_slice %arg17[%dma_wait3A_235, %dma_wait3A_237] : memref<21x128xi32, #tpu.memory_space<vmem>> -> memref<1x128xi32, #tpu.memory_space<vmem>>
    %dma_wait3A_239 = tpu.memref_squeeze %dma_wait3A_238 : memref<1x128xi32, #tpu.memory_space<vmem>> -> memref<128xi32, #tpu.memory_space<vmem>>
    %dma_wait3A_240 = arith.constant 0 : i32
    %dma_wait3A_241 = tpu.memref_slice %arg16[%dma_wait3A_236, %dma_wait3A_240] : memref<21x128xi32, #tpu.memory_space<vmem>> -> memref<1x128xi32, #tpu.memory_space<vmem>>
    %dma_wait3A_242 = tpu.memref_squeeze %dma_wait3A_241 : memref<1x128xi32, #tpu.memory_space<vmem>> -> memref<128xi32, #tpu.memory_space<vmem>>
    %dma_wait3A_243 = arith.constant 0 : i32
    %dma_wait3A_244 = tpu.memref_slice %arg15[%dma_wait3A_243] : memref<24704xi32, #tpu.memory_space<vmem_shared>> -> memref<24704xi32, #tpu.memory_space<vmem_shared>>
    tpu.wait_indirect_dma semaphore(%arg21 : memref<!tpu.dma_semaphore, #tpu.memory_space<semaphore_mem>>) src(%dma_wait3A_239 : memref<128xi32, #tpu.memory_space<vmem>>) dst(%dma_wait3A_244 : memref<24704xi32, #tpu.memory_space<vmem_shared>>)
    %dma_wait3A_245 = arith.constant 3 : i32
    %dma_wait3A_246 = arith.constant 3 : i32
    %dma_wait3A_247 = arith.constant 0 : i32
    %dma_wait3A_248 = tpu.memref_slice %arg17[%dma_wait3A_245, %dma_wait3A_247] : memref<21x128xi32, #tpu.memory_space<vmem>> -> memref<1x128xi32, #tpu.memory_space<vmem>>
    %dma_wait3A_249 = tpu.memref_squeeze %dma_wait3A_248 : memref<1x128xi32, #tpu.memory_space<vmem>> -> memref<128xi32, #tpu.memory_space<vmem>>
    %dma_wait3A_250 = arith.constant 0 : i32
    %dma_wait3A_251 = tpu.memref_slice %arg16[%dma_wait3A_246, %dma_wait3A_250] : memref<21x128xi32, #tpu.memory_space<vmem>> -> memref<1x128xi32, #tpu.memory_space<vmem>>
    %dma_wait3A_252 = tpu.memref_squeeze %dma_wait3A_251 : memref<1x128xi32, #tpu.memory_space<vmem>> -> memref<128xi32, #tpu.memory_space<vmem>>
    %dma_wait3A_253 = arith.constant 0 : i32
    %dma_wait3A_254 = tpu.memref_slice %arg15[%dma_wait3A_253] : memref<24704xi32, #tpu.memory_space<vmem_shared>> -> memref<24704xi32, #tpu.memory_space<vmem_shared>>
    tpu.wait_indirect_dma semaphore(%arg21 : memref<!tpu.dma_semaphore, #tpu.memory_space<semaphore_mem>>) src(%dma_wait3A_249 : memref<128xi32, #tpu.memory_space<vmem>>) dst(%dma_wait3A_254 : memref<24704xi32, #tpu.memory_space<vmem_shared>>)
    %dma_wait3A_255 = arith.constant 4 : i32
    %dma_wait3A_256 = arith.constant 4 : i32
    %dma_wait3A_257 = arith.constant 0 : i32
    %dma_wait3A_258 = tpu.memref_slice %arg17[%dma_wait3A_255, %dma_wait3A_257] : memref<21x128xi32, #tpu.memory_space<vmem>> -> memref<1x128xi32, #tpu.memory_space<vmem>>
    %dma_wait3A_259 = tpu.memref_squeeze %dma_wait3A_258 : memref<1x128xi32, #tpu.memory_space<vmem>> -> memref<128xi32, #tpu.memory_space<vmem>>
    %dma_wait3A_260 = arith.constant 0 : i32
    %dma_wait3A_261 = tpu.memref_slice %arg16[%dma_wait3A_256, %dma_wait3A_260] : memref<21x128xi32, #tpu.memory_space<vmem>> -> memref<1x128xi32, #tpu.memory_space<vmem>>
    %dma_wait3A_262 = tpu.memref_squeeze %dma_wait3A_261 : memref<1x128xi32, #tpu.memory_space<vmem>> -> memref<128xi32, #tpu.memory_space<vmem>>
    %dma_wait3A_263 = arith.constant 0 : i32
    %dma_wait3A_264 = tpu.memref_slice %arg15[%dma_wait3A_263] : memref<24704xi32, #tpu.memory_space<vmem_shared>> -> memref<24704xi32, #tpu.memory_space<vmem_shared>>
    tpu.wait_indirect_dma semaphore(%arg21 : memref<!tpu.dma_semaphore, #tpu.memory_space<semaphore_mem>>) src(%dma_wait3A_259 : memref<128xi32, #tpu.memory_space<vmem>>) dst(%dma_wait3A_264 : memref<24704xi32, #tpu.memory_space<vmem_shared>>)
    %dma_wait3A_265 = arith.constant 5 : i32
    %dma_wait3A_266 = arith.constant 5 : i32
    %dma_wait3A_267 = arith.constant 0 : i32
    %dma_wait3A_268 = tpu.memref_slice %arg17[%dma_wait3A_265, %dma_wait3A_267] : memref<21x128xi32, #tpu.memory_space<vmem>> -> memref<1x128xi32, #tpu.memory_space<vmem>>
    %dma_wait3A_269 = tpu.memref_squeeze %dma_wait3A_268 : memref<1x128xi32, #tpu.memory_space<vmem>> -> memref<128xi32, #tpu.memory_space<vmem>>
    %dma_wait3A_270 = arith.constant 0 : i32
    %dma_wait3A_271 = tpu.memref_slice %arg16[%dma_wait3A_266, %dma_wait3A_270] : memref<21x128xi32, #tpu.memory_space<vmem>> -> memref<1x128xi32, #tpu.memory_space<vmem>>
    %dma_wait3A_272 = tpu.memref_squeeze %dma_wait3A_271 : memref<1x128xi32, #tpu.memory_space<vmem>> -> memref<128xi32, #tpu.memory_space<vmem>>
    %dma_wait3A_273 = arith.constant 0 : i32
    %dma_wait3A_274 = tpu.memref_slice %arg15[%dma_wait3A_273] : memref<24704xi32, #tpu.memory_space<vmem_shared>> -> memref<24704xi32, #tpu.memory_space<vmem_shared>>
    tpu.wait_indirect_dma semaphore(%arg21 : memref<!tpu.dma_semaphore, #tpu.memory_space<semaphore_mem>>) src(%dma_wait3A_269 : memref<128xi32, #tpu.memory_space<vmem>>) dst(%dma_wait3A_274 : memref<24704xi32, #tpu.memory_space<vmem_shared>>)
    %dma_wait3A_275 = arith.constant 6 : i32
    %dma_wait3A_276 = arith.constant 6 : i32
    %dma_wait3A_277 = arith.constant 0 : i32
    %dma_wait3A_278 = tpu.memref_slice %arg17[%dma_wait3A_275, %dma_wait3A_277] : memref<21x128xi32, #tpu.memory_space<vmem>> -> memref<1x128xi32, #tpu.memory_space<vmem>>
    %dma_wait3A_279 = tpu.memref_squeeze %dma_wait3A_278 : memref<1x128xi32, #tpu.memory_space<vmem>> -> memref<128xi32, #tpu.memory_space<vmem>>
    %dma_wait3A_280 = arith.constant 0 : i32
    %dma_wait3A_281 = tpu.memref_slice %arg16[%dma_wait3A_276, %dma_wait3A_280] : memref<21x128xi32, #tpu.memory_space<vmem>> -> memref<1x128xi32, #tpu.memory_space<vmem>>
    %dma_wait3A_282 = tpu.memref_squeeze %dma_wait3A_281 : memref<1x128xi32, #tpu.memory_space<vmem>> -> memref<128xi32, #tpu.memory_space<vmem>>
    %dma_wait3A_283 = arith.constant 0 : i32
    %dma_wait3A_284 = tpu.memref_slice %arg15[%dma_wait3A_283] : memref<24704xi32, #tpu.memory_space<vmem_shared>> -> memref<24704xi32, #tpu.memory_space<vmem_shared>>
    tpu.wait_indirect_dma semaphore(%arg21 : memref<!tpu.dma_semaphore, #tpu.memory_space<semaphore_mem>>) src(%dma_wait3A_279 : memref<128xi32, #tpu.memory_space<vmem>>) dst(%dma_wait3A_284 : memref<24704xi32, #tpu.memory_space<vmem_shared>>)
    %dma_wait3A_285 = arith.constant 7 : i32
    %dma_wait3A_286 = arith.constant 7 : i32
    %dma_wait3A_287 = arith.constant 0 : i32
    %dma_wait3A_288 = tpu.memref_slice %arg17[%dma_wait3A_285, %dma_wait3A_287] : memref<21x128xi32, #tpu.memory_space<vmem>> -> memref<1x128xi32, #tpu.memory_space<vmem>>
    %dma_wait3A_289 = tpu.memref_squeeze %dma_wait3A_288 : memref<1x128xi32, #tpu.memory_space<vmem>> -> memref<128xi32, #tpu.memory_space<vmem>>
    %dma_wait3A_290 = arith.constant 0 : i32
    %dma_wait3A_291 = tpu.memref_slice %arg16[%dma_wait3A_286, %dma_wait3A_290] : memref<21x128xi32, #tpu.memory_space<vmem>> -> memref<1x128xi32, #tpu.memory_space<vmem>>
    %dma_wait3A_292 = tpu.memref_squeeze %dma_wait3A_291 : memref<1x128xi32, #tpu.memory_space<vmem>> -> memref<128xi32, #tpu.memory_space<vmem>>
    %dma_wait3A_293 = arith.constant 0 : i32
    %dma_wait3A_294 = tpu.memref_slice %arg15[%dma_wait3A_293] : memref<24704xi32, #tpu.memory_space<vmem_shared>> -> memref<24704xi32, #tpu.memory_space<vmem_shared>>
    tpu.wait_indirect_dma semaphore(%arg21 : memref<!tpu.dma_semaphore, #tpu.memory_space<semaphore_mem>>) src(%dma_wait3A_289 : memref<128xi32, #tpu.memory_space<vmem>>) dst(%dma_wait3A_294 : memref<24704xi32, #tpu.memory_space<vmem_shared>>)
    %dma_wait3A_295 = arith.constant 8 : i32
    %dma_wait3A_296 = arith.constant 8 : i32
    %dma_wait3A_297 = arith.constant 0 : i32
    %dma_wait3A_298 = tpu.memref_slice %arg17[%dma_wait3A_295, %dma_wait3A_297] : memref<21x128xi32, #tpu.memory_space<vmem>> -> memref<1x128xi32, #tpu.memory_space<vmem>>
    %dma_wait3A_299 = tpu.memref_squeeze %dma_wait3A_298 : memref<1x128xi32, #tpu.memory_space<vmem>> -> memref<128xi32, #tpu.memory_space<vmem>>
    %dma_wait3A_300 = arith.constant 0 : i32
    %dma_wait3A_301 = tpu.memref_slice %arg16[%dma_wait3A_296, %dma_wait3A_300] : memref<21x128xi32, #tpu.memory_space<vmem>> -> memref<1x128xi32, #tpu.memory_space<vmem>>
    %dma_wait3A_302 = tpu.memref_squeeze %dma_wait3A_301 : memref<1x128xi32, #tpu.memory_space<vmem>> -> memref<128xi32, #tpu.memory_space<vmem>>
    %dma_wait3A_303 = arith.constant 0 : i32
    %dma_wait3A_304 = tpu.memref_slice %arg15[%dma_wait3A_303] : memref<24704xi32, #tpu.memory_space<vmem_shared>> -> memref<24704xi32, #tpu.memory_space<vmem_shared>>
    tpu.wait_indirect_dma semaphore(%arg21 : memref<!tpu.dma_semaphore, #tpu.memory_space<semaphore_mem>>) src(%dma_wait3A_299 : memref<128xi32, #tpu.memory_space<vmem>>) dst(%dma_wait3A_304 : memref<24704xi32, #tpu.memory_space<vmem_shared>>)
    %dma_wait3A_305 = arith.constant 9 : i32
    %dma_wait3A_306 = arith.constant 9 : i32
    %dma_wait3A_307 = arith.constant 0 : i32
    %dma_wait3A_308 = tpu.memref_slice %arg17[%dma_wait3A_305, %dma_wait3A_307] : memref<21x128xi32, #tpu.memory_space<vmem>> -> memref<1x128xi32, #tpu.memory_space<vmem>>
    %dma_wait3A_309 = tpu.memref_squeeze %dma_wait3A_308 : memref<1x128xi32, #tpu.memory_space<vmem>> -> memref<128xi32, #tpu.memory_space<vmem>>
    %dma_wait3A_310 = arith.constant 0 : i32
    %dma_wait3A_311 = tpu.memref_slice %arg16[%dma_wait3A_306, %dma_wait3A_310] : memref<21x128xi32, #tpu.memory_space<vmem>> -> memref<1x128xi32, #tpu.memory_space<vmem>>
    %dma_wait3A_312 = tpu.memref_squeeze %dma_wait3A_311 : memref<1x128xi32, #tpu.memory_space<vmem>> -> memref<128xi32, #tpu.memory_space<vmem>>
    %dma_wait3A_313 = arith.constant 0 : i32
    %dma_wait3A_314 = tpu.memref_slice %arg15[%dma_wait3A_313] : memref<24704xi32, #tpu.memory_space<vmem_shared>> -> memref<24704xi32, #tpu.memory_space<vmem_shared>>
    tpu.wait_indirect_dma semaphore(%arg21 : memref<!tpu.dma_semaphore, #tpu.memory_space<semaphore_mem>>) src(%dma_wait3A_309 : memref<128xi32, #tpu.memory_space<vmem>>) dst(%dma_wait3A_314 : memref<24704xi32, #tpu.memory_space<vmem_shared>>)
    %dma_wait3A_315 = arith.constant 10 : i32
    %dma_wait3A_316 = arith.constant 10 : i32
    %dma_wait3A_317 = arith.constant 0 : i32
    %dma_wait3A_318 = tpu.memref_slice %arg17[%dma_wait3A_315, %dma_wait3A_317] : memref<21x128xi32, #tpu.memory_space<vmem>> -> memref<1x128xi32, #tpu.memory_space<vmem>>
    %dma_wait3A_319 = tpu.memref_squeeze %dma_wait3A_318 : memref<1x128xi32, #tpu.memory_space<vmem>> -> memref<128xi32, #tpu.memory_space<vmem>>
    %dma_wait3A_320 = arith.constant 0 : i32
    %dma_wait3A_321 = tpu.memref_slice %arg16[%dma_wait3A_316, %dma_wait3A_320] : memref<21x128xi32, #tpu.memory_space<vmem>> -> memref<1x128xi32, #tpu.memory_space<vmem>>
    %dma_wait3A_322 = tpu.memref_squeeze %dma_wait3A_321 : memref<1x128xi32, #tpu.memory_space<vmem>> -> memref<128xi32, #tpu.memory_space<vmem>>
    %dma_wait3A_323 = arith.constant 0 : i32
    %dma_wait3A_324 = tpu.memref_slice %arg15[%dma_wait3A_323] : memref<24704xi32, #tpu.memory_space<vmem_shared>> -> memref<24704xi32, #tpu.memory_space<vmem_shared>>
    tpu.wait_indirect_dma semaphore(%arg21 : memref<!tpu.dma_semaphore, #tpu.memory_space<semaphore_mem>>) src(%dma_wait3A_319 : memref<128xi32, #tpu.memory_space<vmem>>) dst(%dma_wait3A_324 : memref<24704xi32, #tpu.memory_space<vmem_shared>>)
    %dma_wait3A_325 = arith.constant 11 : i32
    %dma_wait3A_326 = arith.constant 11 : i32
    %dma_wait3A_327 = arith.constant 0 : i32
    %dma_wait3A_328 = tpu.memref_slice %arg17[%dma_wait3A_325, %dma_wait3A_327] : memref<21x128xi32, #tpu.memory_space<vmem>> -> memref<1x128xi32, #tpu.memory_space<vmem>>
    %dma_wait3A_329 = tpu.memref_squeeze %dma_wait3A_328 : memref<1x128xi32, #tpu.memory_space<vmem>> -> memref<128xi32, #tpu.memory_space<vmem>>
    %dma_wait3A_330 = arith.constant 0 : i32
    %dma_wait3A_331 = tpu.memref_slice %arg16[%dma_wait3A_326, %dma_wait3A_330] : memref<21x128xi32, #tpu.memory_space<vmem>> -> memref<1x128xi32, #tpu.memory_space<vmem>>
    %dma_wait3A_332 = tpu.memref_squeeze %dma_wait3A_331 : memref<1x128xi32, #tpu.memory_space<vmem>> -> memref<128xi32, #tpu.memory_space<vmem>>
    %dma_wait3A_333 = arith.constant 0 : i32
    %dma_wait3A_334 = tpu.memref_slice %arg15[%dma_wait3A_333] : memref<24704xi32, #tpu.memory_space<vmem_shared>> -> memref<24704xi32, #tpu.memory_space<vmem_shared>>
    tpu.wait_indirect_dma semaphore(%arg21 : memref<!tpu.dma_semaphore, #tpu.memory_space<semaphore_mem>>) src(%dma_wait3A_329 : memref<128xi32, #tpu.memory_space<vmem>>) dst(%dma_wait3A_334 : memref<24704xi32, #tpu.memory_space<vmem_shared>>)
    %dma_wait3A_335 = arith.constant 12 : i32
    %dma_wait3A_336 = arith.constant 12 : i32
    %dma_wait3A_337 = arith.constant 0 : i32
    %dma_wait3A_338 = tpu.memref_slice %arg17[%dma_wait3A_335, %dma_wait3A_337] : memref<21x128xi32, #tpu.memory_space<vmem>> -> memref<1x128xi32, #tpu.memory_space<vmem>>
    %dma_wait3A_339 = tpu.memref_squeeze %dma_wait3A_338 : memref<1x128xi32, #tpu.memory_space<vmem>> -> memref<128xi32, #tpu.memory_space<vmem>>
    %dma_wait3A_340 = arith.constant 0 : i32
    %dma_wait3A_341 = tpu.memref_slice %arg16[%dma_wait3A_336, %dma_wait3A_340] : memref<21x128xi32, #tpu.memory_space<vmem>> -> memref<1x128xi32, #tpu.memory_space<vmem>>
    %dma_wait3A_342 = tpu.memref_squeeze %dma_wait3A_341 : memref<1x128xi32, #tpu.memory_space<vmem>> -> memref<128xi32, #tpu.memory_space<vmem>>
    %dma_wait3A_343 = arith.constant 0 : i32
    %dma_wait3A_344 = tpu.memref_slice %arg15[%dma_wait3A_343] : memref<24704xi32, #tpu.memory_space<vmem_shared>> -> memref<24704xi32, #tpu.memory_space<vmem_shared>>
    tpu.wait_indirect_dma semaphore(%arg21 : memref<!tpu.dma_semaphore, #tpu.memory_space<semaphore_mem>>) src(%dma_wait3A_339 : memref<128xi32, #tpu.memory_space<vmem>>) dst(%dma_wait3A_344 : memref<24704xi32, #tpu.memory_space<vmem_shared>>)
    %dma_wait3A_345 = arith.constant 13 : i32
    %dma_wait3A_346 = arith.constant 13 : i32
    %dma_wait3A_347 = arith.constant 0 : i32
    %dma_wait3A_348 = tpu.memref_slice %arg17[%dma_wait3A_345, %dma_wait3A_347] : memref<21x128xi32, #tpu.memory_space<vmem>> -> memref<1x128xi32, #tpu.memory_space<vmem>>
    %dma_wait3A_349 = tpu.memref_squeeze %dma_wait3A_348 : memref<1x128xi32, #tpu.memory_space<vmem>> -> memref<128xi32, #tpu.memory_space<vmem>>
    %dma_wait3A_350 = arith.constant 0 : i32
    %dma_wait3A_351 = tpu.memref_slice %arg16[%dma_wait3A_346, %dma_wait3A_350] : memref<21x128xi32, #tpu.memory_space<vmem>> -> memref<1x128xi32, #tpu.memory_space<vmem>>
    %dma_wait3A_352 = tpu.memref_squeeze %dma_wait3A_351 : memref<1x128xi32, #tpu.memory_space<vmem>> -> memref<128xi32, #tpu.memory_space<vmem>>
    %dma_wait3A_353 = arith.constant 0 : i32
    %dma_wait3A_354 = tpu.memref_slice %arg15[%dma_wait3A_353] : memref<24704xi32, #tpu.memory_space<vmem_shared>> -> memref<24704xi32, #tpu.memory_space<vmem_shared>>
    tpu.wait_indirect_dma semaphore(%arg21 : memref<!tpu.dma_semaphore, #tpu.memory_space<semaphore_mem>>) src(%dma_wait3A_349 : memref<128xi32, #tpu.memory_space<vmem>>) dst(%dma_wait3A_354 : memref<24704xi32, #tpu.memory_space<vmem_shared>>)
    %dma_wait3A_355 = arith.constant 14 : i32
    %dma_wait3A_356 = arith.constant 14 : i32
    %dma_wait3A_357 = arith.constant 0 : i32
    %dma_wait3A_358 = tpu.memref_slice %arg17[%dma_wait3A_355, %dma_wait3A_357] : memref<21x128xi32, #tpu.memory_space<vmem>> -> memref<1x128xi32, #tpu.memory_space<vmem>>
    %dma_wait3A_359 = tpu.memref_squeeze %dma_wait3A_358 : memref<1x128xi32, #tpu.memory_space<vmem>> -> memref<128xi32, #tpu.memory_space<vmem>>
    %dma_wait3A_360 = arith.constant 0 : i32
    %dma_wait3A_361 = tpu.memref_slice %arg16[%dma_wait3A_356, %dma_wait3A_360] : memref<21x128xi32, #tpu.memory_space<vmem>> -> memref<1x128xi32, #tpu.memory_space<vmem>>
    %dma_wait3A_362 = tpu.memref_squeeze %dma_wait3A_361 : memref<1x128xi32, #tpu.memory_space<vmem>> -> memref<128xi32, #tpu.memory_space<vmem>>
    %dma_wait3A_363 = arith.constant 0 : i32
    %dma_wait3A_364 = tpu.memref_slice %arg15[%dma_wait3A_363] : memref<24704xi32, #tpu.memory_space<vmem_shared>> -> memref<24704xi32, #tpu.memory_space<vmem_shared>>
    tpu.wait_indirect_dma semaphore(%arg21 : memref<!tpu.dma_semaphore, #tpu.memory_space<semaphore_mem>>) src(%dma_wait3A_359 : memref<128xi32, #tpu.memory_space<vmem>>) dst(%dma_wait3A_364 : memref<24704xi32, #tpu.memory_space<vmem_shared>>)
    %dma_wait3A_365 = arith.constant 15 : i32
    %dma_wait3A_366 = arith.constant 15 : i32
    %dma_wait3A_367 = arith.constant 0 : i32
    %dma_wait3A_368 = tpu.memref_slice %arg17[%dma_wait3A_365, %dma_wait3A_367] : memref<21x128xi32, #tpu.memory_space<vmem>> -> memref<1x128xi32, #tpu.memory_space<vmem>>
    %dma_wait3A_369 = tpu.memref_squeeze %dma_wait3A_368 : memref<1x128xi32, #tpu.memory_space<vmem>> -> memref<128xi32, #tpu.memory_space<vmem>>
    %dma_wait3A_370 = arith.constant 0 : i32
    %dma_wait3A_371 = tpu.memref_slice %arg16[%dma_wait3A_366, %dma_wait3A_370] : memref<21x128xi32, #tpu.memory_space<vmem>> -> memref<1x128xi32, #tpu.memory_space<vmem>>
    %dma_wait3A_372 = tpu.memref_squeeze %dma_wait3A_371 : memref<1x128xi32, #tpu.memory_space<vmem>> -> memref<128xi32, #tpu.memory_space<vmem>>
    %dma_wait3A_373 = arith.constant 0 : i32
    %dma_wait3A_374 = tpu.memref_slice %arg15[%dma_wait3A_373] : memref<24704xi32, #tpu.memory_space<vmem_shared>> -> memref<24704xi32, #tpu.memory_space<vmem_shared>>
    tpu.wait_indirect_dma semaphore(%arg21 : memref<!tpu.dma_semaphore, #tpu.memory_space<semaphore_mem>>) src(%dma_wait3A_369 : memref<128xi32, #tpu.memory_space<vmem>>) dst(%dma_wait3A_374 : memref<24704xi32, #tpu.memory_space<vmem_shared>>)
    %dma_wait3A_375 = arith.constant 16 : i32
    %dma_wait3A_376 = arith.constant 16 : i32
    %dma_wait3A_377 = arith.constant 0 : i32
    %dma_wait3A_378 = tpu.memref_slice %arg17[%dma_wait3A_375, %dma_wait3A_377] : memref<21x128xi32, #tpu.memory_space<vmem>> -> memref<1x128xi32, #tpu.memory_space<vmem>>
    %dma_wait3A_379 = tpu.memref_squeeze %dma_wait3A_378 : memref<1x128xi32, #tpu.memory_space<vmem>> -> memref<128xi32, #tpu.memory_space<vmem>>
    %dma_wait3A_380 = arith.constant 0 : i32
    %dma_wait3A_381 = tpu.memref_slice %arg16[%dma_wait3A_376, %dma_wait3A_380] : memref<21x128xi32, #tpu.memory_space<vmem>> -> memref<1x128xi32, #tpu.memory_space<vmem>>
    %dma_wait3A_382 = tpu.memref_squeeze %dma_wait3A_381 : memref<1x128xi32, #tpu.memory_space<vmem>> -> memref<128xi32, #tpu.memory_space<vmem>>
    %dma_wait3A_383 = arith.constant 0 : i32
    %dma_wait3A_384 = tpu.memref_slice %arg15[%dma_wait3A_383] : memref<24704xi32, #tpu.memory_space<vmem_shared>> -> memref<24704xi32, #tpu.memory_space<vmem_shared>>
    tpu.wait_indirect_dma semaphore(%arg21 : memref<!tpu.dma_semaphore, #tpu.memory_space<semaphore_mem>>) src(%dma_wait3A_379 : memref<128xi32, #tpu.memory_space<vmem>>) dst(%dma_wait3A_384 : memref<24704xi32, #tpu.memory_space<vmem_shared>>)
    %dma_wait3A_385 = arith.constant 17 : i32
    %dma_wait3A_386 = arith.constant 17 : i32
    %dma_wait3A_387 = arith.constant 0 : i32
    %dma_wait3A_388 = tpu.memref_slice %arg17[%dma_wait3A_385, %dma_wait3A_387] : memref<21x128xi32, #tpu.memory_space<vmem>> -> memref<1x128xi32, #tpu.memory_space<vmem>>
    %dma_wait3A_389 = tpu.memref_squeeze %dma_wait3A_388 : memref<1x128xi32, #tpu.memory_space<vmem>> -> memref<128xi32, #tpu.memory_space<vmem>>
    %dma_wait3A_390 = arith.constant 0 : i32
    %dma_wait3A_391 = tpu.memref_slice %arg16[%dma_wait3A_386, %dma_wait3A_390] : memref<21x128xi32, #tpu.memory_space<vmem>> -> memref<1x128xi32, #tpu.memory_space<vmem>>
    %dma_wait3A_392 = tpu.memref_squeeze %dma_wait3A_391 : memref<1x128xi32, #tpu.memory_space<vmem>> -> memref<128xi32, #tpu.memory_space<vmem>>
    %dma_wait3A_393 = arith.constant 0 : i32
    %dma_wait3A_394 = tpu.memref_slice %arg15[%dma_wait3A_393] : memref<24704xi32, #tpu.memory_space<vmem_shared>> -> memref<24704xi32, #tpu.memory_space<vmem_shared>>
    tpu.wait_indirect_dma semaphore(%arg21 : memref<!tpu.dma_semaphore, #tpu.memory_space<semaphore_mem>>) src(%dma_wait3A_389 : memref<128xi32, #tpu.memory_space<vmem>>) dst(%dma_wait3A_394 : memref<24704xi32, #tpu.memory_space<vmem_shared>>)
    %dma_wait3A_395 = arith.constant 18 : i32
    %dma_wait3A_396 = arith.constant 18 : i32
    %dma_wait3A_397 = arith.constant 0 : i32
    %dma_wait3A_398 = tpu.memref_slice %arg17[%dma_wait3A_395, %dma_wait3A_397] : memref<21x128xi32, #tpu.memory_space<vmem>> -> memref<1x128xi32, #tpu.memory_space<vmem>>
    %dma_wait3A_399 = tpu.memref_squeeze %dma_wait3A_398 : memref<1x128xi32, #tpu.memory_space<vmem>> -> memref<128xi32, #tpu.memory_space<vmem>>
    %dma_wait3A_400 = arith.constant 0 : i32
    %dma_wait3A_401 = tpu.memref_slice %arg16[%dma_wait3A_396, %dma_wait3A_400] : memref<21x128xi32, #tpu.memory_space<vmem>> -> memref<1x128xi32, #tpu.memory_space<vmem>>
    %dma_wait3A_402 = tpu.memref_squeeze %dma_wait3A_401 : memref<1x128xi32, #tpu.memory_space<vmem>> -> memref<128xi32, #tpu.memory_space<vmem>>
    %dma_wait3A_403 = arith.constant 0 : i32
    %dma_wait3A_404 = tpu.memref_slice %arg15[%dma_wait3A_403] : memref<24704xi32, #tpu.memory_space<vmem_shared>> -> memref<24704xi32, #tpu.memory_space<vmem_shared>>
    tpu.wait_indirect_dma semaphore(%arg21 : memref<!tpu.dma_semaphore, #tpu.memory_space<semaphore_mem>>) src(%dma_wait3A_399 : memref<128xi32, #tpu.memory_space<vmem>>) dst(%dma_wait3A_404 : memref<24704xi32, #tpu.memory_space<vmem_shared>>)
    %dma_wait3A_405 = arith.constant 19 : i32
    %dma_wait3A_406 = arith.constant 19 : i32
    %dma_wait3A_407 = arith.constant 0 : i32
    %dma_wait3A_408 = tpu.memref_slice %arg17[%dma_wait3A_405, %dma_wait3A_407] : memref<21x128xi32, #tpu.memory_space<vmem>> -> memref<1x128xi32, #tpu.memory_space<vmem>>
    %dma_wait3A_409 = tpu.memref_squeeze %dma_wait3A_408 : memref<1x128xi32, #tpu.memory_space<vmem>> -> memref<128xi32, #tpu.memory_space<vmem>>
    %dma_wait3A_410 = arith.constant 0 : i32
    %dma_wait3A_411 = tpu.memref_slice %arg16[%dma_wait3A_406, %dma_wait3A_410] : memref<21x128xi32, #tpu.memory_space<vmem>> -> memref<1x128xi32, #tpu.memory_space<vmem>>
    %dma_wait3A_412 = tpu.memref_squeeze %dma_wait3A_411 : memref<1x128xi32, #tpu.memory_space<vmem>> -> memref<128xi32, #tpu.memory_space<vmem>>
    %dma_wait3A_413 = arith.constant 0 : i32
    %dma_wait3A_414 = tpu.memref_slice %arg15[%dma_wait3A_413] : memref<24704xi32, #tpu.memory_space<vmem_shared>> -> memref<24704xi32, #tpu.memory_space<vmem_shared>>
    tpu.wait_indirect_dma semaphore(%arg21 : memref<!tpu.dma_semaphore, #tpu.memory_space<semaphore_mem>>) src(%dma_wait3A_409 : memref<128xi32, #tpu.memory_space<vmem>>) dst(%dma_wait3A_414 : memref<24704xi32, #tpu.memory_space<vmem_shared>>)
    %dma_wait3A_415 = arith.constant 20 : i32
    %dma_wait3A_416 = arith.constant 20 : i32
    %dma_wait3A_417 = arith.constant 0 : i32
    %dma_wait3A_418 = tpu.memref_slice %arg17[%dma_wait3A_415, %dma_wait3A_417] : memref<21x128xi32, #tpu.memory_space<vmem>> -> memref<1x128xi32, #tpu.memory_space<vmem>>
    %dma_wait3A_419 = tpu.memref_squeeze %dma_wait3A_418 : memref<1x128xi32, #tpu.memory_space<vmem>> -> memref<128xi32, #tpu.memory_space<vmem>>
    %dma_wait3A_420 = arith.constant 0 : i32
    %dma_wait3A_421 = tpu.memref_slice %arg16[%dma_wait3A_416, %dma_wait3A_420] : memref<21x128xi32, #tpu.memory_space<vmem>> -> memref<1x128xi32, #tpu.memory_space<vmem>>
    %dma_wait3A_422 = tpu.memref_squeeze %dma_wait3A_421 : memref<1x128xi32, #tpu.memory_space<vmem>> -> memref<128xi32, #tpu.memory_space<vmem>>
    %dma_wait3A_423 = arith.constant 0 : i32
    %dma_wait3A_424 = tpu.memref_slice %arg15[%dma_wait3A_423] : memref<24704xi32, #tpu.memory_space<vmem_shared>> -> memref<24704xi32, #tpu.memory_space<vmem_shared>>
    tpu.wait_indirect_dma semaphore(%arg21 : memref<!tpu.dma_semaphore, #tpu.memory_space<semaphore_mem>>) src(%dma_wait3A_419 : memref<128xi32, #tpu.memory_space<vmem>>) dst(%dma_wait3A_424 : memref<24704xi32, #tpu.memory_space<vmem_shared>>)
    %add3A_425 = arith.constant 16 : i32
    %add3A_426 = arith.addi %arg1, %add3A_425 : i32
    "tpu.region"() ({
      %run_scoped3A_1343 = tpu.sem_alloc : memref<!tpu.dma_semaphore, #tpu.memory_space<semaphore_mem>>
      %dma_start3A_1344 = arith.constant 0 : i32
      %dma_start3A_1345 = arith.constant 0 : i32
      %dma_start3A_1346 = tpu.memref_slice %arg2[%add3A_426, %dma_start3A_1344, %dma_start3A_1345] : memref<32x21x128xi32, #tpu.memory_space<hbm>> -> memref<1x21x128xi32, #tpu.memory_space<hbm>>
      %dma_start3A_1347 = tpu.memref_squeeze %dma_start3A_1346 : memref<1x21x128xi32, #tpu.memory_space<hbm>> -> memref<21x128xi32, #tpu.memory_space<hbm>>
      %dma_start3A_1348 = arith.constant 0 : i32
      %dma_start3A_1349 = arith.constant 0 : i32
      %dma_start3A_1350 = tpu.memref_slice %arg2[%add3A_426, %dma_start3A_1348, %dma_start3A_1349] : memref<32x21x128xi32, #tpu.memory_space<hbm>> -> memref<1x21x128xi32, #tpu.memory_space<hbm>>
      %dma_start3A_1351 = tpu.memref_squeeze %dma_start3A_1350 : memref<1x21x128xi32, #tpu.memory_space<hbm>> -> memref<21x128xi32, #tpu.memory_space<hbm>>
      tpu.enqueue_dma source(%dma_start3A_1351 : memref<21x128xi32, #tpu.memory_space<hbm>>) target(%arg16 : memref<21x128xi32, #tpu.memory_space<vmem>>) target_semaphore(%run_scoped3A_1343 : memref<!tpu.dma_semaphore, #tpu.memory_space<semaphore_mem>>)
      %dma_wait3A_1352 = arith.constant 0 : i32
      %dma_wait3A_1353 = arith.constant 0 : i32
      %dma_wait3A_1354 = tpu.memref_slice %arg2[%add3A_426, %dma_wait3A_1352, %dma_wait3A_1353] : memref<32x21x128xi32, #tpu.memory_space<hbm>> -> memref<1x21x128xi32, #tpu.memory_space<hbm>>
      %dma_wait3A_1355 = tpu.memref_squeeze %dma_wait3A_1354 : memref<1x21x128xi32, #tpu.memory_space<hbm>> -> memref<21x128xi32, #tpu.memory_space<hbm>>
      %dma_wait3A_1356 = arith.constant 0 : i32
      %dma_wait3A_1357 = arith.constant 0 : i32
      %dma_wait3A_1358 = tpu.memref_slice %arg2[%add3A_426, %dma_wait3A_1356, %dma_wait3A_1357] : memref<32x21x128xi32, #tpu.memory_space<hbm>> -> memref<1x21x128xi32, #tpu.memory_space<hbm>>
      %dma_wait3A_1359 = tpu.memref_squeeze %dma_wait3A_1358 : memref<1x21x128xi32, #tpu.memory_space<hbm>> -> memref<21x128xi32, #tpu.memory_space<hbm>>
      tpu.wait_dma2 semaphore(%run_scoped3A_1343 : memref<!tpu.dma_semaphore, #tpu.memory_space<semaphore_mem>>) src(%dma_wait3A_1359 : memref<21x128xi32, #tpu.memory_space<hbm>>) dst(%arg16 : memref<21x128xi32, #tpu.memory_space<vmem>>)
      tpu.yield
    }) : () -> ()
    "tpu.region"() ({
      %run_scoped3A_1343 = tpu.sem_alloc : memref<!tpu.dma_semaphore, #tpu.memory_space<semaphore_mem>>
      %dma_start3A_1344 = arith.constant 0 : i32
      %dma_start3A_1345 = arith.constant 0 : i32
      %dma_start3A_1346 = tpu.memref_slice %arg3[%add3A_426, %dma_start3A_1344, %dma_start3A_1345] : memref<32x21x128xi32, #tpu.memory_space<hbm>> -> memref<1x21x128xi32, #tpu.memory_space<hbm>>
      %dma_start3A_1347 = tpu.memref_squeeze %dma_start3A_1346 : memref<1x21x128xi32, #tpu.memory_space<hbm>> -> memref<21x128xi32, #tpu.memory_space<hbm>>
      %dma_start3A_1348 = arith.constant 0 : i32
      %dma_start3A_1349 = arith.constant 0 : i32
      %dma_start3A_1350 = tpu.memref_slice %arg3[%add3A_426, %dma_start3A_1348, %dma_start3A_1349] : memref<32x21x128xi32, #tpu.memory_space<hbm>> -> memref<1x21x128xi32, #tpu.memory_space<hbm>>
      %dma_start3A_1351 = tpu.memref_squeeze %dma_start3A_1350 : memref<1x21x128xi32, #tpu.memory_space<hbm>> -> memref<21x128xi32, #tpu.memory_space<hbm>>
      tpu.enqueue_dma source(%dma_start3A_1351 : memref<21x128xi32, #tpu.memory_space<hbm>>) target(%arg17 : memref<21x128xi32, #tpu.memory_space<vmem>>) target_semaphore(%run_scoped3A_1343 : memref<!tpu.dma_semaphore, #tpu.memory_space<semaphore_mem>>)
      %dma_wait3A_1352 = arith.constant 0 : i32
      %dma_wait3A_1353 = arith.constant 0 : i32
      %dma_wait3A_1354 = tpu.memref_slice %arg3[%add3A_426, %dma_wait3A_1352, %dma_wait3A_1353] : memref<32x21x128xi32, #tpu.memory_space<hbm>> -> memref<1x21x128xi32, #tpu.memory_space<hbm>>
      %dma_wait3A_1355 = tpu.memref_squeeze %dma_wait3A_1354 : memref<1x21x128xi32, #tpu.memory_space<hbm>> -> memref<21x128xi32, #tpu.memory_space<hbm>>
      %dma_wait3A_1356 = arith.constant 0 : i32
      %dma_wait3A_1357 = arith.constant 0 : i32
      %dma_wait3A_1358 = tpu.memref_slice %arg3[%add3A_426, %dma_wait3A_1356, %dma_wait3A_1357] : memref<32x21x128xi32, #tpu.memory_space<hbm>> -> memref<1x21x128xi32, #tpu.memory_space<hbm>>
      %dma_wait3A_1359 = tpu.memref_squeeze %dma_wait3A_1358 : memref<1x21x128xi32, #tpu.memory_space<hbm>> -> memref<21x128xi32, #tpu.memory_space<hbm>>
      tpu.wait_dma2 semaphore(%run_scoped3A_1343 : memref<!tpu.dma_semaphore, #tpu.memory_space<semaphore_mem>>) src(%dma_wait3A_1359 : memref<21x128xi32, #tpu.memory_space<hbm>>) dst(%arg17 : memref<21x128xi32, #tpu.memory_space<vmem>>)
      tpu.yield
    }) : () -> ()
    %dma_start3A_427 = arith.constant 0 : i32
    %dma_start3A_428 = arith.constant 0 : i32
    %dma_start3A_429 = arith.constant 0 : i32
    %dma_start3A_430 = tpu.memref_slice %arg17[%dma_start3A_427, %dma_start3A_429] : memref<21x128xi32, #tpu.memory_space<vmem>> -> memref<1x128xi32, #tpu.memory_space<vmem>>
    %dma_start3A_431 = tpu.memref_squeeze %dma_start3A_430 : memref<1x128xi32, #tpu.memory_space<vmem>> -> memref<128xi32, #tpu.memory_space<vmem>>
    %dma_start3A_432 = arith.constant 0 : i32
    %dma_start3A_433 = tpu.memref_slice %arg16[%dma_start3A_428, %dma_start3A_432] : memref<21x128xi32, #tpu.memory_space<vmem>> -> memref<1x128xi32, #tpu.memory_space<vmem>>
    %dma_start3A_434 = tpu.memref_squeeze %dma_start3A_433 : memref<1x128xi32, #tpu.memory_space<vmem>> -> memref<128xi32, #tpu.memory_space<vmem>>
    %dma_start3A_435 = arith.constant 0 : i32
    %dma_start3A_436 = tpu.memref_slice %arg15[%dma_start3A_435] : memref<24704xi32, #tpu.memory_space<vmem_shared>> -> memref<24704xi32, #tpu.memory_space<vmem_shared>>
    tpu.enqueue_indirect_dma source(%dma_start3A_431 : memref<128xi32, #tpu.memory_space<vmem>>) target(%dma_start3A_436 : memref<24704xi32, #tpu.memory_space<vmem_shared>>) offsets(%dma_start3A_434 : memref<128xi32, #tpu.memory_space<vmem>>) semaphore(%arg21 : memref<!tpu.dma_semaphore, #tpu.memory_space<semaphore_mem>>)
    %dma_start3A_437 = arith.constant 1 : i32
    %dma_start3A_438 = arith.constant 1 : i32
    %dma_start3A_439 = arith.constant 0 : i32
    %dma_start3A_440 = tpu.memref_slice %arg17[%dma_start3A_437, %dma_start3A_439] : memref<21x128xi32, #tpu.memory_space<vmem>> -> memref<1x128xi32, #tpu.memory_space<vmem>>
    %dma_start3A_441 = tpu.memref_squeeze %dma_start3A_440 : memref<1x128xi32, #tpu.memory_space<vmem>> -> memref<128xi32, #tpu.memory_space<vmem>>
    %dma_start3A_442 = arith.constant 0 : i32
    %dma_start3A_443 = tpu.memref_slice %arg16[%dma_start3A_438, %dma_start3A_442] : memref<21x128xi32, #tpu.memory_space<vmem>> -> memref<1x128xi32, #tpu.memory_space<vmem>>
    %dma_start3A_444 = tpu.memref_squeeze %dma_start3A_443 : memref<1x128xi32, #tpu.memory_space<vmem>> -> memref<128xi32, #tpu.memory_space<vmem>>
    %dma_start3A_445 = arith.constant 0 : i32
    %dma_start3A_446 = tpu.memref_slice %arg15[%dma_start3A_445] : memref<24704xi32, #tpu.memory_space<vmem_shared>> -> memref<24704xi32, #tpu.memory_space<vmem_shared>>
    tpu.enqueue_indirect_dma source(%dma_start3A_441 : memref<128xi32, #tpu.memory_space<vmem>>) target(%dma_start3A_446 : memref<24704xi32, #tpu.memory_space<vmem_shared>>) offsets(%dma_start3A_444 : memref<128xi32, #tpu.memory_space<vmem>>) semaphore(%arg21 : memref<!tpu.dma_semaphore, #tpu.memory_space<semaphore_mem>>)
    %dma_start3A_447 = arith.constant 2 : i32
    %dma_start3A_448 = arith.constant 2 : i32
    %dma_start3A_449 = arith.constant 0 : i32
    %dma_start3A_450 = tpu.memref_slice %arg17[%dma_start3A_447, %dma_start3A_449] : memref<21x128xi32, #tpu.memory_space<vmem>> -> memref<1x128xi32, #tpu.memory_space<vmem>>
    %dma_start3A_451 = tpu.memref_squeeze %dma_start3A_450 : memref<1x128xi32, #tpu.memory_space<vmem>> -> memref<128xi32, #tpu.memory_space<vmem>>
    %dma_start3A_452 = arith.constant 0 : i32
    %dma_start3A_453 = tpu.memref_slice %arg16[%dma_start3A_448, %dma_start3A_452] : memref<21x128xi32, #tpu.memory_space<vmem>> -> memref<1x128xi32, #tpu.memory_space<vmem>>
    %dma_start3A_454 = tpu.memref_squeeze %dma_start3A_453 : memref<1x128xi32, #tpu.memory_space<vmem>> -> memref<128xi32, #tpu.memory_space<vmem>>
    %dma_start3A_455 = arith.constant 0 : i32
    %dma_start3A_456 = tpu.memref_slice %arg15[%dma_start3A_455] : memref<24704xi32, #tpu.memory_space<vmem_shared>> -> memref<24704xi32, #tpu.memory_space<vmem_shared>>
    tpu.enqueue_indirect_dma source(%dma_start3A_451 : memref<128xi32, #tpu.memory_space<vmem>>) target(%dma_start3A_456 : memref<24704xi32, #tpu.memory_space<vmem_shared>>) offsets(%dma_start3A_454 : memref<128xi32, #tpu.memory_space<vmem>>) semaphore(%arg21 : memref<!tpu.dma_semaphore, #tpu.memory_space<semaphore_mem>>)
    %dma_start3A_457 = arith.constant 3 : i32
    %dma_start3A_458 = arith.constant 3 : i32
    %dma_start3A_459 = arith.constant 0 : i32
    %dma_start3A_460 = tpu.memref_slice %arg17[%dma_start3A_457, %dma_start3A_459] : memref<21x128xi32, #tpu.memory_space<vmem>> -> memref<1x128xi32, #tpu.memory_space<vmem>>
    %dma_start3A_461 = tpu.memref_squeeze %dma_start3A_460 : memref<1x128xi32, #tpu.memory_space<vmem>> -> memref<128xi32, #tpu.memory_space<vmem>>
    %dma_start3A_462 = arith.constant 0 : i32
    %dma_start3A_463 = tpu.memref_slice %arg16[%dma_start3A_458, %dma_start3A_462] : memref<21x128xi32, #tpu.memory_space<vmem>> -> memref<1x128xi32, #tpu.memory_space<vmem>>
    %dma_start3A_464 = tpu.memref_squeeze %dma_start3A_463 : memref<1x128xi32, #tpu.memory_space<vmem>> -> memref<128xi32, #tpu.memory_space<vmem>>
    %dma_start3A_465 = arith.constant 0 : i32
    %dma_start3A_466 = tpu.memref_slice %arg15[%dma_start3A_465] : memref<24704xi32, #tpu.memory_space<vmem_shared>> -> memref<24704xi32, #tpu.memory_space<vmem_shared>>
    tpu.enqueue_indirect_dma source(%dma_start3A_461 : memref<128xi32, #tpu.memory_space<vmem>>) target(%dma_start3A_466 : memref<24704xi32, #tpu.memory_space<vmem_shared>>) offsets(%dma_start3A_464 : memref<128xi32, #tpu.memory_space<vmem>>) semaphore(%arg21 : memref<!tpu.dma_semaphore, #tpu.memory_space<semaphore_mem>>)
    %dma_start3A_467 = arith.constant 4 : i32
    %dma_start3A_468 = arith.constant 4 : i32
    %dma_start3A_469 = arith.constant 0 : i32
    %dma_start3A_470 = tpu.memref_slice %arg17[%dma_start3A_467, %dma_start3A_469] : memref<21x128xi32, #tpu.memory_space<vmem>> -> memref<1x128xi32, #tpu.memory_space<vmem>>
    %dma_start3A_471 = tpu.memref_squeeze %dma_start3A_470 : memref<1x128xi32, #tpu.memory_space<vmem>> -> memref<128xi32, #tpu.memory_space<vmem>>
    %dma_start3A_472 = arith.constant 0 : i32
    %dma_start3A_473 = tpu.memref_slice %arg16[%dma_start3A_468, %dma_start3A_472] : memref<21x128xi32, #tpu.memory_space<vmem>> -> memref<1x128xi32, #tpu.memory_space<vmem>>
    %dma_start3A_474 = tpu.memref_squeeze %dma_start3A_473 : memref<1x128xi32, #tpu.memory_space<vmem>> -> memref<128xi32, #tpu.memory_space<vmem>>
    %dma_start3A_475 = arith.constant 0 : i32
    %dma_start3A_476 = tpu.memref_slice %arg15[%dma_start3A_475] : memref<24704xi32, #tpu.memory_space<vmem_shared>> -> memref<24704xi32, #tpu.memory_space<vmem_shared>>
    tpu.enqueue_indirect_dma source(%dma_start3A_471 : memref<128xi32, #tpu.memory_space<vmem>>) target(%dma_start3A_476 : memref<24704xi32, #tpu.memory_space<vmem_shared>>) offsets(%dma_start3A_474 : memref<128xi32, #tpu.memory_space<vmem>>) semaphore(%arg21 : memref<!tpu.dma_semaphore, #tpu.memory_space<semaphore_mem>>)
    %dma_start3A_477 = arith.constant 5 : i32
    %dma_start3A_478 = arith.constant 5 : i32
    %dma_start3A_479 = arith.constant 0 : i32
    %dma_start3A_480 = tpu.memref_slice %arg17[%dma_start3A_477, %dma_start3A_479] : memref<21x128xi32, #tpu.memory_space<vmem>> -> memref<1x128xi32, #tpu.memory_space<vmem>>
    %dma_start3A_481 = tpu.memref_squeeze %dma_start3A_480 : memref<1x128xi32, #tpu.memory_space<vmem>> -> memref<128xi32, #tpu.memory_space<vmem>>
    %dma_start3A_482 = arith.constant 0 : i32
    %dma_start3A_483 = tpu.memref_slice %arg16[%dma_start3A_478, %dma_start3A_482] : memref<21x128xi32, #tpu.memory_space<vmem>> -> memref<1x128xi32, #tpu.memory_space<vmem>>
    %dma_start3A_484 = tpu.memref_squeeze %dma_start3A_483 : memref<1x128xi32, #tpu.memory_space<vmem>> -> memref<128xi32, #tpu.memory_space<vmem>>
    %dma_start3A_485 = arith.constant 0 : i32
    %dma_start3A_486 = tpu.memref_slice %arg15[%dma_start3A_485] : memref<24704xi32, #tpu.memory_space<vmem_shared>> -> memref<24704xi32, #tpu.memory_space<vmem_shared>>
    tpu.enqueue_indirect_dma source(%dma_start3A_481 : memref<128xi32, #tpu.memory_space<vmem>>) target(%dma_start3A_486 : memref<24704xi32, #tpu.memory_space<vmem_shared>>) offsets(%dma_start3A_484 : memref<128xi32, #tpu.memory_space<vmem>>) semaphore(%arg21 : memref<!tpu.dma_semaphore, #tpu.memory_space<semaphore_mem>>)
    %dma_start3A_487 = arith.constant 6 : i32
    %dma_start3A_488 = arith.constant 6 : i32
    %dma_start3A_489 = arith.constant 0 : i32
    %dma_start3A_490 = tpu.memref_slice %arg17[%dma_start3A_487, %dma_start3A_489] : memref<21x128xi32, #tpu.memory_space<vmem>> -> memref<1x128xi32, #tpu.memory_space<vmem>>
    %dma_start3A_491 = tpu.memref_squeeze %dma_start3A_490 : memref<1x128xi32, #tpu.memory_space<vmem>> -> memref<128xi32, #tpu.memory_space<vmem>>
    %dma_start3A_492 = arith.constant 0 : i32
    %dma_start3A_493 = tpu.memref_slice %arg16[%dma_start3A_488, %dma_start3A_492] : memref<21x128xi32, #tpu.memory_space<vmem>> -> memref<1x128xi32, #tpu.memory_space<vmem>>
    %dma_start3A_494 = tpu.memref_squeeze %dma_start3A_493 : memref<1x128xi32, #tpu.memory_space<vmem>> -> memref<128xi32, #tpu.memory_space<vmem>>
    %dma_start3A_495 = arith.constant 0 : i32
    %dma_start3A_496 = tpu.memref_slice %arg15[%dma_start3A_495] : memref<24704xi32, #tpu.memory_space<vmem_shared>> -> memref<24704xi32, #tpu.memory_space<vmem_shared>>
    tpu.enqueue_indirect_dma source(%dma_start3A_491 : memref<128xi32, #tpu.memory_space<vmem>>) target(%dma_start3A_496 : memref<24704xi32, #tpu.memory_space<vmem_shared>>) offsets(%dma_start3A_494 : memref<128xi32, #tpu.memory_space<vmem>>) semaphore(%arg21 : memref<!tpu.dma_semaphore, #tpu.memory_space<semaphore_mem>>)
    %dma_start3A_497 = arith.constant 7 : i32
    %dma_start3A_498 = arith.constant 7 : i32
    %dma_start3A_499 = arith.constant 0 : i32
    %dma_start3A_500 = tpu.memref_slice %arg17[%dma_start3A_497, %dma_start3A_499] : memref<21x128xi32, #tpu.memory_space<vmem>> -> memref<1x128xi32, #tpu.memory_space<vmem>>
    %dma_start3A_501 = tpu.memref_squeeze %dma_start3A_500 : memref<1x128xi32, #tpu.memory_space<vmem>> -> memref<128xi32, #tpu.memory_space<vmem>>
    %dma_start3A_502 = arith.constant 0 : i32
    %dma_start3A_503 = tpu.memref_slice %arg16[%dma_start3A_498, %dma_start3A_502] : memref<21x128xi32, #tpu.memory_space<vmem>> -> memref<1x128xi32, #tpu.memory_space<vmem>>
    %dma_start3A_504 = tpu.memref_squeeze %dma_start3A_503 : memref<1x128xi32, #tpu.memory_space<vmem>> -> memref<128xi32, #tpu.memory_space<vmem>>
    %dma_start3A_505 = arith.constant 0 : i32
    %dma_start3A_506 = tpu.memref_slice %arg15[%dma_start3A_505] : memref<24704xi32, #tpu.memory_space<vmem_shared>> -> memref<24704xi32, #tpu.memory_space<vmem_shared>>
    tpu.enqueue_indirect_dma source(%dma_start3A_501 : memref<128xi32, #tpu.memory_space<vmem>>) target(%dma_start3A_506 : memref<24704xi32, #tpu.memory_space<vmem_shared>>) offsets(%dma_start3A_504 : memref<128xi32, #tpu.memory_space<vmem>>) semaphore(%arg21 : memref<!tpu.dma_semaphore, #tpu.memory_space<semaphore_mem>>)
    %dma_start3A_507 = arith.constant 8 : i32
    %dma_start3A_508 = arith.constant 8 : i32
    %dma_start3A_509 = arith.constant 0 : i32
    %dma_start3A_510 = tpu.memref_slice %arg17[%dma_start3A_507, %dma_start3A_509] : memref<21x128xi32, #tpu.memory_space<vmem>> -> memref<1x128xi32, #tpu.memory_space<vmem>>
    %dma_start3A_511 = tpu.memref_squeeze %dma_start3A_510 : memref<1x128xi32, #tpu.memory_space<vmem>> -> memref<128xi32, #tpu.memory_space<vmem>>
    %dma_start3A_512 = arith.constant 0 : i32
    %dma_start3A_513 = tpu.memref_slice %arg16[%dma_start3A_508, %dma_start3A_512] : memref<21x128xi32, #tpu.memory_space<vmem>> -> memref<1x128xi32, #tpu.memory_space<vmem>>
    %dma_start3A_514 = tpu.memref_squeeze %dma_start3A_513 : memref<1x128xi32, #tpu.memory_space<vmem>> -> memref<128xi32, #tpu.memory_space<vmem>>
    %dma_start3A_515 = arith.constant 0 : i32
    %dma_start3A_516 = tpu.memref_slice %arg15[%dma_start3A_515] : memref<24704xi32, #tpu.memory_space<vmem_shared>> -> memref<24704xi32, #tpu.memory_space<vmem_shared>>
    tpu.enqueue_indirect_dma source(%dma_start3A_511 : memref<128xi32, #tpu.memory_space<vmem>>) target(%dma_start3A_516 : memref<24704xi32, #tpu.memory_space<vmem_shared>>) offsets(%dma_start3A_514 : memref<128xi32, #tpu.memory_space<vmem>>) semaphore(%arg21 : memref<!tpu.dma_semaphore, #tpu.memory_space<semaphore_mem>>)
    %dma_start3A_517 = arith.constant 9 : i32
    %dma_start3A_518 = arith.constant 9 : i32
    %dma_start3A_519 = arith.constant 0 : i32
    %dma_start3A_520 = tpu.memref_slice %arg17[%dma_start3A_517, %dma_start3A_519] : memref<21x128xi32, #tpu.memory_space<vmem>> -> memref<1x128xi32, #tpu.memory_space<vmem>>
    %dma_start3A_521 = tpu.memref_squeeze %dma_start3A_520 : memref<1x128xi32, #tpu.memory_space<vmem>> -> memref<128xi32, #tpu.memory_space<vmem>>
    %dma_start3A_522 = arith.constant 0 : i32
    %dma_start3A_523 = tpu.memref_slice %arg16[%dma_start3A_518, %dma_start3A_522] : memref<21x128xi32, #tpu.memory_space<vmem>> -> memref<1x128xi32, #tpu.memory_space<vmem>>
    %dma_start3A_524 = tpu.memref_squeeze %dma_start3A_523 : memref<1x128xi32, #tpu.memory_space<vmem>> -> memref<128xi32, #tpu.memory_space<vmem>>
    %dma_start3A_525 = arith.constant 0 : i32
    %dma_start3A_526 = tpu.memref_slice %arg15[%dma_start3A_525] : memref<24704xi32, #tpu.memory_space<vmem_shared>> -> memref<24704xi32, #tpu.memory_space<vmem_shared>>
    tpu.enqueue_indirect_dma source(%dma_start3A_521 : memref<128xi32, #tpu.memory_space<vmem>>) target(%dma_start3A_526 : memref<24704xi32, #tpu.memory_space<vmem_shared>>) offsets(%dma_start3A_524 : memref<128xi32, #tpu.memory_space<vmem>>) semaphore(%arg21 : memref<!tpu.dma_semaphore, #tpu.memory_space<semaphore_mem>>)
    %dma_start3A_527 = arith.constant 10 : i32
    %dma_start3A_528 = arith.constant 10 : i32
    %dma_start3A_529 = arith.constant 0 : i32
    %dma_start3A_530 = tpu.memref_slice %arg17[%dma_start3A_527, %dma_start3A_529] : memref<21x128xi32, #tpu.memory_space<vmem>> -> memref<1x128xi32, #tpu.memory_space<vmem>>
    %dma_start3A_531 = tpu.memref_squeeze %dma_start3A_530 : memref<1x128xi32, #tpu.memory_space<vmem>> -> memref<128xi32, #tpu.memory_space<vmem>>
    %dma_start3A_532 = arith.constant 0 : i32
    %dma_start3A_533 = tpu.memref_slice %arg16[%dma_start3A_528, %dma_start3A_532] : memref<21x128xi32, #tpu.memory_space<vmem>> -> memref<1x128xi32, #tpu.memory_space<vmem>>
    %dma_start3A_534 = tpu.memref_squeeze %dma_start3A_533 : memref<1x128xi32, #tpu.memory_space<vmem>> -> memref<128xi32, #tpu.memory_space<vmem>>
    %dma_start3A_535 = arith.constant 0 : i32
    %dma_start3A_536 = tpu.memref_slice %arg15[%dma_start3A_535] : memref<24704xi32, #tpu.memory_space<vmem_shared>> -> memref<24704xi32, #tpu.memory_space<vmem_shared>>
    tpu.enqueue_indirect_dma source(%dma_start3A_531 : memref<128xi32, #tpu.memory_space<vmem>>) target(%dma_start3A_536 : memref<24704xi32, #tpu.memory_space<vmem_shared>>) offsets(%dma_start3A_534 : memref<128xi32, #tpu.memory_space<vmem>>) semaphore(%arg21 : memref<!tpu.dma_semaphore, #tpu.memory_space<semaphore_mem>>)
    %dma_start3A_537 = arith.constant 11 : i32
    %dma_start3A_538 = arith.constant 11 : i32
    %dma_start3A_539 = arith.constant 0 : i32
    %dma_start3A_540 = tpu.memref_slice %arg17[%dma_start3A_537, %dma_start3A_539] : memref<21x128xi32, #tpu.memory_space<vmem>> -> memref<1x128xi32, #tpu.memory_space<vmem>>
    %dma_start3A_541 = tpu.memref_squeeze %dma_start3A_540 : memref<1x128xi32, #tpu.memory_space<vmem>> -> memref<128xi32, #tpu.memory_space<vmem>>
    %dma_start3A_542 = arith.constant 0 : i32
    %dma_start3A_543 = tpu.memref_slice %arg16[%dma_start3A_538, %dma_start3A_542] : memref<21x128xi32, #tpu.memory_space<vmem>> -> memref<1x128xi32, #tpu.memory_space<vmem>>
    %dma_start3A_544 = tpu.memref_squeeze %dma_start3A_543 : memref<1x128xi32, #tpu.memory_space<vmem>> -> memref<128xi32, #tpu.memory_space<vmem>>
    %dma_start3A_545 = arith.constant 0 : i32
    %dma_start3A_546 = tpu.memref_slice %arg15[%dma_start3A_545] : memref<24704xi32, #tpu.memory_space<vmem_shared>> -> memref<24704xi32, #tpu.memory_space<vmem_shared>>
    tpu.enqueue_indirect_dma source(%dma_start3A_541 : memref<128xi32, #tpu.memory_space<vmem>>) target(%dma_start3A_546 : memref<24704xi32, #tpu.memory_space<vmem_shared>>) offsets(%dma_start3A_544 : memref<128xi32, #tpu.memory_space<vmem>>) semaphore(%arg21 : memref<!tpu.dma_semaphore, #tpu.memory_space<semaphore_mem>>)
    %dma_start3A_547 = arith.constant 12 : i32
    %dma_start3A_548 = arith.constant 12 : i32
    %dma_start3A_549 = arith.constant 0 : i32
    %dma_start3A_550 = tpu.memref_slice %arg17[%dma_start3A_547, %dma_start3A_549] : memref<21x128xi32, #tpu.memory_space<vmem>> -> memref<1x128xi32, #tpu.memory_space<vmem>>
    %dma_start3A_551 = tpu.memref_squeeze %dma_start3A_550 : memref<1x128xi32, #tpu.memory_space<vmem>> -> memref<128xi32, #tpu.memory_space<vmem>>
    %dma_start3A_552 = arith.constant 0 : i32
    %dma_start3A_553 = tpu.memref_slice %arg16[%dma_start3A_548, %dma_start3A_552] : memref<21x128xi32, #tpu.memory_space<vmem>> -> memref<1x128xi32, #tpu.memory_space<vmem>>
    %dma_start3A_554 = tpu.memref_squeeze %dma_start3A_553 : memref<1x128xi32, #tpu.memory_space<vmem>> -> memref<128xi32, #tpu.memory_space<vmem>>
    %dma_start3A_555 = arith.constant 0 : i32
    %dma_start3A_556 = tpu.memref_slice %arg15[%dma_start3A_555] : memref<24704xi32, #tpu.memory_space<vmem_shared>> -> memref<24704xi32, #tpu.memory_space<vmem_shared>>
    tpu.enqueue_indirect_dma source(%dma_start3A_551 : memref<128xi32, #tpu.memory_space<vmem>>) target(%dma_start3A_556 : memref<24704xi32, #tpu.memory_space<vmem_shared>>) offsets(%dma_start3A_554 : memref<128xi32, #tpu.memory_space<vmem>>) semaphore(%arg21 : memref<!tpu.dma_semaphore, #tpu.memory_space<semaphore_mem>>)
    %dma_start3A_557 = arith.constant 13 : i32
    %dma_start3A_558 = arith.constant 13 : i32
    %dma_start3A_559 = arith.constant 0 : i32
    %dma_start3A_560 = tpu.memref_slice %arg17[%dma_start3A_557, %dma_start3A_559] : memref<21x128xi32, #tpu.memory_space<vmem>> -> memref<1x128xi32, #tpu.memory_space<vmem>>
    %dma_start3A_561 = tpu.memref_squeeze %dma_start3A_560 : memref<1x128xi32, #tpu.memory_space<vmem>> -> memref<128xi32, #tpu.memory_space<vmem>>
    %dma_start3A_562 = arith.constant 0 : i32
    %dma_start3A_563 = tpu.memref_slice %arg16[%dma_start3A_558, %dma_start3A_562] : memref<21x128xi32, #tpu.memory_space<vmem>> -> memref<1x128xi32, #tpu.memory_space<vmem>>
    %dma_start3A_564 = tpu.memref_squeeze %dma_start3A_563 : memref<1x128xi32, #tpu.memory_space<vmem>> -> memref<128xi32, #tpu.memory_space<vmem>>
    %dma_start3A_565 = arith.constant 0 : i32
    %dma_start3A_566 = tpu.memref_slice %arg15[%dma_start3A_565] : memref<24704xi32, #tpu.memory_space<vmem_shared>> -> memref<24704xi32, #tpu.memory_space<vmem_shared>>
    tpu.enqueue_indirect_dma source(%dma_start3A_561 : memref<128xi32, #tpu.memory_space<vmem>>) target(%dma_start3A_566 : memref<24704xi32, #tpu.memory_space<vmem_shared>>) offsets(%dma_start3A_564 : memref<128xi32, #tpu.memory_space<vmem>>) semaphore(%arg21 : memref<!tpu.dma_semaphore, #tpu.memory_space<semaphore_mem>>)
    %dma_start3A_567 = arith.constant 14 : i32
    %dma_start3A_568 = arith.constant 14 : i32
    %dma_start3A_569 = arith.constant 0 : i32
    %dma_start3A_570 = tpu.memref_slice %arg17[%dma_start3A_567, %dma_start3A_569] : memref<21x128xi32, #tpu.memory_space<vmem>> -> memref<1x128xi32, #tpu.memory_space<vmem>>
    %dma_start3A_571 = tpu.memref_squeeze %dma_start3A_570 : memref<1x128xi32, #tpu.memory_space<vmem>> -> memref<128xi32, #tpu.memory_space<vmem>>
    %dma_start3A_572 = arith.constant 0 : i32
    %dma_start3A_573 = tpu.memref_slice %arg16[%dma_start3A_568, %dma_start3A_572] : memref<21x128xi32, #tpu.memory_space<vmem>> -> memref<1x128xi32, #tpu.memory_space<vmem>>
    %dma_start3A_574 = tpu.memref_squeeze %dma_start3A_573 : memref<1x128xi32, #tpu.memory_space<vmem>> -> memref<128xi32, #tpu.memory_space<vmem>>
    %dma_start3A_575 = arith.constant 0 : i32
    %dma_start3A_576 = tpu.memref_slice %arg15[%dma_start3A_575] : memref<24704xi32, #tpu.memory_space<vmem_shared>> -> memref<24704xi32, #tpu.memory_space<vmem_shared>>
    tpu.enqueue_indirect_dma source(%dma_start3A_571 : memref<128xi32, #tpu.memory_space<vmem>>) target(%dma_start3A_576 : memref<24704xi32, #tpu.memory_space<vmem_shared>>) offsets(%dma_start3A_574 : memref<128xi32, #tpu.memory_space<vmem>>) semaphore(%arg21 : memref<!tpu.dma_semaphore, #tpu.memory_space<semaphore_mem>>)
    %dma_start3A_577 = arith.constant 15 : i32
    %dma_start3A_578 = arith.constant 15 : i32
    %dma_start3A_579 = arith.constant 0 : i32
    %dma_start3A_580 = tpu.memref_slice %arg17[%dma_start3A_577, %dma_start3A_579] : memref<21x128xi32, #tpu.memory_space<vmem>> -> memref<1x128xi32, #tpu.memory_space<vmem>>
    %dma_start3A_581 = tpu.memref_squeeze %dma_start3A_580 : memref<1x128xi32, #tpu.memory_space<vmem>> -> memref<128xi32, #tpu.memory_space<vmem>>
    %dma_start3A_582 = arith.constant 0 : i32
    %dma_start3A_583 = tpu.memref_slice %arg16[%dma_start3A_578, %dma_start3A_582] : memref<21x128xi32, #tpu.memory_space<vmem>> -> memref<1x128xi32, #tpu.memory_space<vmem>>
    %dma_start3A_584 = tpu.memref_squeeze %dma_start3A_583 : memref<1x128xi32, #tpu.memory_space<vmem>> -> memref<128xi32, #tpu.memory_space<vmem>>
    %dma_start3A_585 = arith.constant 0 : i32
    %dma_start3A_586 = tpu.memref_slice %arg15[%dma_start3A_585] : memref<24704xi32, #tpu.memory_space<vmem_shared>> -> memref<24704xi32, #tpu.memory_space<vmem_shared>>
    tpu.enqueue_indirect_dma source(%dma_start3A_581 : memref<128xi32, #tpu.memory_space<vmem>>) target(%dma_start3A_586 : memref<24704xi32, #tpu.memory_space<vmem_shared>>) offsets(%dma_start3A_584 : memref<128xi32, #tpu.memory_space<vmem>>) semaphore(%arg21 : memref<!tpu.dma_semaphore, #tpu.memory_space<semaphore_mem>>)
    %dma_start3A_587 = arith.constant 16 : i32
    %dma_start3A_588 = arith.constant 16 : i32
    %dma_start3A_589 = arith.constant 0 : i32
    %dma_start3A_590 = tpu.memref_slice %arg17[%dma_start3A_587, %dma_start3A_589] : memref<21x128xi32, #tpu.memory_space<vmem>> -> memref<1x128xi32, #tpu.memory_space<vmem>>
    %dma_start3A_591 = tpu.memref_squeeze %dma_start3A_590 : memref<1x128xi32, #tpu.memory_space<vmem>> -> memref<128xi32, #tpu.memory_space<vmem>>
    %dma_start3A_592 = arith.constant 0 : i32
    %dma_start3A_593 = tpu.memref_slice %arg16[%dma_start3A_588, %dma_start3A_592] : memref<21x128xi32, #tpu.memory_space<vmem>> -> memref<1x128xi32, #tpu.memory_space<vmem>>
    %dma_start3A_594 = tpu.memref_squeeze %dma_start3A_593 : memref<1x128xi32, #tpu.memory_space<vmem>> -> memref<128xi32, #tpu.memory_space<vmem>>
    %dma_start3A_595 = arith.constant 0 : i32
    %dma_start3A_596 = tpu.memref_slice %arg15[%dma_start3A_595] : memref<24704xi32, #tpu.memory_space<vmem_shared>> -> memref<24704xi32, #tpu.memory_space<vmem_shared>>
    tpu.enqueue_indirect_dma source(%dma_start3A_591 : memref<128xi32, #tpu.memory_space<vmem>>) target(%dma_start3A_596 : memref<24704xi32, #tpu.memory_space<vmem_shared>>) offsets(%dma_start3A_594 : memref<128xi32, #tpu.memory_space<vmem>>) semaphore(%arg21 : memref<!tpu.dma_semaphore, #tpu.memory_space<semaphore_mem>>)
    %dma_start3A_597 = arith.constant 17 : i32
    %dma_start3A_598 = arith.constant 17 : i32
    %dma_start3A_599 = arith.constant 0 : i32
    %dma_start3A_600 = tpu.memref_slice %arg17[%dma_start3A_597, %dma_start3A_599] : memref<21x128xi32, #tpu.memory_space<vmem>> -> memref<1x128xi32, #tpu.memory_space<vmem>>
    %dma_start3A_601 = tpu.memref_squeeze %dma_start3A_600 : memref<1x128xi32, #tpu.memory_space<vmem>> -> memref<128xi32, #tpu.memory_space<vmem>>
    %dma_start3A_602 = arith.constant 0 : i32
    %dma_start3A_603 = tpu.memref_slice %arg16[%dma_start3A_598, %dma_start3A_602] : memref<21x128xi32, #tpu.memory_space<vmem>> -> memref<1x128xi32, #tpu.memory_space<vmem>>
    %dma_start3A_604 = tpu.memref_squeeze %dma_start3A_603 : memref<1x128xi32, #tpu.memory_space<vmem>> -> memref<128xi32, #tpu.memory_space<vmem>>
    %dma_start3A_605 = arith.constant 0 : i32
    %dma_start3A_606 = tpu.memref_slice %arg15[%dma_start3A_605] : memref<24704xi32, #tpu.memory_space<vmem_shared>> -> memref<24704xi32, #tpu.memory_space<vmem_shared>>
    tpu.enqueue_indirect_dma source(%dma_start3A_601 : memref<128xi32, #tpu.memory_space<vmem>>) target(%dma_start3A_606 : memref<24704xi32, #tpu.memory_space<vmem_shared>>) offsets(%dma_start3A_604 : memref<128xi32, #tpu.memory_space<vmem>>) semaphore(%arg21 : memref<!tpu.dma_semaphore, #tpu.memory_space<semaphore_mem>>)
    %dma_start3A_607 = arith.constant 18 : i32
    %dma_start3A_608 = arith.constant 18 : i32
    %dma_start3A_609 = arith.constant 0 : i32
    %dma_start3A_610 = tpu.memref_slice %arg17[%dma_start3A_607, %dma_start3A_609] : memref<21x128xi32, #tpu.memory_space<vmem>> -> memref<1x128xi32, #tpu.memory_space<vmem>>
    %dma_start3A_611 = tpu.memref_squeeze %dma_start3A_610 : memref<1x128xi32, #tpu.memory_space<vmem>> -> memref<128xi32, #tpu.memory_space<vmem>>
    %dma_start3A_612 = arith.constant 0 : i32
    %dma_start3A_613 = tpu.memref_slice %arg16[%dma_start3A_608, %dma_start3A_612] : memref<21x128xi32, #tpu.memory_space<vmem>> -> memref<1x128xi32, #tpu.memory_space<vmem>>
    %dma_start3A_614 = tpu.memref_squeeze %dma_start3A_613 : memref<1x128xi32, #tpu.memory_space<vmem>> -> memref<128xi32, #tpu.memory_space<vmem>>
    %dma_start3A_615 = arith.constant 0 : i32
    %dma_start3A_616 = tpu.memref_slice %arg15[%dma_start3A_615] : memref<24704xi32, #tpu.memory_space<vmem_shared>> -> memref<24704xi32, #tpu.memory_space<vmem_shared>>
    tpu.enqueue_indirect_dma source(%dma_start3A_611 : memref<128xi32, #tpu.memory_space<vmem>>) target(%dma_start3A_616 : memref<24704xi32, #tpu.memory_space<vmem_shared>>) offsets(%dma_start3A_614 : memref<128xi32, #tpu.memory_space<vmem>>) semaphore(%arg21 : memref<!tpu.dma_semaphore, #tpu.memory_space<semaphore_mem>>)
    %dma_start3A_617 = arith.constant 19 : i32
    %dma_start3A_618 = arith.constant 19 : i32
    %dma_start3A_619 = arith.constant 0 : i32
    %dma_start3A_620 = tpu.memref_slice %arg17[%dma_start3A_617, %dma_start3A_619] : memref<21x128xi32, #tpu.memory_space<vmem>> -> memref<1x128xi32, #tpu.memory_space<vmem>>
    %dma_start3A_621 = tpu.memref_squeeze %dma_start3A_620 : memref<1x128xi32, #tpu.memory_space<vmem>> -> memref<128xi32, #tpu.memory_space<vmem>>
    %dma_start3A_622 = arith.constant 0 : i32
    %dma_start3A_623 = tpu.memref_slice %arg16[%dma_start3A_618, %dma_start3A_622] : memref<21x128xi32, #tpu.memory_space<vmem>> -> memref<1x128xi32, #tpu.memory_space<vmem>>
    %dma_start3A_624 = tpu.memref_squeeze %dma_start3A_623 : memref<1x128xi32, #tpu.memory_space<vmem>> -> memref<128xi32, #tpu.memory_space<vmem>>
    %dma_start3A_625 = arith.constant 0 : i32
    %dma_start3A_626 = tpu.memref_slice %arg15[%dma_start3A_625] : memref<24704xi32, #tpu.memory_space<vmem_shared>> -> memref<24704xi32, #tpu.memory_space<vmem_shared>>
    tpu.enqueue_indirect_dma source(%dma_start3A_621 : memref<128xi32, #tpu.memory_space<vmem>>) target(%dma_start3A_626 : memref<24704xi32, #tpu.memory_space<vmem_shared>>) offsets(%dma_start3A_624 : memref<128xi32, #tpu.memory_space<vmem>>) semaphore(%arg21 : memref<!tpu.dma_semaphore, #tpu.memory_space<semaphore_mem>>)
    %dma_start3A_627 = arith.constant 20 : i32
    %dma_start3A_628 = arith.constant 20 : i32
    %dma_start3A_629 = arith.constant 0 : i32
    %dma_start3A_630 = tpu.memref_slice %arg17[%dma_start3A_627, %dma_start3A_629] : memref<21x128xi32, #tpu.memory_space<vmem>> -> memref<1x128xi32, #tpu.memory_space<vmem>>
    %dma_start3A_631 = tpu.memref_squeeze %dma_start3A_630 : memref<1x128xi32, #tpu.memory_space<vmem>> -> memref<128xi32, #tpu.memory_space<vmem>>
    %dma_start3A_632 = arith.constant 0 : i32
    %dma_start3A_633 = tpu.memref_slice %arg16[%dma_start3A_628, %dma_start3A_632] : memref<21x128xi32, #tpu.memory_space<vmem>> -> memref<1x128xi32, #tpu.memory_space<vmem>>
    %dma_start3A_634 = tpu.memref_squeeze %dma_start3A_633 : memref<1x128xi32, #tpu.memory_space<vmem>> -> memref<128xi32, #tpu.memory_space<vmem>>
    %dma_start3A_635 = arith.constant 0 : i32
    %dma_start3A_636 = tpu.memref_slice %arg15[%dma_start3A_635] : memref<24704xi32, #tpu.memory_space<vmem_shared>> -> memref<24704xi32, #tpu.memory_space<vmem_shared>>
    tpu.enqueue_indirect_dma source(%dma_start3A_631 : memref<128xi32, #tpu.memory_space<vmem>>) target(%dma_start3A_636 : memref<24704xi32, #tpu.memory_space<vmem_shared>>) offsets(%dma_start3A_634 : memref<128xi32, #tpu.memory_space<vmem>>) semaphore(%arg21 : memref<!tpu.dma_semaphore, #tpu.memory_space<semaphore_mem>>)
    %dma_wait3A_637 = arith.constant 0 : i32
    %dma_wait3A_638 = arith.constant 0 : i32
    %dma_wait3A_639 = arith.constant 0 : i32
    %dma_wait3A_640 = tpu.memref_slice %arg17[%dma_wait3A_637, %dma_wait3A_639] : memref<21x128xi32, #tpu.memory_space<vmem>> -> memref<1x128xi32, #tpu.memory_space<vmem>>
    %dma_wait3A_641 = tpu.memref_squeeze %dma_wait3A_640 : memref<1x128xi32, #tpu.memory_space<vmem>> -> memref<128xi32, #tpu.memory_space<vmem>>
    %dma_wait3A_642 = arith.constant 0 : i32
    %dma_wait3A_643 = tpu.memref_slice %arg16[%dma_wait3A_638, %dma_wait3A_642] : memref<21x128xi32, #tpu.memory_space<vmem>> -> memref<1x128xi32, #tpu.memory_space<vmem>>
    %dma_wait3A_644 = tpu.memref_squeeze %dma_wait3A_643 : memref<1x128xi32, #tpu.memory_space<vmem>> -> memref<128xi32, #tpu.memory_space<vmem>>
    %dma_wait3A_645 = arith.constant 0 : i32
    %dma_wait3A_646 = tpu.memref_slice %arg15[%dma_wait3A_645] : memref<24704xi32, #tpu.memory_space<vmem_shared>> -> memref<24704xi32, #tpu.memory_space<vmem_shared>>
    tpu.wait_indirect_dma semaphore(%arg21 : memref<!tpu.dma_semaphore, #tpu.memory_space<semaphore_mem>>) src(%dma_wait3A_641 : memref<128xi32, #tpu.memory_space<vmem>>) dst(%dma_wait3A_646 : memref<24704xi32, #tpu.memory_space<vmem_shared>>)
    %dma_wait3A_647 = arith.constant 1 : i32
    %dma_wait3A_648 = arith.constant 1 : i32
    %dma_wait3A_649 = arith.constant 0 : i32
    %dma_wait3A_650 = tpu.memref_slice %arg17[%dma_wait3A_647, %dma_wait3A_649] : memref<21x128xi32, #tpu.memory_space<vmem>> -> memref<1x128xi32, #tpu.memory_space<vmem>>
    %dma_wait3A_651 = tpu.memref_squeeze %dma_wait3A_650 : memref<1x128xi32, #tpu.memory_space<vmem>> -> memref<128xi32, #tpu.memory_space<vmem>>
    %dma_wait3A_652 = arith.constant 0 : i32
    %dma_wait3A_653 = tpu.memref_slice %arg16[%dma_wait3A_648, %dma_wait3A_652] : memref<21x128xi32, #tpu.memory_space<vmem>> -> memref<1x128xi32, #tpu.memory_space<vmem>>
    %dma_wait3A_654 = tpu.memref_squeeze %dma_wait3A_653 : memref<1x128xi32, #tpu.memory_space<vmem>> -> memref<128xi32, #tpu.memory_space<vmem>>
    %dma_wait3A_655 = arith.constant 0 : i32
    %dma_wait3A_656 = tpu.memref_slice %arg15[%dma_wait3A_655] : memref<24704xi32, #tpu.memory_space<vmem_shared>> -> memref<24704xi32, #tpu.memory_space<vmem_shared>>
    tpu.wait_indirect_dma semaphore(%arg21 : memref<!tpu.dma_semaphore, #tpu.memory_space<semaphore_mem>>) src(%dma_wait3A_651 : memref<128xi32, #tpu.memory_space<vmem>>) dst(%dma_wait3A_656 : memref<24704xi32, #tpu.memory_space<vmem_shared>>)
    %dma_wait3A_657 = arith.constant 2 : i32
    %dma_wait3A_658 = arith.constant 2 : i32
    %dma_wait3A_659 = arith.constant 0 : i32
    %dma_wait3A_660 = tpu.memref_slice %arg17[%dma_wait3A_657, %dma_wait3A_659] : memref<21x128xi32, #tpu.memory_space<vmem>> -> memref<1x128xi32, #tpu.memory_space<vmem>>
    %dma_wait3A_661 = tpu.memref_squeeze %dma_wait3A_660 : memref<1x128xi32, #tpu.memory_space<vmem>> -> memref<128xi32, #tpu.memory_space<vmem>>
    %dma_wait3A_662 = arith.constant 0 : i32
    %dma_wait3A_663 = tpu.memref_slice %arg16[%dma_wait3A_658, %dma_wait3A_662] : memref<21x128xi32, #tpu.memory_space<vmem>> -> memref<1x128xi32, #tpu.memory_space<vmem>>
    %dma_wait3A_664 = tpu.memref_squeeze %dma_wait3A_663 : memref<1x128xi32, #tpu.memory_space<vmem>> -> memref<128xi32, #tpu.memory_space<vmem>>
    %dma_wait3A_665 = arith.constant 0 : i32
    %dma_wait3A_666 = tpu.memref_slice %arg15[%dma_wait3A_665] : memref<24704xi32, #tpu.memory_space<vmem_shared>> -> memref<24704xi32, #tpu.memory_space<vmem_shared>>
    tpu.wait_indirect_dma semaphore(%arg21 : memref<!tpu.dma_semaphore, #tpu.memory_space<semaphore_mem>>) src(%dma_wait3A_661 : memref<128xi32, #tpu.memory_space<vmem>>) dst(%dma_wait3A_666 : memref<24704xi32, #tpu.memory_space<vmem_shared>>)
    %dma_wait3A_667 = arith.constant 3 : i32
    %dma_wait3A_668 = arith.constant 3 : i32
    %dma_wait3A_669 = arith.constant 0 : i32
    %dma_wait3A_670 = tpu.memref_slice %arg17[%dma_wait3A_667, %dma_wait3A_669] : memref<21x128xi32, #tpu.memory_space<vmem>> -> memref<1x128xi32, #tpu.memory_space<vmem>>
    %dma_wait3A_671 = tpu.memref_squeeze %dma_wait3A_670 : memref<1x128xi32, #tpu.memory_space<vmem>> -> memref<128xi32, #tpu.memory_space<vmem>>
    %dma_wait3A_672 = arith.constant 0 : i32
    %dma_wait3A_673 = tpu.memref_slice %arg16[%dma_wait3A_668, %dma_wait3A_672] : memref<21x128xi32, #tpu.memory_space<vmem>> -> memref<1x128xi32, #tpu.memory_space<vmem>>
    %dma_wait3A_674 = tpu.memref_squeeze %dma_wait3A_673 : memref<1x128xi32, #tpu.memory_space<vmem>> -> memref<128xi32, #tpu.memory_space<vmem>>
    %dma_wait3A_675 = arith.constant 0 : i32
    %dma_wait3A_676 = tpu.memref_slice %arg15[%dma_wait3A_675] : memref<24704xi32, #tpu.memory_space<vmem_shared>> -> memref<24704xi32, #tpu.memory_space<vmem_shared>>
    tpu.wait_indirect_dma semaphore(%arg21 : memref<!tpu.dma_semaphore, #tpu.memory_space<semaphore_mem>>) src(%dma_wait3A_671 : memref<128xi32, #tpu.memory_space<vmem>>) dst(%dma_wait3A_676 : memref<24704xi32, #tpu.memory_space<vmem_shared>>)
    %dma_wait3A_677 = arith.constant 4 : i32
    %dma_wait3A_678 = arith.constant 4 : i32
    %dma_wait3A_679 = arith.constant 0 : i32
    %dma_wait3A_680 = tpu.memref_slice %arg17[%dma_wait3A_677, %dma_wait3A_679] : memref<21x128xi32, #tpu.memory_space<vmem>> -> memref<1x128xi32, #tpu.memory_space<vmem>>
    %dma_wait3A_681 = tpu.memref_squeeze %dma_wait3A_680 : memref<1x128xi32, #tpu.memory_space<vmem>> -> memref<128xi32, #tpu.memory_space<vmem>>
    %dma_wait3A_682 = arith.constant 0 : i32
    %dma_wait3A_683 = tpu.memref_slice %arg16[%dma_wait3A_678, %dma_wait3A_682] : memref<21x128xi32, #tpu.memory_space<vmem>> -> memref<1x128xi32, #tpu.memory_space<vmem>>
    %dma_wait3A_684 = tpu.memref_squeeze %dma_wait3A_683 : memref<1x128xi32, #tpu.memory_space<vmem>> -> memref<128xi32, #tpu.memory_space<vmem>>
    %dma_wait3A_685 = arith.constant 0 : i32
    %dma_wait3A_686 = tpu.memref_slice %arg15[%dma_wait3A_685] : memref<24704xi32, #tpu.memory_space<vmem_shared>> -> memref<24704xi32, #tpu.memory_space<vmem_shared>>
    tpu.wait_indirect_dma semaphore(%arg21 : memref<!tpu.dma_semaphore, #tpu.memory_space<semaphore_mem>>) src(%dma_wait3A_681 : memref<128xi32, #tpu.memory_space<vmem>>) dst(%dma_wait3A_686 : memref<24704xi32, #tpu.memory_space<vmem_shared>>)
    %dma_wait3A_687 = arith.constant 5 : i32
    %dma_wait3A_688 = arith.constant 5 : i32
    %dma_wait3A_689 = arith.constant 0 : i32
    %dma_wait3A_690 = tpu.memref_slice %arg17[%dma_wait3A_687, %dma_wait3A_689] : memref<21x128xi32, #tpu.memory_space<vmem>> -> memref<1x128xi32, #tpu.memory_space<vmem>>
    %dma_wait3A_691 = tpu.memref_squeeze %dma_wait3A_690 : memref<1x128xi32, #tpu.memory_space<vmem>> -> memref<128xi32, #tpu.memory_space<vmem>>
    %dma_wait3A_692 = arith.constant 0 : i32
    %dma_wait3A_693 = tpu.memref_slice %arg16[%dma_wait3A_688, %dma_wait3A_692] : memref<21x128xi32, #tpu.memory_space<vmem>> -> memref<1x128xi32, #tpu.memory_space<vmem>>
    %dma_wait3A_694 = tpu.memref_squeeze %dma_wait3A_693 : memref<1x128xi32, #tpu.memory_space<vmem>> -> memref<128xi32, #tpu.memory_space<vmem>>
    %dma_wait3A_695 = arith.constant 0 : i32
    %dma_wait3A_696 = tpu.memref_slice %arg15[%dma_wait3A_695] : memref<24704xi32, #tpu.memory_space<vmem_shared>> -> memref<24704xi32, #tpu.memory_space<vmem_shared>>
    tpu.wait_indirect_dma semaphore(%arg21 : memref<!tpu.dma_semaphore, #tpu.memory_space<semaphore_mem>>) src(%dma_wait3A_691 : memref<128xi32, #tpu.memory_space<vmem>>) dst(%dma_wait3A_696 : memref<24704xi32, #tpu.memory_space<vmem_shared>>)
    %dma_wait3A_697 = arith.constant 6 : i32
    %dma_wait3A_698 = arith.constant 6 : i32
    %dma_wait3A_699 = arith.constant 0 : i32
    %dma_wait3A_700 = tpu.memref_slice %arg17[%dma_wait3A_697, %dma_wait3A_699] : memref<21x128xi32, #tpu.memory_space<vmem>> -> memref<1x128xi32, #tpu.memory_space<vmem>>
    %dma_wait3A_701 = tpu.memref_squeeze %dma_wait3A_700 : memref<1x128xi32, #tpu.memory_space<vmem>> -> memref<128xi32, #tpu.memory_space<vmem>>
    %dma_wait3A_702 = arith.constant 0 : i32
    %dma_wait3A_703 = tpu.memref_slice %arg16[%dma_wait3A_698, %dma_wait3A_702] : memref<21x128xi32, #tpu.memory_space<vmem>> -> memref<1x128xi32, #tpu.memory_space<vmem>>
    %dma_wait3A_704 = tpu.memref_squeeze %dma_wait3A_703 : memref<1x128xi32, #tpu.memory_space<vmem>> -> memref<128xi32, #tpu.memory_space<vmem>>
    %dma_wait3A_705 = arith.constant 0 : i32
    %dma_wait3A_706 = tpu.memref_slice %arg15[%dma_wait3A_705] : memref<24704xi32, #tpu.memory_space<vmem_shared>> -> memref<24704xi32, #tpu.memory_space<vmem_shared>>
    tpu.wait_indirect_dma semaphore(%arg21 : memref<!tpu.dma_semaphore, #tpu.memory_space<semaphore_mem>>) src(%dma_wait3A_701 : memref<128xi32, #tpu.memory_space<vmem>>) dst(%dma_wait3A_706 : memref<24704xi32, #tpu.memory_space<vmem_shared>>)
    %dma_wait3A_707 = arith.constant 7 : i32
    %dma_wait3A_708 = arith.constant 7 : i32
    %dma_wait3A_709 = arith.constant 0 : i32
    %dma_wait3A_710 = tpu.memref_slice %arg17[%dma_wait3A_707, %dma_wait3A_709] : memref<21x128xi32, #tpu.memory_space<vmem>> -> memref<1x128xi32, #tpu.memory_space<vmem>>
    %dma_wait3A_711 = tpu.memref_squeeze %dma_wait3A_710 : memref<1x128xi32, #tpu.memory_space<vmem>> -> memref<128xi32, #tpu.memory_space<vmem>>
    %dma_wait3A_712 = arith.constant 0 : i32
    %dma_wait3A_713 = tpu.memref_slice %arg16[%dma_wait3A_708, %dma_wait3A_712] : memref<21x128xi32, #tpu.memory_space<vmem>> -> memref<1x128xi32, #tpu.memory_space<vmem>>
    %dma_wait3A_714 = tpu.memref_squeeze %dma_wait3A_713 : memref<1x128xi32, #tpu.memory_space<vmem>> -> memref<128xi32, #tpu.memory_space<vmem>>
    %dma_wait3A_715 = arith.constant 0 : i32
    %dma_wait3A_716 = tpu.memref_slice %arg15[%dma_wait3A_715] : memref<24704xi32, #tpu.memory_space<vmem_shared>> -> memref<24704xi32, #tpu.memory_space<vmem_shared>>
    tpu.wait_indirect_dma semaphore(%arg21 : memref<!tpu.dma_semaphore, #tpu.memory_space<semaphore_mem>>) src(%dma_wait3A_711 : memref<128xi32, #tpu.memory_space<vmem>>) dst(%dma_wait3A_716 : memref<24704xi32, #tpu.memory_space<vmem_shared>>)
    %dma_wait3A_717 = arith.constant 8 : i32
    %dma_wait3A_718 = arith.constant 8 : i32
    %dma_wait3A_719 = arith.constant 0 : i32
    %dma_wait3A_720 = tpu.memref_slice %arg17[%dma_wait3A_717, %dma_wait3A_719] : memref<21x128xi32, #tpu.memory_space<vmem>> -> memref<1x128xi32, #tpu.memory_space<vmem>>
    %dma_wait3A_721 = tpu.memref_squeeze %dma_wait3A_720 : memref<1x128xi32, #tpu.memory_space<vmem>> -> memref<128xi32, #tpu.memory_space<vmem>>
    %dma_wait3A_722 = arith.constant 0 : i32
    %dma_wait3A_723 = tpu.memref_slice %arg16[%dma_wait3A_718, %dma_wait3A_722] : memref<21x128xi32, #tpu.memory_space<vmem>> -> memref<1x128xi32, #tpu.memory_space<vmem>>
    %dma_wait3A_724 = tpu.memref_squeeze %dma_wait3A_723 : memref<1x128xi32, #tpu.memory_space<vmem>> -> memref<128xi32, #tpu.memory_space<vmem>>
    %dma_wait3A_725 = arith.constant 0 : i32
    %dma_wait3A_726 = tpu.memref_slice %arg15[%dma_wait3A_725] : memref<24704xi32, #tpu.memory_space<vmem_shared>> -> memref<24704xi32, #tpu.memory_space<vmem_shared>>
    tpu.wait_indirect_dma semaphore(%arg21 : memref<!tpu.dma_semaphore, #tpu.memory_space<semaphore_mem>>) src(%dma_wait3A_721 : memref<128xi32, #tpu.memory_space<vmem>>) dst(%dma_wait3A_726 : memref<24704xi32, #tpu.memory_space<vmem_shared>>)
    %dma_wait3A_727 = arith.constant 9 : i32
    %dma_wait3A_728 = arith.constant 9 : i32
    %dma_wait3A_729 = arith.constant 0 : i32
    %dma_wait3A_730 = tpu.memref_slice %arg17[%dma_wait3A_727, %dma_wait3A_729] : memref<21x128xi32, #tpu.memory_space<vmem>> -> memref<1x128xi32, #tpu.memory_space<vmem>>
    %dma_wait3A_731 = tpu.memref_squeeze %dma_wait3A_730 : memref<1x128xi32, #tpu.memory_space<vmem>> -> memref<128xi32, #tpu.memory_space<vmem>>
    %dma_wait3A_732 = arith.constant 0 : i32
    %dma_wait3A_733 = tpu.memref_slice %arg16[%dma_wait3A_728, %dma_wait3A_732] : memref<21x128xi32, #tpu.memory_space<vmem>> -> memref<1x128xi32, #tpu.memory_space<vmem>>
    %dma_wait3A_734 = tpu.memref_squeeze %dma_wait3A_733 : memref<1x128xi32, #tpu.memory_space<vmem>> -> memref<128xi32, #tpu.memory_space<vmem>>
    %dma_wait3A_735 = arith.constant 0 : i32
    %dma_wait3A_736 = tpu.memref_slice %arg15[%dma_wait3A_735] : memref<24704xi32, #tpu.memory_space<vmem_shared>> -> memref<24704xi32, #tpu.memory_space<vmem_shared>>
    tpu.wait_indirect_dma semaphore(%arg21 : memref<!tpu.dma_semaphore, #tpu.memory_space<semaphore_mem>>) src(%dma_wait3A_731 : memref<128xi32, #tpu.memory_space<vmem>>) dst(%dma_wait3A_736 : memref<24704xi32, #tpu.memory_space<vmem_shared>>)
    %dma_wait3A_737 = arith.constant 10 : i32
    %dma_wait3A_738 = arith.constant 10 : i32
    %dma_wait3A_739 = arith.constant 0 : i32
    %dma_wait3A_740 = tpu.memref_slice %arg17[%dma_wait3A_737, %dma_wait3A_739] : memref<21x128xi32, #tpu.memory_space<vmem>> -> memref<1x128xi32, #tpu.memory_space<vmem>>
    %dma_wait3A_741 = tpu.memref_squeeze %dma_wait3A_740 : memref<1x128xi32, #tpu.memory_space<vmem>> -> memref<128xi32, #tpu.memory_space<vmem>>
    %dma_wait3A_742 = arith.constant 0 : i32
    %dma_wait3A_743 = tpu.memref_slice %arg16[%dma_wait3A_738, %dma_wait3A_742] : memref<21x128xi32, #tpu.memory_space<vmem>> -> memref<1x128xi32, #tpu.memory_space<vmem>>
    %dma_wait3A_744 = tpu.memref_squeeze %dma_wait3A_743 : memref<1x128xi32, #tpu.memory_space<vmem>> -> memref<128xi32, #tpu.memory_space<vmem>>
    %dma_wait3A_745 = arith.constant 0 : i32
    %dma_wait3A_746 = tpu.memref_slice %arg15[%dma_wait3A_745] : memref<24704xi32, #tpu.memory_space<vmem_shared>> -> memref<24704xi32, #tpu.memory_space<vmem_shared>>
    tpu.wait_indirect_dma semaphore(%arg21 : memref<!tpu.dma_semaphore, #tpu.memory_space<semaphore_mem>>) src(%dma_wait3A_741 : memref<128xi32, #tpu.memory_space<vmem>>) dst(%dma_wait3A_746 : memref<24704xi32, #tpu.memory_space<vmem_shared>>)
    %dma_wait3A_747 = arith.constant 11 : i32
    %dma_wait3A_748 = arith.constant 11 : i32
    %dma_wait3A_749 = arith.constant 0 : i32
    %dma_wait3A_750 = tpu.memref_slice %arg17[%dma_wait3A_747, %dma_wait3A_749] : memref<21x128xi32, #tpu.memory_space<vmem>> -> memref<1x128xi32, #tpu.memory_space<vmem>>
    %dma_wait3A_751 = tpu.memref_squeeze %dma_wait3A_750 : memref<1x128xi32, #tpu.memory_space<vmem>> -> memref<128xi32, #tpu.memory_space<vmem>>
    %dma_wait3A_752 = arith.constant 0 : i32
    %dma_wait3A_753 = tpu.memref_slice %arg16[%dma_wait3A_748, %dma_wait3A_752] : memref<21x128xi32, #tpu.memory_space<vmem>> -> memref<1x128xi32, #tpu.memory_space<vmem>>
    %dma_wait3A_754 = tpu.memref_squeeze %dma_wait3A_753 : memref<1x128xi32, #tpu.memory_space<vmem>> -> memref<128xi32, #tpu.memory_space<vmem>>
    %dma_wait3A_755 = arith.constant 0 : i32
    %dma_wait3A_756 = tpu.memref_slice %arg15[%dma_wait3A_755] : memref<24704xi32, #tpu.memory_space<vmem_shared>> -> memref<24704xi32, #tpu.memory_space<vmem_shared>>
    tpu.wait_indirect_dma semaphore(%arg21 : memref<!tpu.dma_semaphore, #tpu.memory_space<semaphore_mem>>) src(%dma_wait3A_751 : memref<128xi32, #tpu.memory_space<vmem>>) dst(%dma_wait3A_756 : memref<24704xi32, #tpu.memory_space<vmem_shared>>)
    %dma_wait3A_757 = arith.constant 12 : i32
    %dma_wait3A_758 = arith.constant 12 : i32
    %dma_wait3A_759 = arith.constant 0 : i32
    %dma_wait3A_760 = tpu.memref_slice %arg17[%dma_wait3A_757, %dma_wait3A_759] : memref<21x128xi32, #tpu.memory_space<vmem>> -> memref<1x128xi32, #tpu.memory_space<vmem>>
    %dma_wait3A_761 = tpu.memref_squeeze %dma_wait3A_760 : memref<1x128xi32, #tpu.memory_space<vmem>> -> memref<128xi32, #tpu.memory_space<vmem>>
    %dma_wait3A_762 = arith.constant 0 : i32
    %dma_wait3A_763 = tpu.memref_slice %arg16[%dma_wait3A_758, %dma_wait3A_762] : memref<21x128xi32, #tpu.memory_space<vmem>> -> memref<1x128xi32, #tpu.memory_space<vmem>>
    %dma_wait3A_764 = tpu.memref_squeeze %dma_wait3A_763 : memref<1x128xi32, #tpu.memory_space<vmem>> -> memref<128xi32, #tpu.memory_space<vmem>>
    %dma_wait3A_765 = arith.constant 0 : i32
    %dma_wait3A_766 = tpu.memref_slice %arg15[%dma_wait3A_765] : memref<24704xi32, #tpu.memory_space<vmem_shared>> -> memref<24704xi32, #tpu.memory_space<vmem_shared>>
    tpu.wait_indirect_dma semaphore(%arg21 : memref<!tpu.dma_semaphore, #tpu.memory_space<semaphore_mem>>) src(%dma_wait3A_761 : memref<128xi32, #tpu.memory_space<vmem>>) dst(%dma_wait3A_766 : memref<24704xi32, #tpu.memory_space<vmem_shared>>)
    %dma_wait3A_767 = arith.constant 13 : i32
    %dma_wait3A_768 = arith.constant 13 : i32
    %dma_wait3A_769 = arith.constant 0 : i32
    %dma_wait3A_770 = tpu.memref_slice %arg17[%dma_wait3A_767, %dma_wait3A_769] : memref<21x128xi32, #tpu.memory_space<vmem>> -> memref<1x128xi32, #tpu.memory_space<vmem>>
    %dma_wait3A_771 = tpu.memref_squeeze %dma_wait3A_770 : memref<1x128xi32, #tpu.memory_space<vmem>> -> memref<128xi32, #tpu.memory_space<vmem>>
    %dma_wait3A_772 = arith.constant 0 : i32
    %dma_wait3A_773 = tpu.memref_slice %arg16[%dma_wait3A_768, %dma_wait3A_772] : memref<21x128xi32, #tpu.memory_space<vmem>> -> memref<1x128xi32, #tpu.memory_space<vmem>>
    %dma_wait3A_774 = tpu.memref_squeeze %dma_wait3A_773 : memref<1x128xi32, #tpu.memory_space<vmem>> -> memref<128xi32, #tpu.memory_space<vmem>>
    %dma_wait3A_775 = arith.constant 0 : i32
    %dma_wait3A_776 = tpu.memref_slice %arg15[%dma_wait3A_775] : memref<24704xi32, #tpu.memory_space<vmem_shared>> -> memref<24704xi32, #tpu.memory_space<vmem_shared>>
    tpu.wait_indirect_dma semaphore(%arg21 : memref<!tpu.dma_semaphore, #tpu.memory_space<semaphore_mem>>) src(%dma_wait3A_771 : memref<128xi32, #tpu.memory_space<vmem>>) dst(%dma_wait3A_776 : memref<24704xi32, #tpu.memory_space<vmem_shared>>)
    %dma_wait3A_777 = arith.constant 14 : i32
    %dma_wait3A_778 = arith.constant 14 : i32
    %dma_wait3A_779 = arith.constant 0 : i32
    %dma_wait3A_780 = tpu.memref_slice %arg17[%dma_wait3A_777, %dma_wait3A_779] : memref<21x128xi32, #tpu.memory_space<vmem>> -> memref<1x128xi32, #tpu.memory_space<vmem>>
    %dma_wait3A_781 = tpu.memref_squeeze %dma_wait3A_780 : memref<1x128xi32, #tpu.memory_space<vmem>> -> memref<128xi32, #tpu.memory_space<vmem>>
    %dma_wait3A_782 = arith.constant 0 : i32
    %dma_wait3A_783 = tpu.memref_slice %arg16[%dma_wait3A_778, %dma_wait3A_782] : memref<21x128xi32, #tpu.memory_space<vmem>> -> memref<1x128xi32, #tpu.memory_space<vmem>>
    %dma_wait3A_784 = tpu.memref_squeeze %dma_wait3A_783 : memref<1x128xi32, #tpu.memory_space<vmem>> -> memref<128xi32, #tpu.memory_space<vmem>>
    %dma_wait3A_785 = arith.constant 0 : i32
    %dma_wait3A_786 = tpu.memref_slice %arg15[%dma_wait3A_785] : memref<24704xi32, #tpu.memory_space<vmem_shared>> -> memref<24704xi32, #tpu.memory_space<vmem_shared>>
    tpu.wait_indirect_dma semaphore(%arg21 : memref<!tpu.dma_semaphore, #tpu.memory_space<semaphore_mem>>) src(%dma_wait3A_781 : memref<128xi32, #tpu.memory_space<vmem>>) dst(%dma_wait3A_786 : memref<24704xi32, #tpu.memory_space<vmem_shared>>)
    %dma_wait3A_787 = arith.constant 15 : i32
    %dma_wait3A_788 = arith.constant 15 : i32
    %dma_wait3A_789 = arith.constant 0 : i32
    %dma_wait3A_790 = tpu.memref_slice %arg17[%dma_wait3A_787, %dma_wait3A_789] : memref<21x128xi32, #tpu.memory_space<vmem>> -> memref<1x128xi32, #tpu.memory_space<vmem>>
    %dma_wait3A_791 = tpu.memref_squeeze %dma_wait3A_790 : memref<1x128xi32, #tpu.memory_space<vmem>> -> memref<128xi32, #tpu.memory_space<vmem>>
    %dma_wait3A_792 = arith.constant 0 : i32
    %dma_wait3A_793 = tpu.memref_slice %arg16[%dma_wait3A_788, %dma_wait3A_792] : memref<21x128xi32, #tpu.memory_space<vmem>> -> memref<1x128xi32, #tpu.memory_space<vmem>>
    %dma_wait3A_794 = tpu.memref_squeeze %dma_wait3A_793 : memref<1x128xi32, #tpu.memory_space<vmem>> -> memref<128xi32, #tpu.memory_space<vmem>>
    %dma_wait3A_795 = arith.constant 0 : i32
    %dma_wait3A_796 = tpu.memref_slice %arg15[%dma_wait3A_795] : memref<24704xi32, #tpu.memory_space<vmem_shared>> -> memref<24704xi32, #tpu.memory_space<vmem_shared>>
    tpu.wait_indirect_dma semaphore(%arg21 : memref<!tpu.dma_semaphore, #tpu.memory_space<semaphore_mem>>) src(%dma_wait3A_791 : memref<128xi32, #tpu.memory_space<vmem>>) dst(%dma_wait3A_796 : memref<24704xi32, #tpu.memory_space<vmem_shared>>)
    %dma_wait3A_797 = arith.constant 16 : i32
    %dma_wait3A_798 = arith.constant 16 : i32
    %dma_wait3A_799 = arith.constant 0 : i32
    %dma_wait3A_800 = tpu.memref_slice %arg17[%dma_wait3A_797, %dma_wait3A_799] : memref<21x128xi32, #tpu.memory_space<vmem>> -> memref<1x128xi32, #tpu.memory_space<vmem>>
    %dma_wait3A_801 = tpu.memref_squeeze %dma_wait3A_800 : memref<1x128xi32, #tpu.memory_space<vmem>> -> memref<128xi32, #tpu.memory_space<vmem>>
    %dma_wait3A_802 = arith.constant 0 : i32
    %dma_wait3A_803 = tpu.memref_slice %arg16[%dma_wait3A_798, %dma_wait3A_802] : memref<21x128xi32, #tpu.memory_space<vmem>> -> memref<1x128xi32, #tpu.memory_space<vmem>>
    %dma_wait3A_804 = tpu.memref_squeeze %dma_wait3A_803 : memref<1x128xi32, #tpu.memory_space<vmem>> -> memref<128xi32, #tpu.memory_space<vmem>>
    %dma_wait3A_805 = arith.constant 0 : i32
    %dma_wait3A_806 = tpu.memref_slice %arg15[%dma_wait3A_805] : memref<24704xi32, #tpu.memory_space<vmem_shared>> -> memref<24704xi32, #tpu.memory_space<vmem_shared>>
    tpu.wait_indirect_dma semaphore(%arg21 : memref<!tpu.dma_semaphore, #tpu.memory_space<semaphore_mem>>) src(%dma_wait3A_801 : memref<128xi32, #tpu.memory_space<vmem>>) dst(%dma_wait3A_806 : memref<24704xi32, #tpu.memory_space<vmem_shared>>)
    %dma_wait3A_807 = arith.constant 17 : i32
    %dma_wait3A_808 = arith.constant 17 : i32
    %dma_wait3A_809 = arith.constant 0 : i32
    %dma_wait3A_810 = tpu.memref_slice %arg17[%dma_wait3A_807, %dma_wait3A_809] : memref<21x128xi32, #tpu.memory_space<vmem>> -> memref<1x128xi32, #tpu.memory_space<vmem>>
    %dma_wait3A_811 = tpu.memref_squeeze %dma_wait3A_810 : memref<1x128xi32, #tpu.memory_space<vmem>> -> memref<128xi32, #tpu.memory_space<vmem>>
    %dma_wait3A_812 = arith.constant 0 : i32
    %dma_wait3A_813 = tpu.memref_slice %arg16[%dma_wait3A_808, %dma_wait3A_812] : memref<21x128xi32, #tpu.memory_space<vmem>> -> memref<1x128xi32, #tpu.memory_space<vmem>>
    %dma_wait3A_814 = tpu.memref_squeeze %dma_wait3A_813 : memref<1x128xi32, #tpu.memory_space<vmem>> -> memref<128xi32, #tpu.memory_space<vmem>>
    %dma_wait3A_815 = arith.constant 0 : i32
    %dma_wait3A_816 = tpu.memref_slice %arg15[%dma_wait3A_815] : memref<24704xi32, #tpu.memory_space<vmem_shared>> -> memref<24704xi32, #tpu.memory_space<vmem_shared>>
    tpu.wait_indirect_dma semaphore(%arg21 : memref<!tpu.dma_semaphore, #tpu.memory_space<semaphore_mem>>) src(%dma_wait3A_811 : memref<128xi32, #tpu.memory_space<vmem>>) dst(%dma_wait3A_816 : memref<24704xi32, #tpu.memory_space<vmem_shared>>)
    %dma_wait3A_817 = arith.constant 18 : i32
    %dma_wait3A_818 = arith.constant 18 : i32
    %dma_wait3A_819 = arith.constant 0 : i32
    %dma_wait3A_820 = tpu.memref_slice %arg17[%dma_wait3A_817, %dma_wait3A_819] : memref<21x128xi32, #tpu.memory_space<vmem>> -> memref<1x128xi32, #tpu.memory_space<vmem>>
    %dma_wait3A_821 = tpu.memref_squeeze %dma_wait3A_820 : memref<1x128xi32, #tpu.memory_space<vmem>> -> memref<128xi32, #tpu.memory_space<vmem>>
    %dma_wait3A_822 = arith.constant 0 : i32
    %dma_wait3A_823 = tpu.memref_slice %arg16[%dma_wait3A_818, %dma_wait3A_822] : memref<21x128xi32, #tpu.memory_space<vmem>> -> memref<1x128xi32, #tpu.memory_space<vmem>>
    %dma_wait3A_824 = tpu.memref_squeeze %dma_wait3A_823 : memref<1x128xi32, #tpu.memory_space<vmem>> -> memref<128xi32, #tpu.memory_space<vmem>>
    %dma_wait3A_825 = arith.constant 0 : i32
    %dma_wait3A_826 = tpu.memref_slice %arg15[%dma_wait3A_825] : memref<24704xi32, #tpu.memory_space<vmem_shared>> -> memref<24704xi32, #tpu.memory_space<vmem_shared>>
    tpu.wait_indirect_dma semaphore(%arg21 : memref<!tpu.dma_semaphore, #tpu.memory_space<semaphore_mem>>) src(%dma_wait3A_821 : memref<128xi32, #tpu.memory_space<vmem>>) dst(%dma_wait3A_826 : memref<24704xi32, #tpu.memory_space<vmem_shared>>)
    %dma_wait3A_827 = arith.constant 19 : i32
    %dma_wait3A_828 = arith.constant 19 : i32
    %dma_wait3A_829 = arith.constant 0 : i32
    %dma_wait3A_830 = tpu.memref_slice %arg17[%dma_wait3A_827, %dma_wait3A_829] : memref<21x128xi32, #tpu.memory_space<vmem>> -> memref<1x128xi32, #tpu.memory_space<vmem>>
    %dma_wait3A_831 = tpu.memref_squeeze %dma_wait3A_830 : memref<1x128xi32, #tpu.memory_space<vmem>> -> memref<128xi32, #tpu.memory_space<vmem>>
    %dma_wait3A_832 = arith.constant 0 : i32
    %dma_wait3A_833 = tpu.memref_slice %arg16[%dma_wait3A_828, %dma_wait3A_832] : memref<21x128xi32, #tpu.memory_space<vmem>> -> memref<1x128xi32, #tpu.memory_space<vmem>>
    %dma_wait3A_834 = tpu.memref_squeeze %dma_wait3A_833 : memref<1x128xi32, #tpu.memory_space<vmem>> -> memref<128xi32, #tpu.memory_space<vmem>>
    %dma_wait3A_835 = arith.constant 0 : i32
    %dma_wait3A_836 = tpu.memref_slice %arg15[%dma_wait3A_835] : memref<24704xi32, #tpu.memory_space<vmem_shared>> -> memref<24704xi32, #tpu.memory_space<vmem_shared>>
    tpu.wait_indirect_dma semaphore(%arg21 : memref<!tpu.dma_semaphore, #tpu.memory_space<semaphore_mem>>) src(%dma_wait3A_831 : memref<128xi32, #tpu.memory_space<vmem>>) dst(%dma_wait3A_836 : memref<24704xi32, #tpu.memory_space<vmem_shared>>)
    %dma_wait3A_837 = arith.constant 20 : i32
    %dma_wait3A_838 = arith.constant 20 : i32
    %dma_wait3A_839 = arith.constant 0 : i32
    %dma_wait3A_840 = tpu.memref_slice %arg17[%dma_wait3A_837, %dma_wait3A_839] : memref<21x128xi32, #tpu.memory_space<vmem>> -> memref<1x128xi32, #tpu.memory_space<vmem>>
    %dma_wait3A_841 = tpu.memref_squeeze %dma_wait3A_840 : memref<1x128xi32, #tpu.memory_space<vmem>> -> memref<128xi32, #tpu.memory_space<vmem>>
    %dma_wait3A_842 = arith.constant 0 : i32
    %dma_wait3A_843 = tpu.memref_slice %arg16[%dma_wait3A_838, %dma_wait3A_842] : memref<21x128xi32, #tpu.memory_space<vmem>> -> memref<1x128xi32, #tpu.memory_space<vmem>>
    %dma_wait3A_844 = tpu.memref_squeeze %dma_wait3A_843 : memref<1x128xi32, #tpu.memory_space<vmem>> -> memref<128xi32, #tpu.memory_space<vmem>>
    %dma_wait3A_845 = arith.constant 0 : i32
    %dma_wait3A_846 = tpu.memref_slice %arg15[%dma_wait3A_845] : memref<24704xi32, #tpu.memory_space<vmem_shared>> -> memref<24704xi32, #tpu.memory_space<vmem_shared>>
    tpu.wait_indirect_dma semaphore(%arg21 : memref<!tpu.dma_semaphore, #tpu.memory_space<semaphore_mem>>) src(%dma_wait3A_841 : memref<128xi32, #tpu.memory_space<vmem>>) dst(%dma_wait3A_846 : memref<24704xi32, #tpu.memory_space<vmem_shared>>)
    %barrier3A = arith.constant 0 : index
    tpu.barrier barrier_id(%barrier3A)
    %mul3A_847 = arith.constant 768 : i32
    %mul3A_848 = arith.muli %add3A, %mul3A_847 : i32
    "tpu.region"() ({
      %run_scoped3A_1343 = tpu.sem_alloc : memref<!tpu.dma_semaphore, #tpu.memory_space<semaphore_mem>>
      %dma_start3A_1344 = tpu.memref_slice %arg15[%mul3A_848] : memref<24704xi32, #tpu.memory_space<vmem_shared>> -> memref<768xi32, #tpu.memory_space<vmem_shared>>
      %dma_start3A_1345 = tpu.memref_slice %arg15[%mul3A_848] : memref<24704xi32, #tpu.memory_space<vmem_shared>> -> memref<768xi32, #tpu.memory_space<vmem_shared>>
      tpu.enqueue_dma source(%dma_start3A_1345 : memref<768xi32, #tpu.memory_space<vmem_shared>>) target(%arg19 : memref<768xi32, #tpu.memory_space<vmem>>) target_semaphore(%run_scoped3A_1343 : memref<!tpu.dma_semaphore, #tpu.memory_space<semaphore_mem>>)
      %dma_wait3A_1346 = tpu.memref_slice %arg15[%mul3A_848] : memref<24704xi32, #tpu.memory_space<vmem_shared>> -> memref<768xi32, #tpu.memory_space<vmem_shared>>
      %dma_wait3A_1347 = tpu.memref_slice %arg15[%mul3A_848] : memref<24704xi32, #tpu.memory_space<vmem_shared>> -> memref<768xi32, #tpu.memory_space<vmem_shared>>
      tpu.wait_dma2 semaphore(%run_scoped3A_1343 : memref<!tpu.dma_semaphore, #tpu.memory_space<semaphore_mem>>) src(%dma_wait3A_1347 : memref<768xi32, #tpu.memory_space<vmem_shared>>) dst(%arg19 : memref<768xi32, #tpu.memory_space<vmem>>)
      tpu.yield
    }) : () -> ()
    %dma_start3A_849 = arith.constant 0 : i32
    %dma_start3A_850 = arith.constant 0 : i32
    %dma_start3A_851 = tpu.memref_slice %arg20[%dma_start3A_849, %dma_start3A_850] : memref<5x768xf32, #tpu.memory_space<vmem>> -> memref<1x128xf32, #tpu.memory_space<vmem>>
    %dma_start3A_852 = tpu.memref_squeeze %dma_start3A_851 : memref<1x128xf32, #tpu.memory_space<vmem>> -> memref<128xf32, #tpu.memory_space<vmem>>
    %dma_start3A_853 = arith.constant 0 : i32
    %dma_start3A_854 = tpu.memref_slice %arg19[%dma_start3A_853] : memref<768xi32, #tpu.memory_space<vmem>> -> memref<128xi32, #tpu.memory_space<vmem>>
    %dma_start3A_855 = arith.constant 0 : i32
    %dma_start3A_856 = tpu.memref_slice %arg5[%dma_start3A_855] : memref<86016xf32, #tpu.memory_space<hbm>> -> memref<86016xf32, #tpu.memory_space<hbm>>
    tpu.enqueue_indirect_dma source(%dma_start3A_856 : memref<86016xf32, #tpu.memory_space<hbm>>) target(%dma_start3A_852 : memref<128xf32, #tpu.memory_space<vmem>>) offsets(%dma_start3A_854 : memref<128xi32, #tpu.memory_space<vmem>>) semaphore(%arg22 : memref<!tpu.dma_semaphore, #tpu.memory_space<semaphore_mem>>)
    %dma_start3A_857 = arith.constant 0 : i32
    %dma_start3A_858 = arith.constant 128 : i32
    %dma_start3A_859 = tpu.memref_slice %arg20[%dma_start3A_857, %dma_start3A_858] : memref<5x768xf32, #tpu.memory_space<vmem>> -> memref<1x128xf32, #tpu.memory_space<vmem>>
    %dma_start3A_860 = tpu.memref_squeeze %dma_start3A_859 : memref<1x128xf32, #tpu.memory_space<vmem>> -> memref<128xf32, #tpu.memory_space<vmem>>
    %dma_start3A_861 = arith.constant 128 : i32
    %dma_start3A_862 = tpu.memref_slice %arg19[%dma_start3A_861] : memref<768xi32, #tpu.memory_space<vmem>> -> memref<128xi32, #tpu.memory_space<vmem>>
    %dma_start3A_863 = arith.constant 0 : i32
    %dma_start3A_864 = tpu.memref_slice %arg5[%dma_start3A_863] : memref<86016xf32, #tpu.memory_space<hbm>> -> memref<86016xf32, #tpu.memory_space<hbm>>
    tpu.enqueue_indirect_dma source(%dma_start3A_864 : memref<86016xf32, #tpu.memory_space<hbm>>) target(%dma_start3A_860 : memref<128xf32, #tpu.memory_space<vmem>>) offsets(%dma_start3A_862 : memref<128xi32, #tpu.memory_space<vmem>>) semaphore(%arg22 : memref<!tpu.dma_semaphore, #tpu.memory_space<semaphore_mem>>)
    %dma_start3A_865 = arith.constant 0 : i32
    %dma_start3A_866 = arith.constant 256 : i32
    %dma_start3A_867 = tpu.memref_slice %arg20[%dma_start3A_865, %dma_start3A_866] : memref<5x768xf32, #tpu.memory_space<vmem>> -> memref<1x128xf32, #tpu.memory_space<vmem>>
    %dma_start3A_868 = tpu.memref_squeeze %dma_start3A_867 : memref<1x128xf32, #tpu.memory_space<vmem>> -> memref<128xf32, #tpu.memory_space<vmem>>
    %dma_start3A_869 = arith.constant 256 : i32
    %dma_start3A_870 = tpu.memref_slice %arg19[%dma_start3A_869] : memref<768xi32, #tpu.memory_space<vmem>> -> memref<128xi32, #tpu.memory_space<vmem>>
    %dma_start3A_871 = arith.constant 0 : i32
    %dma_start3A_872 = tpu.memref_slice %arg5[%dma_start3A_871] : memref<86016xf32, #tpu.memory_space<hbm>> -> memref<86016xf32, #tpu.memory_space<hbm>>
    tpu.enqueue_indirect_dma source(%dma_start3A_872 : memref<86016xf32, #tpu.memory_space<hbm>>) target(%dma_start3A_868 : memref<128xf32, #tpu.memory_space<vmem>>) offsets(%dma_start3A_870 : memref<128xi32, #tpu.memory_space<vmem>>) semaphore(%arg22 : memref<!tpu.dma_semaphore, #tpu.memory_space<semaphore_mem>>)
    %dma_start3A_873 = arith.constant 0 : i32
    %dma_start3A_874 = arith.constant 384 : i32
    %dma_start3A_875 = tpu.memref_slice %arg20[%dma_start3A_873, %dma_start3A_874] : memref<5x768xf32, #tpu.memory_space<vmem>> -> memref<1x128xf32, #tpu.memory_space<vmem>>
    %dma_start3A_876 = tpu.memref_squeeze %dma_start3A_875 : memref<1x128xf32, #tpu.memory_space<vmem>> -> memref<128xf32, #tpu.memory_space<vmem>>
    %dma_start3A_877 = arith.constant 384 : i32
    %dma_start3A_878 = tpu.memref_slice %arg19[%dma_start3A_877] : memref<768xi32, #tpu.memory_space<vmem>> -> memref<128xi32, #tpu.memory_space<vmem>>
    %dma_start3A_879 = arith.constant 0 : i32
    %dma_start3A_880 = tpu.memref_slice %arg5[%dma_start3A_879] : memref<86016xf32, #tpu.memory_space<hbm>> -> memref<86016xf32, #tpu.memory_space<hbm>>
    tpu.enqueue_indirect_dma source(%dma_start3A_880 : memref<86016xf32, #tpu.memory_space<hbm>>) target(%dma_start3A_876 : memref<128xf32, #tpu.memory_space<vmem>>) offsets(%dma_start3A_878 : memref<128xi32, #tpu.memory_space<vmem>>) semaphore(%arg22 : memref<!tpu.dma_semaphore, #tpu.memory_space<semaphore_mem>>)
    %dma_start3A_881 = arith.constant 0 : i32
    %dma_start3A_882 = arith.constant 512 : i32
    %dma_start3A_883 = tpu.memref_slice %arg20[%dma_start3A_881, %dma_start3A_882] : memref<5x768xf32, #tpu.memory_space<vmem>> -> memref<1x128xf32, #tpu.memory_space<vmem>>
    %dma_start3A_884 = tpu.memref_squeeze %dma_start3A_883 : memref<1x128xf32, #tpu.memory_space<vmem>> -> memref<128xf32, #tpu.memory_space<vmem>>
    %dma_start3A_885 = arith.constant 512 : i32
    %dma_start3A_886 = tpu.memref_slice %arg19[%dma_start3A_885] : memref<768xi32, #tpu.memory_space<vmem>> -> memref<128xi32, #tpu.memory_space<vmem>>
    %dma_start3A_887 = arith.constant 0 : i32
    %dma_start3A_888 = tpu.memref_slice %arg5[%dma_start3A_887] : memref<86016xf32, #tpu.memory_space<hbm>> -> memref<86016xf32, #tpu.memory_space<hbm>>
    tpu.enqueue_indirect_dma source(%dma_start3A_888 : memref<86016xf32, #tpu.memory_space<hbm>>) target(%dma_start3A_884 : memref<128xf32, #tpu.memory_space<vmem>>) offsets(%dma_start3A_886 : memref<128xi32, #tpu.memory_space<vmem>>) semaphore(%arg22 : memref<!tpu.dma_semaphore, #tpu.memory_space<semaphore_mem>>)
    %dma_start3A_889 = arith.constant 0 : i32
    %dma_start3A_890 = arith.constant 640 : i32
    %dma_start3A_891 = tpu.memref_slice %arg20[%dma_start3A_889, %dma_start3A_890] : memref<5x768xf32, #tpu.memory_space<vmem>> -> memref<1x128xf32, #tpu.memory_space<vmem>>
    %dma_start3A_892 = tpu.memref_squeeze %dma_start3A_891 : memref<1x128xf32, #tpu.memory_space<vmem>> -> memref<128xf32, #tpu.memory_space<vmem>>
    %dma_start3A_893 = arith.constant 640 : i32
    %dma_start3A_894 = tpu.memref_slice %arg19[%dma_start3A_893] : memref<768xi32, #tpu.memory_space<vmem>> -> memref<128xi32, #tpu.memory_space<vmem>>
    %dma_start3A_895 = arith.constant 0 : i32
    %dma_start3A_896 = tpu.memref_slice %arg5[%dma_start3A_895] : memref<86016xf32, #tpu.memory_space<hbm>> -> memref<86016xf32, #tpu.memory_space<hbm>>
    tpu.enqueue_indirect_dma source(%dma_start3A_896 : memref<86016xf32, #tpu.memory_space<hbm>>) target(%dma_start3A_892 : memref<128xf32, #tpu.memory_space<vmem>>) offsets(%dma_start3A_894 : memref<128xi32, #tpu.memory_space<vmem>>) semaphore(%arg22 : memref<!tpu.dma_semaphore, #tpu.memory_space<semaphore_mem>>)
    %dma_start3A_897 = arith.constant 1 : i32
    %dma_start3A_898 = arith.constant 0 : i32
    %dma_start3A_899 = tpu.memref_slice %arg20[%dma_start3A_897, %dma_start3A_898] : memref<5x768xf32, #tpu.memory_space<vmem>> -> memref<1x128xf32, #tpu.memory_space<vmem>>
    %dma_start3A_900 = tpu.memref_squeeze %dma_start3A_899 : memref<1x128xf32, #tpu.memory_space<vmem>> -> memref<128xf32, #tpu.memory_space<vmem>>
    %dma_start3A_901 = arith.constant 0 : i32
    %dma_start3A_902 = tpu.memref_slice %arg19[%dma_start3A_901] : memref<768xi32, #tpu.memory_space<vmem>> -> memref<128xi32, #tpu.memory_space<vmem>>
    %dma_start3A_903 = arith.constant 0 : i32
    %dma_start3A_904 = tpu.memref_slice %arg6[%dma_start3A_903] : memref<86016xf32, #tpu.memory_space<hbm>> -> memref<86016xf32, #tpu.memory_space<hbm>>
    tpu.enqueue_indirect_dma source(%dma_start3A_904 : memref<86016xf32, #tpu.memory_space<hbm>>) target(%dma_start3A_900 : memref<128xf32, #tpu.memory_space<vmem>>) offsets(%dma_start3A_902 : memref<128xi32, #tpu.memory_space<vmem>>) semaphore(%arg22 : memref<!tpu.dma_semaphore, #tpu.memory_space<semaphore_mem>>)
    %dma_start3A_905 = arith.constant 1 : i32
    %dma_start3A_906 = arith.constant 128 : i32
    %dma_start3A_907 = tpu.memref_slice %arg20[%dma_start3A_905, %dma_start3A_906] : memref<5x768xf32, #tpu.memory_space<vmem>> -> memref<1x128xf32, #tpu.memory_space<vmem>>
    %dma_start3A_908 = tpu.memref_squeeze %dma_start3A_907 : memref<1x128xf32, #tpu.memory_space<vmem>> -> memref<128xf32, #tpu.memory_space<vmem>>
    %dma_start3A_909 = arith.constant 128 : i32
    %dma_start3A_910 = tpu.memref_slice %arg19[%dma_start3A_909] : memref<768xi32, #tpu.memory_space<vmem>> -> memref<128xi32, #tpu.memory_space<vmem>>
    %dma_start3A_911 = arith.constant 0 : i32
    %dma_start3A_912 = tpu.memref_slice %arg6[%dma_start3A_911] : memref<86016xf32, #tpu.memory_space<hbm>> -> memref<86016xf32, #tpu.memory_space<hbm>>
    tpu.enqueue_indirect_dma source(%dma_start3A_912 : memref<86016xf32, #tpu.memory_space<hbm>>) target(%dma_start3A_908 : memref<128xf32, #tpu.memory_space<vmem>>) offsets(%dma_start3A_910 : memref<128xi32, #tpu.memory_space<vmem>>) semaphore(%arg22 : memref<!tpu.dma_semaphore, #tpu.memory_space<semaphore_mem>>)
    %dma_start3A_913 = arith.constant 1 : i32
    %dma_start3A_914 = arith.constant 256 : i32
    %dma_start3A_915 = tpu.memref_slice %arg20[%dma_start3A_913, %dma_start3A_914] : memref<5x768xf32, #tpu.memory_space<vmem>> -> memref<1x128xf32, #tpu.memory_space<vmem>>
    %dma_start3A_916 = tpu.memref_squeeze %dma_start3A_915 : memref<1x128xf32, #tpu.memory_space<vmem>> -> memref<128xf32, #tpu.memory_space<vmem>>
    %dma_start3A_917 = arith.constant 256 : i32
    %dma_start3A_918 = tpu.memref_slice %arg19[%dma_start3A_917] : memref<768xi32, #tpu.memory_space<vmem>> -> memref<128xi32, #tpu.memory_space<vmem>>
    %dma_start3A_919 = arith.constant 0 : i32
    %dma_start3A_920 = tpu.memref_slice %arg6[%dma_start3A_919] : memref<86016xf32, #tpu.memory_space<hbm>> -> memref<86016xf32, #tpu.memory_space<hbm>>
    tpu.enqueue_indirect_dma source(%dma_start3A_920 : memref<86016xf32, #tpu.memory_space<hbm>>) target(%dma_start3A_916 : memref<128xf32, #tpu.memory_space<vmem>>) offsets(%dma_start3A_918 : memref<128xi32, #tpu.memory_space<vmem>>) semaphore(%arg22 : memref<!tpu.dma_semaphore, #tpu.memory_space<semaphore_mem>>)
    %dma_start3A_921 = arith.constant 1 : i32
    %dma_start3A_922 = arith.constant 384 : i32
    %dma_start3A_923 = tpu.memref_slice %arg20[%dma_start3A_921, %dma_start3A_922] : memref<5x768xf32, #tpu.memory_space<vmem>> -> memref<1x128xf32, #tpu.memory_space<vmem>>
    %dma_start3A_924 = tpu.memref_squeeze %dma_start3A_923 : memref<1x128xf32, #tpu.memory_space<vmem>> -> memref<128xf32, #tpu.memory_space<vmem>>
    %dma_start3A_925 = arith.constant 384 : i32
    %dma_start3A_926 = tpu.memref_slice %arg19[%dma_start3A_925] : memref<768xi32, #tpu.memory_space<vmem>> -> memref<128xi32, #tpu.memory_space<vmem>>
    %dma_start3A_927 = arith.constant 0 : i32
    %dma_start3A_928 = tpu.memref_slice %arg6[%dma_start3A_927] : memref<86016xf32, #tpu.memory_space<hbm>> -> memref<86016xf32, #tpu.memory_space<hbm>>
    tpu.enqueue_indirect_dma source(%dma_start3A_928 : memref<86016xf32, #tpu.memory_space<hbm>>) target(%dma_start3A_924 : memref<128xf32, #tpu.memory_space<vmem>>) offsets(%dma_start3A_926 : memref<128xi32, #tpu.memory_space<vmem>>) semaphore(%arg22 : memref<!tpu.dma_semaphore, #tpu.memory_space<semaphore_mem>>)
    %dma_start3A_929 = arith.constant 1 : i32
    %dma_start3A_930 = arith.constant 512 : i32
    %dma_start3A_931 = tpu.memref_slice %arg20[%dma_start3A_929, %dma_start3A_930] : memref<5x768xf32, #tpu.memory_space<vmem>> -> memref<1x128xf32, #tpu.memory_space<vmem>>
    %dma_start3A_932 = tpu.memref_squeeze %dma_start3A_931 : memref<1x128xf32, #tpu.memory_space<vmem>> -> memref<128xf32, #tpu.memory_space<vmem>>
    %dma_start3A_933 = arith.constant 512 : i32
    %dma_start3A_934 = tpu.memref_slice %arg19[%dma_start3A_933] : memref<768xi32, #tpu.memory_space<vmem>> -> memref<128xi32, #tpu.memory_space<vmem>>
    %dma_start3A_935 = arith.constant 0 : i32
    %dma_start3A_936 = tpu.memref_slice %arg6[%dma_start3A_935] : memref<86016xf32, #tpu.memory_space<hbm>> -> memref<86016xf32, #tpu.memory_space<hbm>>
    tpu.enqueue_indirect_dma source(%dma_start3A_936 : memref<86016xf32, #tpu.memory_space<hbm>>) target(%dma_start3A_932 : memref<128xf32, #tpu.memory_space<vmem>>) offsets(%dma_start3A_934 : memref<128xi32, #tpu.memory_space<vmem>>) semaphore(%arg22 : memref<!tpu.dma_semaphore, #tpu.memory_space<semaphore_mem>>)
    %dma_start3A_937 = arith.constant 1 : i32
    %dma_start3A_938 = arith.constant 640 : i32
    %dma_start3A_939 = tpu.memref_slice %arg20[%dma_start3A_937, %dma_start3A_938] : memref<5x768xf32, #tpu.memory_space<vmem>> -> memref<1x128xf32, #tpu.memory_space<vmem>>
    %dma_start3A_940 = tpu.memref_squeeze %dma_start3A_939 : memref<1x128xf32, #tpu.memory_space<vmem>> -> memref<128xf32, #tpu.memory_space<vmem>>
    %dma_start3A_941 = arith.constant 640 : i32
    %dma_start3A_942 = tpu.memref_slice %arg19[%dma_start3A_941] : memref<768xi32, #tpu.memory_space<vmem>> -> memref<128xi32, #tpu.memory_space<vmem>>
    %dma_start3A_943 = arith.constant 0 : i32
    %dma_start3A_944 = tpu.memref_slice %arg6[%dma_start3A_943] : memref<86016xf32, #tpu.memory_space<hbm>> -> memref<86016xf32, #tpu.memory_space<hbm>>
    tpu.enqueue_indirect_dma source(%dma_start3A_944 : memref<86016xf32, #tpu.memory_space<hbm>>) target(%dma_start3A_940 : memref<128xf32, #tpu.memory_space<vmem>>) offsets(%dma_start3A_942 : memref<128xi32, #tpu.memory_space<vmem>>) semaphore(%arg22 : memref<!tpu.dma_semaphore, #tpu.memory_space<semaphore_mem>>)
    %dma_start3A_945 = arith.constant 2 : i32
    %dma_start3A_946 = arith.constant 0 : i32
    %dma_start3A_947 = tpu.memref_slice %arg20[%dma_start3A_945, %dma_start3A_946] : memref<5x768xf32, #tpu.memory_space<vmem>> -> memref<1x128xf32, #tpu.memory_space<vmem>>
    %dma_start3A_948 = tpu.memref_squeeze %dma_start3A_947 : memref<1x128xf32, #tpu.memory_space<vmem>> -> memref<128xf32, #tpu.memory_space<vmem>>
    %dma_start3A_949 = arith.constant 0 : i32
    %dma_start3A_950 = tpu.memref_slice %arg19[%dma_start3A_949] : memref<768xi32, #tpu.memory_space<vmem>> -> memref<128xi32, #tpu.memory_space<vmem>>
    %dma_start3A_951 = arith.constant 0 : i32
    %dma_start3A_952 = tpu.memref_slice %arg7[%dma_start3A_951] : memref<86016xf32, #tpu.memory_space<hbm>> -> memref<86016xf32, #tpu.memory_space<hbm>>
    tpu.enqueue_indirect_dma source(%dma_start3A_952 : memref<86016xf32, #tpu.memory_space<hbm>>) target(%dma_start3A_948 : memref<128xf32, #tpu.memory_space<vmem>>) offsets(%dma_start3A_950 : memref<128xi32, #tpu.memory_space<vmem>>) semaphore(%arg22 : memref<!tpu.dma_semaphore, #tpu.memory_space<semaphore_mem>>)
    %dma_start3A_953 = arith.constant 2 : i32
    %dma_start3A_954 = arith.constant 128 : i32
    %dma_start3A_955 = tpu.memref_slice %arg20[%dma_start3A_953, %dma_start3A_954] : memref<5x768xf32, #tpu.memory_space<vmem>> -> memref<1x128xf32, #tpu.memory_space<vmem>>
    %dma_start3A_956 = tpu.memref_squeeze %dma_start3A_955 : memref<1x128xf32, #tpu.memory_space<vmem>> -> memref<128xf32, #tpu.memory_space<vmem>>
    %dma_start3A_957 = arith.constant 128 : i32
    %dma_start3A_958 = tpu.memref_slice %arg19[%dma_start3A_957] : memref<768xi32, #tpu.memory_space<vmem>> -> memref<128xi32, #tpu.memory_space<vmem>>
    %dma_start3A_959 = arith.constant 0 : i32
    %dma_start3A_960 = tpu.memref_slice %arg7[%dma_start3A_959] : memref<86016xf32, #tpu.memory_space<hbm>> -> memref<86016xf32, #tpu.memory_space<hbm>>
    tpu.enqueue_indirect_dma source(%dma_start3A_960 : memref<86016xf32, #tpu.memory_space<hbm>>) target(%dma_start3A_956 : memref<128xf32, #tpu.memory_space<vmem>>) offsets(%dma_start3A_958 : memref<128xi32, #tpu.memory_space<vmem>>) semaphore(%arg22 : memref<!tpu.dma_semaphore, #tpu.memory_space<semaphore_mem>>)
    %dma_start3A_961 = arith.constant 2 : i32
    %dma_start3A_962 = arith.constant 256 : i32
    %dma_start3A_963 = tpu.memref_slice %arg20[%dma_start3A_961, %dma_start3A_962] : memref<5x768xf32, #tpu.memory_space<vmem>> -> memref<1x128xf32, #tpu.memory_space<vmem>>
    %dma_start3A_964 = tpu.memref_squeeze %dma_start3A_963 : memref<1x128xf32, #tpu.memory_space<vmem>> -> memref<128xf32, #tpu.memory_space<vmem>>
    %dma_start3A_965 = arith.constant 256 : i32
    %dma_start3A_966 = tpu.memref_slice %arg19[%dma_start3A_965] : memref<768xi32, #tpu.memory_space<vmem>> -> memref<128xi32, #tpu.memory_space<vmem>>
    %dma_start3A_967 = arith.constant 0 : i32
    %dma_start3A_968 = tpu.memref_slice %arg7[%dma_start3A_967] : memref<86016xf32, #tpu.memory_space<hbm>> -> memref<86016xf32, #tpu.memory_space<hbm>>
    tpu.enqueue_indirect_dma source(%dma_start3A_968 : memref<86016xf32, #tpu.memory_space<hbm>>) target(%dma_start3A_964 : memref<128xf32, #tpu.memory_space<vmem>>) offsets(%dma_start3A_966 : memref<128xi32, #tpu.memory_space<vmem>>) semaphore(%arg22 : memref<!tpu.dma_semaphore, #tpu.memory_space<semaphore_mem>>)
    %dma_start3A_969 = arith.constant 2 : i32
    %dma_start3A_970 = arith.constant 384 : i32
    %dma_start3A_971 = tpu.memref_slice %arg20[%dma_start3A_969, %dma_start3A_970] : memref<5x768xf32, #tpu.memory_space<vmem>> -> memref<1x128xf32, #tpu.memory_space<vmem>>
    %dma_start3A_972 = tpu.memref_squeeze %dma_start3A_971 : memref<1x128xf32, #tpu.memory_space<vmem>> -> memref<128xf32, #tpu.memory_space<vmem>>
    %dma_start3A_973 = arith.constant 384 : i32
    %dma_start3A_974 = tpu.memref_slice %arg19[%dma_start3A_973] : memref<768xi32, #tpu.memory_space<vmem>> -> memref<128xi32, #tpu.memory_space<vmem>>
    %dma_start3A_975 = arith.constant 0 : i32
    %dma_start3A_976 = tpu.memref_slice %arg7[%dma_start3A_975] : memref<86016xf32, #tpu.memory_space<hbm>> -> memref<86016xf32, #tpu.memory_space<hbm>>
    tpu.enqueue_indirect_dma source(%dma_start3A_976 : memref<86016xf32, #tpu.memory_space<hbm>>) target(%dma_start3A_972 : memref<128xf32, #tpu.memory_space<vmem>>) offsets(%dma_start3A_974 : memref<128xi32, #tpu.memory_space<vmem>>) semaphore(%arg22 : memref<!tpu.dma_semaphore, #tpu.memory_space<semaphore_mem>>)
    %dma_start3A_977 = arith.constant 2 : i32
    %dma_start3A_978 = arith.constant 512 : i32
    %dma_start3A_979 = tpu.memref_slice %arg20[%dma_start3A_977, %dma_start3A_978] : memref<5x768xf32, #tpu.memory_space<vmem>> -> memref<1x128xf32, #tpu.memory_space<vmem>>
    %dma_start3A_980 = tpu.memref_squeeze %dma_start3A_979 : memref<1x128xf32, #tpu.memory_space<vmem>> -> memref<128xf32, #tpu.memory_space<vmem>>
    %dma_start3A_981 = arith.constant 512 : i32
    %dma_start3A_982 = tpu.memref_slice %arg19[%dma_start3A_981] : memref<768xi32, #tpu.memory_space<vmem>> -> memref<128xi32, #tpu.memory_space<vmem>>
    %dma_start3A_983 = arith.constant 0 : i32
    %dma_start3A_984 = tpu.memref_slice %arg7[%dma_start3A_983] : memref<86016xf32, #tpu.memory_space<hbm>> -> memref<86016xf32, #tpu.memory_space<hbm>>
    tpu.enqueue_indirect_dma source(%dma_start3A_984 : memref<86016xf32, #tpu.memory_space<hbm>>) target(%dma_start3A_980 : memref<128xf32, #tpu.memory_space<vmem>>) offsets(%dma_start3A_982 : memref<128xi32, #tpu.memory_space<vmem>>) semaphore(%arg22 : memref<!tpu.dma_semaphore, #tpu.memory_space<semaphore_mem>>)
    %dma_start3A_985 = arith.constant 2 : i32
    %dma_start3A_986 = arith.constant 640 : i32
    %dma_start3A_987 = tpu.memref_slice %arg20[%dma_start3A_985, %dma_start3A_986] : memref<5x768xf32, #tpu.memory_space<vmem>> -> memref<1x128xf32, #tpu.memory_space<vmem>>
    %dma_start3A_988 = tpu.memref_squeeze %dma_start3A_987 : memref<1x128xf32, #tpu.memory_space<vmem>> -> memref<128xf32, #tpu.memory_space<vmem>>
    %dma_start3A_989 = arith.constant 640 : i32
    %dma_start3A_990 = tpu.memref_slice %arg19[%dma_start3A_989] : memref<768xi32, #tpu.memory_space<vmem>> -> memref<128xi32, #tpu.memory_space<vmem>>
    %dma_start3A_991 = arith.constant 0 : i32
    %dma_start3A_992 = tpu.memref_slice %arg7[%dma_start3A_991] : memref<86016xf32, #tpu.memory_space<hbm>> -> memref<86016xf32, #tpu.memory_space<hbm>>
    tpu.enqueue_indirect_dma source(%dma_start3A_992 : memref<86016xf32, #tpu.memory_space<hbm>>) target(%dma_start3A_988 : memref<128xf32, #tpu.memory_space<vmem>>) offsets(%dma_start3A_990 : memref<128xi32, #tpu.memory_space<vmem>>) semaphore(%arg22 : memref<!tpu.dma_semaphore, #tpu.memory_space<semaphore_mem>>)
    %dma_start3A_993 = arith.constant 3 : i32
    %dma_start3A_994 = arith.constant 0 : i32
    %dma_start3A_995 = tpu.memref_slice %arg20[%dma_start3A_993, %dma_start3A_994] : memref<5x768xf32, #tpu.memory_space<vmem>> -> memref<1x128xf32, #tpu.memory_space<vmem>>
    %dma_start3A_996 = tpu.memref_squeeze %dma_start3A_995 : memref<1x128xf32, #tpu.memory_space<vmem>> -> memref<128xf32, #tpu.memory_space<vmem>>
    %dma_start3A_997 = arith.constant 0 : i32
    %dma_start3A_998 = tpu.memref_slice %arg19[%dma_start3A_997] : memref<768xi32, #tpu.memory_space<vmem>> -> memref<128xi32, #tpu.memory_space<vmem>>
    %dma_start3A_999 = arith.constant 0 : i32
    %dma_start3A_1000 = tpu.memref_slice %arg8[%dma_start3A_999] : memref<86016xf32, #tpu.memory_space<hbm>> -> memref<86016xf32, #tpu.memory_space<hbm>>
    tpu.enqueue_indirect_dma source(%dma_start3A_1000 : memref<86016xf32, #tpu.memory_space<hbm>>) target(%dma_start3A_996 : memref<128xf32, #tpu.memory_space<vmem>>) offsets(%dma_start3A_998 : memref<128xi32, #tpu.memory_space<vmem>>) semaphore(%arg22 : memref<!tpu.dma_semaphore, #tpu.memory_space<semaphore_mem>>)
    %dma_start3A_1001 = arith.constant 3 : i32
    %dma_start3A_1002 = arith.constant 128 : i32
    %dma_start3A_1003 = tpu.memref_slice %arg20[%dma_start3A_1001, %dma_start3A_1002] : memref<5x768xf32, #tpu.memory_space<vmem>> -> memref<1x128xf32, #tpu.memory_space<vmem>>
    %dma_start3A_1004 = tpu.memref_squeeze %dma_start3A_1003 : memref<1x128xf32, #tpu.memory_space<vmem>> -> memref<128xf32, #tpu.memory_space<vmem>>
    %dma_start3A_1005 = arith.constant 128 : i32
    %dma_start3A_1006 = tpu.memref_slice %arg19[%dma_start3A_1005] : memref<768xi32, #tpu.memory_space<vmem>> -> memref<128xi32, #tpu.memory_space<vmem>>
    %dma_start3A_1007 = arith.constant 0 : i32
    %dma_start3A_1008 = tpu.memref_slice %arg8[%dma_start3A_1007] : memref<86016xf32, #tpu.memory_space<hbm>> -> memref<86016xf32, #tpu.memory_space<hbm>>
    tpu.enqueue_indirect_dma source(%dma_start3A_1008 : memref<86016xf32, #tpu.memory_space<hbm>>) target(%dma_start3A_1004 : memref<128xf32, #tpu.memory_space<vmem>>) offsets(%dma_start3A_1006 : memref<128xi32, #tpu.memory_space<vmem>>) semaphore(%arg22 : memref<!tpu.dma_semaphore, #tpu.memory_space<semaphore_mem>>)
    %dma_start3A_1009 = arith.constant 3 : i32
    %dma_start3A_1010 = arith.constant 256 : i32
    %dma_start3A_1011 = tpu.memref_slice %arg20[%dma_start3A_1009, %dma_start3A_1010] : memref<5x768xf32, #tpu.memory_space<vmem>> -> memref<1x128xf32, #tpu.memory_space<vmem>>
    %dma_start3A_1012 = tpu.memref_squeeze %dma_start3A_1011 : memref<1x128xf32, #tpu.memory_space<vmem>> -> memref<128xf32, #tpu.memory_space<vmem>>
    %dma_start3A_1013 = arith.constant 256 : i32
    %dma_start3A_1014 = tpu.memref_slice %arg19[%dma_start3A_1013] : memref<768xi32, #tpu.memory_space<vmem>> -> memref<128xi32, #tpu.memory_space<vmem>>
    %dma_start3A_1015 = arith.constant 0 : i32
    %dma_start3A_1016 = tpu.memref_slice %arg8[%dma_start3A_1015] : memref<86016xf32, #tpu.memory_space<hbm>> -> memref<86016xf32, #tpu.memory_space<hbm>>
    tpu.enqueue_indirect_dma source(%dma_start3A_1016 : memref<86016xf32, #tpu.memory_space<hbm>>) target(%dma_start3A_1012 : memref<128xf32, #tpu.memory_space<vmem>>) offsets(%dma_start3A_1014 : memref<128xi32, #tpu.memory_space<vmem>>) semaphore(%arg22 : memref<!tpu.dma_semaphore, #tpu.memory_space<semaphore_mem>>)
    %dma_start3A_1017 = arith.constant 3 : i32
    %dma_start3A_1018 = arith.constant 384 : i32
    %dma_start3A_1019 = tpu.memref_slice %arg20[%dma_start3A_1017, %dma_start3A_1018] : memref<5x768xf32, #tpu.memory_space<vmem>> -> memref<1x128xf32, #tpu.memory_space<vmem>>
    %dma_start3A_1020 = tpu.memref_squeeze %dma_start3A_1019 : memref<1x128xf32, #tpu.memory_space<vmem>> -> memref<128xf32, #tpu.memory_space<vmem>>
    %dma_start3A_1021 = arith.constant 384 : i32
    %dma_start3A_1022 = tpu.memref_slice %arg19[%dma_start3A_1021] : memref<768xi32, #tpu.memory_space<vmem>> -> memref<128xi32, #tpu.memory_space<vmem>>
    %dma_start3A_1023 = arith.constant 0 : i32
    %dma_start3A_1024 = tpu.memref_slice %arg8[%dma_start3A_1023] : memref<86016xf32, #tpu.memory_space<hbm>> -> memref<86016xf32, #tpu.memory_space<hbm>>
    tpu.enqueue_indirect_dma source(%dma_start3A_1024 : memref<86016xf32, #tpu.memory_space<hbm>>) target(%dma_start3A_1020 : memref<128xf32, #tpu.memory_space<vmem>>) offsets(%dma_start3A_1022 : memref<128xi32, #tpu.memory_space<vmem>>) semaphore(%arg22 : memref<!tpu.dma_semaphore, #tpu.memory_space<semaphore_mem>>)
    %dma_start3A_1025 = arith.constant 3 : i32
    %dma_start3A_1026 = arith.constant 512 : i32
    %dma_start3A_1027 = tpu.memref_slice %arg20[%dma_start3A_1025, %dma_start3A_1026] : memref<5x768xf32, #tpu.memory_space<vmem>> -> memref<1x128xf32, #tpu.memory_space<vmem>>
    %dma_start3A_1028 = tpu.memref_squeeze %dma_start3A_1027 : memref<1x128xf32, #tpu.memory_space<vmem>> -> memref<128xf32, #tpu.memory_space<vmem>>
    %dma_start3A_1029 = arith.constant 512 : i32
    %dma_start3A_1030 = tpu.memref_slice %arg19[%dma_start3A_1029] : memref<768xi32, #tpu.memory_space<vmem>> -> memref<128xi32, #tpu.memory_space<vmem>>
    %dma_start3A_1031 = arith.constant 0 : i32
    %dma_start3A_1032 = tpu.memref_slice %arg8[%dma_start3A_1031] : memref<86016xf32, #tpu.memory_space<hbm>> -> memref<86016xf32, #tpu.memory_space<hbm>>
    tpu.enqueue_indirect_dma source(%dma_start3A_1032 : memref<86016xf32, #tpu.memory_space<hbm>>) target(%dma_start3A_1028 : memref<128xf32, #tpu.memory_space<vmem>>) offsets(%dma_start3A_1030 : memref<128xi32, #tpu.memory_space<vmem>>) semaphore(%arg22 : memref<!tpu.dma_semaphore, #tpu.memory_space<semaphore_mem>>)
    %dma_start3A_1033 = arith.constant 3 : i32
    %dma_start3A_1034 = arith.constant 640 : i32
    %dma_start3A_1035 = tpu.memref_slice %arg20[%dma_start3A_1033, %dma_start3A_1034] : memref<5x768xf32, #tpu.memory_space<vmem>> -> memref<1x128xf32, #tpu.memory_space<vmem>>
    %dma_start3A_1036 = tpu.memref_squeeze %dma_start3A_1035 : memref<1x128xf32, #tpu.memory_space<vmem>> -> memref<128xf32, #tpu.memory_space<vmem>>
    %dma_start3A_1037 = arith.constant 640 : i32
    %dma_start3A_1038 = tpu.memref_slice %arg19[%dma_start3A_1037] : memref<768xi32, #tpu.memory_space<vmem>> -> memref<128xi32, #tpu.memory_space<vmem>>
    %dma_start3A_1039 = arith.constant 0 : i32
    %dma_start3A_1040 = tpu.memref_slice %arg8[%dma_start3A_1039] : memref<86016xf32, #tpu.memory_space<hbm>> -> memref<86016xf32, #tpu.memory_space<hbm>>
    tpu.enqueue_indirect_dma source(%dma_start3A_1040 : memref<86016xf32, #tpu.memory_space<hbm>>) target(%dma_start3A_1036 : memref<128xf32, #tpu.memory_space<vmem>>) offsets(%dma_start3A_1038 : memref<128xi32, #tpu.memory_space<vmem>>) semaphore(%arg22 : memref<!tpu.dma_semaphore, #tpu.memory_space<semaphore_mem>>)
    %dma_start3A_1041 = arith.constant 4 : i32
    %dma_start3A_1042 = arith.constant 0 : i32
    %dma_start3A_1043 = tpu.memref_slice %arg20[%dma_start3A_1041, %dma_start3A_1042] : memref<5x768xf32, #tpu.memory_space<vmem>> -> memref<1x128xf32, #tpu.memory_space<vmem>>
    %dma_start3A_1044 = tpu.memref_squeeze %dma_start3A_1043 : memref<1x128xf32, #tpu.memory_space<vmem>> -> memref<128xf32, #tpu.memory_space<vmem>>
    %dma_start3A_1045 = arith.constant 0 : i32
    %dma_start3A_1046 = tpu.memref_slice %arg19[%dma_start3A_1045] : memref<768xi32, #tpu.memory_space<vmem>> -> memref<128xi32, #tpu.memory_space<vmem>>
    %dma_start3A_1047 = arith.constant 0 : i32
    %dma_start3A_1048 = tpu.memref_slice %arg9[%dma_start3A_1047] : memref<86016xf32, #tpu.memory_space<hbm>> -> memref<86016xf32, #tpu.memory_space<hbm>>
    tpu.enqueue_indirect_dma source(%dma_start3A_1048 : memref<86016xf32, #tpu.memory_space<hbm>>) target(%dma_start3A_1044 : memref<128xf32, #tpu.memory_space<vmem>>) offsets(%dma_start3A_1046 : memref<128xi32, #tpu.memory_space<vmem>>) semaphore(%arg22 : memref<!tpu.dma_semaphore, #tpu.memory_space<semaphore_mem>>)
    %dma_start3A_1049 = arith.constant 4 : i32
    %dma_start3A_1050 = arith.constant 128 : i32
    %dma_start3A_1051 = tpu.memref_slice %arg20[%dma_start3A_1049, %dma_start3A_1050] : memref<5x768xf32, #tpu.memory_space<vmem>> -> memref<1x128xf32, #tpu.memory_space<vmem>>
    %dma_start3A_1052 = tpu.memref_squeeze %dma_start3A_1051 : memref<1x128xf32, #tpu.memory_space<vmem>> -> memref<128xf32, #tpu.memory_space<vmem>>
    %dma_start3A_1053 = arith.constant 128 : i32
    %dma_start3A_1054 = tpu.memref_slice %arg19[%dma_start3A_1053] : memref<768xi32, #tpu.memory_space<vmem>> -> memref<128xi32, #tpu.memory_space<vmem>>
    %dma_start3A_1055 = arith.constant 0 : i32
    %dma_start3A_1056 = tpu.memref_slice %arg9[%dma_start3A_1055] : memref<86016xf32, #tpu.memory_space<hbm>> -> memref<86016xf32, #tpu.memory_space<hbm>>
    tpu.enqueue_indirect_dma source(%dma_start3A_1056 : memref<86016xf32, #tpu.memory_space<hbm>>) target(%dma_start3A_1052 : memref<128xf32, #tpu.memory_space<vmem>>) offsets(%dma_start3A_1054 : memref<128xi32, #tpu.memory_space<vmem>>) semaphore(%arg22 : memref<!tpu.dma_semaphore, #tpu.memory_space<semaphore_mem>>)
    %dma_start3A_1057 = arith.constant 4 : i32
    %dma_start3A_1058 = arith.constant 256 : i32
    %dma_start3A_1059 = tpu.memref_slice %arg20[%dma_start3A_1057, %dma_start3A_1058] : memref<5x768xf32, #tpu.memory_space<vmem>> -> memref<1x128xf32, #tpu.memory_space<vmem>>
    %dma_start3A_1060 = tpu.memref_squeeze %dma_start3A_1059 : memref<1x128xf32, #tpu.memory_space<vmem>> -> memref<128xf32, #tpu.memory_space<vmem>>
    %dma_start3A_1061 = arith.constant 256 : i32
    %dma_start3A_1062 = tpu.memref_slice %arg19[%dma_start3A_1061] : memref<768xi32, #tpu.memory_space<vmem>> -> memref<128xi32, #tpu.memory_space<vmem>>
    %dma_start3A_1063 = arith.constant 0 : i32
    %dma_start3A_1064 = tpu.memref_slice %arg9[%dma_start3A_1063] : memref<86016xf32, #tpu.memory_space<hbm>> -> memref<86016xf32, #tpu.memory_space<hbm>>
    tpu.enqueue_indirect_dma source(%dma_start3A_1064 : memref<86016xf32, #tpu.memory_space<hbm>>) target(%dma_start3A_1060 : memref<128xf32, #tpu.memory_space<vmem>>) offsets(%dma_start3A_1062 : memref<128xi32, #tpu.memory_space<vmem>>) semaphore(%arg22 : memref<!tpu.dma_semaphore, #tpu.memory_space<semaphore_mem>>)
    %dma_start3A_1065 = arith.constant 4 : i32
    %dma_start3A_1066 = arith.constant 384 : i32
    %dma_start3A_1067 = tpu.memref_slice %arg20[%dma_start3A_1065, %dma_start3A_1066] : memref<5x768xf32, #tpu.memory_space<vmem>> -> memref<1x128xf32, #tpu.memory_space<vmem>>
    %dma_start3A_1068 = tpu.memref_squeeze %dma_start3A_1067 : memref<1x128xf32, #tpu.memory_space<vmem>> -> memref<128xf32, #tpu.memory_space<vmem>>
    %dma_start3A_1069 = arith.constant 384 : i32
    %dma_start3A_1070 = tpu.memref_slice %arg19[%dma_start3A_1069] : memref<768xi32, #tpu.memory_space<vmem>> -> memref<128xi32, #tpu.memory_space<vmem>>
    %dma_start3A_1071 = arith.constant 0 : i32
    %dma_start3A_1072 = tpu.memref_slice %arg9[%dma_start3A_1071] : memref<86016xf32, #tpu.memory_space<hbm>> -> memref<86016xf32, #tpu.memory_space<hbm>>
    tpu.enqueue_indirect_dma source(%dma_start3A_1072 : memref<86016xf32, #tpu.memory_space<hbm>>) target(%dma_start3A_1068 : memref<128xf32, #tpu.memory_space<vmem>>) offsets(%dma_start3A_1070 : memref<128xi32, #tpu.memory_space<vmem>>) semaphore(%arg22 : memref<!tpu.dma_semaphore, #tpu.memory_space<semaphore_mem>>)
    %dma_start3A_1073 = arith.constant 4 : i32
    %dma_start3A_1074 = arith.constant 512 : i32
    %dma_start3A_1075 = tpu.memref_slice %arg20[%dma_start3A_1073, %dma_start3A_1074] : memref<5x768xf32, #tpu.memory_space<vmem>> -> memref<1x128xf32, #tpu.memory_space<vmem>>
    %dma_start3A_1076 = tpu.memref_squeeze %dma_start3A_1075 : memref<1x128xf32, #tpu.memory_space<vmem>> -> memref<128xf32, #tpu.memory_space<vmem>>
    %dma_start3A_1077 = arith.constant 512 : i32
    %dma_start3A_1078 = tpu.memref_slice %arg19[%dma_start3A_1077] : memref<768xi32, #tpu.memory_space<vmem>> -> memref<128xi32, #tpu.memory_space<vmem>>
    %dma_start3A_1079 = arith.constant 0 : i32
    %dma_start3A_1080 = tpu.memref_slice %arg9[%dma_start3A_1079] : memref<86016xf32, #tpu.memory_space<hbm>> -> memref<86016xf32, #tpu.memory_space<hbm>>
    tpu.enqueue_indirect_dma source(%dma_start3A_1080 : memref<86016xf32, #tpu.memory_space<hbm>>) target(%dma_start3A_1076 : memref<128xf32, #tpu.memory_space<vmem>>) offsets(%dma_start3A_1078 : memref<128xi32, #tpu.memory_space<vmem>>) semaphore(%arg22 : memref<!tpu.dma_semaphore, #tpu.memory_space<semaphore_mem>>)
    %dma_start3A_1081 = arith.constant 4 : i32
    %dma_start3A_1082 = arith.constant 640 : i32
    %dma_start3A_1083 = tpu.memref_slice %arg20[%dma_start3A_1081, %dma_start3A_1082] : memref<5x768xf32, #tpu.memory_space<vmem>> -> memref<1x128xf32, #tpu.memory_space<vmem>>
    %dma_start3A_1084 = tpu.memref_squeeze %dma_start3A_1083 : memref<1x128xf32, #tpu.memory_space<vmem>> -> memref<128xf32, #tpu.memory_space<vmem>>
    %dma_start3A_1085 = arith.constant 640 : i32
    %dma_start3A_1086 = tpu.memref_slice %arg19[%dma_start3A_1085] : memref<768xi32, #tpu.memory_space<vmem>> -> memref<128xi32, #tpu.memory_space<vmem>>
    %dma_start3A_1087 = arith.constant 0 : i32
    %dma_start3A_1088 = tpu.memref_slice %arg9[%dma_start3A_1087] : memref<86016xf32, #tpu.memory_space<hbm>> -> memref<86016xf32, #tpu.memory_space<hbm>>
    tpu.enqueue_indirect_dma source(%dma_start3A_1088 : memref<86016xf32, #tpu.memory_space<hbm>>) target(%dma_start3A_1084 : memref<128xf32, #tpu.memory_space<vmem>>) offsets(%dma_start3A_1086 : memref<128xi32, #tpu.memory_space<vmem>>) semaphore(%arg22 : memref<!tpu.dma_semaphore, #tpu.memory_space<semaphore_mem>>)
    %dma_wait3A_1089 = arith.constant 0 : i32
    %dma_wait3A_1090 = arith.constant 0 : i32
    %dma_wait3A_1091 = tpu.memref_slice %arg20[%dma_wait3A_1089, %dma_wait3A_1090] : memref<5x768xf32, #tpu.memory_space<vmem>> -> memref<1x128xf32, #tpu.memory_space<vmem>>
    %dma_wait3A_1092 = tpu.memref_squeeze %dma_wait3A_1091 : memref<1x128xf32, #tpu.memory_space<vmem>> -> memref<128xf32, #tpu.memory_space<vmem>>
    %dma_wait3A_1093 = arith.constant 0 : i32
    %dma_wait3A_1094 = tpu.memref_slice %arg19[%dma_wait3A_1093] : memref<768xi32, #tpu.memory_space<vmem>> -> memref<128xi32, #tpu.memory_space<vmem>>
    %dma_wait3A_1095 = arith.constant 0 : i32
    %dma_wait3A_1096 = tpu.memref_slice %arg5[%dma_wait3A_1095] : memref<86016xf32, #tpu.memory_space<hbm>> -> memref<86016xf32, #tpu.memory_space<hbm>>
    tpu.wait_indirect_dma semaphore(%arg22 : memref<!tpu.dma_semaphore, #tpu.memory_space<semaphore_mem>>) src(%dma_wait3A_1096 : memref<86016xf32, #tpu.memory_space<hbm>>) dst(%dma_wait3A_1092 : memref<128xf32, #tpu.memory_space<vmem>>)
    %dma_wait3A_1097 = arith.constant 0 : i32
    %dma_wait3A_1098 = arith.constant 128 : i32
    %dma_wait3A_1099 = tpu.memref_slice %arg20[%dma_wait3A_1097, %dma_wait3A_1098] : memref<5x768xf32, #tpu.memory_space<vmem>> -> memref<1x128xf32, #tpu.memory_space<vmem>>
    %dma_wait3A_1100 = tpu.memref_squeeze %dma_wait3A_1099 : memref<1x128xf32, #tpu.memory_space<vmem>> -> memref<128xf32, #tpu.memory_space<vmem>>
    %dma_wait3A_1101 = arith.constant 128 : i32
    %dma_wait3A_1102 = tpu.memref_slice %arg19[%dma_wait3A_1101] : memref<768xi32, #tpu.memory_space<vmem>> -> memref<128xi32, #tpu.memory_space<vmem>>
    %dma_wait3A_1103 = arith.constant 0 : i32
    %dma_wait3A_1104 = tpu.memref_slice %arg5[%dma_wait3A_1103] : memref<86016xf32, #tpu.memory_space<hbm>> -> memref<86016xf32, #tpu.memory_space<hbm>>
    tpu.wait_indirect_dma semaphore(%arg22 : memref<!tpu.dma_semaphore, #tpu.memory_space<semaphore_mem>>) src(%dma_wait3A_1104 : memref<86016xf32, #tpu.memory_space<hbm>>) dst(%dma_wait3A_1100 : memref<128xf32, #tpu.memory_space<vmem>>)
    %dma_wait3A_1105 = arith.constant 0 : i32
    %dma_wait3A_1106 = arith.constant 256 : i32
    %dma_wait3A_1107 = tpu.memref_slice %arg20[%dma_wait3A_1105, %dma_wait3A_1106] : memref<5x768xf32, #tpu.memory_space<vmem>> -> memref<1x128xf32, #tpu.memory_space<vmem>>
    %dma_wait3A_1108 = tpu.memref_squeeze %dma_wait3A_1107 : memref<1x128xf32, #tpu.memory_space<vmem>> -> memref<128xf32, #tpu.memory_space<vmem>>
    %dma_wait3A_1109 = arith.constant 256 : i32
    %dma_wait3A_1110 = tpu.memref_slice %arg19[%dma_wait3A_1109] : memref<768xi32, #tpu.memory_space<vmem>> -> memref<128xi32, #tpu.memory_space<vmem>>
    %dma_wait3A_1111 = arith.constant 0 : i32
    %dma_wait3A_1112 = tpu.memref_slice %arg5[%dma_wait3A_1111] : memref<86016xf32, #tpu.memory_space<hbm>> -> memref<86016xf32, #tpu.memory_space<hbm>>
    tpu.wait_indirect_dma semaphore(%arg22 : memref<!tpu.dma_semaphore, #tpu.memory_space<semaphore_mem>>) src(%dma_wait3A_1112 : memref<86016xf32, #tpu.memory_space<hbm>>) dst(%dma_wait3A_1108 : memref<128xf32, #tpu.memory_space<vmem>>)
    %dma_wait3A_1113 = arith.constant 0 : i32
    %dma_wait3A_1114 = arith.constant 384 : i32
    %dma_wait3A_1115 = tpu.memref_slice %arg20[%dma_wait3A_1113, %dma_wait3A_1114] : memref<5x768xf32, #tpu.memory_space<vmem>> -> memref<1x128xf32, #tpu.memory_space<vmem>>
    %dma_wait3A_1116 = tpu.memref_squeeze %dma_wait3A_1115 : memref<1x128xf32, #tpu.memory_space<vmem>> -> memref<128xf32, #tpu.memory_space<vmem>>
    %dma_wait3A_1117 = arith.constant 384 : i32
    %dma_wait3A_1118 = tpu.memref_slice %arg19[%dma_wait3A_1117] : memref<768xi32, #tpu.memory_space<vmem>> -> memref<128xi32, #tpu.memory_space<vmem>>
    %dma_wait3A_1119 = arith.constant 0 : i32
    %dma_wait3A_1120 = tpu.memref_slice %arg5[%dma_wait3A_1119] : memref<86016xf32, #tpu.memory_space<hbm>> -> memref<86016xf32, #tpu.memory_space<hbm>>
    tpu.wait_indirect_dma semaphore(%arg22 : memref<!tpu.dma_semaphore, #tpu.memory_space<semaphore_mem>>) src(%dma_wait3A_1120 : memref<86016xf32, #tpu.memory_space<hbm>>) dst(%dma_wait3A_1116 : memref<128xf32, #tpu.memory_space<vmem>>)
    %dma_wait3A_1121 = arith.constant 0 : i32
    %dma_wait3A_1122 = arith.constant 512 : i32
    %dma_wait3A_1123 = tpu.memref_slice %arg20[%dma_wait3A_1121, %dma_wait3A_1122] : memref<5x768xf32, #tpu.memory_space<vmem>> -> memref<1x128xf32, #tpu.memory_space<vmem>>
    %dma_wait3A_1124 = tpu.memref_squeeze %dma_wait3A_1123 : memref<1x128xf32, #tpu.memory_space<vmem>> -> memref<128xf32, #tpu.memory_space<vmem>>
    %dma_wait3A_1125 = arith.constant 512 : i32
    %dma_wait3A_1126 = tpu.memref_slice %arg19[%dma_wait3A_1125] : memref<768xi32, #tpu.memory_space<vmem>> -> memref<128xi32, #tpu.memory_space<vmem>>
    %dma_wait3A_1127 = arith.constant 0 : i32
    %dma_wait3A_1128 = tpu.memref_slice %arg5[%dma_wait3A_1127] : memref<86016xf32, #tpu.memory_space<hbm>> -> memref<86016xf32, #tpu.memory_space<hbm>>
    tpu.wait_indirect_dma semaphore(%arg22 : memref<!tpu.dma_semaphore, #tpu.memory_space<semaphore_mem>>) src(%dma_wait3A_1128 : memref<86016xf32, #tpu.memory_space<hbm>>) dst(%dma_wait3A_1124 : memref<128xf32, #tpu.memory_space<vmem>>)
    %dma_wait3A_1129 = arith.constant 0 : i32
    %dma_wait3A_1130 = arith.constant 640 : i32
    %dma_wait3A_1131 = tpu.memref_slice %arg20[%dma_wait3A_1129, %dma_wait3A_1130] : memref<5x768xf32, #tpu.memory_space<vmem>> -> memref<1x128xf32, #tpu.memory_space<vmem>>
    %dma_wait3A_1132 = tpu.memref_squeeze %dma_wait3A_1131 : memref<1x128xf32, #tpu.memory_space<vmem>> -> memref<128xf32, #tpu.memory_space<vmem>>
    %dma_wait3A_1133 = arith.constant 640 : i32
    %dma_wait3A_1134 = tpu.memref_slice %arg19[%dma_wait3A_1133] : memref<768xi32, #tpu.memory_space<vmem>> -> memref<128xi32, #tpu.memory_space<vmem>>
    %dma_wait3A_1135 = arith.constant 0 : i32
    %dma_wait3A_1136 = tpu.memref_slice %arg5[%dma_wait3A_1135] : memref<86016xf32, #tpu.memory_space<hbm>> -> memref<86016xf32, #tpu.memory_space<hbm>>
    tpu.wait_indirect_dma semaphore(%arg22 : memref<!tpu.dma_semaphore, #tpu.memory_space<semaphore_mem>>) src(%dma_wait3A_1136 : memref<86016xf32, #tpu.memory_space<hbm>>) dst(%dma_wait3A_1132 : memref<128xf32, #tpu.memory_space<vmem>>)
    %dma_wait3A_1137 = arith.constant 1 : i32
    %dma_wait3A_1138 = arith.constant 0 : i32
    %dma_wait3A_1139 = tpu.memref_slice %arg20[%dma_wait3A_1137, %dma_wait3A_1138] : memref<5x768xf32, #tpu.memory_space<vmem>> -> memref<1x128xf32, #tpu.memory_space<vmem>>
    %dma_wait3A_1140 = tpu.memref_squeeze %dma_wait3A_1139 : memref<1x128xf32, #tpu.memory_space<vmem>> -> memref<128xf32, #tpu.memory_space<vmem>>
    %dma_wait3A_1141 = arith.constant 0 : i32
    %dma_wait3A_1142 = tpu.memref_slice %arg19[%dma_wait3A_1141] : memref<768xi32, #tpu.memory_space<vmem>> -> memref<128xi32, #tpu.memory_space<vmem>>
    %dma_wait3A_1143 = arith.constant 0 : i32
    %dma_wait3A_1144 = tpu.memref_slice %arg6[%dma_wait3A_1143] : memref<86016xf32, #tpu.memory_space<hbm>> -> memref<86016xf32, #tpu.memory_space<hbm>>
    tpu.wait_indirect_dma semaphore(%arg22 : memref<!tpu.dma_semaphore, #tpu.memory_space<semaphore_mem>>) src(%dma_wait3A_1144 : memref<86016xf32, #tpu.memory_space<hbm>>) dst(%dma_wait3A_1140 : memref<128xf32, #tpu.memory_space<vmem>>)
    %dma_wait3A_1145 = arith.constant 1 : i32
    %dma_wait3A_1146 = arith.constant 128 : i32
    %dma_wait3A_1147 = tpu.memref_slice %arg20[%dma_wait3A_1145, %dma_wait3A_1146] : memref<5x768xf32, #tpu.memory_space<vmem>> -> memref<1x128xf32, #tpu.memory_space<vmem>>
    %dma_wait3A_1148 = tpu.memref_squeeze %dma_wait3A_1147 : memref<1x128xf32, #tpu.memory_space<vmem>> -> memref<128xf32, #tpu.memory_space<vmem>>
    %dma_wait3A_1149 = arith.constant 128 : i32
    %dma_wait3A_1150 = tpu.memref_slice %arg19[%dma_wait3A_1149] : memref<768xi32, #tpu.memory_space<vmem>> -> memref<128xi32, #tpu.memory_space<vmem>>
    %dma_wait3A_1151 = arith.constant 0 : i32
    %dma_wait3A_1152 = tpu.memref_slice %arg6[%dma_wait3A_1151] : memref<86016xf32, #tpu.memory_space<hbm>> -> memref<86016xf32, #tpu.memory_space<hbm>>
    tpu.wait_indirect_dma semaphore(%arg22 : memref<!tpu.dma_semaphore, #tpu.memory_space<semaphore_mem>>) src(%dma_wait3A_1152 : memref<86016xf32, #tpu.memory_space<hbm>>) dst(%dma_wait3A_1148 : memref<128xf32, #tpu.memory_space<vmem>>)
    %dma_wait3A_1153 = arith.constant 1 : i32
    %dma_wait3A_1154 = arith.constant 256 : i32
    %dma_wait3A_1155 = tpu.memref_slice %arg20[%dma_wait3A_1153, %dma_wait3A_1154] : memref<5x768xf32, #tpu.memory_space<vmem>> -> memref<1x128xf32, #tpu.memory_space<vmem>>
    %dma_wait3A_1156 = tpu.memref_squeeze %dma_wait3A_1155 : memref<1x128xf32, #tpu.memory_space<vmem>> -> memref<128xf32, #tpu.memory_space<vmem>>
    %dma_wait3A_1157 = arith.constant 256 : i32
    %dma_wait3A_1158 = tpu.memref_slice %arg19[%dma_wait3A_1157] : memref<768xi32, #tpu.memory_space<vmem>> -> memref<128xi32, #tpu.memory_space<vmem>>
    %dma_wait3A_1159 = arith.constant 0 : i32
    %dma_wait3A_1160 = tpu.memref_slice %arg6[%dma_wait3A_1159] : memref<86016xf32, #tpu.memory_space<hbm>> -> memref<86016xf32, #tpu.memory_space<hbm>>
    tpu.wait_indirect_dma semaphore(%arg22 : memref<!tpu.dma_semaphore, #tpu.memory_space<semaphore_mem>>) src(%dma_wait3A_1160 : memref<86016xf32, #tpu.memory_space<hbm>>) dst(%dma_wait3A_1156 : memref<128xf32, #tpu.memory_space<vmem>>)
    %dma_wait3A_1161 = arith.constant 1 : i32
    %dma_wait3A_1162 = arith.constant 384 : i32
    %dma_wait3A_1163 = tpu.memref_slice %arg20[%dma_wait3A_1161, %dma_wait3A_1162] : memref<5x768xf32, #tpu.memory_space<vmem>> -> memref<1x128xf32, #tpu.memory_space<vmem>>
    %dma_wait3A_1164 = tpu.memref_squeeze %dma_wait3A_1163 : memref<1x128xf32, #tpu.memory_space<vmem>> -> memref<128xf32, #tpu.memory_space<vmem>>
    %dma_wait3A_1165 = arith.constant 384 : i32
    %dma_wait3A_1166 = tpu.memref_slice %arg19[%dma_wait3A_1165] : memref<768xi32, #tpu.memory_space<vmem>> -> memref<128xi32, #tpu.memory_space<vmem>>
    %dma_wait3A_1167 = arith.constant 0 : i32
    %dma_wait3A_1168 = tpu.memref_slice %arg6[%dma_wait3A_1167] : memref<86016xf32, #tpu.memory_space<hbm>> -> memref<86016xf32, #tpu.memory_space<hbm>>
    tpu.wait_indirect_dma semaphore(%arg22 : memref<!tpu.dma_semaphore, #tpu.memory_space<semaphore_mem>>) src(%dma_wait3A_1168 : memref<86016xf32, #tpu.memory_space<hbm>>) dst(%dma_wait3A_1164 : memref<128xf32, #tpu.memory_space<vmem>>)
    %dma_wait3A_1169 = arith.constant 1 : i32
    %dma_wait3A_1170 = arith.constant 512 : i32
    %dma_wait3A_1171 = tpu.memref_slice %arg20[%dma_wait3A_1169, %dma_wait3A_1170] : memref<5x768xf32, #tpu.memory_space<vmem>> -> memref<1x128xf32, #tpu.memory_space<vmem>>
    %dma_wait3A_1172 = tpu.memref_squeeze %dma_wait3A_1171 : memref<1x128xf32, #tpu.memory_space<vmem>> -> memref<128xf32, #tpu.memory_space<vmem>>
    %dma_wait3A_1173 = arith.constant 512 : i32
    %dma_wait3A_1174 = tpu.memref_slice %arg19[%dma_wait3A_1173] : memref<768xi32, #tpu.memory_space<vmem>> -> memref<128xi32, #tpu.memory_space<vmem>>
    %dma_wait3A_1175 = arith.constant 0 : i32
    %dma_wait3A_1176 = tpu.memref_slice %arg6[%dma_wait3A_1175] : memref<86016xf32, #tpu.memory_space<hbm>> -> memref<86016xf32, #tpu.memory_space<hbm>>
    tpu.wait_indirect_dma semaphore(%arg22 : memref<!tpu.dma_semaphore, #tpu.memory_space<semaphore_mem>>) src(%dma_wait3A_1176 : memref<86016xf32, #tpu.memory_space<hbm>>) dst(%dma_wait3A_1172 : memref<128xf32, #tpu.memory_space<vmem>>)
    %dma_wait3A_1177 = arith.constant 1 : i32
    %dma_wait3A_1178 = arith.constant 640 : i32
    %dma_wait3A_1179 = tpu.memref_slice %arg20[%dma_wait3A_1177, %dma_wait3A_1178] : memref<5x768xf32, #tpu.memory_space<vmem>> -> memref<1x128xf32, #tpu.memory_space<vmem>>
    %dma_wait3A_1180 = tpu.memref_squeeze %dma_wait3A_1179 : memref<1x128xf32, #tpu.memory_space<vmem>> -> memref<128xf32, #tpu.memory_space<vmem>>
    %dma_wait3A_1181 = arith.constant 640 : i32
    %dma_wait3A_1182 = tpu.memref_slice %arg19[%dma_wait3A_1181] : memref<768xi32, #tpu.memory_space<vmem>> -> memref<128xi32, #tpu.memory_space<vmem>>
    %dma_wait3A_1183 = arith.constant 0 : i32
    %dma_wait3A_1184 = tpu.memref_slice %arg6[%dma_wait3A_1183] : memref<86016xf32, #tpu.memory_space<hbm>> -> memref<86016xf32, #tpu.memory_space<hbm>>
    tpu.wait_indirect_dma semaphore(%arg22 : memref<!tpu.dma_semaphore, #tpu.memory_space<semaphore_mem>>) src(%dma_wait3A_1184 : memref<86016xf32, #tpu.memory_space<hbm>>) dst(%dma_wait3A_1180 : memref<128xf32, #tpu.memory_space<vmem>>)
    %dma_wait3A_1185 = arith.constant 2 : i32
    %dma_wait3A_1186 = arith.constant 0 : i32
    %dma_wait3A_1187 = tpu.memref_slice %arg20[%dma_wait3A_1185, %dma_wait3A_1186] : memref<5x768xf32, #tpu.memory_space<vmem>> -> memref<1x128xf32, #tpu.memory_space<vmem>>
    %dma_wait3A_1188 = tpu.memref_squeeze %dma_wait3A_1187 : memref<1x128xf32, #tpu.memory_space<vmem>> -> memref<128xf32, #tpu.memory_space<vmem>>
    %dma_wait3A_1189 = arith.constant 0 : i32
    %dma_wait3A_1190 = tpu.memref_slice %arg19[%dma_wait3A_1189] : memref<768xi32, #tpu.memory_space<vmem>> -> memref<128xi32, #tpu.memory_space<vmem>>
    %dma_wait3A_1191 = arith.constant 0 : i32
    %dma_wait3A_1192 = tpu.memref_slice %arg7[%dma_wait3A_1191] : memref<86016xf32, #tpu.memory_space<hbm>> -> memref<86016xf32, #tpu.memory_space<hbm>>
    tpu.wait_indirect_dma semaphore(%arg22 : memref<!tpu.dma_semaphore, #tpu.memory_space<semaphore_mem>>) src(%dma_wait3A_1192 : memref<86016xf32, #tpu.memory_space<hbm>>) dst(%dma_wait3A_1188 : memref<128xf32, #tpu.memory_space<vmem>>)
    %dma_wait3A_1193 = arith.constant 2 : i32
    %dma_wait3A_1194 = arith.constant 128 : i32
    %dma_wait3A_1195 = tpu.memref_slice %arg20[%dma_wait3A_1193, %dma_wait3A_1194] : memref<5x768xf32, #tpu.memory_space<vmem>> -> memref<1x128xf32, #tpu.memory_space<vmem>>
    %dma_wait3A_1196 = tpu.memref_squeeze %dma_wait3A_1195 : memref<1x128xf32, #tpu.memory_space<vmem>> -> memref<128xf32, #tpu.memory_space<vmem>>
    %dma_wait3A_1197 = arith.constant 128 : i32
    %dma_wait3A_1198 = tpu.memref_slice %arg19[%dma_wait3A_1197] : memref<768xi32, #tpu.memory_space<vmem>> -> memref<128xi32, #tpu.memory_space<vmem>>
    %dma_wait3A_1199 = arith.constant 0 : i32
    %dma_wait3A_1200 = tpu.memref_slice %arg7[%dma_wait3A_1199] : memref<86016xf32, #tpu.memory_space<hbm>> -> memref<86016xf32, #tpu.memory_space<hbm>>
    tpu.wait_indirect_dma semaphore(%arg22 : memref<!tpu.dma_semaphore, #tpu.memory_space<semaphore_mem>>) src(%dma_wait3A_1200 : memref<86016xf32, #tpu.memory_space<hbm>>) dst(%dma_wait3A_1196 : memref<128xf32, #tpu.memory_space<vmem>>)
    %dma_wait3A_1201 = arith.constant 2 : i32
    %dma_wait3A_1202 = arith.constant 256 : i32
    %dma_wait3A_1203 = tpu.memref_slice %arg20[%dma_wait3A_1201, %dma_wait3A_1202] : memref<5x768xf32, #tpu.memory_space<vmem>> -> memref<1x128xf32, #tpu.memory_space<vmem>>
    %dma_wait3A_1204 = tpu.memref_squeeze %dma_wait3A_1203 : memref<1x128xf32, #tpu.memory_space<vmem>> -> memref<128xf32, #tpu.memory_space<vmem>>
    %dma_wait3A_1205 = arith.constant 256 : i32
    %dma_wait3A_1206 = tpu.memref_slice %arg19[%dma_wait3A_1205] : memref<768xi32, #tpu.memory_space<vmem>> -> memref<128xi32, #tpu.memory_space<vmem>>
    %dma_wait3A_1207 = arith.constant 0 : i32
    %dma_wait3A_1208 = tpu.memref_slice %arg7[%dma_wait3A_1207] : memref<86016xf32, #tpu.memory_space<hbm>> -> memref<86016xf32, #tpu.memory_space<hbm>>
    tpu.wait_indirect_dma semaphore(%arg22 : memref<!tpu.dma_semaphore, #tpu.memory_space<semaphore_mem>>) src(%dma_wait3A_1208 : memref<86016xf32, #tpu.memory_space<hbm>>) dst(%dma_wait3A_1204 : memref<128xf32, #tpu.memory_space<vmem>>)
    %dma_wait3A_1209 = arith.constant 2 : i32
    %dma_wait3A_1210 = arith.constant 384 : i32
    %dma_wait3A_1211 = tpu.memref_slice %arg20[%dma_wait3A_1209, %dma_wait3A_1210] : memref<5x768xf32, #tpu.memory_space<vmem>> -> memref<1x128xf32, #tpu.memory_space<vmem>>
    %dma_wait3A_1212 = tpu.memref_squeeze %dma_wait3A_1211 : memref<1x128xf32, #tpu.memory_space<vmem>> -> memref<128xf32, #tpu.memory_space<vmem>>
    %dma_wait3A_1213 = arith.constant 384 : i32
    %dma_wait3A_1214 = tpu.memref_slice %arg19[%dma_wait3A_1213] : memref<768xi32, #tpu.memory_space<vmem>> -> memref<128xi32, #tpu.memory_space<vmem>>
    %dma_wait3A_1215 = arith.constant 0 : i32
    %dma_wait3A_1216 = tpu.memref_slice %arg7[%dma_wait3A_1215] : memref<86016xf32, #tpu.memory_space<hbm>> -> memref<86016xf32, #tpu.memory_space<hbm>>
    tpu.wait_indirect_dma semaphore(%arg22 : memref<!tpu.dma_semaphore, #tpu.memory_space<semaphore_mem>>) src(%dma_wait3A_1216 : memref<86016xf32, #tpu.memory_space<hbm>>) dst(%dma_wait3A_1212 : memref<128xf32, #tpu.memory_space<vmem>>)
    %dma_wait3A_1217 = arith.constant 2 : i32
    %dma_wait3A_1218 = arith.constant 512 : i32
    %dma_wait3A_1219 = tpu.memref_slice %arg20[%dma_wait3A_1217, %dma_wait3A_1218] : memref<5x768xf32, #tpu.memory_space<vmem>> -> memref<1x128xf32, #tpu.memory_space<vmem>>
    %dma_wait3A_1220 = tpu.memref_squeeze %dma_wait3A_1219 : memref<1x128xf32, #tpu.memory_space<vmem>> -> memref<128xf32, #tpu.memory_space<vmem>>
    %dma_wait3A_1221 = arith.constant 512 : i32
    %dma_wait3A_1222 = tpu.memref_slice %arg19[%dma_wait3A_1221] : memref<768xi32, #tpu.memory_space<vmem>> -> memref<128xi32, #tpu.memory_space<vmem>>
    %dma_wait3A_1223 = arith.constant 0 : i32
    %dma_wait3A_1224 = tpu.memref_slice %arg7[%dma_wait3A_1223] : memref<86016xf32, #tpu.memory_space<hbm>> -> memref<86016xf32, #tpu.memory_space<hbm>>
    tpu.wait_indirect_dma semaphore(%arg22 : memref<!tpu.dma_semaphore, #tpu.memory_space<semaphore_mem>>) src(%dma_wait3A_1224 : memref<86016xf32, #tpu.memory_space<hbm>>) dst(%dma_wait3A_1220 : memref<128xf32, #tpu.memory_space<vmem>>)
    %dma_wait3A_1225 = arith.constant 2 : i32
    %dma_wait3A_1226 = arith.constant 640 : i32
    %dma_wait3A_1227 = tpu.memref_slice %arg20[%dma_wait3A_1225, %dma_wait3A_1226] : memref<5x768xf32, #tpu.memory_space<vmem>> -> memref<1x128xf32, #tpu.memory_space<vmem>>
    %dma_wait3A_1228 = tpu.memref_squeeze %dma_wait3A_1227 : memref<1x128xf32, #tpu.memory_space<vmem>> -> memref<128xf32, #tpu.memory_space<vmem>>
    %dma_wait3A_1229 = arith.constant 640 : i32
    %dma_wait3A_1230 = tpu.memref_slice %arg19[%dma_wait3A_1229] : memref<768xi32, #tpu.memory_space<vmem>> -> memref<128xi32, #tpu.memory_space<vmem>>
    %dma_wait3A_1231 = arith.constant 0 : i32
    %dma_wait3A_1232 = tpu.memref_slice %arg7[%dma_wait3A_1231] : memref<86016xf32, #tpu.memory_space<hbm>> -> memref<86016xf32, #tpu.memory_space<hbm>>
    tpu.wait_indirect_dma semaphore(%arg22 : memref<!tpu.dma_semaphore, #tpu.memory_space<semaphore_mem>>) src(%dma_wait3A_1232 : memref<86016xf32, #tpu.memory_space<hbm>>) dst(%dma_wait3A_1228 : memref<128xf32, #tpu.memory_space<vmem>>)
    %dma_wait3A_1233 = arith.constant 3 : i32
    %dma_wait3A_1234 = arith.constant 0 : i32
    %dma_wait3A_1235 = tpu.memref_slice %arg20[%dma_wait3A_1233, %dma_wait3A_1234] : memref<5x768xf32, #tpu.memory_space<vmem>> -> memref<1x128xf32, #tpu.memory_space<vmem>>
    %dma_wait3A_1236 = tpu.memref_squeeze %dma_wait3A_1235 : memref<1x128xf32, #tpu.memory_space<vmem>> -> memref<128xf32, #tpu.memory_space<vmem>>
    %dma_wait3A_1237 = arith.constant 0 : i32
    %dma_wait3A_1238 = tpu.memref_slice %arg19[%dma_wait3A_1237] : memref<768xi32, #tpu.memory_space<vmem>> -> memref<128xi32, #tpu.memory_space<vmem>>
    %dma_wait3A_1239 = arith.constant 0 : i32
    %dma_wait3A_1240 = tpu.memref_slice %arg8[%dma_wait3A_1239] : memref<86016xf32, #tpu.memory_space<hbm>> -> memref<86016xf32, #tpu.memory_space<hbm>>
    tpu.wait_indirect_dma semaphore(%arg22 : memref<!tpu.dma_semaphore, #tpu.memory_space<semaphore_mem>>) src(%dma_wait3A_1240 : memref<86016xf32, #tpu.memory_space<hbm>>) dst(%dma_wait3A_1236 : memref<128xf32, #tpu.memory_space<vmem>>)
    %dma_wait3A_1241 = arith.constant 3 : i32
    %dma_wait3A_1242 = arith.constant 128 : i32
    %dma_wait3A_1243 = tpu.memref_slice %arg20[%dma_wait3A_1241, %dma_wait3A_1242] : memref<5x768xf32, #tpu.memory_space<vmem>> -> memref<1x128xf32, #tpu.memory_space<vmem>>
    %dma_wait3A_1244 = tpu.memref_squeeze %dma_wait3A_1243 : memref<1x128xf32, #tpu.memory_space<vmem>> -> memref<128xf32, #tpu.memory_space<vmem>>
    %dma_wait3A_1245 = arith.constant 128 : i32
    %dma_wait3A_1246 = tpu.memref_slice %arg19[%dma_wait3A_1245] : memref<768xi32, #tpu.memory_space<vmem>> -> memref<128xi32, #tpu.memory_space<vmem>>
    %dma_wait3A_1247 = arith.constant 0 : i32
    %dma_wait3A_1248 = tpu.memref_slice %arg8[%dma_wait3A_1247] : memref<86016xf32, #tpu.memory_space<hbm>> -> memref<86016xf32, #tpu.memory_space<hbm>>
    tpu.wait_indirect_dma semaphore(%arg22 : memref<!tpu.dma_semaphore, #tpu.memory_space<semaphore_mem>>) src(%dma_wait3A_1248 : memref<86016xf32, #tpu.memory_space<hbm>>) dst(%dma_wait3A_1244 : memref<128xf32, #tpu.memory_space<vmem>>)
    %dma_wait3A_1249 = arith.constant 3 : i32
    %dma_wait3A_1250 = arith.constant 256 : i32
    %dma_wait3A_1251 = tpu.memref_slice %arg20[%dma_wait3A_1249, %dma_wait3A_1250] : memref<5x768xf32, #tpu.memory_space<vmem>> -> memref<1x128xf32, #tpu.memory_space<vmem>>
    %dma_wait3A_1252 = tpu.memref_squeeze %dma_wait3A_1251 : memref<1x128xf32, #tpu.memory_space<vmem>> -> memref<128xf32, #tpu.memory_space<vmem>>
    %dma_wait3A_1253 = arith.constant 256 : i32
    %dma_wait3A_1254 = tpu.memref_slice %arg19[%dma_wait3A_1253] : memref<768xi32, #tpu.memory_space<vmem>> -> memref<128xi32, #tpu.memory_space<vmem>>
    %dma_wait3A_1255 = arith.constant 0 : i32
    %dma_wait3A_1256 = tpu.memref_slice %arg8[%dma_wait3A_1255] : memref<86016xf32, #tpu.memory_space<hbm>> -> memref<86016xf32, #tpu.memory_space<hbm>>
    tpu.wait_indirect_dma semaphore(%arg22 : memref<!tpu.dma_semaphore, #tpu.memory_space<semaphore_mem>>) src(%dma_wait3A_1256 : memref<86016xf32, #tpu.memory_space<hbm>>) dst(%dma_wait3A_1252 : memref<128xf32, #tpu.memory_space<vmem>>)
    %dma_wait3A_1257 = arith.constant 3 : i32
    %dma_wait3A_1258 = arith.constant 384 : i32
    %dma_wait3A_1259 = tpu.memref_slice %arg20[%dma_wait3A_1257, %dma_wait3A_1258] : memref<5x768xf32, #tpu.memory_space<vmem>> -> memref<1x128xf32, #tpu.memory_space<vmem>>
    %dma_wait3A_1260 = tpu.memref_squeeze %dma_wait3A_1259 : memref<1x128xf32, #tpu.memory_space<vmem>> -> memref<128xf32, #tpu.memory_space<vmem>>
    %dma_wait3A_1261 = arith.constant 384 : i32
    %dma_wait3A_1262 = tpu.memref_slice %arg19[%dma_wait3A_1261] : memref<768xi32, #tpu.memory_space<vmem>> -> memref<128xi32, #tpu.memory_space<vmem>>
    %dma_wait3A_1263 = arith.constant 0 : i32
    %dma_wait3A_1264 = tpu.memref_slice %arg8[%dma_wait3A_1263] : memref<86016xf32, #tpu.memory_space<hbm>> -> memref<86016xf32, #tpu.memory_space<hbm>>
    tpu.wait_indirect_dma semaphore(%arg22 : memref<!tpu.dma_semaphore, #tpu.memory_space<semaphore_mem>>) src(%dma_wait3A_1264 : memref<86016xf32, #tpu.memory_space<hbm>>) dst(%dma_wait3A_1260 : memref<128xf32, #tpu.memory_space<vmem>>)
    %dma_wait3A_1265 = arith.constant 3 : i32
    %dma_wait3A_1266 = arith.constant 512 : i32
    %dma_wait3A_1267 = tpu.memref_slice %arg20[%dma_wait3A_1265, %dma_wait3A_1266] : memref<5x768xf32, #tpu.memory_space<vmem>> -> memref<1x128xf32, #tpu.memory_space<vmem>>
    %dma_wait3A_1268 = tpu.memref_squeeze %dma_wait3A_1267 : memref<1x128xf32, #tpu.memory_space<vmem>> -> memref<128xf32, #tpu.memory_space<vmem>>
    %dma_wait3A_1269 = arith.constant 512 : i32
    %dma_wait3A_1270 = tpu.memref_slice %arg19[%dma_wait3A_1269] : memref<768xi32, #tpu.memory_space<vmem>> -> memref<128xi32, #tpu.memory_space<vmem>>
    %dma_wait3A_1271 = arith.constant 0 : i32
    %dma_wait3A_1272 = tpu.memref_slice %arg8[%dma_wait3A_1271] : memref<86016xf32, #tpu.memory_space<hbm>> -> memref<86016xf32, #tpu.memory_space<hbm>>
    tpu.wait_indirect_dma semaphore(%arg22 : memref<!tpu.dma_semaphore, #tpu.memory_space<semaphore_mem>>) src(%dma_wait3A_1272 : memref<86016xf32, #tpu.memory_space<hbm>>) dst(%dma_wait3A_1268 : memref<128xf32, #tpu.memory_space<vmem>>)
    %dma_wait3A_1273 = arith.constant 3 : i32
    %dma_wait3A_1274 = arith.constant 640 : i32
    %dma_wait3A_1275 = tpu.memref_slice %arg20[%dma_wait3A_1273, %dma_wait3A_1274] : memref<5x768xf32, #tpu.memory_space<vmem>> -> memref<1x128xf32, #tpu.memory_space<vmem>>
    %dma_wait3A_1276 = tpu.memref_squeeze %dma_wait3A_1275 : memref<1x128xf32, #tpu.memory_space<vmem>> -> memref<128xf32, #tpu.memory_space<vmem>>
    %dma_wait3A_1277 = arith.constant 640 : i32
    %dma_wait3A_1278 = tpu.memref_slice %arg19[%dma_wait3A_1277] : memref<768xi32, #tpu.memory_space<vmem>> -> memref<128xi32, #tpu.memory_space<vmem>>
    %dma_wait3A_1279 = arith.constant 0 : i32
    %dma_wait3A_1280 = tpu.memref_slice %arg8[%dma_wait3A_1279] : memref<86016xf32, #tpu.memory_space<hbm>> -> memref<86016xf32, #tpu.memory_space<hbm>>
    tpu.wait_indirect_dma semaphore(%arg22 : memref<!tpu.dma_semaphore, #tpu.memory_space<semaphore_mem>>) src(%dma_wait3A_1280 : memref<86016xf32, #tpu.memory_space<hbm>>) dst(%dma_wait3A_1276 : memref<128xf32, #tpu.memory_space<vmem>>)
    %dma_wait3A_1281 = arith.constant 4 : i32
    %dma_wait3A_1282 = arith.constant 0 : i32
    %dma_wait3A_1283 = tpu.memref_slice %arg20[%dma_wait3A_1281, %dma_wait3A_1282] : memref<5x768xf32, #tpu.memory_space<vmem>> -> memref<1x128xf32, #tpu.memory_space<vmem>>
    %dma_wait3A_1284 = tpu.memref_squeeze %dma_wait3A_1283 : memref<1x128xf32, #tpu.memory_space<vmem>> -> memref<128xf32, #tpu.memory_space<vmem>>
    %dma_wait3A_1285 = arith.constant 0 : i32
    %dma_wait3A_1286 = tpu.memref_slice %arg19[%dma_wait3A_1285] : memref<768xi32, #tpu.memory_space<vmem>> -> memref<128xi32, #tpu.memory_space<vmem>>
    %dma_wait3A_1287 = arith.constant 0 : i32
    %dma_wait3A_1288 = tpu.memref_slice %arg9[%dma_wait3A_1287] : memref<86016xf32, #tpu.memory_space<hbm>> -> memref<86016xf32, #tpu.memory_space<hbm>>
    tpu.wait_indirect_dma semaphore(%arg22 : memref<!tpu.dma_semaphore, #tpu.memory_space<semaphore_mem>>) src(%dma_wait3A_1288 : memref<86016xf32, #tpu.memory_space<hbm>>) dst(%dma_wait3A_1284 : memref<128xf32, #tpu.memory_space<vmem>>)
    %dma_wait3A_1289 = arith.constant 4 : i32
    %dma_wait3A_1290 = arith.constant 128 : i32
    %dma_wait3A_1291 = tpu.memref_slice %arg20[%dma_wait3A_1289, %dma_wait3A_1290] : memref<5x768xf32, #tpu.memory_space<vmem>> -> memref<1x128xf32, #tpu.memory_space<vmem>>
    %dma_wait3A_1292 = tpu.memref_squeeze %dma_wait3A_1291 : memref<1x128xf32, #tpu.memory_space<vmem>> -> memref<128xf32, #tpu.memory_space<vmem>>
    %dma_wait3A_1293 = arith.constant 128 : i32
    %dma_wait3A_1294 = tpu.memref_slice %arg19[%dma_wait3A_1293] : memref<768xi32, #tpu.memory_space<vmem>> -> memref<128xi32, #tpu.memory_space<vmem>>
    %dma_wait3A_1295 = arith.constant 0 : i32
    %dma_wait3A_1296 = tpu.memref_slice %arg9[%dma_wait3A_1295] : memref<86016xf32, #tpu.memory_space<hbm>> -> memref<86016xf32, #tpu.memory_space<hbm>>
    tpu.wait_indirect_dma semaphore(%arg22 : memref<!tpu.dma_semaphore, #tpu.memory_space<semaphore_mem>>) src(%dma_wait3A_1296 : memref<86016xf32, #tpu.memory_space<hbm>>) dst(%dma_wait3A_1292 : memref<128xf32, #tpu.memory_space<vmem>>)
    %dma_wait3A_1297 = arith.constant 4 : i32
    %dma_wait3A_1298 = arith.constant 256 : i32
    %dma_wait3A_1299 = tpu.memref_slice %arg20[%dma_wait3A_1297, %dma_wait3A_1298] : memref<5x768xf32, #tpu.memory_space<vmem>> -> memref<1x128xf32, #tpu.memory_space<vmem>>
    %dma_wait3A_1300 = tpu.memref_squeeze %dma_wait3A_1299 : memref<1x128xf32, #tpu.memory_space<vmem>> -> memref<128xf32, #tpu.memory_space<vmem>>
    %dma_wait3A_1301 = arith.constant 256 : i32
    %dma_wait3A_1302 = tpu.memref_slice %arg19[%dma_wait3A_1301] : memref<768xi32, #tpu.memory_space<vmem>> -> memref<128xi32, #tpu.memory_space<vmem>>
    %dma_wait3A_1303 = arith.constant 0 : i32
    %dma_wait3A_1304 = tpu.memref_slice %arg9[%dma_wait3A_1303] : memref<86016xf32, #tpu.memory_space<hbm>> -> memref<86016xf32, #tpu.memory_space<hbm>>
    tpu.wait_indirect_dma semaphore(%arg22 : memref<!tpu.dma_semaphore, #tpu.memory_space<semaphore_mem>>) src(%dma_wait3A_1304 : memref<86016xf32, #tpu.memory_space<hbm>>) dst(%dma_wait3A_1300 : memref<128xf32, #tpu.memory_space<vmem>>)
    %dma_wait3A_1305 = arith.constant 4 : i32
    %dma_wait3A_1306 = arith.constant 384 : i32
    %dma_wait3A_1307 = tpu.memref_slice %arg20[%dma_wait3A_1305, %dma_wait3A_1306] : memref<5x768xf32, #tpu.memory_space<vmem>> -> memref<1x128xf32, #tpu.memory_space<vmem>>
    %dma_wait3A_1308 = tpu.memref_squeeze %dma_wait3A_1307 : memref<1x128xf32, #tpu.memory_space<vmem>> -> memref<128xf32, #tpu.memory_space<vmem>>
    %dma_wait3A_1309 = arith.constant 384 : i32
    %dma_wait3A_1310 = tpu.memref_slice %arg19[%dma_wait3A_1309] : memref<768xi32, #tpu.memory_space<vmem>> -> memref<128xi32, #tpu.memory_space<vmem>>
    %dma_wait3A_1311 = arith.constant 0 : i32
    %dma_wait3A_1312 = tpu.memref_slice %arg9[%dma_wait3A_1311] : memref<86016xf32, #tpu.memory_space<hbm>> -> memref<86016xf32, #tpu.memory_space<hbm>>
    tpu.wait_indirect_dma semaphore(%arg22 : memref<!tpu.dma_semaphore, #tpu.memory_space<semaphore_mem>>) src(%dma_wait3A_1312 : memref<86016xf32, #tpu.memory_space<hbm>>) dst(%dma_wait3A_1308 : memref<128xf32, #tpu.memory_space<vmem>>)
    %dma_wait3A_1313 = arith.constant 4 : i32
    %dma_wait3A_1314 = arith.constant 512 : i32
    %dma_wait3A_1315 = tpu.memref_slice %arg20[%dma_wait3A_1313, %dma_wait3A_1314] : memref<5x768xf32, #tpu.memory_space<vmem>> -> memref<1x128xf32, #tpu.memory_space<vmem>>
    %dma_wait3A_1316 = tpu.memref_squeeze %dma_wait3A_1315 : memref<1x128xf32, #tpu.memory_space<vmem>> -> memref<128xf32, #tpu.memory_space<vmem>>
    %dma_wait3A_1317 = arith.constant 512 : i32
    %dma_wait3A_1318 = tpu.memref_slice %arg19[%dma_wait3A_1317] : memref<768xi32, #tpu.memory_space<vmem>> -> memref<128xi32, #tpu.memory_space<vmem>>
    %dma_wait3A_1319 = arith.constant 0 : i32
    %dma_wait3A_1320 = tpu.memref_slice %arg9[%dma_wait3A_1319] : memref<86016xf32, #tpu.memory_space<hbm>> -> memref<86016xf32, #tpu.memory_space<hbm>>
    tpu.wait_indirect_dma semaphore(%arg22 : memref<!tpu.dma_semaphore, #tpu.memory_space<semaphore_mem>>) src(%dma_wait3A_1320 : memref<86016xf32, #tpu.memory_space<hbm>>) dst(%dma_wait3A_1316 : memref<128xf32, #tpu.memory_space<vmem>>)
    %dma_wait3A_1321 = arith.constant 4 : i32
    %dma_wait3A_1322 = arith.constant 640 : i32
    %dma_wait3A_1323 = tpu.memref_slice %arg20[%dma_wait3A_1321, %dma_wait3A_1322] : memref<5x768xf32, #tpu.memory_space<vmem>> -> memref<1x128xf32, #tpu.memory_space<vmem>>
    %dma_wait3A_1324 = tpu.memref_squeeze %dma_wait3A_1323 : memref<1x128xf32, #tpu.memory_space<vmem>> -> memref<128xf32, #tpu.memory_space<vmem>>
    %dma_wait3A_1325 = arith.constant 640 : i32
    %dma_wait3A_1326 = tpu.memref_slice %arg19[%dma_wait3A_1325] : memref<768xi32, #tpu.memory_space<vmem>> -> memref<128xi32, #tpu.memory_space<vmem>>
    %dma_wait3A_1327 = arith.constant 0 : i32
    %dma_wait3A_1328 = tpu.memref_slice %arg9[%dma_wait3A_1327] : memref<86016xf32, #tpu.memory_space<hbm>> -> memref<86016xf32, #tpu.memory_space<hbm>>
    tpu.wait_indirect_dma semaphore(%arg22 : memref<!tpu.dma_semaphore, #tpu.memory_space<semaphore_mem>>) src(%dma_wait3A_1328 : memref<86016xf32, #tpu.memory_space<hbm>>) dst(%dma_wait3A_1324 : memref<128xf32, #tpu.memory_space<vmem>>)
    %mul3A_1329 = arith.constant 768 : i32
    %mul3A_1330 = arith.muli %add3A, %mul3A_1329 : i32
    %run_scoped3A = arith.constant 0 : i32
    "tpu.region"() ({
      %run_scoped3A_1343 = tpu.sem_alloc : memref<!tpu.dma_semaphore, #tpu.memory_space<semaphore_mem>>
      %dma_start3A_1344 = arith.constant 0 : i32
      %dma_start3A_1345 = tpu.memref_slice %arg20[%run_scoped3A, %dma_start3A_1344] : memref<5x768xf32, #tpu.memory_space<vmem>> -> memref<1x768xf32, #tpu.memory_space<vmem>>
      %dma_start3A_1346 = tpu.memref_squeeze %dma_start3A_1345 : memref<1x768xf32, #tpu.memory_space<vmem>> -> memref<768xf32, #tpu.memory_space<vmem>>
      %dma_start3A_1347 = tpu.memref_slice %arg10[%mul3A_1330] : memref<24576xf32, #tpu.memory_space<hbm>> -> memref<768xf32, #tpu.memory_space<hbm>>
      %dma_start3A_1348 = tpu.memref_slice %arg10[%mul3A_1330] : memref<24576xf32, #tpu.memory_space<hbm>> -> memref<768xf32, #tpu.memory_space<hbm>>
      %dma_start3A_1349 = arith.constant 0 : i32
      %dma_start3A_1350 = tpu.memref_slice %arg20[%run_scoped3A, %dma_start3A_1349] : memref<5x768xf32, #tpu.memory_space<vmem>> -> memref<1x768xf32, #tpu.memory_space<vmem>>
      %dma_start3A_1351 = tpu.memref_squeeze %dma_start3A_1350 : memref<1x768xf32, #tpu.memory_space<vmem>> -> memref<768xf32, #tpu.memory_space<vmem>>
      tpu.enqueue_dma source(%dma_start3A_1351 : memref<768xf32, #tpu.memory_space<vmem>>) target(%dma_start3A_1348 : memref<768xf32, #tpu.memory_space<hbm>>) target_semaphore(%run_scoped3A_1343 : memref<!tpu.dma_semaphore, #tpu.memory_space<semaphore_mem>>)
      %dma_wait3A_1352 = arith.constant 0 : i32
      %dma_wait3A_1353 = tpu.memref_slice %arg20[%run_scoped3A, %dma_wait3A_1352] : memref<5x768xf32, #tpu.memory_space<vmem>> -> memref<1x768xf32, #tpu.memory_space<vmem>>
      %dma_wait3A_1354 = tpu.memref_squeeze %dma_wait3A_1353 : memref<1x768xf32, #tpu.memory_space<vmem>> -> memref<768xf32, #tpu.memory_space<vmem>>
      %dma_wait3A_1355 = tpu.memref_slice %arg10[%mul3A_1330] : memref<24576xf32, #tpu.memory_space<hbm>> -> memref<768xf32, #tpu.memory_space<hbm>>
      %dma_wait3A_1356 = tpu.memref_slice %arg10[%mul3A_1330] : memref<24576xf32, #tpu.memory_space<hbm>> -> memref<768xf32, #tpu.memory_space<hbm>>
      %dma_wait3A_1357 = arith.constant 0 : i32
      %dma_wait3A_1358 = tpu.memref_slice %arg20[%run_scoped3A, %dma_wait3A_1357] : memref<5x768xf32, #tpu.memory_space<vmem>> -> memref<1x768xf32, #tpu.memory_space<vmem>>
      %dma_wait3A_1359 = tpu.memref_squeeze %dma_wait3A_1358 : memref<1x768xf32, #tpu.memory_space<vmem>> -> memref<768xf32, #tpu.memory_space<vmem>>
      tpu.wait_dma2 semaphore(%run_scoped3A_1343 : memref<!tpu.dma_semaphore, #tpu.memory_space<semaphore_mem>>) src(%dma_wait3A_1359 : memref<768xf32, #tpu.memory_space<vmem>>) dst(%dma_wait3A_1356 : memref<768xf32, #tpu.memory_space<hbm>>)
      tpu.yield
    }) : () -> ()
    %mul3A_1331 = arith.constant 768 : i32
    %mul3A_1332 = arith.muli %add3A, %mul3A_1331 : i32
    %run_scoped3A_1333 = arith.constant 1 : i32
    "tpu.region"() ({
      %run_scoped3A_1343 = tpu.sem_alloc : memref<!tpu.dma_semaphore, #tpu.memory_space<semaphore_mem>>
      %dma_start3A_1344 = arith.constant 0 : i32
      %dma_start3A_1345 = tpu.memref_slice %arg20[%run_scoped3A_1333, %dma_start3A_1344] : memref<5x768xf32, #tpu.memory_space<vmem>> -> memref<1x768xf32, #tpu.memory_space<vmem>>
      %dma_start3A_1346 = tpu.memref_squeeze %dma_start3A_1345 : memref<1x768xf32, #tpu.memory_space<vmem>> -> memref<768xf32, #tpu.memory_space<vmem>>
      %dma_start3A_1347 = tpu.memref_slice %arg11[%mul3A_1332] : memref<24576xf32, #tpu.memory_space<hbm>> -> memref<768xf32, #tpu.memory_space<hbm>>
      %dma_start3A_1348 = tpu.memref_slice %arg11[%mul3A_1332] : memref<24576xf32, #tpu.memory_space<hbm>> -> memref<768xf32, #tpu.memory_space<hbm>>
      %dma_start3A_1349 = arith.constant 0 : i32
      %dma_start3A_1350 = tpu.memref_slice %arg20[%run_scoped3A_1333, %dma_start3A_1349] : memref<5x768xf32, #tpu.memory_space<vmem>> -> memref<1x768xf32, #tpu.memory_space<vmem>>
      %dma_start3A_1351 = tpu.memref_squeeze %dma_start3A_1350 : memref<1x768xf32, #tpu.memory_space<vmem>> -> memref<768xf32, #tpu.memory_space<vmem>>
      tpu.enqueue_dma source(%dma_start3A_1351 : memref<768xf32, #tpu.memory_space<vmem>>) target(%dma_start3A_1348 : memref<768xf32, #tpu.memory_space<hbm>>) target_semaphore(%run_scoped3A_1343 : memref<!tpu.dma_semaphore, #tpu.memory_space<semaphore_mem>>)
      %dma_wait3A_1352 = arith.constant 0 : i32
      %dma_wait3A_1353 = tpu.memref_slice %arg20[%run_scoped3A_1333, %dma_wait3A_1352] : memref<5x768xf32, #tpu.memory_space<vmem>> -> memref<1x768xf32, #tpu.memory_space<vmem>>
      %dma_wait3A_1354 = tpu.memref_squeeze %dma_wait3A_1353 : memref<1x768xf32, #tpu.memory_space<vmem>> -> memref<768xf32, #tpu.memory_space<vmem>>
      %dma_wait3A_1355 = tpu.memref_slice %arg11[%mul3A_1332] : memref<24576xf32, #tpu.memory_space<hbm>> -> memref<768xf32, #tpu.memory_space<hbm>>
      %dma_wait3A_1356 = tpu.memref_slice %arg11[%mul3A_1332] : memref<24576xf32, #tpu.memory_space<hbm>> -> memref<768xf32, #tpu.memory_space<hbm>>
      %dma_wait3A_1357 = arith.constant 0 : i32
      %dma_wait3A_1358 = tpu.memref_slice %arg20[%run_scoped3A_1333, %dma_wait3A_1357] : memref<5x768xf32, #tpu.memory_space<vmem>> -> memref<1x768xf32, #tpu.memory_space<vmem>>
      %dma_wait3A_1359 = tpu.memref_squeeze %dma_wait3A_1358 : memref<1x768xf32, #tpu.memory_space<vmem>> -> memref<768xf32, #tpu.memory_space<vmem>>
      tpu.wait_dma2 semaphore(%run_scoped3A_1343 : memref<!tpu.dma_semaphore, #tpu.memory_space<semaphore_mem>>) src(%dma_wait3A_1359 : memref<768xf32, #tpu.memory_space<vmem>>) dst(%dma_wait3A_1356 : memref<768xf32, #tpu.memory_space<hbm>>)
      tpu.yield
    }) : () -> ()
    %mul3A_1334 = arith.constant 768 : i32
    %mul3A_1335 = arith.muli %add3A, %mul3A_1334 : i32
    %run_scoped3A_1336 = arith.constant 2 : i32
    "tpu.region"() ({
      %run_scoped3A_1343 = tpu.sem_alloc : memref<!tpu.dma_semaphore, #tpu.memory_space<semaphore_mem>>
      %dma_start3A_1344 = arith.constant 0 : i32
      %dma_start3A_1345 = tpu.memref_slice %arg20[%run_scoped3A_1336, %dma_start3A_1344] : memref<5x768xf32, #tpu.memory_space<vmem>> -> memref<1x768xf32, #tpu.memory_space<vmem>>
      %dma_start3A_1346 = tpu.memref_squeeze %dma_start3A_1345 : memref<1x768xf32, #tpu.memory_space<vmem>> -> memref<768xf32, #tpu.memory_space<vmem>>
      %dma_start3A_1347 = tpu.memref_slice %arg12[%mul3A_1335] : memref<24576xf32, #tpu.memory_space<hbm>> -> memref<768xf32, #tpu.memory_space<hbm>>
      %dma_start3A_1348 = tpu.memref_slice %arg12[%mul3A_1335] : memref<24576xf32, #tpu.memory_space<hbm>> -> memref<768xf32, #tpu.memory_space<hbm>>
      %dma_start3A_1349 = arith.constant 0 : i32
      %dma_start3A_1350 = tpu.memref_slice %arg20[%run_scoped3A_1336, %dma_start3A_1349] : memref<5x768xf32, #tpu.memory_space<vmem>> -> memref<1x768xf32, #tpu.memory_space<vmem>>
      %dma_start3A_1351 = tpu.memref_squeeze %dma_start3A_1350 : memref<1x768xf32, #tpu.memory_space<vmem>> -> memref<768xf32, #tpu.memory_space<vmem>>
      tpu.enqueue_dma source(%dma_start3A_1351 : memref<768xf32, #tpu.memory_space<vmem>>) target(%dma_start3A_1348 : memref<768xf32, #tpu.memory_space<hbm>>) target_semaphore(%run_scoped3A_1343 : memref<!tpu.dma_semaphore, #tpu.memory_space<semaphore_mem>>)
      %dma_wait3A_1352 = arith.constant 0 : i32
      %dma_wait3A_1353 = tpu.memref_slice %arg20[%run_scoped3A_1336, %dma_wait3A_1352] : memref<5x768xf32, #tpu.memory_space<vmem>> -> memref<1x768xf32, #tpu.memory_space<vmem>>
      %dma_wait3A_1354 = tpu.memref_squeeze %dma_wait3A_1353 : memref<1x768xf32, #tpu.memory_space<vmem>> -> memref<768xf32, #tpu.memory_space<vmem>>
      %dma_wait3A_1355 = tpu.memref_slice %arg12[%mul3A_1335] : memref<24576xf32, #tpu.memory_space<hbm>> -> memref<768xf32, #tpu.memory_space<hbm>>
      %dma_wait3A_1356 = tpu.memref_slice %arg12[%mul3A_1335] : memref<24576xf32, #tpu.memory_space<hbm>> -> memref<768xf32, #tpu.memory_space<hbm>>
      %dma_wait3A_1357 = arith.constant 0 : i32
      %dma_wait3A_1358 = tpu.memref_slice %arg20[%run_scoped3A_1336, %dma_wait3A_1357] : memref<5x768xf32, #tpu.memory_space<vmem>> -> memref<1x768xf32, #tpu.memory_space<vmem>>
      %dma_wait3A_1359 = tpu.memref_squeeze %dma_wait3A_1358 : memref<1x768xf32, #tpu.memory_space<vmem>> -> memref<768xf32, #tpu.memory_space<vmem>>
      tpu.wait_dma2 semaphore(%run_scoped3A_1343 : memref<!tpu.dma_semaphore, #tpu.memory_space<semaphore_mem>>) src(%dma_wait3A_1359 : memref<768xf32, #tpu.memory_space<vmem>>) dst(%dma_wait3A_1356 : memref<768xf32, #tpu.memory_space<hbm>>)
      tpu.yield
    }) : () -> ()
    %mul3A_1337 = arith.constant 768 : i32
    %mul3A_1338 = arith.muli %add3A, %mul3A_1337 : i32
    %run_scoped3A_1339 = arith.constant 3 : i32
    "tpu.region"() ({
      %run_scoped3A_1343 = tpu.sem_alloc : memref<!tpu.dma_semaphore, #tpu.memory_space<semaphore_mem>>
      %dma_start3A_1344 = arith.constant 0 : i32
      %dma_start3A_1345 = tpu.memref_slice %arg20[%run_scoped3A_1339, %dma_start3A_1344] : memref<5x768xf32, #tpu.memory_space<vmem>> -> memref<1x768xf32, #tpu.memory_space<vmem>>
      %dma_start3A_1346 = tpu.memref_squeeze %dma_start3A_1345 : memref<1x768xf32, #tpu.memory_space<vmem>> -> memref<768xf32, #tpu.memory_space<vmem>>
      %dma_start3A_1347 = tpu.memref_slice %arg13[%mul3A_1338] : memref<24576xf32, #tpu.memory_space<hbm>> -> memref<768xf32, #tpu.memory_space<hbm>>
      %dma_start3A_1348 = tpu.memref_slice %arg13[%mul3A_1338] : memref<24576xf32, #tpu.memory_space<hbm>> -> memref<768xf32, #tpu.memory_space<hbm>>
      %dma_start3A_1349 = arith.constant 0 : i32
      %dma_start3A_1350 = tpu.memref_slice %arg20[%run_scoped3A_1339, %dma_start3A_1349] : memref<5x768xf32, #tpu.memory_space<vmem>> -> memref<1x768xf32, #tpu.memory_space<vmem>>
      %dma_start3A_1351 = tpu.memref_squeeze %dma_start3A_1350 : memref<1x768xf32, #tpu.memory_space<vmem>> -> memref<768xf32, #tpu.memory_space<vmem>>
      tpu.enqueue_dma source(%dma_start3A_1351 : memref<768xf32, #tpu.memory_space<vmem>>) target(%dma_start3A_1348 : memref<768xf32, #tpu.memory_space<hbm>>) target_semaphore(%run_scoped3A_1343 : memref<!tpu.dma_semaphore, #tpu.memory_space<semaphore_mem>>)
      %dma_wait3A_1352 = arith.constant 0 : i32
      %dma_wait3A_1353 = tpu.memref_slice %arg20[%run_scoped3A_1339, %dma_wait3A_1352] : memref<5x768xf32, #tpu.memory_space<vmem>> -> memref<1x768xf32, #tpu.memory_space<vmem>>
      %dma_wait3A_1354 = tpu.memref_squeeze %dma_wait3A_1353 : memref<1x768xf32, #tpu.memory_space<vmem>> -> memref<768xf32, #tpu.memory_space<vmem>>
      %dma_wait3A_1355 = tpu.memref_slice %arg13[%mul3A_1338] : memref<24576xf32, #tpu.memory_space<hbm>> -> memref<768xf32, #tpu.memory_space<hbm>>
      %dma_wait3A_1356 = tpu.memref_slice %arg13[%mul3A_1338] : memref<24576xf32, #tpu.memory_space<hbm>> -> memref<768xf32, #tpu.memory_space<hbm>>
      %dma_wait3A_1357 = arith.constant 0 : i32
      %dma_wait3A_1358 = tpu.memref_slice %arg20[%run_scoped3A_1339, %dma_wait3A_1357] : memref<5x768xf32, #tpu.memory_space<vmem>> -> memref<1x768xf32, #tpu.memory_space<vmem>>
      %dma_wait3A_1359 = tpu.memref_squeeze %dma_wait3A_1358 : memref<1x768xf32, #tpu.memory_space<vmem>> -> memref<768xf32, #tpu.memory_space<vmem>>
      tpu.wait_dma2 semaphore(%run_scoped3A_1343 : memref<!tpu.dma_semaphore, #tpu.memory_space<semaphore_mem>>) src(%dma_wait3A_1359 : memref<768xf32, #tpu.memory_space<vmem>>) dst(%dma_wait3A_1356 : memref<768xf32, #tpu.memory_space<hbm>>)
      tpu.yield
    }) : () -> ()
    %mul3A_1340 = arith.constant 768 : i32
    %mul3A_1341 = arith.muli %add3A, %mul3A_1340 : i32
    %run_scoped3A_1342 = arith.constant 4 : i32
    "tpu.region"() ({
      %run_scoped3A_1343 = tpu.sem_alloc : memref<!tpu.dma_semaphore, #tpu.memory_space<semaphore_mem>>
      %dma_start3A_1344 = arith.constant 0 : i32
      %dma_start3A_1345 = tpu.memref_slice %arg20[%run_scoped3A_1342, %dma_start3A_1344] : memref<5x768xf32, #tpu.memory_space<vmem>> -> memref<1x768xf32, #tpu.memory_space<vmem>>
      %dma_start3A_1346 = tpu.memref_squeeze %dma_start3A_1345 : memref<1x768xf32, #tpu.memory_space<vmem>> -> memref<768xf32, #tpu.memory_space<vmem>>
      %dma_start3A_1347 = tpu.memref_slice %arg14[%mul3A_1341] : memref<24576xf32, #tpu.memory_space<hbm>> -> memref<768xf32, #tpu.memory_space<hbm>>
      %dma_start3A_1348 = tpu.memref_slice %arg14[%mul3A_1341] : memref<24576xf32, #tpu.memory_space<hbm>> -> memref<768xf32, #tpu.memory_space<hbm>>
      %dma_start3A_1349 = arith.constant 0 : i32
      %dma_start3A_1350 = tpu.memref_slice %arg20[%run_scoped3A_1342, %dma_start3A_1349] : memref<5x768xf32, #tpu.memory_space<vmem>> -> memref<1x768xf32, #tpu.memory_space<vmem>>
      %dma_start3A_1351 = tpu.memref_squeeze %dma_start3A_1350 : memref<1x768xf32, #tpu.memory_space<vmem>> -> memref<768xf32, #tpu.memory_space<vmem>>
      tpu.enqueue_dma source(%dma_start3A_1351 : memref<768xf32, #tpu.memory_space<vmem>>) target(%dma_start3A_1348 : memref<768xf32, #tpu.memory_space<hbm>>) target_semaphore(%run_scoped3A_1343 : memref<!tpu.dma_semaphore, #tpu.memory_space<semaphore_mem>>)
      %dma_wait3A_1352 = arith.constant 0 : i32
      %dma_wait3A_1353 = tpu.memref_slice %arg20[%run_scoped3A_1342, %dma_wait3A_1352] : memref<5x768xf32, #tpu.memory_space<vmem>> -> memref<1x768xf32, #tpu.memory_space<vmem>>
      %dma_wait3A_1354 = tpu.memref_squeeze %dma_wait3A_1353 : memref<1x768xf32, #tpu.memory_space<vmem>> -> memref<768xf32, #tpu.memory_space<vmem>>
      %dma_wait3A_1355 = tpu.memref_slice %arg14[%mul3A_1341] : memref<24576xf32, #tpu.memory_space<hbm>> -> memref<768xf32, #tpu.memory_space<hbm>>
      %dma_wait3A_1356 = tpu.memref_slice %arg14[%mul3A_1341] : memref<24576xf32, #tpu.memory_space<hbm>> -> memref<768xf32, #tpu.memory_space<hbm>>
      %dma_wait3A_1357 = arith.constant 0 : i32
      %dma_wait3A_1358 = tpu.memref_slice %arg20[%run_scoped3A_1342, %dma_wait3A_1357] : memref<5x768xf32, #tpu.memory_space<vmem>> -> memref<1x768xf32, #tpu.memory_space<vmem>>
      %dma_wait3A_1359 = tpu.memref_squeeze %dma_wait3A_1358 : memref<1x768xf32, #tpu.memory_space<vmem>> -> memref<768xf32, #tpu.memory_space<vmem>>
      tpu.wait_dma2 semaphore(%run_scoped3A_1343 : memref<!tpu.dma_semaphore, #tpu.memory_space<semaphore_mem>>) src(%dma_wait3A_1359 : memref<768xf32, #tpu.memory_space<vmem>>) dst(%dma_wait3A_1356 : memref<768xf32, #tpu.memory_space<hbm>>)
      tpu.yield
    }) : () -> ()
    return
  }
}

module attributes {stable_mosaic.version = 14 : i64} {
  func.func @_stage_a_kernel(%arg0: memref<4x9x18x128xf32, #tpu.memory_space<vmem>>, %arg1: memref<4x36x18x128xf32, #tpu.memory_space<vmem>>, %arg2: memref<4x168x128xf32, #tpu.memory_space<vmem>>, %arg3: memref<4x8x128xf32, #tpu.memory_space<vmem>>, %arg4: memref<4x8x128xf32, #tpu.memory_space<vmem>>, %arg5: memref<4x168x128xf32, #tpu.memory_space<vmem>>, %arg6: memref<4x168x128xf32, #tpu.memory_space<vmem>>, %arg7: memref<4x168x128xf32, #tpu.memory_space<vmem>>, %arg8: memref<4x168x128xf32, #tpu.memory_space<vmem>>, %arg9: memref<4x168x128xi32, #tpu.memory_space<vmem>>) attributes {dimension_semantics = [], scalar_prefetch = 0 : i64, scratch_operands = 0 : i64, tpu.core_type = #tpu.core_type<tc>} {
    %get3A = arith.constant 0 : index
    %get3A_0 = arith.constant 0 : index
    %get3A_1 = arith.constant 0 : index
    %get3A_2 = arith.constant 0 : index
    %get3A_3 = vector.load %arg0[%get3A, %get3A_0, %get3A_1, %get3A_2] : memref<4x9x18x128xf32, #tpu.memory_space<vmem>>, vector<4x9x18x128xf32>
    %reshape3A = vector.shape_cast %get3A_3 : vector<4x9x18x128xf32> to vector<4x162x128xf32>
    %broadcast_in_dim3A = arith.constant -1.000000e+00 : f32
    %broadcast_in_dim3A_4 = vector.broadcast %broadcast_in_dim3A : f32 to vector<4x6x128xf32>
    %broadcast_in_dim3A_5 = arith.constant 0.000000e+00 : f32
    %broadcast_in_dim3A_6 = vector.broadcast %broadcast_in_dim3A_5 : f32 to vector<4x6x128xf32>
    %concatenate3A = tpu.concatenate %reshape3A, %broadcast_in_dim3A_4 in 1 : vector<4x162x128xf32>, vector<4x6x128xf32> -> vector<4x168x128xf32>
    %get3A_7 = arith.constant 0 : index
    %get3A_8 = arith.constant 0 : index
    %get3A_9 = arith.constant 0 : index
    %get3A_10 = arith.constant 0 : index
    %get3A_11 = vector.load %arg1[%get3A_7, %get3A_8, %get3A_9, %get3A_10] : memref<4x36x18x128xf32, #tpu.memory_space<vmem>>, vector<4x36x18x128xf32>
    %slice3A = vector.extract_strided_slice %get3A_11 {offsets = [0, 0, 0, 0], sizes = [4, 1, 18, 128], strides = [1, 1, 1, 1]} : vector<4x36x18x128xf32> to vector<4x1x18x128xf32>
    %squeeze3A = vector.shape_cast %slice3A : vector<4x1x18x128xf32> to vector<4x18x128xf32>
    %slice3A_12 = vector.extract_strided_slice %get3A_11 {offsets = [0, 4, 0, 0], sizes = [4, 1, 18, 128], strides = [1, 1, 1, 1]} : vector<4x36x18x128xf32> to vector<4x1x18x128xf32>
    %squeeze3A_13 = vector.shape_cast %slice3A_12 : vector<4x1x18x128xf32> to vector<4x18x128xf32>
    %slice3A_14 = vector.extract_strided_slice %get3A_11 {offsets = [0, 8, 0, 0], sizes = [4, 1, 18, 128], strides = [1, 1, 1, 1]} : vector<4x36x18x128xf32> to vector<4x1x18x128xf32>
    %squeeze3A_15 = vector.shape_cast %slice3A_14 : vector<4x1x18x128xf32> to vector<4x18x128xf32>
    %slice3A_16 = vector.extract_strided_slice %get3A_11 {offsets = [0, 12, 0, 0], sizes = [4, 1, 18, 128], strides = [1, 1, 1, 1]} : vector<4x36x18x128xf32> to vector<4x1x18x128xf32>
    %squeeze3A_17 = vector.shape_cast %slice3A_16 : vector<4x1x18x128xf32> to vector<4x18x128xf32>
    %slice3A_18 = vector.extract_strided_slice %get3A_11 {offsets = [0, 16, 0, 0], sizes = [4, 1, 18, 128], strides = [1, 1, 1, 1]} : vector<4x36x18x128xf32> to vector<4x1x18x128xf32>
    %squeeze3A_19 = vector.shape_cast %slice3A_18 : vector<4x1x18x128xf32> to vector<4x18x128xf32>
    %slice3A_20 = vector.extract_strided_slice %get3A_11 {offsets = [0, 20, 0, 0], sizes = [4, 1, 18, 128], strides = [1, 1, 1, 1]} : vector<4x36x18x128xf32> to vector<4x1x18x128xf32>
    %squeeze3A_21 = vector.shape_cast %slice3A_20 : vector<4x1x18x128xf32> to vector<4x18x128xf32>
    %slice3A_22 = vector.extract_strided_slice %get3A_11 {offsets = [0, 24, 0, 0], sizes = [4, 1, 18, 128], strides = [1, 1, 1, 1]} : vector<4x36x18x128xf32> to vector<4x1x18x128xf32>
    %squeeze3A_23 = vector.shape_cast %slice3A_22 : vector<4x1x18x128xf32> to vector<4x18x128xf32>
    %slice3A_24 = vector.extract_strided_slice %get3A_11 {offsets = [0, 28, 0, 0], sizes = [4, 1, 18, 128], strides = [1, 1, 1, 1]} : vector<4x36x18x128xf32> to vector<4x1x18x128xf32>
    %squeeze3A_25 = vector.shape_cast %slice3A_24 : vector<4x1x18x128xf32> to vector<4x18x128xf32>
    %slice3A_26 = vector.extract_strided_slice %get3A_11 {offsets = [0, 32, 0, 0], sizes = [4, 1, 18, 128], strides = [1, 1, 1, 1]} : vector<4x36x18x128xf32> to vector<4x1x18x128xf32>
    %squeeze3A_27 = vector.shape_cast %slice3A_26 : vector<4x1x18x128xf32> to vector<4x18x128xf32>
    %concatenate3A_28 = tpu.concatenate %squeeze3A, %squeeze3A_13, %squeeze3A_15, %squeeze3A_17, %squeeze3A_19, %squeeze3A_21, %squeeze3A_23, %squeeze3A_25, %squeeze3A_27 in 1 : vector<4x18x128xf32>, vector<4x18x128xf32>, vector<4x18x128xf32>, vector<4x18x128xf32>, vector<4x18x128xf32>, vector<4x18x128xf32>, vector<4x18x128xf32>, vector<4x18x128xf32>, vector<4x18x128xf32> -> vector<4x162x128xf32>
    %concatenate3A_29 = tpu.concatenate %concatenate3A_28, %broadcast_in_dim3A_6 in 1 : vector<4x162x128xf32>, vector<4x6x128xf32> -> vector<4x168x128xf32>
    %slice3A_30 = vector.extract_strided_slice %get3A_11 {offsets = [0, 1, 0, 0], sizes = [4, 1, 18, 128], strides = [1, 1, 1, 1]} : vector<4x36x18x128xf32> to vector<4x1x18x128xf32>
    %squeeze3A_31 = vector.shape_cast %slice3A_30 : vector<4x1x18x128xf32> to vector<4x18x128xf32>
    %slice3A_32 = vector.extract_strided_slice %get3A_11 {offsets = [0, 5, 0, 0], sizes = [4, 1, 18, 128], strides = [1, 1, 1, 1]} : vector<4x36x18x128xf32> to vector<4x1x18x128xf32>
    %squeeze3A_33 = vector.shape_cast %slice3A_32 : vector<4x1x18x128xf32> to vector<4x18x128xf32>
    %slice3A_34 = vector.extract_strided_slice %get3A_11 {offsets = [0, 9, 0, 0], sizes = [4, 1, 18, 128], strides = [1, 1, 1, 1]} : vector<4x36x18x128xf32> to vector<4x1x18x128xf32>
    %squeeze3A_35 = vector.shape_cast %slice3A_34 : vector<4x1x18x128xf32> to vector<4x18x128xf32>
    %slice3A_36 = vector.extract_strided_slice %get3A_11 {offsets = [0, 13, 0, 0], sizes = [4, 1, 18, 128], strides = [1, 1, 1, 1]} : vector<4x36x18x128xf32> to vector<4x1x18x128xf32>
    %squeeze3A_37 = vector.shape_cast %slice3A_36 : vector<4x1x18x128xf32> to vector<4x18x128xf32>
    %slice3A_38 = vector.extract_strided_slice %get3A_11 {offsets = [0, 17, 0, 0], sizes = [4, 1, 18, 128], strides = [1, 1, 1, 1]} : vector<4x36x18x128xf32> to vector<4x1x18x128xf32>
    %squeeze3A_39 = vector.shape_cast %slice3A_38 : vector<4x1x18x128xf32> to vector<4x18x128xf32>
    %slice3A_40 = vector.extract_strided_slice %get3A_11 {offsets = [0, 21, 0, 0], sizes = [4, 1, 18, 128], strides = [1, 1, 1, 1]} : vector<4x36x18x128xf32> to vector<4x1x18x128xf32>
    %squeeze3A_41 = vector.shape_cast %slice3A_40 : vector<4x1x18x128xf32> to vector<4x18x128xf32>
    %slice3A_42 = vector.extract_strided_slice %get3A_11 {offsets = [0, 25, 0, 0], sizes = [4, 1, 18, 128], strides = [1, 1, 1, 1]} : vector<4x36x18x128xf32> to vector<4x1x18x128xf32>
    %squeeze3A_43 = vector.shape_cast %slice3A_42 : vector<4x1x18x128xf32> to vector<4x18x128xf32>
    %slice3A_44 = vector.extract_strided_slice %get3A_11 {offsets = [0, 29, 0, 0], sizes = [4, 1, 18, 128], strides = [1, 1, 1, 1]} : vector<4x36x18x128xf32> to vector<4x1x18x128xf32>
    %squeeze3A_45 = vector.shape_cast %slice3A_44 : vector<4x1x18x128xf32> to vector<4x18x128xf32>
    %slice3A_46 = vector.extract_strided_slice %get3A_11 {offsets = [0, 33, 0, 0], sizes = [4, 1, 18, 128], strides = [1, 1, 1, 1]} : vector<4x36x18x128xf32> to vector<4x1x18x128xf32>
    %squeeze3A_47 = vector.shape_cast %slice3A_46 : vector<4x1x18x128xf32> to vector<4x18x128xf32>
    %concatenate3A_48 = tpu.concatenate %squeeze3A_31, %squeeze3A_33, %squeeze3A_35, %squeeze3A_37, %squeeze3A_39, %squeeze3A_41, %squeeze3A_43, %squeeze3A_45, %squeeze3A_47 in 1 : vector<4x18x128xf32>, vector<4x18x128xf32>, vector<4x18x128xf32>, vector<4x18x128xf32>, vector<4x18x128xf32>, vector<4x18x128xf32>, vector<4x18x128xf32>, vector<4x18x128xf32>, vector<4x18x128xf32> -> vector<4x162x128xf32>
    %concatenate3A_49 = tpu.concatenate %concatenate3A_48, %broadcast_in_dim3A_6 in 1 : vector<4x162x128xf32>, vector<4x6x128xf32> -> vector<4x168x128xf32>
    %slice3A_50 = vector.extract_strided_slice %get3A_11 {offsets = [0, 2, 0, 0], sizes = [4, 1, 18, 128], strides = [1, 1, 1, 1]} : vector<4x36x18x128xf32> to vector<4x1x18x128xf32>
    %squeeze3A_51 = vector.shape_cast %slice3A_50 : vector<4x1x18x128xf32> to vector<4x18x128xf32>
    %slice3A_52 = vector.extract_strided_slice %get3A_11 {offsets = [0, 6, 0, 0], sizes = [4, 1, 18, 128], strides = [1, 1, 1, 1]} : vector<4x36x18x128xf32> to vector<4x1x18x128xf32>
    %squeeze3A_53 = vector.shape_cast %slice3A_52 : vector<4x1x18x128xf32> to vector<4x18x128xf32>
    %slice3A_54 = vector.extract_strided_slice %get3A_11 {offsets = [0, 10, 0, 0], sizes = [4, 1, 18, 128], strides = [1, 1, 1, 1]} : vector<4x36x18x128xf32> to vector<4x1x18x128xf32>
    %squeeze3A_55 = vector.shape_cast %slice3A_54 : vector<4x1x18x128xf32> to vector<4x18x128xf32>
    %slice3A_56 = vector.extract_strided_slice %get3A_11 {offsets = [0, 14, 0, 0], sizes = [4, 1, 18, 128], strides = [1, 1, 1, 1]} : vector<4x36x18x128xf32> to vector<4x1x18x128xf32>
    %squeeze3A_57 = vector.shape_cast %slice3A_56 : vector<4x1x18x128xf32> to vector<4x18x128xf32>
    %slice3A_58 = vector.extract_strided_slice %get3A_11 {offsets = [0, 18, 0, 0], sizes = [4, 1, 18, 128], strides = [1, 1, 1, 1]} : vector<4x36x18x128xf32> to vector<4x1x18x128xf32>
    %squeeze3A_59 = vector.shape_cast %slice3A_58 : vector<4x1x18x128xf32> to vector<4x18x128xf32>
    %slice3A_60 = vector.extract_strided_slice %get3A_11 {offsets = [0, 22, 0, 0], sizes = [4, 1, 18, 128], strides = [1, 1, 1, 1]} : vector<4x36x18x128xf32> to vector<4x1x18x128xf32>
    %squeeze3A_61 = vector.shape_cast %slice3A_60 : vector<4x1x18x128xf32> to vector<4x18x128xf32>
    %slice3A_62 = vector.extract_strided_slice %get3A_11 {offsets = [0, 26, 0, 0], sizes = [4, 1, 18, 128], strides = [1, 1, 1, 1]} : vector<4x36x18x128xf32> to vector<4x1x18x128xf32>
    %squeeze3A_63 = vector.shape_cast %slice3A_62 : vector<4x1x18x128xf32> to vector<4x18x128xf32>
    %slice3A_64 = vector.extract_strided_slice %get3A_11 {offsets = [0, 30, 0, 0], sizes = [4, 1, 18, 128], strides = [1, 1, 1, 1]} : vector<4x36x18x128xf32> to vector<4x1x18x128xf32>
    %squeeze3A_65 = vector.shape_cast %slice3A_64 : vector<4x1x18x128xf32> to vector<4x18x128xf32>
    %slice3A_66 = vector.extract_strided_slice %get3A_11 {offsets = [0, 34, 0, 0], sizes = [4, 1, 18, 128], strides = [1, 1, 1, 1]} : vector<4x36x18x128xf32> to vector<4x1x18x128xf32>
    %squeeze3A_67 = vector.shape_cast %slice3A_66 : vector<4x1x18x128xf32> to vector<4x18x128xf32>
    %concatenate3A_68 = tpu.concatenate %squeeze3A_51, %squeeze3A_53, %squeeze3A_55, %squeeze3A_57, %squeeze3A_59, %squeeze3A_61, %squeeze3A_63, %squeeze3A_65, %squeeze3A_67 in 1 : vector<4x18x128xf32>, vector<4x18x128xf32>, vector<4x18x128xf32>, vector<4x18x128xf32>, vector<4x18x128xf32>, vector<4x18x128xf32>, vector<4x18x128xf32>, vector<4x18x128xf32>, vector<4x18x128xf32> -> vector<4x162x128xf32>
    %concatenate3A_69 = tpu.concatenate %concatenate3A_68, %broadcast_in_dim3A_6 in 1 : vector<4x162x128xf32>, vector<4x6x128xf32> -> vector<4x168x128xf32>
    %slice3A_70 = vector.extract_strided_slice %get3A_11 {offsets = [0, 3, 0, 0], sizes = [4, 1, 18, 128], strides = [1, 1, 1, 1]} : vector<4x36x18x128xf32> to vector<4x1x18x128xf32>
    %squeeze3A_71 = vector.shape_cast %slice3A_70 : vector<4x1x18x128xf32> to vector<4x18x128xf32>
    %slice3A_72 = vector.extract_strided_slice %get3A_11 {offsets = [0, 7, 0, 0], sizes = [4, 1, 18, 128], strides = [1, 1, 1, 1]} : vector<4x36x18x128xf32> to vector<4x1x18x128xf32>
    %squeeze3A_73 = vector.shape_cast %slice3A_72 : vector<4x1x18x128xf32> to vector<4x18x128xf32>
    %slice3A_74 = vector.extract_strided_slice %get3A_11 {offsets = [0, 11, 0, 0], sizes = [4, 1, 18, 128], strides = [1, 1, 1, 1]} : vector<4x36x18x128xf32> to vector<4x1x18x128xf32>
    %squeeze3A_75 = vector.shape_cast %slice3A_74 : vector<4x1x18x128xf32> to vector<4x18x128xf32>
    %slice3A_76 = vector.extract_strided_slice %get3A_11 {offsets = [0, 15, 0, 0], sizes = [4, 1, 18, 128], strides = [1, 1, 1, 1]} : vector<4x36x18x128xf32> to vector<4x1x18x128xf32>
    %squeeze3A_77 = vector.shape_cast %slice3A_76 : vector<4x1x18x128xf32> to vector<4x18x128xf32>
    %slice3A_78 = vector.extract_strided_slice %get3A_11 {offsets = [0, 19, 0, 0], sizes = [4, 1, 18, 128], strides = [1, 1, 1, 1]} : vector<4x36x18x128xf32> to vector<4x1x18x128xf32>
    %squeeze3A_79 = vector.shape_cast %slice3A_78 : vector<4x1x18x128xf32> to vector<4x18x128xf32>
    %slice3A_80 = vector.extract_strided_slice %get3A_11 {offsets = [0, 23, 0, 0], sizes = [4, 1, 18, 128], strides = [1, 1, 1, 1]} : vector<4x36x18x128xf32> to vector<4x1x18x128xf32>
    %squeeze3A_81 = vector.shape_cast %slice3A_80 : vector<4x1x18x128xf32> to vector<4x18x128xf32>
    %slice3A_82 = vector.extract_strided_slice %get3A_11 {offsets = [0, 27, 0, 0], sizes = [4, 1, 18, 128], strides = [1, 1, 1, 1]} : vector<4x36x18x128xf32> to vector<4x1x18x128xf32>
    %squeeze3A_83 = vector.shape_cast %slice3A_82 : vector<4x1x18x128xf32> to vector<4x18x128xf32>
    %slice3A_84 = vector.extract_strided_slice %get3A_11 {offsets = [0, 31, 0, 0], sizes = [4, 1, 18, 128], strides = [1, 1, 1, 1]} : vector<4x36x18x128xf32> to vector<4x1x18x128xf32>
    %squeeze3A_85 = vector.shape_cast %slice3A_84 : vector<4x1x18x128xf32> to vector<4x18x128xf32>
    %slice3A_86 = vector.extract_strided_slice %get3A_11 {offsets = [0, 35, 0, 0], sizes = [4, 1, 18, 128], strides = [1, 1, 1, 1]} : vector<4x36x18x128xf32> to vector<4x1x18x128xf32>
    %squeeze3A_87 = vector.shape_cast %slice3A_86 : vector<4x1x18x128xf32> to vector<4x18x128xf32>
    %concatenate3A_88 = tpu.concatenate %squeeze3A_71, %squeeze3A_73, %squeeze3A_75, %squeeze3A_77, %squeeze3A_79, %squeeze3A_81, %squeeze3A_83, %squeeze3A_85, %squeeze3A_87 in 1 : vector<4x18x128xf32>, vector<4x18x128xf32>, vector<4x18x128xf32>, vector<4x18x128xf32>, vector<4x18x128xf32>, vector<4x18x128xf32>, vector<4x18x128xf32>, vector<4x18x128xf32>, vector<4x18x128xf32> -> vector<4x162x128xf32>
    %concatenate3A_89 = tpu.concatenate %concatenate3A_88, %broadcast_in_dim3A_6 in 1 : vector<4x162x128xf32>, vector<4x6x128xf32> -> vector<4x168x128xf32>
    %get3A_90 = arith.constant 0 : index
    %get3A_91 = arith.constant 0 : index
    %get3A_92 = arith.constant 0 : index
    %get3A_93 = vector.load %arg2[%get3A_90, %get3A_91, %get3A_92] : memref<4x168x128xf32, #tpu.memory_space<vmem>>, vector<1x168x128xf32>
    %get3A_94 = vector.shape_cast %get3A_93 : vector<1x168x128xf32> to vector<168x128xf32>
    %broadcast_in_dim3A_95 = vector.shape_cast %get3A_94 : vector<168x128xf32> to vector<1x168x128xf32>
    %get3A_96 = arith.constant 1 : index
    %get3A_97 = arith.constant 0 : index
    %get3A_98 = arith.constant 0 : index
    %get3A_99 = vector.load %arg2[%get3A_96, %get3A_97, %get3A_98] : memref<4x168x128xf32, #tpu.memory_space<vmem>>, vector<1x168x128xf32>
    %get3A_100 = vector.shape_cast %get3A_99 : vector<1x168x128xf32> to vector<168x128xf32>
    %broadcast_in_dim3A_101 = vector.shape_cast %get3A_100 : vector<168x128xf32> to vector<1x168x128xf32>
    %get3A_102 = arith.constant 2 : index
    %get3A_103 = arith.constant 0 : index
    %get3A_104 = arith.constant 0 : index
    %get3A_105 = vector.load %arg2[%get3A_102, %get3A_103, %get3A_104] : memref<4x168x128xf32, #tpu.memory_space<vmem>>, vector<1x168x128xf32>
    %get3A_106 = vector.shape_cast %get3A_105 : vector<1x168x128xf32> to vector<168x128xf32>
    %broadcast_in_dim3A_107 = vector.shape_cast %get3A_106 : vector<168x128xf32> to vector<1x168x128xf32>
    %get3A_108 = arith.constant 3 : index
    %get3A_109 = arith.constant 0 : index
    %get3A_110 = arith.constant 0 : index
    %get3A_111 = vector.load %arg2[%get3A_108, %get3A_109, %get3A_110] : memref<4x168x128xf32, #tpu.memory_space<vmem>>, vector<1x168x128xf32>
    %get3A_112 = vector.shape_cast %get3A_111 : vector<1x168x128xf32> to vector<168x128xf32>
    %broadcast_in_dim3A_113 = vector.shape_cast %get3A_112 : vector<168x128xf32> to vector<1x168x128xf32>
    %get3A_114 = arith.constant 0 : index
    %get3A_115 = arith.constant 0 : index
    %get3A_116 = arith.constant 0 : index
    %get3A_117 = vector.load %arg3[%get3A_114, %get3A_115, %get3A_116] : memref<4x8x128xf32, #tpu.memory_space<vmem>>, vector<4x8x128xf32>
    %reduce_max3A = arith.constant dense<0xFF800000> : vector<4xf32>
    %reduce_max3A_118 = vector.multi_reduction <maximumf>, %get3A_117, %reduce_max3A [1, 2] : vector<4x8x128xf32> to vector<4xf32>
    %broadcast_in_dim3A_119 = vector.shape_cast %reduce_max3A_118 : vector<4xf32> to vector<4x1x1xf32>
    %get3A_120 = arith.constant 0 : index
    %get3A_121 = arith.constant 0 : index
    %get3A_122 = arith.constant 0 : index
    %get3A_123 = vector.load %arg4[%get3A_120, %get3A_121, %get3A_122] : memref<4x8x128xf32, #tpu.memory_space<vmem>>, vector<4x8x128xf32>
    %reduce_max3A_124 = arith.constant dense<0xFF800000> : vector<4xf32>
    %reduce_max3A_125 = vector.multi_reduction <maximumf>, %get3A_123, %reduce_max3A_124 [1, 2] : vector<4x8x128xf32> to vector<4xf32>
    %broadcast_in_dim3A_126 = vector.shape_cast %reduce_max3A_125 : vector<4xf32> to vector<4x1x1xf32>
    %mul3A = vector.broadcast %broadcast_in_dim3A_95 : vector<1x168x128xf32> to vector<4x168x128xf32>
    %mul3A_127 = arith.mulf %concatenate3A_29, %mul3A : vector<4x168x128xf32>
    %add3A = vector.broadcast %broadcast_in_dim3A_107 : vector<1x168x128xf32> to vector<4x168x128xf32>
    %add3A_128 = arith.addf %mul3A_127, %add3A : vector<4x168x128xf32>
    %mul3A_129 = vector.broadcast %broadcast_in_dim3A_101 : vector<1x168x128xf32> to vector<4x168x128xf32>
    %mul3A_130 = arith.mulf %concatenate3A_49, %mul3A_129 : vector<4x168x128xf32>
    %add3A_131 = vector.broadcast %broadcast_in_dim3A_113 : vector<1x168x128xf32> to vector<4x168x128xf32>
    %add3A_132 = arith.addf %mul3A_130, %add3A_131 : vector<4x168x128xf32>
    %exp3A = math.exp %concatenate3A_69 : vector<4x168x128xf32>
    %mul3A_133 = vector.broadcast %broadcast_in_dim3A_95 : vector<1x168x128xf32> to vector<4x168x128xf32>
    %mul3A_134 = arith.mulf %exp3A, %mul3A_133 : vector<4x168x128xf32>
    %exp3A_135 = math.exp %concatenate3A_89 : vector<4x168x128xf32>
    %mul3A_136 = vector.broadcast %broadcast_in_dim3A_101 : vector<1x168x128xf32> to vector<4x168x128xf32>
    %mul3A_137 = arith.mulf %exp3A_135, %mul3A_136 : vector<4x168x128xf32>
    %mul3A_138 = arith.constant 5.000000e-01 : f32
    %mul3A_139 = vector.broadcast %mul3A_138 : f32 to vector<4x168x128xf32>
    %mul3A_140 = arith.mulf %mul3A_139, %mul3A_134 : vector<4x168x128xf32>
    %sub3A = arith.subf %add3A_128, %mul3A_140 : vector<4x168x128xf32>
    %max3A = arith.constant 0.000000e+00 : f32
    %max3A_141 = vector.broadcast %max3A : f32 to vector<4x168x128xf32>
    %max3A_142 = arith.maximumf %sub3A, %max3A_141 : vector<4x168x128xf32>
    %min3A = vector.broadcast %broadcast_in_dim3A_126 : vector<4x1x1xf32> to vector<4x168x128xf32>
    %min3A_143 = arith.minimumf %max3A_142, %min3A : vector<4x168x128xf32>
    %mul3A_144 = arith.constant 5.000000e-01 : f32
    %mul3A_145 = vector.broadcast %mul3A_144 : f32 to vector<4x168x128xf32>
    %mul3A_146 = arith.mulf %mul3A_145, %mul3A_137 : vector<4x168x128xf32>
    %sub3A_147 = arith.subf %add3A_132, %mul3A_146 : vector<4x168x128xf32>
    %max3A_148 = arith.constant 0.000000e+00 : f32
    %max3A_149 = vector.broadcast %max3A_148 : f32 to vector<4x168x128xf32>
    %max3A_150 = arith.maximumf %sub3A_147, %max3A_149 : vector<4x168x128xf32>
    %min3A_151 = vector.broadcast %broadcast_in_dim3A_119 : vector<4x1x1xf32> to vector<4x168x128xf32>
    %min3A_152 = arith.minimumf %max3A_150, %min3A_151 : vector<4x168x128xf32>
    %mul3A_153 = arith.constant 5.000000e-01 : f32
    %mul3A_154 = vector.broadcast %mul3A_153 : f32 to vector<4x168x128xf32>
    %mul3A_155 = arith.mulf %mul3A_154, %mul3A_134 : vector<4x168x128xf32>
    %add3A_156 = arith.addf %add3A_128, %mul3A_155 : vector<4x168x128xf32>
    %max3A_157 = arith.constant 0.000000e+00 : f32
    %max3A_158 = vector.broadcast %max3A_157 : f32 to vector<4x168x128xf32>
    %max3A_159 = arith.maximumf %add3A_156, %max3A_158 : vector<4x168x128xf32>
    %min3A_160 = vector.broadcast %broadcast_in_dim3A_126 : vector<4x1x1xf32> to vector<4x168x128xf32>
    %min3A_161 = arith.minimumf %max3A_159, %min3A_160 : vector<4x168x128xf32>
    %mul3A_162 = arith.constant 5.000000e-01 : f32
    %mul3A_163 = vector.broadcast %mul3A_162 : f32 to vector<4x168x128xf32>
    %mul3A_164 = arith.mulf %mul3A_163, %mul3A_137 : vector<4x168x128xf32>
    %add3A_165 = arith.addf %add3A_132, %mul3A_164 : vector<4x168x128xf32>
    %max3A_166 = arith.constant 0.000000e+00 : f32
    %max3A_167 = vector.broadcast %max3A_166 : f32 to vector<4x168x128xf32>
    %max3A_168 = arith.maximumf %add3A_165, %max3A_167 : vector<4x168x128xf32>
    %min3A_169 = vector.broadcast %broadcast_in_dim3A_119 : vector<4x1x1xf32> to vector<4x168x128xf32>
    %min3A_170 = arith.minimumf %max3A_168, %min3A_169 : vector<4x168x128xf32>
    %iota3A = tpu.iota {dimensions = array<i32: 1>} : vector<4x168x128xi32>
    %mul3A_171 = arith.constant 128 : i32
    %mul3A_172 = vector.broadcast %mul3A_171 : i32 to vector<4x168x128xi32>
    %mul3A_173 = arith.muli %iota3A, %mul3A_172 : vector<4x168x128xi32>
    %iota3A_174 = tpu.iota {dimensions = array<i32: 2>} : vector<4x168x128xi32>
    %add3A_175 = arith.addi %mul3A_173, %iota3A_174 : vector<4x168x128xi32>
    %bitcast_convert_type3A = tpu.bitcast %concatenate3A : vector<4x168x128xf32> -> vector<4x168x128xi32>
    %broadcast_in_dim3A_176 = arith.constant 0 : i32
    %broadcast_in_dim3A_177 = vector.broadcast %broadcast_in_dim3A_176 : i32 to vector<4x1x1xi32>
    %scan3A = arith.constant 0 : i32
    %scan3A_178 = arith.constant 31 : i32
    %scan3A_179 = arith.addi %scan3A, %scan3A_178 : i32
    %scan3A_180 = arith.constant 1 : i32
    %scan3A_181 = scf.for %scan3A_575 = %scan3A to %scan3A_179 step %scan3A_180 iter_args(%scan3A_576 = %broadcast_in_dim3A_177) -> (vector<4x1x1xi32>)  : i32 {
      %sub3A_577 = arith.constant 30 : i32
      %sub3A_578 = arith.subi %sub3A_577, %scan3A_575 : i32
      %shift_left3A = arith.constant 1 : i32
      %shift_left3A_579 = arith.shli %shift_left3A, %sub3A_578 : i32
      %or3A_580 = vector.broadcast %shift_left3A_579 : i32 to vector<4x1x1xi32>
      %or3A_581 = arith.ori %scan3A_576, %or3A_580 : vector<4x1x1xi32>
      %ge3A = vector.broadcast %or3A_581 : vector<4x1x1xi32> to vector<4x168x128xi32>
      %ge3A_582 = arith.cmpi sge, %bitcast_convert_type3A, %ge3A : vector<4x168x128xi32>
      %convert_element_type3A_583 = arith.extui %ge3A_582 : vector<4x168x128xi1> to vector<4x168x128xi32>
      %reduce_sum3A_584 = arith.constant dense<0> : vector<4xi32>
      %reduce_sum3A_585 = vector.multi_reduction <add>, %convert_element_type3A_583, %reduce_sum3A_584 [1, 2] : vector<4x168x128xi32> to vector<4xi32>
      %broadcast_in_dim3A_586 = vector.shape_cast %reduce_sum3A_585 : vector<4xi32> to vector<4x1x1xi32>
      %ge3A_587 = arith.constant 6000 : i32
      %ge3A_588 = vector.broadcast %ge3A_587 : i32 to vector<4x1x1xi32>
      %ge3A_589 = arith.cmpi sge, %broadcast_in_dim3A_586, %ge3A_588 : vector<4x1x1xi32>
      %select_n3A_590 = arith.select %ge3A_589, %or3A_581, %scan3A_576 : vector<4x1x1xi1>, vector<4x1x1xi32>
      scf.yield %select_n3A_590 : vector<4x1x1xi32>
    }
    %scan3A_182 = arith.constant 31 : i32
    %gt3A = vector.broadcast %scan3A_181 : vector<4x1x1xi32> to vector<4x168x128xi32>
    %gt3A_183 = arith.cmpi sgt, %bitcast_convert_type3A, %gt3A : vector<4x168x128xi32>
    %eq3A = vector.broadcast %scan3A_181 : vector<4x1x1xi32> to vector<4x168x128xi32>
    %eq3A_184 = arith.cmpi eq, %bitcast_convert_type3A, %eq3A : vector<4x168x128xi32>
    %convert_element_type3A = arith.extui %gt3A_183 : vector<4x168x128xi1> to vector<4x168x128xi32>
    %reduce_sum3A = arith.constant dense<0> : vector<4xi32>
    %reduce_sum3A_185 = vector.multi_reduction <add>, %convert_element_type3A, %reduce_sum3A [1, 2] : vector<4x168x128xi32> to vector<4xi32>
    %broadcast_in_dim3A_186 = vector.shape_cast %reduce_sum3A_185 : vector<4xi32> to vector<4x1x1xi32>
    %sub3A_187 = arith.constant 6000 : i32
    %sub3A_188 = vector.broadcast %sub3A_187 : i32 to vector<4x1x1xi32>
    %sub3A_189 = arith.subi %sub3A_188, %broadcast_in_dim3A_186 : vector<4x1x1xi32>
    %convert_element_type3A_190 = arith.sitofp %sub3A_189 : vector<4x1x1xi32> to vector<4x1x1xf32>
    %iota3A_191 = tpu.iota {dimensions = array<i32: 0>} : vector<18x168xi32>
    %iota3A_192 = tpu.iota {dimensions = array<i32: 1>} : vector<18x168xi32>
    %jit3A = arith.constant 18 : i32
    %eq3A_193 = arith.constant 0 : i32
    %eq3A_194 = arith.cmpi eq, %jit3A, %eq3A_193 : i32
    %jit3A_195 = arith.constant 1 : i32
    %select_n3A = arith.select %eq3A_194, %jit3A_195, %jit3A : i32
    %rem3A = vector.broadcast %select_n3A : i32 to vector<18x168xi32>
    %rem3A_196 = arith.remsi %iota3A_192, %rem3A : vector<18x168xi32>
    %ne3A = arith.constant 0 : i32
    %ne3A_197 = vector.broadcast %ne3A : i32 to vector<18x168xi32>
    %ne3A_198 = arith.cmpi ne, %rem3A_196, %ne3A_197 : vector<18x168xi32>
    %lt3A = arith.constant 0 : i32
    %lt3A_199 = vector.broadcast %lt3A : i32 to vector<18x168xi32>
    %lt3A_200 = arith.cmpi slt, %rem3A_196, %lt3A_199 : vector<18x168xi32>
    %lt3A_201 = arith.constant 0 : i32
    %lt3A_202 = arith.cmpi slt, %select_n3A, %lt3A_201 : i32
    %ne3A_203 = vector.broadcast %lt3A_202 : i1 to vector<18x168xi1>
    %ne3A_204 = vector.broadcast %ne3A_203 : vector<18x168xi1> to vector<18x168xi1>
    %ne3A_205 = arith.xori %lt3A_200, %ne3A_204 : vector<18x168xi1>
    %and3A = arith.andi %ne3A_205, %ne3A_198 : vector<18x168xi1>
    %add3A_206 = vector.broadcast %select_n3A : i32 to vector<18x168xi32>
    %add3A_207 = arith.addi %rem3A_196, %add3A_206 : vector<18x168xi32>
    %select_n3A_208 = arith.select %and3A, %add3A_207, %rem3A_196 : vector<18x168xi1>, vector<18x168xi32>
    %eq3A_209 = arith.cmpi eq, %select_n3A_208, %iota3A_191 : vector<18x168xi32>
    %lt3A_210 = arith.constant 162 : i32
    %lt3A_211 = vector.broadcast %lt3A_210 : i32 to vector<18x168xi32>
    %lt3A_212 = arith.cmpi slt, %iota3A_192, %lt3A_211 : vector<18x168xi32>
    %and3A_213 = arith.andi %eq3A_209, %lt3A_212 : vector<18x168xi1>
    %convert_element_type3A_214 = arith.extui %and3A_213 : vector<18x168xi1> to vector<18x168xi32>
    %convert_element_type3A_215 = arith.sitofp %convert_element_type3A_214 : vector<18x168xi32> to vector<18x168xf32>
    %jit3A_216 = arith.constant 18 : i32
    %eq3A_217 = arith.constant 0 : i32
    %eq3A_218 = arith.cmpi eq, %jit3A_216, %eq3A_217 : i32
    %jit3A_219 = arith.constant 1 : i32
    %select_n3A_220 = arith.select %eq3A_218, %jit3A_219, %jit3A_216 : i32
    %rem3A_221 = vector.broadcast %select_n3A_220 : i32 to vector<18x168xi32>
    %rem3A_222 = arith.remsi %iota3A_192, %rem3A_221 : vector<18x168xi32>
    %ne3A_223 = arith.constant 0 : i32
    %ne3A_224 = vector.broadcast %ne3A_223 : i32 to vector<18x168xi32>
    %ne3A_225 = arith.cmpi ne, %rem3A_222, %ne3A_224 : vector<18x168xi32>
    %lt3A_226 = arith.constant 0 : i32
    %lt3A_227 = vector.broadcast %lt3A_226 : i32 to vector<18x168xi32>
    %lt3A_228 = arith.cmpi slt, %rem3A_222, %lt3A_227 : vector<18x168xi32>
    %lt3A_229 = arith.constant 0 : i32
    %lt3A_230 = arith.cmpi slt, %select_n3A_220, %lt3A_229 : i32
    %ne3A_231 = vector.broadcast %lt3A_230 : i1 to vector<18x168xi1>
    %ne3A_232 = vector.broadcast %ne3A_231 : vector<18x168xi1> to vector<18x168xi1>
    %ne3A_233 = arith.xori %lt3A_228, %ne3A_232 : vector<18x168xi1>
    %and3A_234 = arith.andi %ne3A_233, %ne3A_225 : vector<18x168xi1>
    %add3A_235 = vector.broadcast %select_n3A_220 : i32 to vector<18x168xi32>
    %add3A_236 = arith.addi %rem3A_222, %add3A_235 : vector<18x168xi32>
    %select_n3A_237 = arith.select %and3A_234, %add3A_236, %rem3A_222 : vector<18x168xi1>, vector<18x168xi32>
    %lt3A_238 = arith.cmpi slt, %select_n3A_237, %iota3A_191 : vector<18x168xi32>
    %lt3A_239 = arith.constant 162 : i32
    %lt3A_240 = vector.broadcast %lt3A_239 : i32 to vector<18x168xi32>
    %lt3A_241 = arith.cmpi slt, %iota3A_192, %lt3A_240 : vector<18x168xi32>
    %and3A_242 = arith.andi %lt3A_238, %lt3A_241 : vector<18x168xi1>
    %convert_element_type3A_243 = arith.extui %and3A_242 : vector<18x168xi1> to vector<18x168xi32>
    %convert_element_type3A_244 = arith.sitofp %convert_element_type3A_243 : vector<18x168xi32> to vector<18x168xf32>
    %iota3A_245 = tpu.iota {dimensions = array<i32: 0>} : vector<128x128xi32>
    %iota3A_246 = tpu.iota {dimensions = array<i32: 1>} : vector<128x128xi32>
    %lt3A_247 = arith.cmpi slt, %iota3A_245, %iota3A_246 : vector<128x128xi32>
    %convert_element_type3A_248 = arith.extui %lt3A_247 : vector<128x128xi1> to vector<128x128xi32>
    %convert_element_type3A_249 = arith.sitofp %convert_element_type3A_248 : vector<128x128xi32> to vector<128x128xf32>
    %iota3A_250 = tpu.iota {dimensions = array<i32: 0>} : vector<168x168xi32>
    %iota3A_251 = tpu.iota {dimensions = array<i32: 1>} : vector<168x168xi32>
    %jit3A_252 = arith.constant 18 : i32
    %eq3A_253 = arith.constant 0 : i32
    %eq3A_254 = arith.cmpi eq, %jit3A_252, %eq3A_253 : i32
    %jit3A_255 = arith.constant 1 : i32
    %select_n3A_256 = arith.select %eq3A_254, %jit3A_255, %jit3A_252 : i32
    %rem3A_257 = vector.broadcast %select_n3A_256 : i32 to vector<168x168xi32>
    %rem3A_258 = arith.remsi %iota3A_250, %rem3A_257 : vector<168x168xi32>
    %ne3A_259 = arith.constant 0 : i32
    %ne3A_260 = vector.broadcast %ne3A_259 : i32 to vector<168x168xi32>
    %ne3A_261 = arith.cmpi ne, %rem3A_258, %ne3A_260 : vector<168x168xi32>
    %lt3A_262 = arith.constant 0 : i32
    %lt3A_263 = vector.broadcast %lt3A_262 : i32 to vector<168x168xi32>
    %lt3A_264 = arith.cmpi slt, %rem3A_258, %lt3A_263 : vector<168x168xi32>
    %lt3A_265 = arith.constant 0 : i32
    %lt3A_266 = arith.cmpi slt, %select_n3A_256, %lt3A_265 : i32
    %ne3A_267 = vector.broadcast %lt3A_266 : i1 to vector<168x168xi1>
    %ne3A_268 = vector.broadcast %ne3A_267 : vector<168x168xi1> to vector<168x168xi1>
    %ne3A_269 = arith.xori %lt3A_264, %ne3A_268 : vector<168x168xi1>
    %and3A_270 = arith.andi %ne3A_269, %ne3A_261 : vector<168x168xi1>
    %add3A_271 = vector.broadcast %select_n3A_256 : i32 to vector<168x168xi32>
    %add3A_272 = arith.addi %rem3A_258, %add3A_271 : vector<168x168xi32>
    %select_n3A_273 = arith.select %and3A_270, %add3A_272, %rem3A_258 : vector<168x168xi1>, vector<168x168xi32>
    %jit3A_274 = arith.constant 18 : i32
    %eq3A_275 = arith.constant 0 : i32
    %eq3A_276 = arith.cmpi eq, %jit3A_274, %eq3A_275 : i32
    %jit3A_277 = arith.constant 1 : i32
    %select_n3A_278 = arith.select %eq3A_276, %jit3A_277, %jit3A_274 : i32
    %rem3A_279 = vector.broadcast %select_n3A_278 : i32 to vector<168x168xi32>
    %rem3A_280 = arith.remsi %iota3A_251, %rem3A_279 : vector<168x168xi32>
    %ne3A_281 = arith.constant 0 : i32
    %ne3A_282 = vector.broadcast %ne3A_281 : i32 to vector<168x168xi32>
    %ne3A_283 = arith.cmpi ne, %rem3A_280, %ne3A_282 : vector<168x168xi32>
    %lt3A_284 = arith.constant 0 : i32
    %lt3A_285 = vector.broadcast %lt3A_284 : i32 to vector<168x168xi32>
    %lt3A_286 = arith.cmpi slt, %rem3A_280, %lt3A_285 : vector<168x168xi32>
    %lt3A_287 = arith.constant 0 : i32
    %lt3A_288 = arith.cmpi slt, %select_n3A_278, %lt3A_287 : i32
    %ne3A_289 = vector.broadcast %lt3A_288 : i1 to vector<168x168xi1>
    %ne3A_290 = vector.broadcast %ne3A_289 : vector<168x168xi1> to vector<168x168xi1>
    %ne3A_291 = arith.xori %lt3A_286, %ne3A_290 : vector<168x168xi1>
    %and3A_292 = arith.andi %ne3A_291, %ne3A_283 : vector<168x168xi1>
    %add3A_293 = vector.broadcast %select_n3A_278 : i32 to vector<168x168xi32>
    %add3A_294 = arith.addi %rem3A_280, %add3A_293 : vector<168x168xi32>
    %select_n3A_295 = arith.select %and3A_292, %add3A_294, %rem3A_280 : vector<168x168xi1>, vector<168x168xi32>
    %eq3A_296 = arith.cmpi eq, %select_n3A_273, %select_n3A_295 : vector<168x168xi32>
    %jit3A_297 = arith.constant 18 : i32
    %div3A = vector.broadcast %jit3A_297 : i32 to vector<168x168xi32>
    %div3A_298 = arith.divsi %iota3A_251, %div3A : vector<168x168xi32>
    %sign3A = arith.constant 0 : i32
    %sign3A_299 = vector.broadcast %sign3A : i32 to vector<168x168xi32>
    %sign3A_300 = arith.cmpi sgt, %iota3A_251, %sign3A_299 : vector<168x168xi32>
    %sign3A_301 = arith.extui %sign3A_300 : vector<168x168xi1> to vector<168x168xi32>
    %sign3A_302 = arith.constant 0 : i32
    %sign3A_303 = vector.broadcast %sign3A_302 : i32 to vector<168x168xi32>
    %sign3A_304 = arith.cmpi slt, %iota3A_251, %sign3A_303 : vector<168x168xi32>
    %sign3A_305 = arith.extui %sign3A_304 : vector<168x168xi1> to vector<168x168xi32>
    %sign3A_306 = arith.subi %sign3A_301, %sign3A_305 : vector<168x168xi32>
    %sign3A_307 = arith.constant 0 : i32
    %sign3A_308 = arith.cmpi sgt, %jit3A_297, %sign3A_307 : i32
    %sign3A_309 = arith.extui %sign3A_308 : i1 to i32
    %sign3A_310 = arith.constant 0 : i32
    %sign3A_311 = arith.cmpi slt, %jit3A_297, %sign3A_310 : i32
    %sign3A_312 = arith.extui %sign3A_311 : i1 to i32
    %sign3A_313 = arith.subi %sign3A_309, %sign3A_312 : i32
    %ne3A_314 = vector.broadcast %sign3A_313 : i32 to vector<168x168xi32>
    %ne3A_315 = arith.cmpi ne, %sign3A_306, %ne3A_314 : vector<168x168xi32>
    %rem3A_316 = vector.broadcast %jit3A_297 : i32 to vector<168x168xi32>
    %rem3A_317 = arith.remsi %iota3A_251, %rem3A_316 : vector<168x168xi32>
    %ne3A_318 = arith.constant 0 : i32
    %ne3A_319 = vector.broadcast %ne3A_318 : i32 to vector<168x168xi32>
    %ne3A_320 = arith.cmpi ne, %rem3A_317, %ne3A_319 : vector<168x168xi32>
    %and3A_321 = arith.andi %ne3A_315, %ne3A_320 : vector<168x168xi1>
    %sub3A_322 = arith.constant 1 : i32
    %sub3A_323 = vector.broadcast %sub3A_322 : i32 to vector<168x168xi32>
    %sub3A_324 = arith.subi %div3A_298, %sub3A_323 : vector<168x168xi32>
    %select_n3A_325 = arith.select %and3A_321, %sub3A_324, %div3A_298 : vector<168x168xi1>, vector<168x168xi32>
    %jit3A_326 = arith.constant 18 : i32
    %div3A_327 = vector.broadcast %jit3A_326 : i32 to vector<168x168xi32>
    %div3A_328 = arith.divsi %iota3A_250, %div3A_327 : vector<168x168xi32>
    %sign3A_329 = arith.constant 0 : i32
    %sign3A_330 = vector.broadcast %sign3A_329 : i32 to vector<168x168xi32>
    %sign3A_331 = arith.cmpi sgt, %iota3A_250, %sign3A_330 : vector<168x168xi32>
    %sign3A_332 = arith.extui %sign3A_331 : vector<168x168xi1> to vector<168x168xi32>
    %sign3A_333 = arith.constant 0 : i32
    %sign3A_334 = vector.broadcast %sign3A_333 : i32 to vector<168x168xi32>
    %sign3A_335 = arith.cmpi slt, %iota3A_250, %sign3A_334 : vector<168x168xi32>
    %sign3A_336 = arith.extui %sign3A_335 : vector<168x168xi1> to vector<168x168xi32>
    %sign3A_337 = arith.subi %sign3A_332, %sign3A_336 : vector<168x168xi32>
    %sign3A_338 = arith.constant 0 : i32
    %sign3A_339 = arith.cmpi sgt, %jit3A_326, %sign3A_338 : i32
    %sign3A_340 = arith.extui %sign3A_339 : i1 to i32
    %sign3A_341 = arith.constant 0 : i32
    %sign3A_342 = arith.cmpi slt, %jit3A_326, %sign3A_341 : i32
    %sign3A_343 = arith.extui %sign3A_342 : i1 to i32
    %sign3A_344 = arith.subi %sign3A_340, %sign3A_343 : i32
    %ne3A_345 = vector.broadcast %sign3A_344 : i32 to vector<168x168xi32>
    %ne3A_346 = arith.cmpi ne, %sign3A_337, %ne3A_345 : vector<168x168xi32>
    %rem3A_347 = vector.broadcast %jit3A_326 : i32 to vector<168x168xi32>
    %rem3A_348 = arith.remsi %iota3A_250, %rem3A_347 : vector<168x168xi32>
    %ne3A_349 = arith.constant 0 : i32
    %ne3A_350 = vector.broadcast %ne3A_349 : i32 to vector<168x168xi32>
    %ne3A_351 = arith.cmpi ne, %rem3A_348, %ne3A_350 : vector<168x168xi32>
    %and3A_352 = arith.andi %ne3A_346, %ne3A_351 : vector<168x168xi1>
    %sub3A_353 = arith.constant 1 : i32
    %sub3A_354 = vector.broadcast %sub3A_353 : i32 to vector<168x168xi32>
    %sub3A_355 = arith.subi %div3A_328, %sub3A_354 : vector<168x168xi32>
    %select_n3A_356 = arith.select %and3A_352, %sub3A_355, %div3A_328 : vector<168x168xi1>, vector<168x168xi32>
    %lt3A_357 = arith.cmpi slt, %select_n3A_325, %select_n3A_356 : vector<168x168xi32>
    %and3A_358 = arith.andi %eq3A_296, %lt3A_357 : vector<168x168xi1>
    %lt3A_359 = arith.constant 162 : i32
    %lt3A_360 = vector.broadcast %lt3A_359 : i32 to vector<168x168xi32>
    %lt3A_361 = arith.cmpi slt, %iota3A_251, %lt3A_360 : vector<168x168xi32>
    %and3A_362 = arith.andi %and3A_358, %lt3A_361 : vector<168x168xi1>
    %lt3A_363 = arith.constant 162 : i32
    %lt3A_364 = vector.broadcast %lt3A_363 : i32 to vector<168x168xi32>
    %lt3A_365 = arith.cmpi slt, %iota3A_250, %lt3A_364 : vector<168x168xi32>
    %and3A_366 = arith.andi %and3A_362, %lt3A_365 : vector<168x168xi1>
    %convert_element_type3A_367 = arith.extui %and3A_366 : vector<168x168xi1> to vector<168x168xi32>
    %convert_element_type3A_368 = arith.sitofp %convert_element_type3A_367 : vector<168x168xi32> to vector<168x168xf32>
    %broadcast_in_dim3A_369 = arith.constant 0.000000e+00 : f32
    %broadcast_in_dim3A_370 = vector.broadcast %broadcast_in_dim3A_369 : f32 to vector<6x128xf32>
    %convert_element_type3A_371 = arith.extui %eq3A_184 : vector<4x168x128xi1> to vector<4x168x128xi32>
    %convert_element_type3A_372 = arith.sitofp %convert_element_type3A_371 : vector<4x168x128xi32> to vector<4x168x128xf32>
    %slice3A_373 = vector.extract_strided_slice %convert_element_type3A_372 {offsets = [0, 0, 0], sizes = [1, 168, 128], strides = [1, 1, 1]} : vector<4x168x128xf32> to vector<1x168x128xf32>
    %squeeze3A_374 = vector.shape_cast %slice3A_373 : vector<1x168x128xf32> to vector<168x128xf32>
    %dot_general3A = arith.constant dense<0.000000e+00> : vector<168x128xf32>
    %dot_general3A_375 = tpu.matmul %squeeze3A_374, %convert_element_type3A_249, %dot_general3A {dimension_numbers = #tpu.dot_dimension_numbers<[1], [0], [0], [1], [0, 0, 1, 1], [], []>, transpose_lhs_hint = false} : vector<168x128xf32>, vector<128x128xf32>, vector<168x128xf32> -> vector<168x128xf32>
    %dot_general3A_376 = arith.constant dense<0.000000e+00> : vector<18x128xf32>
    %dot_general3A_377 = tpu.matmul %convert_element_type3A_215, %dot_general3A_375, %dot_general3A_376 {dimension_numbers = #tpu.dot_dimension_numbers<[1], [0], [0], [1], [0, 0, 1, 1], [], []>, transpose_lhs_hint = false} : vector<18x168xf32>, vector<168x128xf32>, vector<18x128xf32> -> vector<18x128xf32>
    %dot_general3A_378 = arith.constant dense<0.000000e+00> : vector<18x128xf32>
    %dot_general3A_379 = tpu.matmul %convert_element_type3A_244, %squeeze3A_374, %dot_general3A_378 {dimension_numbers = #tpu.dot_dimension_numbers<[1], [0], [0], [1], [0, 0, 1, 1], [], []>, transpose_lhs_hint = false} : vector<18x168xf32>, vector<168x128xf32>, vector<18x128xf32> -> vector<18x128xf32>
    %reduce_sum3A_380 = arith.constant dense<0.000000e+00> : vector<18xf32>
    %reduce_sum3A_381 = vector.multi_reduction <add>, %dot_general3A_379, %reduce_sum3A_380 [1] : vector<18x128xf32> to vector<18xf32>
    %broadcast_in_dim3A_382 = vector.shape_cast %reduce_sum3A_381 : vector<18xf32> to vector<18x1xf32>
    %add3A_383 = vector.broadcast %broadcast_in_dim3A_382 : vector<18x1xf32> to vector<18x128xf32>
    %add3A_384 = arith.addf %add3A_383, %dot_general3A_377 : vector<18x128xf32>
    %concatenate3A_385 = tpu.concatenate %add3A_384, %add3A_384, %add3A_384, %add3A_384, %add3A_384, %add3A_384, %add3A_384, %add3A_384, %add3A_384, %broadcast_in_dim3A_370 in 0 : vector<18x128xf32>, vector<18x128xf32>, vector<18x128xf32>, vector<18x128xf32>, vector<18x128xf32>, vector<18x128xf32>, vector<18x128xf32>, vector<18x128xf32>, vector<18x128xf32>, vector<6x128xf32> -> vector<168x128xf32>
    %dot_general3A_386 = arith.constant dense<0.000000e+00> : vector<168x128xf32>
    %dot_general3A_387 = tpu.matmul %convert_element_type3A_368, %squeeze3A_374, %dot_general3A_386 {dimension_numbers = #tpu.dot_dimension_numbers<[1], [0], [0], [1], [0, 0, 1, 1], [], []>, transpose_lhs_hint = false} : vector<168x168xf32>, vector<168x128xf32>, vector<168x128xf32> -> vector<168x128xf32>
    %add3A_388 = arith.addf %concatenate3A_385, %dot_general3A_387 : vector<168x128xf32>
    %broadcast_in_dim3A_389 = vector.shape_cast %add3A_388 : vector<168x128xf32> to vector<1x168x128xf32>
    %slice3A_390 = vector.extract_strided_slice %convert_element_type3A_372 {offsets = [1, 0, 0], sizes = [1, 168, 128], strides = [1, 1, 1]} : vector<4x168x128xf32> to vector<1x168x128xf32>
    %squeeze3A_391 = vector.shape_cast %slice3A_390 : vector<1x168x128xf32> to vector<168x128xf32>
    %dot_general3A_392 = arith.constant dense<0.000000e+00> : vector<168x128xf32>
    %dot_general3A_393 = tpu.matmul %squeeze3A_391, %convert_element_type3A_249, %dot_general3A_392 {dimension_numbers = #tpu.dot_dimension_numbers<[1], [0], [0], [1], [0, 0, 1, 1], [], []>, transpose_lhs_hint = false} : vector<168x128xf32>, vector<128x128xf32>, vector<168x128xf32> -> vector<168x128xf32>
    %dot_general3A_394 = arith.constant dense<0.000000e+00> : vector<18x128xf32>
    %dot_general3A_395 = tpu.matmul %convert_element_type3A_215, %dot_general3A_393, %dot_general3A_394 {dimension_numbers = #tpu.dot_dimension_numbers<[1], [0], [0], [1], [0, 0, 1, 1], [], []>, transpose_lhs_hint = false} : vector<18x168xf32>, vector<168x128xf32>, vector<18x128xf32> -> vector<18x128xf32>
    %dot_general3A_396 = arith.constant dense<0.000000e+00> : vector<18x128xf32>
    %dot_general3A_397 = tpu.matmul %convert_element_type3A_244, %squeeze3A_391, %dot_general3A_396 {dimension_numbers = #tpu.dot_dimension_numbers<[1], [0], [0], [1], [0, 0, 1, 1], [], []>, transpose_lhs_hint = false} : vector<18x168xf32>, vector<168x128xf32>, vector<18x128xf32> -> vector<18x128xf32>
    %reduce_sum3A_398 = arith.constant dense<0.000000e+00> : vector<18xf32>
    %reduce_sum3A_399 = vector.multi_reduction <add>, %dot_general3A_397, %reduce_sum3A_398 [1] : vector<18x128xf32> to vector<18xf32>
    %broadcast_in_dim3A_400 = vector.shape_cast %reduce_sum3A_399 : vector<18xf32> to vector<18x1xf32>
    %add3A_401 = vector.broadcast %broadcast_in_dim3A_400 : vector<18x1xf32> to vector<18x128xf32>
    %add3A_402 = arith.addf %add3A_401, %dot_general3A_395 : vector<18x128xf32>
    %concatenate3A_403 = tpu.concatenate %add3A_402, %add3A_402, %add3A_402, %add3A_402, %add3A_402, %add3A_402, %add3A_402, %add3A_402, %add3A_402, %broadcast_in_dim3A_370 in 0 : vector<18x128xf32>, vector<18x128xf32>, vector<18x128xf32>, vector<18x128xf32>, vector<18x128xf32>, vector<18x128xf32>, vector<18x128xf32>, vector<18x128xf32>, vector<18x128xf32>, vector<6x128xf32> -> vector<168x128xf32>
    %dot_general3A_404 = arith.constant dense<0.000000e+00> : vector<168x128xf32>
    %dot_general3A_405 = tpu.matmul %convert_element_type3A_368, %squeeze3A_391, %dot_general3A_404 {dimension_numbers = #tpu.dot_dimension_numbers<[1], [0], [0], [1], [0, 0, 1, 1], [], []>, transpose_lhs_hint = false} : vector<168x168xf32>, vector<168x128xf32>, vector<168x128xf32> -> vector<168x128xf32>
    %add3A_406 = arith.addf %concatenate3A_403, %dot_general3A_405 : vector<168x128xf32>
    %broadcast_in_dim3A_407 = vector.shape_cast %add3A_406 : vector<168x128xf32> to vector<1x168x128xf32>
    %slice3A_408 = vector.extract_strided_slice %convert_element_type3A_372 {offsets = [2, 0, 0], sizes = [1, 168, 128], strides = [1, 1, 1]} : vector<4x168x128xf32> to vector<1x168x128xf32>
    %squeeze3A_409 = vector.shape_cast %slice3A_408 : vector<1x168x128xf32> to vector<168x128xf32>
    %dot_general3A_410 = arith.constant dense<0.000000e+00> : vector<168x128xf32>
    %dot_general3A_411 = tpu.matmul %squeeze3A_409, %convert_element_type3A_249, %dot_general3A_410 {dimension_numbers = #tpu.dot_dimension_numbers<[1], [0], [0], [1], [0, 0, 1, 1], [], []>, transpose_lhs_hint = false} : vector<168x128xf32>, vector<128x128xf32>, vector<168x128xf32> -> vector<168x128xf32>
    %dot_general3A_412 = arith.constant dense<0.000000e+00> : vector<18x128xf32>
    %dot_general3A_413 = tpu.matmul %convert_element_type3A_215, %dot_general3A_411, %dot_general3A_412 {dimension_numbers = #tpu.dot_dimension_numbers<[1], [0], [0], [1], [0, 0, 1, 1], [], []>, transpose_lhs_hint = false} : vector<18x168xf32>, vector<168x128xf32>, vector<18x128xf32> -> vector<18x128xf32>
    %dot_general3A_414 = arith.constant dense<0.000000e+00> : vector<18x128xf32>
    %dot_general3A_415 = tpu.matmul %convert_element_type3A_244, %squeeze3A_409, %dot_general3A_414 {dimension_numbers = #tpu.dot_dimension_numbers<[1], [0], [0], [1], [0, 0, 1, 1], [], []>, transpose_lhs_hint = false} : vector<18x168xf32>, vector<168x128xf32>, vector<18x128xf32> -> vector<18x128xf32>
    %reduce_sum3A_416 = arith.constant dense<0.000000e+00> : vector<18xf32>
    %reduce_sum3A_417 = vector.multi_reduction <add>, %dot_general3A_415, %reduce_sum3A_416 [1] : vector<18x128xf32> to vector<18xf32>
    %broadcast_in_dim3A_418 = vector.shape_cast %reduce_sum3A_417 : vector<18xf32> to vector<18x1xf32>
    %add3A_419 = vector.broadcast %broadcast_in_dim3A_418 : vector<18x1xf32> to vector<18x128xf32>
    %add3A_420 = arith.addf %add3A_419, %dot_general3A_413 : vector<18x128xf32>
    %concatenate3A_421 = tpu.concatenate %add3A_420, %add3A_420, %add3A_420, %add3A_420, %add3A_420, %add3A_420, %add3A_420, %add3A_420, %add3A_420, %broadcast_in_dim3A_370 in 0 : vector<18x128xf32>, vector<18x128xf32>, vector<18x128xf32>, vector<18x128xf32>, vector<18x128xf32>, vector<18x128xf32>, vector<18x128xf32>, vector<18x128xf32>, vector<18x128xf32>, vector<6x128xf32> -> vector<168x128xf32>
    %dot_general3A_422 = arith.constant dense<0.000000e+00> : vector<168x128xf32>
    %dot_general3A_423 = tpu.matmul %convert_element_type3A_368, %squeeze3A_409, %dot_general3A_422 {dimension_numbers = #tpu.dot_dimension_numbers<[1], [0], [0], [1], [0, 0, 1, 1], [], []>, transpose_lhs_hint = false} : vector<168x168xf32>, vector<168x128xf32>, vector<168x128xf32> -> vector<168x128xf32>
    %add3A_424 = arith.addf %concatenate3A_421, %dot_general3A_423 : vector<168x128xf32>
    %broadcast_in_dim3A_425 = vector.shape_cast %add3A_424 : vector<168x128xf32> to vector<1x168x128xf32>
    %slice3A_426 = vector.extract_strided_slice %convert_element_type3A_372 {offsets = [3, 0, 0], sizes = [1, 168, 128], strides = [1, 1, 1]} : vector<4x168x128xf32> to vector<1x168x128xf32>
    %squeeze3A_427 = vector.shape_cast %slice3A_426 : vector<1x168x128xf32> to vector<168x128xf32>
    %dot_general3A_428 = arith.constant dense<0.000000e+00> : vector<168x128xf32>
    %dot_general3A_429 = tpu.matmul %squeeze3A_427, %convert_element_type3A_249, %dot_general3A_428 {dimension_numbers = #tpu.dot_dimension_numbers<[1], [0], [0], [1], [0, 0, 1, 1], [], []>, transpose_lhs_hint = false} : vector<168x128xf32>, vector<128x128xf32>, vector<168x128xf32> -> vector<168x128xf32>
    %dot_general3A_430 = arith.constant dense<0.000000e+00> : vector<18x128xf32>
    %dot_general3A_431 = tpu.matmul %convert_element_type3A_215, %dot_general3A_429, %dot_general3A_430 {dimension_numbers = #tpu.dot_dimension_numbers<[1], [0], [0], [1], [0, 0, 1, 1], [], []>, transpose_lhs_hint = false} : vector<18x168xf32>, vector<168x128xf32>, vector<18x128xf32> -> vector<18x128xf32>
    %dot_general3A_432 = arith.constant dense<0.000000e+00> : vector<18x128xf32>
    %dot_general3A_433 = tpu.matmul %convert_element_type3A_244, %squeeze3A_427, %dot_general3A_432 {dimension_numbers = #tpu.dot_dimension_numbers<[1], [0], [0], [1], [0, 0, 1, 1], [], []>, transpose_lhs_hint = false} : vector<18x168xf32>, vector<168x128xf32>, vector<18x128xf32> -> vector<18x128xf32>
    %reduce_sum3A_434 = arith.constant dense<0.000000e+00> : vector<18xf32>
    %reduce_sum3A_435 = vector.multi_reduction <add>, %dot_general3A_433, %reduce_sum3A_434 [1] : vector<18x128xf32> to vector<18xf32>
    %broadcast_in_dim3A_436 = vector.shape_cast %reduce_sum3A_435 : vector<18xf32> to vector<18x1xf32>
    %add3A_437 = vector.broadcast %broadcast_in_dim3A_436 : vector<18x1xf32> to vector<18x128xf32>
    %add3A_438 = arith.addf %add3A_437, %dot_general3A_431 : vector<18x128xf32>
    %concatenate3A_439 = tpu.concatenate %add3A_438, %add3A_438, %add3A_438, %add3A_438, %add3A_438, %add3A_438, %add3A_438, %add3A_438, %add3A_438, %broadcast_in_dim3A_370 in 0 : vector<18x128xf32>, vector<18x128xf32>, vector<18x128xf32>, vector<18x128xf32>, vector<18x128xf32>, vector<18x128xf32>, vector<18x128xf32>, vector<18x128xf32>, vector<18x128xf32>, vector<6x128xf32> -> vector<168x128xf32>
    %dot_general3A_440 = arith.constant dense<0.000000e+00> : vector<168x128xf32>
    %dot_general3A_441 = tpu.matmul %convert_element_type3A_368, %squeeze3A_427, %dot_general3A_440 {dimension_numbers = #tpu.dot_dimension_numbers<[1], [0], [0], [1], [0, 0, 1, 1], [], []>, transpose_lhs_hint = false} : vector<168x168xf32>, vector<168x128xf32>, vector<168x128xf32> -> vector<168x128xf32>
    %add3A_442 = arith.addf %concatenate3A_439, %dot_general3A_441 : vector<168x128xf32>
    %broadcast_in_dim3A_443 = vector.shape_cast %add3A_442 : vector<168x128xf32> to vector<1x168x128xf32>
    %concatenate3A_444 = tpu.concatenate %broadcast_in_dim3A_389, %broadcast_in_dim3A_407, %broadcast_in_dim3A_425, %broadcast_in_dim3A_443 in 0 : vector<1x168x128xf32>, vector<1x168x128xf32>, vector<1x168x128xf32>, vector<1x168x128xf32> -> vector<4x168x128xf32>
    %lt3A_445 = vector.broadcast %convert_element_type3A_190 : vector<4x1x1xf32> to vector<4x168x128xf32>
    %lt3A_446 = arith.cmpf olt, %concatenate3A_444, %lt3A_445 : vector<4x168x128xf32>
    %and3A_447 = arith.andi %eq3A_184, %lt3A_446 : vector<4x168x128xi1>
    %or3A = arith.ori %gt3A_183, %and3A_447 : vector<4x168x128xi1>
    %convert_element_type3A_448 = arith.extui %or3A : vector<4x168x128xi1> to vector<4x168x128xi32>
    %convert_element_type3A_449 = arith.sitofp %convert_element_type3A_448 : vector<4x168x128xi32> to vector<4x168x128xf32>
    %slice3A_450 = vector.extract_strided_slice %convert_element_type3A_449 {offsets = [0, 0, 0], sizes = [1, 168, 128], strides = [1, 1, 1]} : vector<4x168x128xf32> to vector<1x168x128xf32>
    %squeeze3A_451 = vector.shape_cast %slice3A_450 : vector<1x168x128xf32> to vector<168x128xf32>
    %dot_general3A_452 = arith.constant dense<0.000000e+00> : vector<168x128xf32>
    %dot_general3A_453 = tpu.matmul %squeeze3A_451, %convert_element_type3A_249, %dot_general3A_452 {dimension_numbers = #tpu.dot_dimension_numbers<[1], [0], [0], [1], [0, 0, 1, 1], [], []>, transpose_lhs_hint = false} : vector<168x128xf32>, vector<128x128xf32>, vector<168x128xf32> -> vector<168x128xf32>
    %dot_general3A_454 = arith.constant dense<0.000000e+00> : vector<18x128xf32>
    %dot_general3A_455 = tpu.matmul %convert_element_type3A_215, %dot_general3A_453, %dot_general3A_454 {dimension_numbers = #tpu.dot_dimension_numbers<[1], [0], [0], [1], [0, 0, 1, 1], [], []>, transpose_lhs_hint = false} : vector<18x168xf32>, vector<168x128xf32>, vector<18x128xf32> -> vector<18x128xf32>
    %dot_general3A_456 = arith.constant dense<0.000000e+00> : vector<18x128xf32>
    %dot_general3A_457 = tpu.matmul %convert_element_type3A_244, %squeeze3A_451, %dot_general3A_456 {dimension_numbers = #tpu.dot_dimension_numbers<[1], [0], [0], [1], [0, 0, 1, 1], [], []>, transpose_lhs_hint = false} : vector<18x168xf32>, vector<168x128xf32>, vector<18x128xf32> -> vector<18x128xf32>
    %reduce_sum3A_458 = arith.constant dense<0.000000e+00> : vector<18xf32>
    %reduce_sum3A_459 = vector.multi_reduction <add>, %dot_general3A_457, %reduce_sum3A_458 [1] : vector<18x128xf32> to vector<18xf32>
    %broadcast_in_dim3A_460 = vector.shape_cast %reduce_sum3A_459 : vector<18xf32> to vector<18x1xf32>
    %add3A_461 = vector.broadcast %broadcast_in_dim3A_460 : vector<18x1xf32> to vector<18x128xf32>
    %add3A_462 = arith.addf %add3A_461, %dot_general3A_455 : vector<18x128xf32>
    %concatenate3A_463 = tpu.concatenate %add3A_462, %add3A_462, %add3A_462, %add3A_462, %add3A_462, %add3A_462, %add3A_462, %add3A_462, %add3A_462, %broadcast_in_dim3A_370 in 0 : vector<18x128xf32>, vector<18x128xf32>, vector<18x128xf32>, vector<18x128xf32>, vector<18x128xf32>, vector<18x128xf32>, vector<18x128xf32>, vector<18x128xf32>, vector<18x128xf32>, vector<6x128xf32> -> vector<168x128xf32>
    %dot_general3A_464 = arith.constant dense<0.000000e+00> : vector<168x128xf32>
    %dot_general3A_465 = tpu.matmul %convert_element_type3A_368, %squeeze3A_451, %dot_general3A_464 {dimension_numbers = #tpu.dot_dimension_numbers<[1], [0], [0], [1], [0, 0, 1, 1], [], []>, transpose_lhs_hint = false} : vector<168x168xf32>, vector<168x128xf32>, vector<168x128xf32> -> vector<168x128xf32>
    %add3A_466 = arith.addf %concatenate3A_463, %dot_general3A_465 : vector<168x128xf32>
    %broadcast_in_dim3A_467 = vector.shape_cast %add3A_466 : vector<168x128xf32> to vector<1x168x128xf32>
    %slice3A_468 = vector.extract_strided_slice %convert_element_type3A_449 {offsets = [1, 0, 0], sizes = [1, 168, 128], strides = [1, 1, 1]} : vector<4x168x128xf32> to vector<1x168x128xf32>
    %squeeze3A_469 = vector.shape_cast %slice3A_468 : vector<1x168x128xf32> to vector<168x128xf32>
    %dot_general3A_470 = arith.constant dense<0.000000e+00> : vector<168x128xf32>
    %dot_general3A_471 = tpu.matmul %squeeze3A_469, %convert_element_type3A_249, %dot_general3A_470 {dimension_numbers = #tpu.dot_dimension_numbers<[1], [0], [0], [1], [0, 0, 1, 1], [], []>, transpose_lhs_hint = false} : vector<168x128xf32>, vector<128x128xf32>, vector<168x128xf32> -> vector<168x128xf32>
    %dot_general3A_472 = arith.constant dense<0.000000e+00> : vector<18x128xf32>
    %dot_general3A_473 = tpu.matmul %convert_element_type3A_215, %dot_general3A_471, %dot_general3A_472 {dimension_numbers = #tpu.dot_dimension_numbers<[1], [0], [0], [1], [0, 0, 1, 1], [], []>, transpose_lhs_hint = false} : vector<18x168xf32>, vector<168x128xf32>, vector<18x128xf32> -> vector<18x128xf32>
    %dot_general3A_474 = arith.constant dense<0.000000e+00> : vector<18x128xf32>
    %dot_general3A_475 = tpu.matmul %convert_element_type3A_244, %squeeze3A_469, %dot_general3A_474 {dimension_numbers = #tpu.dot_dimension_numbers<[1], [0], [0], [1], [0, 0, 1, 1], [], []>, transpose_lhs_hint = false} : vector<18x168xf32>, vector<168x128xf32>, vector<18x128xf32> -> vector<18x128xf32>
    %reduce_sum3A_476 = arith.constant dense<0.000000e+00> : vector<18xf32>
    %reduce_sum3A_477 = vector.multi_reduction <add>, %dot_general3A_475, %reduce_sum3A_476 [1] : vector<18x128xf32> to vector<18xf32>
    %broadcast_in_dim3A_478 = vector.shape_cast %reduce_sum3A_477 : vector<18xf32> to vector<18x1xf32>
    %add3A_479 = vector.broadcast %broadcast_in_dim3A_478 : vector<18x1xf32> to vector<18x128xf32>
    %add3A_480 = arith.addf %add3A_479, %dot_general3A_473 : vector<18x128xf32>
    %concatenate3A_481 = tpu.concatenate %add3A_480, %add3A_480, %add3A_480, %add3A_480, %add3A_480, %add3A_480, %add3A_480, %add3A_480, %add3A_480, %broadcast_in_dim3A_370 in 0 : vector<18x128xf32>, vector<18x128xf32>, vector<18x128xf32>, vector<18x128xf32>, vector<18x128xf32>, vector<18x128xf32>, vector<18x128xf32>, vector<18x128xf32>, vector<18x128xf32>, vector<6x128xf32> -> vector<168x128xf32>
    %dot_general3A_482 = arith.constant dense<0.000000e+00> : vector<168x128xf32>
    %dot_general3A_483 = tpu.matmul %convert_element_type3A_368, %squeeze3A_469, %dot_general3A_482 {dimension_numbers = #tpu.dot_dimension_numbers<[1], [0], [0], [1], [0, 0, 1, 1], [], []>, transpose_lhs_hint = false} : vector<168x168xf32>, vector<168x128xf32>, vector<168x128xf32> -> vector<168x128xf32>
    %add3A_484 = arith.addf %concatenate3A_481, %dot_general3A_483 : vector<168x128xf32>
    %broadcast_in_dim3A_485 = vector.shape_cast %add3A_484 : vector<168x128xf32> to vector<1x168x128xf32>
    %slice3A_486 = vector.extract_strided_slice %convert_element_type3A_449 {offsets = [2, 0, 0], sizes = [1, 168, 128], strides = [1, 1, 1]} : vector<4x168x128xf32> to vector<1x168x128xf32>
    %squeeze3A_487 = vector.shape_cast %slice3A_486 : vector<1x168x128xf32> to vector<168x128xf32>
    %dot_general3A_488 = arith.constant dense<0.000000e+00> : vector<168x128xf32>
    %dot_general3A_489 = tpu.matmul %squeeze3A_487, %convert_element_type3A_249, %dot_general3A_488 {dimension_numbers = #tpu.dot_dimension_numbers<[1], [0], [0], [1], [0, 0, 1, 1], [], []>, transpose_lhs_hint = false} : vector<168x128xf32>, vector<128x128xf32>, vector<168x128xf32> -> vector<168x128xf32>
    %dot_general3A_490 = arith.constant dense<0.000000e+00> : vector<18x128xf32>
    %dot_general3A_491 = tpu.matmul %convert_element_type3A_215, %dot_general3A_489, %dot_general3A_490 {dimension_numbers = #tpu.dot_dimension_numbers<[1], [0], [0], [1], [0, 0, 1, 1], [], []>, transpose_lhs_hint = false} : vector<18x168xf32>, vector<168x128xf32>, vector<18x128xf32> -> vector<18x128xf32>
    %dot_general3A_492 = arith.constant dense<0.000000e+00> : vector<18x128xf32>
    %dot_general3A_493 = tpu.matmul %convert_element_type3A_244, %squeeze3A_487, %dot_general3A_492 {dimension_numbers = #tpu.dot_dimension_numbers<[1], [0], [0], [1], [0, 0, 1, 1], [], []>, transpose_lhs_hint = false} : vector<18x168xf32>, vector<168x128xf32>, vector<18x128xf32> -> vector<18x128xf32>
    %reduce_sum3A_494 = arith.constant dense<0.000000e+00> : vector<18xf32>
    %reduce_sum3A_495 = vector.multi_reduction <add>, %dot_general3A_493, %reduce_sum3A_494 [1] : vector<18x128xf32> to vector<18xf32>
    %broadcast_in_dim3A_496 = vector.shape_cast %reduce_sum3A_495 : vector<18xf32> to vector<18x1xf32>
    %add3A_497 = vector.broadcast %broadcast_in_dim3A_496 : vector<18x1xf32> to vector<18x128xf32>
    %add3A_498 = arith.addf %add3A_497, %dot_general3A_491 : vector<18x128xf32>
    %concatenate3A_499 = tpu.concatenate %add3A_498, %add3A_498, %add3A_498, %add3A_498, %add3A_498, %add3A_498, %add3A_498, %add3A_498, %add3A_498, %broadcast_in_dim3A_370 in 0 : vector<18x128xf32>, vector<18x128xf32>, vector<18x128xf32>, vector<18x128xf32>, vector<18x128xf32>, vector<18x128xf32>, vector<18x128xf32>, vector<18x128xf32>, vector<18x128xf32>, vector<6x128xf32> -> vector<168x128xf32>
    %dot_general3A_500 = arith.constant dense<0.000000e+00> : vector<168x128xf32>
    %dot_general3A_501 = tpu.matmul %convert_element_type3A_368, %squeeze3A_487, %dot_general3A_500 {dimension_numbers = #tpu.dot_dimension_numbers<[1], [0], [0], [1], [0, 0, 1, 1], [], []>, transpose_lhs_hint = false} : vector<168x168xf32>, vector<168x128xf32>, vector<168x128xf32> -> vector<168x128xf32>
    %add3A_502 = arith.addf %concatenate3A_499, %dot_general3A_501 : vector<168x128xf32>
    %broadcast_in_dim3A_503 = vector.shape_cast %add3A_502 : vector<168x128xf32> to vector<1x168x128xf32>
    %slice3A_504 = vector.extract_strided_slice %convert_element_type3A_449 {offsets = [3, 0, 0], sizes = [1, 168, 128], strides = [1, 1, 1]} : vector<4x168x128xf32> to vector<1x168x128xf32>
    %squeeze3A_505 = vector.shape_cast %slice3A_504 : vector<1x168x128xf32> to vector<168x128xf32>
    %dot_general3A_506 = arith.constant dense<0.000000e+00> : vector<168x128xf32>
    %dot_general3A_507 = tpu.matmul %squeeze3A_505, %convert_element_type3A_249, %dot_general3A_506 {dimension_numbers = #tpu.dot_dimension_numbers<[1], [0], [0], [1], [0, 0, 1, 1], [], []>, transpose_lhs_hint = false} : vector<168x128xf32>, vector<128x128xf32>, vector<168x128xf32> -> vector<168x128xf32>
    %dot_general3A_508 = arith.constant dense<0.000000e+00> : vector<18x128xf32>
    %dot_general3A_509 = tpu.matmul %convert_element_type3A_215, %dot_general3A_507, %dot_general3A_508 {dimension_numbers = #tpu.dot_dimension_numbers<[1], [0], [0], [1], [0, 0, 1, 1], [], []>, transpose_lhs_hint = false} : vector<18x168xf32>, vector<168x128xf32>, vector<18x128xf32> -> vector<18x128xf32>
    %dot_general3A_510 = arith.constant dense<0.000000e+00> : vector<18x128xf32>
    %dot_general3A_511 = tpu.matmul %convert_element_type3A_244, %squeeze3A_505, %dot_general3A_510 {dimension_numbers = #tpu.dot_dimension_numbers<[1], [0], [0], [1], [0, 0, 1, 1], [], []>, transpose_lhs_hint = false} : vector<18x168xf32>, vector<168x128xf32>, vector<18x128xf32> -> vector<18x128xf32>
    %reduce_sum3A_512 = arith.constant dense<0.000000e+00> : vector<18xf32>
    %reduce_sum3A_513 = vector.multi_reduction <add>, %dot_general3A_511, %reduce_sum3A_512 [1] : vector<18x128xf32> to vector<18xf32>
    %broadcast_in_dim3A_514 = vector.shape_cast %reduce_sum3A_513 : vector<18xf32> to vector<18x1xf32>
    %add3A_515 = vector.broadcast %broadcast_in_dim3A_514 : vector<18x1xf32> to vector<18x128xf32>
    %add3A_516 = arith.addf %add3A_515, %dot_general3A_509 : vector<18x128xf32>
    %concatenate3A_517 = tpu.concatenate %add3A_516, %add3A_516, %add3A_516, %add3A_516, %add3A_516, %add3A_516, %add3A_516, %add3A_516, %add3A_516, %broadcast_in_dim3A_370 in 0 : vector<18x128xf32>, vector<18x128xf32>, vector<18x128xf32>, vector<18x128xf32>, vector<18x128xf32>, vector<18x128xf32>, vector<18x128xf32>, vector<18x128xf32>, vector<18x128xf32>, vector<6x128xf32> -> vector<168x128xf32>
    %dot_general3A_518 = arith.constant dense<0.000000e+00> : vector<168x128xf32>
    %dot_general3A_519 = tpu.matmul %convert_element_type3A_368, %squeeze3A_505, %dot_general3A_518 {dimension_numbers = #tpu.dot_dimension_numbers<[1], [0], [0], [1], [0, 0, 1, 1], [], []>, transpose_lhs_hint = false} : vector<168x168xf32>, vector<168x128xf32>, vector<168x128xf32> -> vector<168x128xf32>
    %add3A_520 = arith.addf %concatenate3A_517, %dot_general3A_519 : vector<168x128xf32>
    %broadcast_in_dim3A_521 = vector.shape_cast %add3A_520 : vector<168x128xf32> to vector<1x168x128xf32>
    %concatenate3A_522 = tpu.concatenate %broadcast_in_dim3A_467, %broadcast_in_dim3A_485, %broadcast_in_dim3A_503, %broadcast_in_dim3A_521 in 0 : vector<1x168x128xf32>, vector<1x168x128xf32>, vector<1x168x128xf32>, vector<1x168x128xf32> -> vector<4x168x128xf32>
    %convert_element_type3A_523 = arith.fptosi %concatenate3A_522 : vector<4x168x128xf32> to vector<4x168x128xi32>
    %iota3A_524 = tpu.iota {dimensions = array<i32: 0>} : vector<4x1x1xi32>
    %mul3A_525 = arith.constant 6144 : i32
    %mul3A_526 = vector.broadcast %mul3A_525 : i32 to vector<4x1x1xi32>
    %mul3A_527 = arith.muli %iota3A_524, %mul3A_526 : vector<4x1x1xi32>
    %jit3A_528 = arith.constant 128 : i32
    %eq3A_529 = arith.constant 0 : i32
    %eq3A_530 = arith.cmpi eq, %jit3A_528, %eq3A_529 : i32
    %jit3A_531 = arith.constant 1 : i32
    %select_n3A_532 = arith.select %eq3A_530, %jit3A_531, %jit3A_528 : i32
    %rem3A_533 = vector.broadcast %select_n3A_532 : i32 to vector<4x168x128xi32>
    %rem3A_534 = arith.remsi %add3A_175, %rem3A_533 : vector<4x168x128xi32>
    %ne3A_535 = arith.constant 0 : i32
    %ne3A_536 = vector.broadcast %ne3A_535 : i32 to vector<4x168x128xi32>
    %ne3A_537 = arith.cmpi ne, %rem3A_534, %ne3A_536 : vector<4x168x128xi32>
    %lt3A_538 = arith.constant 0 : i32
    %lt3A_539 = vector.broadcast %lt3A_538 : i32 to vector<4x168x128xi32>
    %lt3A_540 = arith.cmpi slt, %rem3A_534, %lt3A_539 : vector<4x168x128xi32>
    %lt3A_541 = arith.constant 0 : i32
    %lt3A_542 = arith.cmpi slt, %select_n3A_532, %lt3A_541 : i32
    %ne3A_543 = vector.broadcast %lt3A_542 : i1 to vector<4x168x128xi1>
    %ne3A_544 = vector.broadcast %ne3A_543 : vector<4x168x128xi1> to vector<4x168x128xi1>
    %ne3A_545 = arith.xori %lt3A_540, %ne3A_544 : vector<4x168x128xi1>
    %and3A_546 = arith.andi %ne3A_545, %ne3A_537 : vector<4x168x128xi1>
    %add3A_547 = vector.broadcast %select_n3A_532 : i32 to vector<4x168x128xi32>
    %add3A_548 = arith.addi %rem3A_534, %add3A_547 : vector<4x168x128xi32>
    %select_n3A_549 = arith.select %and3A_546, %add3A_548, %rem3A_534 : vector<4x168x128xi1>, vector<4x168x128xi32>
    %add3A_550 = arith.constant 24576 : i32
    %add3A_551 = vector.broadcast %add3A_550 : i32 to vector<4x168x128xi32>
    %add3A_552 = arith.addi %add3A_551, %select_n3A_549 : vector<4x168x128xi32>
    %add3A_553 = vector.broadcast %mul3A_527 : vector<4x1x1xi32> to vector<4x168x128xi32>
    %add3A_554 = arith.addi %add3A_553, %convert_element_type3A_523 : vector<4x168x128xi32>
    %select_n3A_555 = arith.select %or3A, %add3A_554, %add3A_552 : vector<4x168x128xi1>, vector<4x168x128xi32>
    %swap3A = arith.constant 0 : index
    %swap3A_556 = arith.constant 0 : index
    %swap3A_557 = arith.constant 0 : index
    %swap3A_558 = vector.load %arg5[%swap3A, %swap3A_556, %swap3A_557] : memref<4x168x128xf32, #tpu.memory_space<vmem>>, vector<4x168x128xf32>
    tpu.vector_store %arg5[%swap3A, %swap3A_556, %swap3A_557], %min3A_143 {strides = array<i32>} : memref<4x168x128xf32, #tpu.memory_space<vmem>>, vector<4x168x128xf32>,
    %swap3A_559 = arith.constant 0 : index
    %swap3A_560 = arith.constant 0 : index
    %swap3A_561 = arith.constant 0 : index
    %swap3A_562 = vector.load %arg6[%swap3A_559, %swap3A_560, %swap3A_561] : memref<4x168x128xf32, #tpu.memory_space<vmem>>, vector<4x168x128xf32>
    tpu.vector_store %arg6[%swap3A_559, %swap3A_560, %swap3A_561], %min3A_152 {strides = array<i32>} : memref<4x168x128xf32, #tpu.memory_space<vmem>>, vector<4x168x128xf32>,
    %swap3A_563 = arith.constant 0 : index
    %swap3A_564 = arith.constant 0 : index
    %swap3A_565 = arith.constant 0 : index
    %swap3A_566 = vector.load %arg7[%swap3A_563, %swap3A_564, %swap3A_565] : memref<4x168x128xf32, #tpu.memory_space<vmem>>, vector<4x168x128xf32>
    tpu.vector_store %arg7[%swap3A_563, %swap3A_564, %swap3A_565], %min3A_161 {strides = array<i32>} : memref<4x168x128xf32, #tpu.memory_space<vmem>>, vector<4x168x128xf32>,
    %swap3A_567 = arith.constant 0 : index
    %swap3A_568 = arith.constant 0 : index
    %swap3A_569 = arith.constant 0 : index
    %swap3A_570 = vector.load %arg8[%swap3A_567, %swap3A_568, %swap3A_569] : memref<4x168x128xf32, #tpu.memory_space<vmem>>, vector<4x168x128xf32>
    tpu.vector_store %arg8[%swap3A_567, %swap3A_568, %swap3A_569], %min3A_170 {strides = array<i32>} : memref<4x168x128xf32, #tpu.memory_space<vmem>>, vector<4x168x128xf32>,
    %swap3A_571 = arith.constant 0 : index
    %swap3A_572 = arith.constant 0 : index
    %swap3A_573 = arith.constant 0 : index
    %swap3A_574 = vector.load %arg9[%swap3A_571, %swap3A_572, %swap3A_573] : memref<4x168x128xi32, #tpu.memory_space<vmem>>, vector<4x168x128xi32>
    tpu.vector_store %arg9[%swap3A_571, %swap3A_572, %swap3A_573], %select_n3A_555 {strides = array<i32>} : memref<4x168x128xi32, #tpu.memory_space<vmem>>, vector<4x168x128xi32>,
    return
  }
}

module attributes {stable_mosaic.version = 14 : i64} {
  func.func @_stage_b_kernel(%arg0: memref<4x48x128xf32, #tpu.memory_space<vmem>>, %arg1: memref<4x48x128xf32, #tpu.memory_space<vmem>>, %arg2: memref<4x48x128xf32, #tpu.memory_space<vmem>>, %arg3: memref<4x48x128xf32, #tpu.memory_space<vmem>>, %arg4: memref<4x48x128xf32, #tpu.memory_space<vmem>>, %arg5: memref<4x8x128xf32, #tpu.memory_space<vmem>>, %arg6: memref<4x4x8x128xf32, #tpu.memory_space<vmem>>) attributes {dimension_semantics = [], scalar_prefetch = 0 : i64, scratch_operands = 0 : i64, tpu.core_type = #tpu.core_type<tc>} {
    %get3A = arith.constant 0 : index
    %get3A_0 = arith.constant 0 : index
    %get3A_1 = arith.constant 0 : index
    %get3A_2 = vector.load %arg0[%get3A, %get3A_0, %get3A_1] : memref<4x48x128xf32, #tpu.memory_space<vmem>>, vector<4x48x128xf32>
    %get3A_3 = arith.constant 0 : index
    %get3A_4 = arith.constant 0 : index
    %get3A_5 = arith.constant 0 : index
    %get3A_6 = vector.load %arg1[%get3A_3, %get3A_4, %get3A_5] : memref<4x48x128xf32, #tpu.memory_space<vmem>>, vector<4x48x128xf32>
    %get3A_7 = arith.constant 0 : index
    %get3A_8 = arith.constant 0 : index
    %get3A_9 = arith.constant 0 : index
    %get3A_10 = vector.load %arg2[%get3A_7, %get3A_8, %get3A_9] : memref<4x48x128xf32, #tpu.memory_space<vmem>>, vector<4x48x128xf32>
    %get3A_11 = arith.constant 0 : index
    %get3A_12 = arith.constant 0 : index
    %get3A_13 = arith.constant 0 : index
    %get3A_14 = vector.load %arg3[%get3A_11, %get3A_12, %get3A_13] : memref<4x48x128xf32, #tpu.memory_space<vmem>>, vector<4x48x128xf32>
    %get3A_15 = arith.constant 0 : index
    %get3A_16 = arith.constant 0 : index
    %get3A_17 = arith.constant 0 : index
    %get3A_18 = vector.load %arg4[%get3A_15, %get3A_16, %get3A_17] : memref<4x48x128xf32, #tpu.memory_space<vmem>>, vector<4x48x128xf32>
    %sub3A = arith.subf %get3A_14, %get3A_6 : vector<4x48x128xf32>
    %add3A = arith.constant 1.000000e+00 : f32
    %add3A_19 = vector.broadcast %add3A : f32 to vector<4x48x128xf32>
    %add3A_20 = arith.addf %sub3A, %add3A_19 : vector<4x48x128xf32>
    %sub3A_21 = arith.subf %get3A_18, %get3A_10 : vector<4x48x128xf32>
    %add3A_22 = arith.constant 1.000000e+00 : f32
    %add3A_23 = vector.broadcast %add3A_22 : f32 to vector<4x48x128xf32>
    %add3A_24 = arith.addf %sub3A_21, %add3A_23 : vector<4x48x128xf32>
    %mul3A = arith.mulf %add3A_20, %add3A_24 : vector<4x48x128xf32>
    %iota3A = tpu.iota {dimensions = array<i32: 1>} : vector<4x48x128xi32>
    %mul3A_25 = arith.constant 128 : i32
    %mul3A_26 = vector.broadcast %mul3A_25 : i32 to vector<4x48x128xi32>
    %mul3A_27 = arith.muli %iota3A, %mul3A_26 : vector<4x48x128xi32>
    %iota3A_28 = tpu.iota {dimensions = array<i32: 2>} : vector<4x48x128xi32>
    %add3A_29 = arith.addi %mul3A_27, %iota3A_28 : vector<4x48x128xi32>
    %iota3A_30 = tpu.iota {dimensions = array<i32: 0>} : vector<8x128xi32>
    %iota3A_31 = tpu.iota {dimensions = array<i32: 1>} : vector<8x128xi32>
    %iota3A_32 = tpu.iota {dimensions = array<i32: 0>} : vector<4x1x1xi32>
    %convert_element_type3A = arith.sitofp %iota3A_32 : vector<4x1x1xi32> to vector<4x1x1xf32>
    %broadcast_in_dim3A = arith.constant 0.000000e+00 : f32
    %broadcast_in_dim3A_33 = vector.broadcast %broadcast_in_dim3A : f32 to vector<4x8x128xf32>
    %scan3A = arith.constant 1073741824 : i32
    %scan3A_34 = arith.constant 0 : i32
    %scan3A_35 = arith.constant 300 : i32
    %scan3A_36 = arith.addi %scan3A_34, %scan3A_35 : i32
    %scan3A_37 = arith.constant 1 : i32
    %scan3A_38:6 = scf.for %scan3A_71 = %scan3A_34 to %scan3A_36 step %scan3A_37 iter_args(%scan3A_72 = %get3A_2, %scan3A_73 = %broadcast_in_dim3A_33, %scan3A_74 = %broadcast_in_dim3A_33, %scan3A_75 = %broadcast_in_dim3A_33, %scan3A_76 = %broadcast_in_dim3A_33, %scan3A_77 = %broadcast_in_dim3A_33) -> (vector<4x48x128xf32>, vector<4x8x128xf32>, vector<4x8x128xf32>, vector<4x8x128xf32>, vector<4x8x128xf32>, vector<4x8x128xf32>)  : i32 {
      %reduce_max3A = arith.constant dense<0xFF800000> : vector<4xf32>
      %reduce_max3A_78 = vector.multi_reduction <maximumf>, %scan3A_72, %reduce_max3A [1, 2] : vector<4x48x128xf32> to vector<4xf32>
      %broadcast_in_dim3A_79 = vector.shape_cast %reduce_max3A_78 : vector<4xf32> to vector<4x1x1xf32>
      %ge3A = arith.constant 0.000000e+00 : f32
      %ge3A_80 = vector.broadcast %ge3A : f32 to vector<4x1x1xf32>
      %ge3A_81 = arith.cmpf oge, %broadcast_in_dim3A_79, %ge3A_80 : vector<4x1x1xf32>
      %eq3A = vector.broadcast %broadcast_in_dim3A_79 : vector<4x1x1xf32> to vector<4x48x128xf32>
      %eq3A_82 = arith.cmpf oeq, %scan3A_72, %eq3A : vector<4x48x128xf32>
      %broadcast_in_dim3A_83 = vector.broadcast %scan3A : i32 to vector<4x48x128xi32>
      %select_n3A = arith.select %eq3A_82, %add3A_29, %broadcast_in_dim3A_83 : vector<4x48x128xi1>, vector<4x48x128xi32>
      %reduce_min3A = arith.constant dense<2147483647> : vector<4xi32>
      %reduce_min3A_84 = vector.multi_reduction <minsi>, %select_n3A, %reduce_min3A [1, 2] : vector<4x48x128xi32> to vector<4xi32>
      %broadcast_in_dim3A_85 = vector.shape_cast %reduce_min3A_84 : vector<4xi32> to vector<4x1x1xi32>
      %eq3A_86 = vector.broadcast %broadcast_in_dim3A_85 : vector<4x1x1xi32> to vector<4x48x128xi32>
      %eq3A_87 = arith.cmpi eq, %add3A_29, %eq3A_86 : vector<4x48x128xi32>
      %and3A = arith.andi %eq3A_82, %eq3A_87 : vector<4x48x128xi1>
      %convert_element_type3A_88 = arith.extui %and3A : vector<4x48x128xi1> to vector<4x48x128xi32>
      %convert_element_type3A_89 = arith.sitofp %convert_element_type3A_88 : vector<4x48x128xi32> to vector<4x48x128xf32>
      %mul3A_90 = arith.mulf %convert_element_type3A_89, %get3A_6 : vector<4x48x128xf32>
      %reduce_sum3A = arith.constant dense<0.000000e+00> : vector<4xf32>
      %reduce_sum3A_91 = vector.multi_reduction <add>, %mul3A_90, %reduce_sum3A [1, 2] : vector<4x48x128xf32> to vector<4xf32>
      %broadcast_in_dim3A_92 = vector.shape_cast %reduce_sum3A_91 : vector<4xf32> to vector<4x1x1xf32>
      %mul3A_93 = arith.mulf %convert_element_type3A_89, %get3A_10 : vector<4x48x128xf32>
      %reduce_sum3A_94 = arith.constant dense<0.000000e+00> : vector<4xf32>
      %reduce_sum3A_95 = vector.multi_reduction <add>, %mul3A_93, %reduce_sum3A_94 [1, 2] : vector<4x48x128xf32> to vector<4xf32>
      %broadcast_in_dim3A_96 = vector.shape_cast %reduce_sum3A_95 : vector<4xf32> to vector<4x1x1xf32>
      %mul3A_97 = arith.mulf %convert_element_type3A_89, %get3A_14 : vector<4x48x128xf32>
      %reduce_sum3A_98 = arith.constant dense<0.000000e+00> : vector<4xf32>
      %reduce_sum3A_99 = vector.multi_reduction <add>, %mul3A_97, %reduce_sum3A_98 [1, 2] : vector<4x48x128xf32> to vector<4xf32>
      %broadcast_in_dim3A_100 = vector.shape_cast %reduce_sum3A_99 : vector<4xf32> to vector<4x1x1xf32>
      %mul3A_101 = arith.mulf %convert_element_type3A_89, %get3A_18 : vector<4x48x128xf32>
      %reduce_sum3A_102 = arith.constant dense<0.000000e+00> : vector<4xf32>
      %reduce_sum3A_103 = vector.multi_reduction <add>, %mul3A_101, %reduce_sum3A_102 [1, 2] : vector<4x48x128xf32> to vector<4xf32>
      %broadcast_in_dim3A_104 = vector.shape_cast %reduce_sum3A_103 : vector<4xf32> to vector<4x1x1xf32>
      %sub3A_105 = arith.subf %broadcast_in_dim3A_100, %broadcast_in_dim3A_92 : vector<4x1x1xf32>
      %add3A_106 = arith.constant 1.000000e+00 : f32
      %add3A_107 = vector.broadcast %add3A_106 : f32 to vector<4x1x1xf32>
      %add3A_108 = arith.addf %sub3A_105, %add3A_107 : vector<4x1x1xf32>
      %sub3A_109 = arith.subf %broadcast_in_dim3A_104, %broadcast_in_dim3A_96 : vector<4x1x1xf32>
      %add3A_110 = arith.constant 1.000000e+00 : f32
      %add3A_111 = vector.broadcast %add3A_110 : f32 to vector<4x1x1xf32>
      %add3A_112 = arith.addf %sub3A_109, %add3A_111 : vector<4x1x1xf32>
      %mul3A_113 = arith.mulf %add3A_108, %add3A_112 : vector<4x1x1xf32>
      %max3A = vector.broadcast %broadcast_in_dim3A_92 : vector<4x1x1xf32> to vector<4x48x128xf32>
      %max3A_114 = arith.maximumf %max3A, %get3A_6 : vector<4x48x128xf32>
      %max3A_115 = vector.broadcast %broadcast_in_dim3A_96 : vector<4x1x1xf32> to vector<4x48x128xf32>
      %max3A_116 = arith.maximumf %max3A_115, %get3A_10 : vector<4x48x128xf32>
      %min3A = vector.broadcast %broadcast_in_dim3A_100 : vector<4x1x1xf32> to vector<4x48x128xf32>
      %min3A_117 = arith.minimumf %min3A, %get3A_14 : vector<4x48x128xf32>
      %min3A_118 = vector.broadcast %broadcast_in_dim3A_104 : vector<4x1x1xf32> to vector<4x48x128xf32>
      %min3A_119 = arith.minimumf %min3A_118, %get3A_18 : vector<4x48x128xf32>
      %sub3A_120 = arith.subf %min3A_117, %max3A_114 : vector<4x48x128xf32>
      %add3A_121 = arith.constant 1.000000e+00 : f32
      %add3A_122 = vector.broadcast %add3A_121 : f32 to vector<4x48x128xf32>
      %add3A_123 = arith.addf %sub3A_120, %add3A_122 : vector<4x48x128xf32>
      %max3A_124 = arith.constant 0.000000e+00 : f32
      %max3A_125 = vector.broadcast %max3A_124 : f32 to vector<4x48x128xf32>
      %max3A_126 = arith.maximumf %max3A_125, %add3A_123 : vector<4x48x128xf32>
      %sub3A_127 = arith.subf %min3A_119, %max3A_116 : vector<4x48x128xf32>
      %add3A_128 = arith.constant 1.000000e+00 : f32
      %add3A_129 = vector.broadcast %add3A_128 : f32 to vector<4x48x128xf32>
      %add3A_130 = arith.addf %sub3A_127, %add3A_129 : vector<4x48x128xf32>
      %max3A_131 = arith.constant 0.000000e+00 : f32
      %max3A_132 = vector.broadcast %max3A_131 : f32 to vector<4x48x128xf32>
      %max3A_133 = arith.maximumf %max3A_132, %add3A_130 : vector<4x48x128xf32>
      %mul3A_134 = arith.mulf %max3A_126, %max3A_133 : vector<4x48x128xf32>
      %add3A_135 = vector.broadcast %mul3A_113 : vector<4x1x1xf32> to vector<4x48x128xf32>
      %add3A_136 = arith.addf %add3A_135, %mul3A : vector<4x48x128xf32>
      %sub3A_137 = arith.subf %add3A_136, %mul3A_134 : vector<4x48x128xf32>
      %div3A = arith.divf %mul3A_134, %sub3A_137 : vector<4x48x128xf32>
      %gt3A = arith.constant 0.699999988 : f32
      %gt3A_138 = vector.broadcast %gt3A : f32 to vector<4x48x128xf32>
      %gt3A_139 = arith.cmpf ogt, %div3A, %gt3A_138 : vector<4x48x128xf32>
      %jit3A = arith.constant -1.000000e+00 : f32
      %broadcast_in_dim3A_140 = vector.broadcast %jit3A : f32 to vector<4x48x128xf32>
      %select_n3A_141 = arith.select %gt3A_139, %broadcast_in_dim3A_140, %scan3A_72 : vector<4x48x128xi1>, vector<4x48x128xf32>
      %jit3A_142 = arith.constant 128 : i32
      %div3A_143 = arith.divsi %scan3A_71, %jit3A_142 : i32
      %sign3A = arith.constant 0 : i32
      %sign3A_144 = arith.cmpi sgt, %scan3A_71, %sign3A : i32
      %sign3A_145 = arith.extui %sign3A_144 : i1 to i32
      %sign3A_146 = arith.constant 0 : i32
      %sign3A_147 = arith.cmpi slt, %scan3A_71, %sign3A_146 : i32
      %sign3A_148 = arith.extui %sign3A_147 : i1 to i32
      %sign3A_149 = arith.subi %sign3A_145, %sign3A_148 : i32
      %sign3A_150 = arith.constant 0 : i32
      %sign3A_151 = arith.cmpi sgt, %jit3A_142, %sign3A_150 : i32
      %sign3A_152 = arith.extui %sign3A_151 : i1 to i32
      %sign3A_153 = arith.constant 0 : i32
      %sign3A_154 = arith.cmpi slt, %jit3A_142, %sign3A_153 : i32
      %sign3A_155 = arith.extui %sign3A_154 : i1 to i32
      %sign3A_156 = arith.subi %sign3A_152, %sign3A_155 : i32
      %ne3A = arith.cmpi ne, %sign3A_149, %sign3A_156 : i32
      %rem3A = arith.remsi %scan3A_71, %jit3A_142 : i32
      %ne3A_157 = arith.constant 0 : i32
      %ne3A_158 = arith.cmpi ne, %rem3A, %ne3A_157 : i32
      %and3A_159 = arith.andi %ne3A, %ne3A_158 : i1
      %sub3A_160 = arith.constant 1 : i32
      %sub3A_161 = arith.subi %div3A_143, %sub3A_160 : i32
      %select_n3A_162 = arith.select %and3A_159, %sub3A_161, %div3A_143 : i32
      %eq3A_163 = vector.broadcast %select_n3A_162 : i32 to vector<8x128xi32>
      %eq3A_164 = arith.cmpi eq, %iota3A_30, %eq3A_163 : vector<8x128xi32>
      %jit3A_165 = arith.constant 128 : i32
      %eq3A_166 = arith.constant 0 : i32
      %eq3A_167 = arith.cmpi eq, %jit3A_165, %eq3A_166 : i32
      %jit3A_168 = arith.constant 1 : i32
      %select_n3A_169 = arith.select %eq3A_167, %jit3A_168, %jit3A_165 : i32
      %rem3A_170 = arith.remsi %scan3A_71, %select_n3A_169 : i32
      %ne3A_171 = arith.constant 0 : i32
      %ne3A_172 = arith.cmpi ne, %rem3A_170, %ne3A_171 : i32
      %lt3A = arith.constant 0 : i32
      %lt3A_173 = arith.cmpi slt, %rem3A_170, %lt3A : i32
      %lt3A_174 = arith.constant 0 : i32
      %lt3A_175 = arith.cmpi slt, %select_n3A_169, %lt3A_174 : i32
      %ne3A_176 = arith.xori %lt3A_173, %lt3A_175 : i1
      %and3A_177 = arith.andi %ne3A_176, %ne3A_172 : i1
      %add3A_178 = arith.addi %rem3A_170, %select_n3A_169 : i32
      %select_n3A_179 = arith.select %and3A_177, %add3A_178, %rem3A_170 : i32
      %eq3A_180 = vector.broadcast %select_n3A_179 : i32 to vector<8x128xi32>
      %eq3A_181 = arith.cmpi eq, %iota3A_31, %eq3A_180 : vector<8x128xi32>
      %and3A_182 = arith.andi %eq3A_164, %eq3A_181 : vector<8x128xi1>
      %broadcast_in_dim3A_183 = vector.shape_cast %and3A_182 : vector<8x128xi1> to vector<1x8x128xi1>
      %select_n3A_184 = arith.select %ge3A_81, %broadcast_in_dim3A_79, %convert_element_type3A : vector<4x1x1xi1>, vector<4x1x1xf32>
      %broadcast_in_dim3A_185 = vector.shape_cast %broadcast_in_dim3A_183 : vector<1x8x128xi1> to vector<1x8x128xi1>
      %broadcast_in_dim3A_186 = vector.broadcast %broadcast_in_dim3A_185 : vector<1x8x128xi1> to vector<4x8x128xi1>
      %broadcast_in_dim3A_187 = vector.shape_cast %select_n3A_184 : vector<4x1x1xf32> to vector<4x1x1xf32>
      %broadcast_in_dim3A_188 = vector.broadcast %broadcast_in_dim3A_187 : vector<4x1x1xf32> to vector<4x8x128xf32>
      %select_n3A_189 = arith.select %broadcast_in_dim3A_186, %broadcast_in_dim3A_188, %scan3A_73 : vector<4x8x128xi1>, vector<4x8x128xf32>
      %jit3A_190 = arith.constant 0.000000e+00 : f32
      %broadcast_in_dim3A_191 = vector.broadcast %jit3A_190 : f32 to vector<4x1x1xf32>
      %select_n3A_192 = arith.select %ge3A_81, %broadcast_in_dim3A_92, %broadcast_in_dim3A_191 : vector<4x1x1xi1>, vector<4x1x1xf32>
      %broadcast_in_dim3A_193 = vector.shape_cast %broadcast_in_dim3A_183 : vector<1x8x128xi1> to vector<1x8x128xi1>
      %broadcast_in_dim3A_194 = vector.broadcast %broadcast_in_dim3A_193 : vector<1x8x128xi1> to vector<4x8x128xi1>
      %broadcast_in_dim3A_195 = vector.shape_cast %select_n3A_192 : vector<4x1x1xf32> to vector<4x1x1xf32>
      %broadcast_in_dim3A_196 = vector.broadcast %broadcast_in_dim3A_195 : vector<4x1x1xf32> to vector<4x8x128xf32>
      %select_n3A_197 = arith.select %broadcast_in_dim3A_194, %broadcast_in_dim3A_196, %scan3A_74 : vector<4x8x128xi1>, vector<4x8x128xf32>
      %jit3A_198 = arith.constant 0.000000e+00 : f32
      %broadcast_in_dim3A_199 = vector.broadcast %jit3A_198 : f32 to vector<4x1x1xf32>
      %select_n3A_200 = arith.select %ge3A_81, %broadcast_in_dim3A_96, %broadcast_in_dim3A_199 : vector<4x1x1xi1>, vector<4x1x1xf32>
      %broadcast_in_dim3A_201 = vector.shape_cast %broadcast_in_dim3A_183 : vector<1x8x128xi1> to vector<1x8x128xi1>
      %broadcast_in_dim3A_202 = vector.broadcast %broadcast_in_dim3A_201 : vector<1x8x128xi1> to vector<4x8x128xi1>
      %broadcast_in_dim3A_203 = vector.shape_cast %select_n3A_200 : vector<4x1x1xf32> to vector<4x1x1xf32>
      %broadcast_in_dim3A_204 = vector.broadcast %broadcast_in_dim3A_203 : vector<4x1x1xf32> to vector<4x8x128xf32>
      %select_n3A_205 = arith.select %broadcast_in_dim3A_202, %broadcast_in_dim3A_204, %scan3A_75 : vector<4x8x128xi1>, vector<4x8x128xf32>
      %jit3A_206 = arith.constant 0.000000e+00 : f32
      %broadcast_in_dim3A_207 = vector.broadcast %jit3A_206 : f32 to vector<4x1x1xf32>
      %select_n3A_208 = arith.select %ge3A_81, %broadcast_in_dim3A_100, %broadcast_in_dim3A_207 : vector<4x1x1xi1>, vector<4x1x1xf32>
      %broadcast_in_dim3A_209 = vector.shape_cast %broadcast_in_dim3A_183 : vector<1x8x128xi1> to vector<1x8x128xi1>
      %broadcast_in_dim3A_210 = vector.broadcast %broadcast_in_dim3A_209 : vector<1x8x128xi1> to vector<4x8x128xi1>
      %broadcast_in_dim3A_211 = vector.shape_cast %select_n3A_208 : vector<4x1x1xf32> to vector<4x1x1xf32>
      %broadcast_in_dim3A_212 = vector.broadcast %broadcast_in_dim3A_211 : vector<4x1x1xf32> to vector<4x8x128xf32>
      %select_n3A_213 = arith.select %broadcast_in_dim3A_210, %broadcast_in_dim3A_212, %scan3A_76 : vector<4x8x128xi1>, vector<4x8x128xf32>
      %jit3A_214 = arith.constant 0.000000e+00 : f32
      %broadcast_in_dim3A_215 = vector.broadcast %jit3A_214 : f32 to vector<4x1x1xf32>
      %select_n3A_216 = arith.select %ge3A_81, %broadcast_in_dim3A_104, %broadcast_in_dim3A_215 : vector<4x1x1xi1>, vector<4x1x1xf32>
      %broadcast_in_dim3A_217 = vector.shape_cast %broadcast_in_dim3A_183 : vector<1x8x128xi1> to vector<1x8x128xi1>
      %broadcast_in_dim3A_218 = vector.broadcast %broadcast_in_dim3A_217 : vector<1x8x128xi1> to vector<4x8x128xi1>
      %broadcast_in_dim3A_219 = vector.shape_cast %select_n3A_216 : vector<4x1x1xf32> to vector<4x1x1xf32>
      %broadcast_in_dim3A_220 = vector.broadcast %broadcast_in_dim3A_219 : vector<4x1x1xf32> to vector<4x8x128xf32>
      %select_n3A_221 = arith.select %broadcast_in_dim3A_218, %broadcast_in_dim3A_220, %scan3A_77 : vector<4x8x128xi1>, vector<4x8x128xf32>
      scf.yield %select_n3A_141, %select_n3A_189, %select_n3A_197, %select_n3A_205, %select_n3A_213, %select_n3A_221 : vector<4x48x128xf32>, vector<4x8x128xf32>, vector<4x8x128xf32>, vector<4x8x128xf32>, vector<4x8x128xf32>, vector<4x8x128xf32>
    }
    %scan3A_39 = arith.constant 300 : i32
    %swap3A = arith.constant 0 : index
    %swap3A_40 = arith.constant 0 : index
    %swap3A_41 = arith.constant 0 : index
    %swap3A_42 = vector.load %arg5[%swap3A, %swap3A_40, %swap3A_41] : memref<4x8x128xf32, #tpu.memory_space<vmem>>, vector<4x8x128xf32>
    tpu.vector_store %arg5[%swap3A, %swap3A_40, %swap3A_41], %scan3A_38#1 {strides = array<i32>} : memref<4x8x128xf32, #tpu.memory_space<vmem>>, vector<4x8x128xf32>,
    %swap3A_43 = arith.constant 0 : index
    %swap3A_44 = arith.constant 0 : index
    %swap3A_45 = arith.constant 0 : index
    %swap3A_46 = arith.constant 0 : index
    %swap3A_47 = vector.load %arg6[%swap3A_43, %swap3A_44, %swap3A_45, %swap3A_46] : memref<4x4x8x128xf32, #tpu.memory_space<vmem>>, vector<4x1x8x128xf32>
    %swap3A_48 = vector.shape_cast %swap3A_47 : vector<4x1x8x128xf32> to vector<4x8x128xf32>
    %swap3A_49 = vector.shape_cast %scan3A_38#2 : vector<4x8x128xf32> to vector<4x1x8x128xf32>
    tpu.vector_store %arg6[%swap3A_43, %swap3A_44, %swap3A_45, %swap3A_46], %swap3A_49 {strides = array<i32>} : memref<4x4x8x128xf32, #tpu.memory_space<vmem>>, vector<4x1x8x128xf32>,
    %swap3A_50 = arith.constant 0 : index
    %swap3A_51 = arith.constant 1 : index
    %swap3A_52 = arith.constant 0 : index
    %swap3A_53 = arith.constant 0 : index
    %swap3A_54 = vector.load %arg6[%swap3A_50, %swap3A_51, %swap3A_52, %swap3A_53] : memref<4x4x8x128xf32, #tpu.memory_space<vmem>>, vector<4x1x8x128xf32>
    %swap3A_55 = vector.shape_cast %swap3A_54 : vector<4x1x8x128xf32> to vector<4x8x128xf32>
    %swap3A_56 = vector.shape_cast %scan3A_38#3 : vector<4x8x128xf32> to vector<4x1x8x128xf32>
    tpu.vector_store %arg6[%swap3A_50, %swap3A_51, %swap3A_52, %swap3A_53], %swap3A_56 {strides = array<i32>} : memref<4x4x8x128xf32, #tpu.memory_space<vmem>>, vector<4x1x8x128xf32>,
    %swap3A_57 = arith.constant 0 : index
    %swap3A_58 = arith.constant 2 : index
    %swap3A_59 = arith.constant 0 : index
    %swap3A_60 = arith.constant 0 : index
    %swap3A_61 = vector.load %arg6[%swap3A_57, %swap3A_58, %swap3A_59, %swap3A_60] : memref<4x4x8x128xf32, #tpu.memory_space<vmem>>, vector<4x1x8x128xf32>
    %swap3A_62 = vector.shape_cast %swap3A_61 : vector<4x1x8x128xf32> to vector<4x8x128xf32>
    %swap3A_63 = vector.shape_cast %scan3A_38#4 : vector<4x8x128xf32> to vector<4x1x8x128xf32>
    tpu.vector_store %arg6[%swap3A_57, %swap3A_58, %swap3A_59, %swap3A_60], %swap3A_63 {strides = array<i32>} : memref<4x4x8x128xf32, #tpu.memory_space<vmem>>, vector<4x1x8x128xf32>,
    %swap3A_64 = arith.constant 0 : index
    %swap3A_65 = arith.constant 3 : index
    %swap3A_66 = arith.constant 0 : index
    %swap3A_67 = arith.constant 0 : index
    %swap3A_68 = vector.load %arg6[%swap3A_64, %swap3A_65, %swap3A_66, %swap3A_67] : memref<4x4x8x128xf32, #tpu.memory_space<vmem>>, vector<4x1x8x128xf32>
    %swap3A_69 = vector.shape_cast %swap3A_68 : vector<4x1x8x128xf32> to vector<4x8x128xf32>
    %swap3A_70 = vector.shape_cast %scan3A_38#5 : vector<4x8x128xf32> to vector<4x1x8x128xf32>
    tpu.vector_store %arg6[%swap3A_64, %swap3A_65, %swap3A_66, %swap3A_67], %swap3A_70 {strides = array<i32>} : memref<4x4x8x128xf32, #tpu.memory_space<vmem>>, vector<4x1x8x128xf32>,
    return
  }
}

</mosaic_0001>

<sc_bundles>
// kernel: kernel.5.cloned.1.call-start
scs
__scs_entry_jumppad:
0x0: {  	(pc) =	sbr.rel $0x88, $3  }
0x1: {  	(tag) =	ssettag $0x0;
	lr =	simm.s32 $0x1  }
0x2: {  	[smem:$0x3F9E] =	sst lr;
	_ =	strace $0xD0000000  }
0x3: {  	_ = 	snop  }
0x4: {  	_ = 	snop  }
0x5: {  	_ = 	snop  }
0x6: {  	_ = 	snop  }
0x7: {  	_ = 	snop  }
__scs_overlays_trampoline_lowered:
0x8: {  	[smem:$0x3FAD] =	sst s0  }
0x9: {  	[smem:$0x3FAE] =	sst s1  }
0xa: {  	[smem:$0x3FAF] =	sst s2  }
0xb: {  	[smem:$0x3FB0] =	sst s3  }
0xc: {  	[smem:$0x3FB1] =	sst s4  }
0xd: {  	[smem:$0x3FB2] =	sst s5  }
0xe: {  	[smem:$0x3FB3] =	sst s6  }
0xf: {  	[smem:$0x3FB4] =	sst s7  }
0x10: {  	[smem:$0x3FB5] =	sst s8  }
0x11: {  	[smem:$0x3FB6] =	sst s9;
	s0 =	simm.s32 @!p0 $0x0  }
0x12: {  	s1 =	sld [smem:$0x3F9C];
	s0 =	simm.s32 @p0 $0x1  }
0x13: {  	[smem:$0x3FB7] =	sst s0;
	s0 =	simm.s32 @!p1 $0x0  }
0x14: {  	s2 =	sld [smem:$0x3F9B];
	s0 =	simm.s32 @p1 $0x1  }
0x15: {  	[smem:$0x3FB8] =	sst s0;
	s0 =	simm.s32 @!p2 $0x0  }
0x16: {  	s3 =	sld [smem:$0x3FDB];
	s0 =	simm.s32 @p2 $0x1  }
0x17: {  	s4 =	simm.s32 $0x1BF5;
	[smem:$0x3FBA] =	sst s0  }
0x18: {  	s0 =	sld [smem:$0x3F9D];
	_ =	swait.ge [sflag:s4], $0x0  }
0x19: {  	s7 =	sld [smem:$0x3F9E]  }
0x1a: {  	s8 =	sadd.s32 $0xFFFFE003, lr  }
0x1b: {  	s9 =	sadd.s32 $0xFFFFFEF7, lr;
	s5 =	simm.s32 $0xFFFFFFFF;
	p2 =	slt.u32 s8, $0xFFFFF086  }
0x1c: {  	p1 =	slt.u32 s9, $0xF7A;
	s5 =	simm.s32 @!p2 $0x0  }
0x1d: {  	s5 =	simm.s32 @p1 $0x1;
	p0 =	seq.s32 s7, s2  }
0x1e: {  	s7 =	smul.u32 @!p0 $0xF7A, s2;
	p2 =	seq.s32 @!p0 s5, $0x0  }
0x1f: {  	s9 =	smul.u32 $0xF7A, s1;
	s8 =	simm.s32 @!p0 $0x1BF5;
	p2 =	por !p2, p0  }
0x20: {  	[sflag:s8] =	ssyncset.s32 @!p0 $0xFFFFF086;
	s6 =	sadd.s32 @!p0 s3, s7;
	s7 =	simm.s32 @!p0 $0x108  }
0x21: {  	s3 =	sadd.s32 s3, s9;
	s6 =	sadd.s32 @!p0 $0x88, s6;
	s7 =	simm.s32 @p2 $0x1082  }
0x22: {  	[simem:s7], [sflag:s8] =	dma.local @!p0 [hbm:s6], $0xF7A  }
0x23: {  	s9 =	sor.u32 $0xD0000000, s2;
	s6 =	simm.s32 $0x108;
	_ =	swait.ge @!p0 [sflag:s8], $0x0  }
0x24: {  	s3 =	sadd.s32 $0x88, s3;
	s6 =	simm.s32 @!p1 $0x1082;
	[sflag:s4] =	ssyncset.s32 $0xFFFFF086  }
0x25: {  	[simem:s6], [sflag:s4] =	dma.local [hbm:s3], $0xF7A  }
0x26: {  	[smem:$0x3F9E] =	sst s1;
	(tag) =	ssettag s2;
	_ =	strace s9  }
0x27: {  	s1 =	sld [smem:$0x3FAE]  }
0x28: {  	s2 =	sld [smem:$0x3FAF]  }
0x29: {  	s4 =	sld [smem:$0x3FB1]  }
0x2a: {  	p0 =	seq.s32 s5, $0x0;
	s5 =	sld [smem:$0x3FB2]  }
0x2b: {  	s6 =	sld [smem:$0x3FB3]  }
0x2c: {  	s7 =	sld [smem:$0x3FB4]  }
0x2d: {  	s3 =	simm.s32 $0x108;
	s8 =	sld [smem:$0x3FB5]  }
0x2e: {  	s3 =	simm.s32 @!p0 $0x1082;
	s9 =	sld [smem:$0x3FB6]  }
0x2f: {  	lr =	sadd.s32 s0, s3;
	s0 =	sld [smem:$0x3FAD]  }
0x30: {  	s3 =	sld [smem:$0x3FB0]  }
0x31: {  	[smem:$0x3FB9] =	sst s10  }
0x32: {  	s10 =	sld [smem:$0x3FB7];
	_ =	sdelay $0x3  }
0x33: {  	p0 =	seq.s32 s10, $0x1;
	s10 =	sld [smem:$0x3FB9];
	_ =	sdelay $0x3  }
0x34: {  	[smem:$0x3FB9] =	sst s10  }
0x35: {  	s10 =	sld [smem:$0x3FB8];
	_ =	sdelay $0x3  }
0x36: {  	p1 =	seq.s32 s10, $0x1;
	s10 =	sld [smem:$0x3FB9];
	_ =	sdelay $0x3  }
0x37: {  	[smem:$0x3FB9] =	sst s10  }
0x38: {  	s10 =	sld [smem:$0x3FBA]  }
0x39: {  	_ = 	snop;
	(pc) =	sbr.ind lr, $3  }
0x3a: {  	_ = 	snop  }
0x3b: {  	_ = 	snop  }
0x3c: {  	p2 =	seq.s32 s10, $0x1;
	s10 =	sld [smem:$0x3FB9]  }
0x3d: {  	_ =	shalt  }
0x3e: {  	_ =	shalt  }
0x3f: {  	_ =	shalt  }
0x40: {  	_ =	shalt  }
0x41: {  	_ =	shalt  }
0x42: {  	_ =	shalt  }
0x43: {  	_ =	shalt  }
0x44: {  	_ =	shalt  }
0x45: {  	_ =	shalt  }
0x46: {  	_ =	shalt  }
0x47: {  	_ =	shalt  }
0x48: {  	_ =	shalt  }
0x49: {  	_ =	shalt  }
0x4a: {  	_ =	shalt  }
0x4b: {  	_ =	shalt  }
0x4c: {  	_ =	shalt  }
0x4d: {  	_ =	shalt  }
0x4e: {  	_ =	shalt  }
0x4f: {  	_ =	shalt  }
0x50: {  	_ =	shalt  }
0x51: {  	_ =	shalt  }
0x52: {  	_ =	shalt  }
0x53: {  	_ =	shalt  }
0x54: {  	_ =	shalt  }
0x55: {  	_ =	shalt  }
0x56: {  	_ =	shalt  }
0x57: {  	_ =	shalt  }
0x58: {  	_ =	shalt  }
0x59: {  	_ =	shalt  }
0x5a: {  	_ =	shalt  }
0x5b: {  	_ =	shalt  }
0x5c: {  	_ =	shalt  }
0x5d: {  	_ =	shalt  }
0x5e: {  	_ =	shalt  }
0x5f: {  	_ =	shalt  }
0x60: {  	_ =	shalt  }
0x61: {  	_ =	shalt  }
0x62: {  	_ =	shalt  }
0x63: {  	_ =	shalt  }
0x64: {  	_ =	shalt  }
0x65: {  	_ =	shalt  }
0x66: {  	_ =	shalt  }
0x67: {  	_ =	shalt  }
0x68: {  	_ =	shalt  }
0x69: {  	_ =	shalt  }
0x6a: {  	_ =	shalt  }
0x6b: {  	_ =	shalt  }
0x6c: {  	_ =	shalt  }
0x6d: {  	_ =	shalt  }
0x6e: {  	_ =	shalt  }
0x6f: {  	_ =	shalt  }
0x70: {  	_ =	shalt  }
0x71: {  	_ =	shalt  }
0x72: {  	_ =	shalt  }
0x73: {  	_ =	shalt  }
0x74: {  	_ =	shalt  }
0x75: {  	_ =	shalt  }
0x76: {  	_ =	shalt  }
0x77: {  	_ =	shalt  }
0x78: {  	_ =	shalt  }
0x79: {  	_ =	shalt  }
0x7a: {  	_ =	shalt  }
0x7b: {  	_ =	shalt  }
0x7c: {  	_ =	shalt  }
0x7d: {  	_ =	shalt  }
0x7e: {  	_ =	shalt  }
0x7f: {  	_ =	shalt  }
0x80: {  	_ =	shalt  }
0x81: {  	_ =	shalt  }
0x82: {  	_ =	shalt  }
0x83: {  	_ =	shalt  }
0x84: {  	_ =	shalt  }
0x85: {  	_ =	shalt  }
0x86: {  	_ =	shalt  }
0x87: {  	_ =	shalt  }
.Lfunc_end0:
.L_simem_size_0:
called_computation_lowered:
.L_overlay_start_0:
0x88: {  	s2 =	sld [smem:$0x3FD9]  }
0x89: {  	s3 =	sld [smem:$0x3FFE];
	_ =	sdelay $0x1  }
0x8a: {  	s1 =	srdreg.scid  }
0x8b: {  	s0 =	sand.u32 $0x1, s1  }
0x8c: {  	s14 =	sshll.u32 s0, $0xA;
	s2 =	sadd.s32 s3, s2  }
0x8d: {  	s2 =	sadd.s32 s2, s14  }
0x8e: {  	[smem:$0x3FC5] =	sst s2  }
0x8f: {  	_ = 	snop  }
0x90: {  	s2 =	sld [smem:$0x3FD0];
	_ =	sdelay $0x2  }
0x91: {  	s15 =	simm.s32 $0xA;
	s4 =	simm.s32 $0x10  }
0x92: {  	[smem:s4], [sflag:s15] =	dma.local [hbm:s2], $0x1  }
0x93: {  	_ =	swait.eq [sflag:s15], $0x1  }
0x94: {  	[sflag:s15] =	ssyncset.done $0x0  }
0x95: {  	[sflag:s15] =	ssyncadd.s32 $0xFFFFFFFF  }
0x96: {  	s16 =	sld [smem:$0x12];
	(tm) =	ssettm $0x1  }
0x97: {  	s17 =	sld [smem:$0x3FFB];
	_ =	sdelay $0x3  }
0x98: {  	_ =	strace s17  }
0x99: {  	s3 =	sld [smem:$0x3FFC];
	_ =	sdelay $0x3  }
0x9a: {  	_ =	strace s3  }
0x9b: {  	s3 =	sld [smem:$0x3FFD];
	_ =	sdelay $0x3  }
0x9c: {  	_ =	strace s3  }
0x9d: {  	_ =	strace $0x8FFFFFFF  }
0x9e: {  	s18 =	sld [smem:$0x3FDB];
	_ =	sdelay $0x1  }
0x9f: {  	s19 =	simm.s32 $_scs_section_size  }
0xa0: {  	s5 =	simm.s32 $_size__tile_overlayer_lowered;
	s6 =	simm.s32 $_tile_overlayer_lowered  }
0xa1: {  	s22 =	simm.s32 $0x1BFF;
	s21 =	sshll.u32 s6, $0x1;
	s3 =	sadd.s32 s19, s18  }
0xa2: {  	s7 =	simm.s32 $0x0;
	s20 =	sshll.u32 s5, $0x1;
	s5 =	sadd.s32 s21, s3  }
0xa3: {  	[timem:s7], [sflag:s22] =	dma.local [hbm:s5], s20  }
0xa4: {  	_ =	swait.ge [sflag:s22], s20  }
0xa5: {  	s4 =	ssub.s32 $0x0, s20;
	[sflag:s22] =	ssyncset.done $0x0  }
0xa6: {  	[sflag:s22] =	ssyncadd.s32 s4;
	_ =	sdelay $0x1  }
0xa7: {  	s23 =	simm.s32 $0x1B8B  }
0xa8: {  	_ =	swait.ge [sflag:s23], $0x1  }
0xa9: {  	[sflag:s23] =	ssyncset.done $0x0  }
0xaa: {  	s25 =	simm.s32 $0x1B8E;
	s24 =	sld [smem:$0x3FFE];
	[sflag:s23] =	ssyncadd.s32 $0xFFFFFFFF  }
0xab: {  	s26 =	simm.s32 $execute0_lowered;
	[smem:$0x3FD2] =	sst s25  }
0xac: {  	s5 =	sshll.u32 s26, $0x1;
	_ =	strace $0x80000046;
	[dreg:$0x1] =	wrdreg $0xFFFFFFFF  }
0xad: {  	s28 =	simm.s32 $_size_execute0_lowered;
	s3 =	sadd.s32 s3, s5;
	[dreg:$0x0] =	wrdreg $0x0  }
0xae: {  	s5 =	sshll.u32 s28, $0x1;
	[dreg:$0x2] =	wrdreg s3  }
0xaf: {  	[dreg:$0x3] =	wrdreg s5  }
0xb0: {  	[dreg:$0x4] =	wrdreg $0xC0  }
0xb1: {  	_ =	task [dreg:s7], $0x5FFFF  }
0xb2: {  	[dreg:$0x1] =	wrdreg $0xFFFFFFFF  }
0xb3: {  	[dreg:$0x0] =	wrdreg $0x60  }
0xb4: {  	[dreg:$0x2] =	wrdreg s24  }
0xb5: {  	[dreg:$0x3] =	wrdreg s16  }
0xb6: {  	[dreg:$0x4] =	wrdreg $0x0  }
0xb7: {  	[dreg:$0x5] =	wrdreg $0x9  }
0xb8: {  	_ =	task.clear_ibuf [dreg:s7], $0x6FFFF;
	_ =	strace $0x90000046  }
0xb9: {  	s29 =	simm.s32 $0x9;
	_ =	strace $0x80000048  }
0xba: {  	_ =	swait.ge [sflag:s29], $0x1  }
0xbb: {  	[sflag:s29] =	ssyncadd.s32 $0xFFFFFFFF  }
0xbc: {  	_ =	strace $0x90000048  }
0xbd: {  	_ =	sfence  }
0xbe: {  	s30 =	sld [smem:$0x0];
	_ =	sdelay $0x2  }
0xbf: {  	s31 =	sshll.u32 s1, $0xD;
	s1 =	sshrl.u32 s1, $0x2  }
0xc0: {  	s3 =	sand.u32 $0x4000, s31;
	s1 =	sadd.s32 s1, s30  }
0xc1: {  	s0 =	sor.u32 s3, s0;
	s1 =	sshll.u32 s1, $0x11  }
0xc2: {  	s0 =	sor.u32 s1, s0  }
0xc3: {  	s0 =	sadd.s32 $0x8F2B, s0  }
0xc4: {  	[sflag:s0] =	ssyncadd.remote.s32 $0x1  }
0xc5: {  	_ =	sfence.sel $0xFFFF  }
0xc6: {  	[dreg:$0x0] =	wrdreg $0xFFFFFFFF;
	(pc) =	sbr.abs _section_cstart, $3  }
0xc7: {  	[dreg:$0x1] =	wrdreg $0xFFFFFFFF  }
0xc8: {  	_ =	task.clear_ibuf [dreg:s7], $0x2FFFF;
	_ =	strace $0x9FFFFFFF  }
0xc9: {  	(tm) =	ssettm $0x7FFFFFFF  }
tec
execute0_lowered:
.L_overlay_start_1:
0x0: {  	(tag) =	ssettag $0x1  }
0x1: {  	s0 =	rddreg [dreg:$0x0]  }
0x2: {  	s1 =	rddreg [dreg:$0x1]  }
0x3: {  	s16 =	rddreg [dreg:$0x2]  }
0x4: {  	s2 =	simm.s32 $0x0;
	s10 =	stileid.u32;
	s3 =	srdreg.scid  }
0x5: {  	s20 =	simm.s32 $0x2490;
	s21 =	simm.s32 $0x2510;
	s22 =	simm.s32 $0x2590  }
0x6: {  	s23 =	simm.s32 $0x2610;
	s24 =	simm.s32 $0x2690;
	[smem:$0x7FF] =	sst s2  }
0x7: {  	p0 =	por $0x0, $0x0;
	_ =	strace $0x80000047;
	[dreg:$0x10] =	wrdreg s20  }
0x8: {  	s28 =	simm.s32 $0x1388;
	s31 =	simm.s32 $0xA88;
	[dreg:$0x11] =	wrdreg s21  }
0x9: {  	s4 =	smul.u32 $0x608, s10;
	s5 =	sadd.s32 $0x7600, s0;
	[dreg:$0x12] =	wrdreg s22  }
0xa: {  	s6 =	sadd.s32 $0x2200, s0;
	s3 =	sand.u32 $0x1, s3;
	[dreg:$0x13] =	wrdreg s23  }
0xb: {  	s9 =	smul.u32 $0x150, s10;
	[dreg:$0x14] =	wrdreg s24;
	s20 =	simm.s32 $0x2E90  }
0xc: {  	s25 =	smul.u32 $0xA80, s10;
	s21 =	simm.s32 $0x2F10;
	[smem:$0x7F6] =	sst s20  }
0xd: {  	s7 =	sshll.u32 s3, $0x4;
	s22 =	simm.s32 $0x2F90;
	[smem:$0x7F7] =	sst s21  }
0xe: {  	s24 =	simm.s32 $0x608;
	s23 =	simm.s32 $0x3090;
	[smem:$0x7F8] =	sst s22  }
0xf: {  	s8 =	sshrl.u32 s4, $0x3;
	s26 =	sadd.s32 s4, s16;
	[smem:$0x7F9] =	sst s23  }
0x10: {  	s7 =	sor.u32 s10, s7;
	s29 =	sadd.s32 s5, s9;
	[dreg:$0x5] =	wrdreg s26  }
0x11: {  	s30 =	sshrl.u32 s25, $0x3;
	s25 =	simm.s32 $0x2790;
	[dreg:$0x6] =	wrdreg s29  }
0x12: {  	s23 =	simm.s32 $0x1;
	s1 =	sadd.s32 s1, s8;
	[dreg:$0x15] =	wrdreg s25  }
0x13: {  	s21 =	simm.s32 $0x2110;
	s8 =	sadd.s32 s6, s9;
	[dreg:$0x4] =	wrdreg s1  }
0x14: {  	s22 =	simm.s32 $0x2210;
	s29 =	simm.s32 $0x2810;
	[dreg:$0x7] =	wrdreg s8  }
0x15: {  	s4 =	sadd.s32 $0x1500, s30;
	s30 =	simm.s32 $0x2890;
	[dreg:$0x16] =	wrdreg s29  }
0x16: {  	s20 =	simm.s32 $0x2290;
	s25 =	simm.s32 $0x3110;
	[dreg:$0x17] =	wrdreg s30  }
0x17: {  	s7 =	smul.u32 $0x300, s7;
	s9 =	sadd.s32 s5, s4;
	[smem:$0x7FA] =	sst s25  }
0x18: {  	s26 =	ssub.s32 $0x2, s3;
	s11 =	sadd.s32 s6, s4;
	[dreg:$0x8] =	wrdreg s9  }
0x19: {  	s8 =	sadd.s32 $0xA000, s0;
	s4 =	simm.s32 $0x2990;
	[dreg:$0x9] =	wrdreg s11  }
0x1a: {  	s3 =	sshrl.u32 s26, $0x1;
	s5 =	simm.s32 $0x2A90;
	[dreg:$0x19] =	wrdreg s4  }
0x1b: {  	s6 =	simm.s32 $0x2B10;
	s29 =	simm.s32 $0x3210;
	[dreg:$0x1a] =	wrdreg s5  }
0x1c: {  	s30 =	simm.s32 $0x3290;
	s25 =	simm.s32 $0x2190;
	[dreg:$0x1b] =	wrdreg s6  }
0x1d: {  	s10 =	sshrl.u32 s7, $0x3;
	s13 =	sadd.s32 s7, s16;
	[smem:$0x7FC] =	sst s29  }
0x1e: {  	s1 =	ssub.s32 s26, s3;
	s3 =	simm.s32 $0x2910;
	[smem:$0x7FD] =	sst s30  }
0x1f: {  	s7 =	simm.s32 $0x2B90;
	s9 =	simm.s32 $0x2C10;
	[dreg:$0xa] =	wrdreg s13  }
0x20: {  	s11 =	simm.s32 $0x2C90;
	s26 =	simm.s32 $0x3190;
	[dreg:$0x18] =	wrdreg s3  }
0x21: {  	s6 =	simm.s32 $0x1408;
	s5 =	simm.s32 $0x2D10;
	[dreg:$0x1c] =	wrdreg s7  }
0x22: {  	s4 =	simm.s32 $0x3010;
	s12 =	sadd.s32 s10, s0;
	[dreg:$0x1d] =	wrdreg s9  }
0x23: {  	s13 =	sadd.s32 $0xF400, s0;
	s10 =	sadd.s32 $0x4C00, s0;
	[dreg:$0x1e] =	wrdreg s11  }
0x24: {  	s1 =	smax.u32 s1, $0x1;
	s3 =	simm.s32 $0x3;
	[smem:$0x7FB] =	sst s26  }
0x25: {  	s26 =	simm.s32 $0x988;
	s7 =	simm.s32 $0x2A10;
	s14 =	sadd.s32 $0x14800, s12  }
0x26: {  	s11 =	simm.s32 $0x2;
	s15 =	sadd.s32 $0x15400, s12;
	[dreg:$0xb] =	wrdreg s14  }
0x27: {  	s17 =	sadd.s32 $0x16000, s12;
	s18 =	sadd.s32 $0x16C00, s12;
	[dreg:$0xc] =	wrdreg s15  }
0x28: {  	s19 =	sadd.s32 $0x17800, s12;
	p1 =	sne.s32 s1, $0x1;
	[dreg:$0xd] =	wrdreg s17  }
.Ltmp0:
0x29: {  	s12 =	sadd.s32 $0x11E00, s0;
	[dreg:$0xe] =	wrdreg s18;
	(pc) =	sbr.rel @!p1 .LBB2_5-.Ltmp0, $4  }
0x2a: {  	[dreg:$0xf] =	wrdreg s19;
	s15 =	sadd.s32 $0xCA00, s0;
	s17 =	simm.s32 $0x1088  }
0x2b: {  	s18 =	simm.s32 $0x2D90;
	s0 =	sadd.s32 $0xFFFFFFFF, s1;
	s1 =	rddreg [dreg:$0x4]  }
0x2c: {  	s14 =	simm.s32 $0x80;
	s19 =	simm.s32 $0x2E10;
	[dreg:$0x1f] =	wrdreg s18  }
0x2d: {  	[smem:$0x7F5] =	sst s19;
	s18 =	simm.s32 $0x2310;
	s19 =	simm.s32 $0x2390  }
0x2e: {  	[smem:$0x7F4] =	sst s0;
	s29 =	simm.s32 $0x1B08  }
0x2f: {  	[tilespmem:s29], [sflag:$0x3] =	stream.linear.gather [hbm4b:s1+s2], $0x608, $0x38;
	[tilespmem:$0x3310] =	vst v63  }
0x30: {  	_ =	swait.ge [sflag:s3], $0x608  }
0x31: {  	[sflag:s3] =	ssyncset.done $0x0  }
0x32: {  	s30 =	rddreg [dreg:$0x5];
	[sflag:s3] =	ssyncadd.s32 $0xFFFFF9F8  }
0x33: {  	[spmem:s30] =	stream.linear.scatter [tilespmem:s29], [sflag:$0x3], $0x608, $0x38;
	[tilespmem:$0x3310] =	vst v63  }
0x34: {  	_ =	swait.ge [sflag:s3], $0x608  }
0x35: {  	[sflag:s3] =	ssyncset.done $0x0  }
0x36: {  	s0 =	rddreg [dreg:$0x6];
	[sflag:s3] =	ssyncadd.s32 $0xFFFFF9F8  }
0x37: {  	[tilespmem:s24], [sflag:$0x3] =	stream.linear.gather [hbm4b:s0+s2], $0xA80, $0x38;
	[tilespmem:$0x3310] =	vst v63  }
0x38: {  	_ =	swait.ge [sflag:s3], $0xA80  }
0x39: {  	[sflag:s3] =	ssyncset.done $0x0  }
0x3a: {  	s9 =	rddreg [dreg:$0x7];
	[sflag:s3] =	ssyncadd.s32 $0xFFFFF580  }
0x3b: {  	[tilespmem:s17], [sflag:$0x3] =	stream.linear.gather [hbm4b:s9+s2], $0xA80, $0x38;
	[tilespmem:$0x3310] =	vst v63  }
0x3c: {  	_ =	swait.ge [sflag:s3], $0xA80  }
0x3d: {  	[sflag:s3] =	ssyncset.done $0x0  }
0x3e: {  	[sflag:s3] =	ssyncadd.s32 $0xFFFFF580  }
0x3f: {  	[spmem:s16] =	stream.indirect.scatter [tilespmem:s17], [sflag:$0x1], $0x1, s24, s14, $0xb8;
	[tilespmem:$0x3310] =	vst v63  }
0x40: {  	s18 =	simm.s32 $0x688;
	s19 =	simm.s32 $0x1108  }
0x41: {  	[spmem:s16] =	stream.indirect.scatter [tilespmem:s19], [sflag:$0x1], $0x1, s18, s14, $0xb8;
	[tilespmem:$0x3310] =	vst v63  }
0x42: {  	s20 =	simm.s32 $0x708;
	s21 =	simm.s32 $0x1188  }
0x43: {  	[spmem:s16] =	stream.indirect.scatter [tilespmem:s21], [sflag:$0x1], $0x1, s20, s14, $0xb8;
	[tilespmem:$0x3310] =	vst v63  }
0x44: {  	s22 =	simm.s32 $0x788;
	s24 =	simm.s32 $0x1208  }
0x45: {  	[spmem:s16] =	stream.indirect.scatter [tilespmem:s24], [sflag:$0x1], $0x1, s22, s14, $0xb8;
	[tilespmem:$0x3310] =	vst v63  }
0x46: {  	s25 =	simm.s32 $0x808;
	s29 =	simm.s32 $0x1288  }
0x47: {  	[spmem:s16] =	stream.indirect.scatter [tilespmem:s29], [sflag:$0x1], $0x1, s25, s14, $0xb8;
	[tilespmem:$0x3310] =	vst v63  }
0x48: {  	s30 =	simm.s32 $0x888;
	s29 =	simm.s32 $0x1308  }
0x49: {  	[spmem:s16] =	stream.indirect.scatter [tilespmem:s29], [sflag:$0x1], $0x1, s30, s14, $0xb8;
	[tilespmem:$0x3310] =	vst v63  }
0x4a: {  	s0 =	simm.s32 $0x908  }
0x4b: {  	[spmem:s16] =	stream.indirect.scatter [tilespmem:s28], [sflag:$0x1], $0x1, s0, s14, $0xb8;
	[tilespmem:$0x3310] =	vst v63  }
0x4c: {  	_ = 	snop  }
0x4d: {  	[spmem:s16] =	stream.indirect.scatter [tilespmem:s6], [sflag:$0x1], $0x1, s26, s14, $0xb8;
	[tilespmem:$0x3310] =	vst v63  }
0x4e: {  	s17 =	simm.s32 $0x1488;
	s18 =	simm.s32 $0xA08  }
0x4f: {  	[spmem:s16] =	stream.indirect.scatter [tilespmem:s17], [sflag:$0x1], $0x1, s18, s14, $0xb8;
	[tilespmem:$0x3310] =	vst v63  }
0x50: {  	s20 =	simm.s32 $0x1508  }
0x51: {  	[spmem:s16] =	stream.indirect.scatter [tilespmem:s20], [sflag:$0x1], $0x1, s31, s14, $0xb8;
	[tilespmem:$0x3310] =	vst v63  }
0x52: {  	s19 =	simm.s32 $0x1588;
	s21 =	simm.s32 $0xB08  }
0x53: {  	[spmem:s16] =	stream.indirect.scatter [tilespmem:s19], [sflag:$0x1], $0x1, s21, s14, $0xb8;
	[tilespmem:$0x3310] =	vst v63  }
0x54: {  	s22 =	simm.s32 $0xB88;
	s26 =	simm.s32 $0x1608  }
0x55: {  	[spmem:s16] =	stream.indirect.scatter [tilespmem:s26], [sflag:$0x1], $0x1, s22, s14, $0xb8;
	[tilespmem:$0x3310] =	vst v63  }
0x56: {  	s24 =	simm.s32 $0xC08;
	s30 =	simm.s32 $0x1688  }
0x57: {  	[spmem:s16] =	stream.indirect.scatter [tilespmem:s30], [sflag:$0x1], $0x1, s24, s14, $0xb8;
	[tilespmem:$0x3310] =	vst v63  }
0x58: {  	s25 =	simm.s32 $0x1708;
	s28 =	simm.s32 $0xC88  }
0x59: {  	[spmem:s16] =	stream.indirect.scatter [tilespmem:s25], [sflag:$0x1], $0x1, s28, s14, $0xb8;
	[tilespmem:$0x3310] =	vst v63  }
0x5a: {  	s1 =	simm.s32 $0x1788;
	s31 =	simm.s32 $0xD08  }
0x5b: {  	[spmem:s16] =	stream.indirect.scatter [tilespmem:s1], [sflag:$0x1], $0x1, s31, s14, $0xb8;
	[tilespmem:$0x3310] =	vst v63  }
0x5c: {  	s0 =	simm.s32 $0x1808;
	s1 =	simm.s32 $0xD88  }
0x5d: {  	[spmem:s16] =	stream.indirect.scatter [tilespmem:s0], [sflag:$0x1], $0x1, s1, s14, $0xb8;
	[tilespmem:$0x3310] =	vst v63  }
0x5e: {  	s1 =	simm.s32 $0xE08;
	s0 =	simm.s32 $0x1888  }
0x5f: {  	[spmem:s16] =	stream.indirect.scatter [tilespmem:s0], [sflag:$0x1], $0x1, s1, s14, $0xb8;
	[tilespmem:$0x3310] =	vst v63  }
0x60: {  	s1 =	simm.s32 $0xE88;
	s0 =	simm.s32 $0x1908  }
0x61: {  	[spmem:s16] =	stream.indirect.scatter [tilespmem:s0], [sflag:$0x1], $0x1, s1, s14, $0xb8;
	[tilespmem:$0x3310] =	vst v63  }
0x62: {  	s0 =	simm.s32 $0xF08;
	s1 =	simm.s32 $0x1988  }
0x63: {  	[spmem:s16] =	stream.indirect.scatter [tilespmem:s1], [sflag:$0x1], $0x1, s0, s14, $0xb8;
	[tilespmem:$0x3310] =	vst v63  }
0x64: {  	s0 =	simm.s32 $0xF88;
	s1 =	simm.s32 $0x1A08  }
0x65: {  	[spmem:s16] =	stream.indirect.scatter [tilespmem:s1], [sflag:$0x1], $0x1, s0, s14, $0xb8;
	[tilespmem:$0x3310] =	vst v63  }
0x66: {  	s0 =	simm.s32 $0x1008;
	s1 =	simm.s32 $0x1A88  }
0x67: {  	[spmem:s16] =	stream.indirect.scatter [tilespmem:s1], [sflag:$0x1], $0x1, s0, s14, $0xb8;
	[tilespmem:$0x3310] =	vst v63  }
0x68: {  	_ =	swait.ge [sflag:s23], $0x80  }
0x69: {  	[sflag:s23] =	ssyncset.done $0x0  }
0x6a: {  	[sflag:s23] =	ssyncadd.s32 $0xFFFFFF80  }
0x6b: {  	_ =	swait.ge [sflag:s23], $0x80  }
0x6c: {  	[sflag:s23] =	ssyncset.done $0x0  }
0x6d: {  	[sflag:s23] =	ssyncadd.s32 $0xFFFFFF80  }
0x6e: {  	_ =	swait.ge [sflag:s23], $0x80  }
0x6f: {  	[sflag:s23] =	ssyncset.done $0x0  }
0x70: {  	[sflag:s23] =	ssyncadd.s32 $0xFFFFFF80  }
0x71: {  	_ =	swait.ge [sflag:s23], $0x80  }
0x72: {  	[sflag:s23] =	ssyncset.done $0x0  }
0x73: {  	[sflag:s23] =	ssyncadd.s32 $0xFFFFFF80  }
0x74: {  	_ =	swait.ge [sflag:s23], $0x80  }
0x75: {  	[sflag:s23] =	ssyncset.done $0x0  }
0x76: {  	[sflag:s23] =	ssyncadd.s32 $0xFFFFFF80  }
0x77: {  	_ =	swait.ge [sflag:s23], $0x80  }
0x78: {  	[sflag:s23] =	ssyncset.done $0x0  }
0x79: {  	[sflag:s23] =	ssyncadd.s32 $0xFFFFFF80  }
0x7a: {  	_ =	swait.ge [sflag:s23], $0x80  }
0x7b: {  	[sflag:s23] =	ssyncset.done $0x0  }
0x7c: {  	[sflag:s23] =	ssyncadd.s32 $0xFFFFFF80  }
0x7d: {  	_ =	swait.ge [sflag:s23], $0x80  }
0x7e: {  	[sflag:s23] =	ssyncset.done $0x0  }
0x7f: {  	[sflag:s23] =	ssyncadd.s32 $0xFFFFFF80  }
0x80: {  	_ =	swait.ge [sflag:s23], $0x80  }
0x81: {  	[sflag:s23] =	ssyncset.done $0x0  }
0x82: {  	[sflag:s23] =	ssyncadd.s32 $0xFFFFFF80  }
0x83: {  	_ =	swait.ge [sflag:s23], $0x80  }
0x84: {  	[sflag:s23] =	ssyncset.done $0x0  }
0x85: {  	[sflag:s23] =	ssyncadd.s32 $0xFFFFFF80  }
0x86: {  	_ =	swait.ge [sflag:s23], $0x80  }
0x87: {  	[sflag:s23] =	ssyncset.done $0x0  }
0x88: {  	[sflag:s23] =	ssyncadd.s32 $0xFFFFFF80  }
0x89: {  	_ =	swait.ge [sflag:s23], $0x80  }
0x8a: {  	[sflag:s23] =	ssyncset.done $0x0  }
0x8b: {  	[sflag:s23] =	ssyncadd.s32 $0xFFFFFF80  }
0x8c: {  	_ =	swait.ge [sflag:s23], $0x80  }
0x8d: {  	[sflag:s23] =	ssyncset.done $0x0  }
0x8e: {  	[sflag:s23] =	ssyncadd.s32 $0xFFFFFF80  }
0x8f: {  	_ =	swait.ge [sflag:s23], $0x80  }
0x90: {  	[sflag:s23] =	ssyncset.done $0x0  }
0x91: {  	[sflag:s23] =	ssyncadd.s32 $0xFFFFFF80  }
0x92: {  	_ =	swait.ge [sflag:s23], $0x80  }
0x93: {  	[sflag:s23] =	ssyncset.done $0x0  }
0x94: {  	[sflag:s23] =	ssyncadd.s32 $0xFFFFFF80  }
0x95: {  	_ =	swait.ge [sflag:s23], $0x80  }
0x96: {  	[sflag:s23] =	ssyncset.done $0x0  }
0x97: {  	[sflag:s23] =	ssyncadd.s32 $0xFFFFFF80  }
0x98: {  	_ =	swait.ge [sflag:s23], $0x80  }
0x99: {  	[sflag:s23] =	ssyncset.done $0x0  }
0x9a: {  	[sflag:s23] =	ssyncadd.s32 $0xFFFFFF80  }
0x9b: {  	_ =	swait.ge [sflag:s23], $0x80  }
0x9c: {  	[sflag:s23] =	ssyncset.done $0x0  }
0x9d: {  	[sflag:s23] =	ssyncadd.s32 $0xFFFFFF80  }
0x9e: {  	_ =	swait.ge [sflag:s23], $0x80  }
0x9f: {  	[sflag:s23] =	ssyncset.done $0x0  }
0xa0: {  	[sflag:s23] =	ssyncadd.s32 $0xFFFFFF80  }
0xa1: {  	_ =	swait.ge [sflag:s23], $0x80  }
0xa2: {  	[sflag:s23] =	ssyncset.done $0x0  }
0xa3: {  	[sflag:s23] =	ssyncadd.s32 $0xFFFFFF80  }
0xa4: {  	_ =	swait.ge [sflag:s23], $0x80  }
0xa5: {  	s2 =	simm.s32 $0x608;
	[sflag:s23] =	ssyncset.done $0x0  }
0xa6: {  	s6 =	simm.s32 $0x0;
	s0 =	rddreg [dreg:$0x8];
	[sflag:s23] =	ssyncadd.s32 $0xFFFFFF80  }
0xa7: {  	[tilespmem:s2], [sflag:$0x3] =	stream.linear.gather [hbm4b:s0+s6], $0xA80, $0x38;
	[tilespmem:$0x3310] =	vst v63  }
0xa8: {  	_ =	swait.ge [sflag:s3], $0xA80  }
0xa9: {  	[sflag:s3] =	ssyncset.done $0x0  }
0xaa: {  	s9 =	simm.s32 $0x1088;
	s0 =	rddreg [dreg:$0x9];
	[sflag:s3] =	ssyncadd.s32 $0xFFFFF580  }
0xab: {  	[tilespmem:s9], [sflag:$0x3] =	stream.linear.gather [hbm4b:s0+s6], $0xA80, $0x38;
	[tilespmem:$0x3310] =	vst v63  }
0xac: {  	_ =	swait.ge [sflag:s3], $0xA80  }
0xad: {  	[sflag:s3] =	ssyncset.done $0x0  }
0xae: {  	[sflag:s3] =	ssyncadd.s32 $0xFFFFF580  }
0xaf: {  	[spmem:s16] =	stream.indirect.scatter [tilespmem:s9], [sflag:$0x1], $0x1, s2, s14, $0xb8;
	[tilespmem:$0x3310] =	vst v63  }
0xb0: {  	s6 =	simm.s32 $0x688;
	s9 =	simm.s32 $0x1108  }
0xb1: {  	[spmem:s16] =	stream.indirect.scatter [tilespmem:s9], [sflag:$0x1], $0x1, s6, s14, $0xb8;
	[tilespmem:$0x3310] =	vst v63  }
0xb2: {  	s1 =	simm.s32 $0x708;
	s2 =	simm.s32 $0x1188  }
0xb3: {  	[spmem:s16] =	stream.indirect.scatter [tilespmem:s2], [sflag:$0x1], $0x1, s1, s14, $0xb8;
	[tilespmem:$0x3310] =	vst v63  }
0xb4: {  	s6 =	simm.s32 $0x1208;
	s9 =	simm.s32 $0x788  }
0xb5: {  	[spmem:s16] =	stream.indirect.scatter [tilespmem:s6], [sflag:$0x1], $0x1, s9, s14, $0xb8;
	[tilespmem:$0x3310] =	vst v63  }
0xb6: {  	s1 =	simm.s32 $0x1288;
	s2 =	simm.s32 $0x808  }
0xb7: {  	[spmem:s16] =	stream.indirect.scatter [tilespmem:s1], [sflag:$0x1], $0x1, s2, s14, $0xb8;
	[tilespmem:$0x3310] =	vst v63  }
0xb8: {  	s6 =	simm.s32 $0x888  }
0xb9: {  	[spmem:s16] =	stream.indirect.scatter [tilespmem:s29], [sflag:$0x1], $0x1, s6, s14, $0xb8;
	[tilespmem:$0x3310] =	vst v63  }
0xba: {  	s9 =	simm.s32 $0x908;
	s29 =	simm.s32 $0x1388  }
0xbb: {  	[spmem:s16] =	stream.indirect.scatter [tilespmem:s29], [sflag:$0x1], $0x1, s9, s14, $0xb8;
	[tilespmem:$0x3310] =	vst v63  }
0xbc: {  	s1 =	simm.s32 $0x988;
	s2 =	simm.s32 $0x1408  }
0xbd: {  	[spmem:s16] =	stream.indirect.scatter [tilespmem:s2], [sflag:$0x1], $0x1, s1, s14, $0xb8;
	[tilespmem:$0x3310] =	vst v63  }
0xbe: {  	_ = 	snop  }
0xbf: {  	[spmem:s16] =	stream.indirect.scatter [tilespmem:s17], [sflag:$0x1], $0x1, s18, s14, $0xb8;
	[tilespmem:$0x3310] =	vst v63  }
0xc0: {  	s6 =	simm.s32 $0xA88  }
0xc1: {  	[spmem:s16] =	stream.indirect.scatter [tilespmem:s20], [sflag:$0x1], $0x1, s6, s14, $0xb8;
	[tilespmem:$0x3310] =	vst v63  }
0xc2: {  	_ = 	snop  }
0xc3: {  	[spmem:s16] =	stream.indirect.scatter [tilespmem:s19], [sflag:$0x1], $0x1, s21, s14, $0xb8;
	[tilespmem:$0x3310] =	vst v63  }
0xc4: {  	_ = 	snop  }
0xc5: {  	[spmem:s16] =	stream.indirect.scatter [tilespmem:s26], [sflag:$0x1], $0x1, s22, s14, $0xb8;
	[tilespmem:$0x3310] =	vst v63  }
0xc6: {  	_ = 	snop  }
0xc7: {  	[spmem:s16] =	stream.indirect.scatter [tilespmem:s30], [sflag:$0x1], $0x1, s24, s14, $0xb8;
	[tilespmem:$0x3310] =	vst v63  }
0xc8: {  	_ = 	snop  }
0xc9: {  	[spmem:s16] =	stream.indirect.scatter [tilespmem:s25], [sflag:$0x1], $0x1, s28, s14, $0xb8;
	[tilespmem:$0x3310] =	vst v63  }
0xca: {  	s9 =	simm.s32 $0x1788  }
0xcb: {  	[spmem:s16] =	stream.indirect.scatter [tilespmem:s9], [sflag:$0x1], $0x1, s31, s14, $0xb8;
	[tilespmem:$0x3310] =	vst v63  }
0xcc: {  	s17 =	simm.s32 $0xD88;
	s18 =	simm.s32 $0x1808  }
0xcd: {  	[spmem:s16] =	stream.indirect.scatter [tilespmem:s18], [sflag:$0x1], $0x1, s17, s14, $0xb8;
	[tilespmem:$0x3310] =	vst v63  }
0xce: {  	s20 =	simm.s32 $0xE08;
	s19 =	simm.s32 $0x1888  }
0xcf: {  	[spmem:s16] =	stream.indirect.scatter [tilespmem:s19], [sflag:$0x1], $0x1, s20, s14, $0xb8;
	[tilespmem:$0x3310] =	vst v63  }
0xd0: {  	s22 =	simm.s32 $0x1908;
	s24 =	simm.s32 $0xE88  }
0xd1: {  	[spmem:s16] =	stream.indirect.scatter [tilespmem:s22], [sflag:$0x1], $0x1, s24, s14, $0xb8;
	[tilespmem:$0x3310] =	vst v63  }
0xd2: {  	s26 =	simm.s32 $0xF08;
	s25 =	simm.s32 $0x1988  }
0xd3: {  	[spmem:s16] =	stream.indirect.scatter [tilespmem:s25], [sflag:$0x1], $0x1, s26, s14, $0xb8;
	[tilespmem:$0x3310] =	vst v63  }
0xd4: {  	s29 =	simm.s32 $0xF88;
	s28 =	simm.s32 $0x1A08  }
0xd5: {  	[spmem:s16] =	stream.indirect.scatter [tilespmem:s28], [sflag:$0x1], $0x1, s29, s14, $0xb8;
	[tilespmem:$0x3310] =	vst v63  }
0xd6: {  	s30 =	simm.s32 $0x1A88;
	s31 =	simm.s32 $0x1008  }
0xd7: {  	[spmem:s16] =	stream.indirect.scatter [tilespmem:s30], [sflag:$0x1], $0x1, s31, s14, $0xb8;
	[tilespmem:$0x3310] =	vst v63  }
0xd8: {  	_ =	swait.ge [sflag:s23], $0x80  }
0xd9: {  	[sflag:s23] =	ssyncset.done $0x0  }
0xda: {  	[sflag:s23] =	ssyncadd.s32 $0xFFFFFF80  }
0xdb: {  	_ =	swait.ge [sflag:s23], $0x80  }
0xdc: {  	[sflag:s23] =	ssyncset.done $0x0  }
0xdd: {  	[sflag:s23] =	ssyncadd.s32 $0xFFFFFF80  }
0xde: {  	_ =	swait.ge [sflag:s23], $0x80  }
0xdf: {  	[sflag:s23] =	ssyncset.done $0x0  }
0xe0: {  	[sflag:s23] =	ssyncadd.s32 $0xFFFFFF80  }
0xe1: {  	_ =	swait.ge [sflag:s23], $0x80  }
0xe2: {  	[sflag:s23] =	ssyncset.done $0x0  }
0xe3: {  	[sflag:s23] =	ssyncadd.s32 $0xFFFFFF80  }
0xe4: {  	_ =	swait.ge [sflag:s23], $0x80  }
0xe5: {  	[sflag:s23] =	ssyncset.done $0x0  }
0xe6: {  	[sflag:s23] =	ssyncadd.s32 $0xFFFFFF80  }
0xe7: {  	_ =	swait.ge [sflag:s23], $0x80  }
0xe8: {  	[sflag:s23] =	ssyncset.done $0x0  }
0xe9: {  	[sflag:s23] =	ssyncadd.s32 $0xFFFFFF80  }
0xea: {  	_ =	swait.ge [sflag:s23], $0x80  }
0xeb: {  	[sflag:s23] =	ssyncset.done $0x0  }
0xec: {  	[sflag:s23] =	ssyncadd.s32 $0xFFFFFF80  }
0xed: {  	_ =	swait.ge [sflag:s23], $0x80  }
0xee: {  	[sflag:s23] =	ssyncset.done $0x0  }
0xef: {  	[sflag:s23] =	ssyncadd.s32 $0xFFFFFF80  }
0xf0: {  	_ =	swait.ge [sflag:s23], $0x80  }
0xf1: {  	[sflag:s23] =	ssyncset.done $0x0  }
0xf2: {  	[sflag:s23] =	ssyncadd.s32 $0xFFFFFF80  }
0xf3: {  	_ =	swait.ge [sflag:s23], $0x80  }
0xf4: {  	[sflag:s23] =	ssyncset.done $0x0  }
0xf5: {  	[sflag:s23] =	ssyncadd.s32 $0xFFFFFF80  }
0xf6: {  	_ =	swait.ge [sflag:s23], $0x80  }
0xf7: {  	[sflag:s23] =	ssyncset.done $0x0  }
0xf8: {  	[sflag:s23] =	ssyncadd.s32 $0xFFFFFF80  }
0xf9: {  	_ =	swait.ge [sflag:s23], $0x80  }
0xfa: {  	[sflag:s23] =	ssyncset.done $0x0  }
0xfb: {  	[sflag:s23] =	ssyncadd.s32 $0xFFFFFF80  }
0xfc: {  	_ =	swait.ge [sflag:s23], $0x80  }
0xfd: {  	[sflag:s23] =	ssyncset.done $0x0  }
0xfe: {  	[sflag:s23] =	ssyncadd.s32 $0xFFFFFF80  }
0xff: {  	_ =	swait.ge [sflag:s23], $0x80  }
0x100: {  	[sflag:s23] =	ssyncset.done $0x0  }
0x101: {  	[sflag:s23] =	ssyncadd.s32 $0xFFFFFF80  }
0x102: {  	_ =	swait.ge [sflag:s23], $0x80  }
0x103: {  	[sflag:s23] =	ssyncset.done $0x0  }
0x104: {  	[sflag:s23] =	ssyncadd.s32 $0xFFFFFF80  }
0x105: {  	_ =	swait.ge [sflag:s23], $0x80  }
0x106: {  	[sflag:s23] =	ssyncset.done $0x0  }
0x107: {  	[sflag:s23] =	ssyncadd.s32 $0xFFFFFF80  }
0x108: {  	_ =	swait.ge [sflag:s23], $0x80  }
0x109: {  	[sflag:s23] =	ssyncset.done $0x0  }
0x10a: {  	[sflag:s23] =	ssyncadd.s32 $0xFFFFFF80  }
0x10b: {  	_ =	swait.ge [sflag:s23], $0x80  }
0x10c: {  	[sflag:s23] =	ssyncset.done $0x0  }
0x10d: {  	[sflag:s23] =	ssyncadd.s32 $0xFFFFFF80  }
0x10e: {  	_ =	swait.ge [sflag:s23], $0x80  }
0x10f: {  	[sflag:s23] =	ssyncset.done $0x0  }
0x110: {  	[sflag:s23] =	ssyncadd.s32 $0xFFFFFF80  }
0x111: {  	_ =	swait.ge [sflag:s23], $0x80  }
0x112: {  	[sflag:s23] =	ssyncset.done $0x0  }
0x113: {  	[sflag:s23] =	ssyncadd.s32 $0xFFFFFF80  }
0x114: {  	_ =	swait.ge [sflag:s23], $0x80  }
0x115: {  	[sflag:s23] =	ssyncset.done $0x0  }
0x116: {  	[sflag:s23] =	ssyncadd.s32 $0xFFFFFF80  }
0x117: {  	[bflag:$0x0] =	sbarrier.arrive $0xFFFF  }
0x118: {  	s21 =	simm.s32 $0x2110;
	s6 =	rddreg [dreg:$0xa]  }
0x119: {  	[tilespmem:s21], [sflag:$0x3] =	stream.linear.gather [spmem:s6], $0x300, $0x38;
	[tilespmem:$0x3310] =	vst v63  }
0x11a: {  	_ =	swait.ge [sflag:s3], $0x300  }
0x11b: {  	s17 =	smov.u32 s8;
	[sflag:s3] =	ssyncset.done $0x0  }
0x11c: {  	s8 =	simm.s32 $0x2410;
	s9 =	rddreg [dreg:$0x10];
	[sflag:s3] =	ssyncadd.s32 $0xFFFFFD00  }
0x11d: {  	[tilespmem:s8], [sflag:$0x2] =	stream.indirect.gather [hbm4b:s17+s14], $0x1, s21, s14, $0xb8;
	[tilespmem:$0x3310] =	vst v63  }
0x11e: {  	s19 =	simm.s32 $0x2190;
	s18 =	rddreg [dreg:$0x11]  }
0x11f: {  	[tilespmem:s9], [sflag:$0x2] =	stream.indirect.gather [hbm4b:s17+s14], $0x1, s19, s14, $0xb8;
	[tilespmem:$0x3310] =	vst v63  }
0x120: {  	s22 =	simm.s32 $0x2210;
	s20 =	rddreg [dreg:$0x12]  }
0x121: {  	[tilespmem:s18], [sflag:$0x2] =	stream.indirect.gather [hbm4b:s17+s14], $0x1, s22, s14, $0xb8;
	[tilespmem:$0x3310] =	vst v63  }
0x122: {  	s25 =	simm.s32 $0x2290;
	s24 =	rddreg [dreg:$0x13]  }
0x123: {  	[tilespmem:s20], [sflag:$0x2] =	stream.indirect.gather [hbm4b:s17+s14], $0x1, s25, s14, $0xb8;
	[tilespmem:$0x3310] =	vst v63  }
0x124: {  	s28 =	simm.s32 $0x2310;
	s26 =	rddreg [dreg:$0x14]  }
0x125: {  	[tilespmem:s24], [sflag:$0x2] =	stream.indirect.gather [hbm4b:s17+s14], $0x1, s28, s14, $0xb8;
	[tilespmem:$0x3310] =	vst v63  }
0x126: {  	s29 =	simm.s32 $0x2390;
	[smem:$0x7EF] =	sst s17  }
0x127: {  	[tilespmem:s26], [sflag:$0x2] =	stream.indirect.gather [hbm4b:s17+s14], $0x1, s29, s14, $0xb8;
	[tilespmem:$0x3310] =	vst v63  }
0x128: {  	s30 =	rddreg [dreg:$0x15];
	s9 =	simm.s32 $0x2710  }
0x129: {  	[tilespmem:s9], [sflag:$0x2] =	stream.indirect.gather [hbm4b:s15+s14], $0x1, s21, s14, $0xb8;
	[tilespmem:$0x3310] =	vst v63  }
0x12a: {  	s31 =	rddreg [dreg:$0x16]  }
0x12b: {  	[tilespmem:s30], [sflag:$0x2] =	stream.indirect.gather [hbm4b:s15+s14], $0x1, s19, s14, $0xb8;
	[tilespmem:$0x3310] =	vst v63  }
0x12c: {  	s6 =	rddreg [dreg:$0x17]  }
0x12d: {  	[tilespmem:s31], [sflag:$0x2] =	stream.indirect.gather [hbm4b:s15+s14], $0x1, s22, s14, $0xb8;
	[tilespmem:$0x3310] =	vst v63  }
0x12e: {  	[smem:$0x7F0] =	sst s15;
	s25 =	simm.s32 $0x2290  }
0x12f: {  	[tilespmem:s6], [sflag:$0x2] =	stream.indirect.gather [hbm4b:s15+s14], $0x1, s25, s14, $0xb8;
	[tilespmem:$0x3310] =	vst v63  }
0x130: {  	s24 =	rddreg [dreg:$0x18]  }
0x131: {  	[tilespmem:s24], [sflag:$0x2] =	stream.indirect.gather [hbm4b:s15+s14], $0x1, s28, s14, $0xb8;
	[tilespmem:$0x3310] =	vst v63  }
0x132: {  	s26 =	rddreg [dreg:$0x19]  }
0x133: {  	[tilespmem:s26], [sflag:$0x2] =	stream.indirect.gather [hbm4b:s15+s14], $0x1, s29, s14, $0xb8;
	[tilespmem:$0x3310] =	vst v63  }
0x134: {  	[smem:$0x7F1] =	sst s13  }
0x135: {  	[tilespmem:s7], [sflag:$0x2] =	stream.indirect.gather [hbm4b:s13+s14], $0x1, s21, s14, $0xb8;
	[tilespmem:$0x3310] =	vst v63  }
0x136: {  	s19 =	simm.s32 $0x2190;
	s28 =	rddreg [dreg:$0x1a]  }
0x137: {  	[tilespmem:s28], [sflag:$0x2] =	stream.indirect.gather [hbm4b:s13+s14], $0x1, s19, s14, $0xb8;
	[tilespmem:$0x3310] =	vst v63  }
0x138: {  	s18 =	simm.s32 $0x2210;
	s29 =	rddreg [dreg:$0x1b]  }
0x139: {  	[tilespmem:s29], [sflag:$0x2] =	stream.indirect.gather [hbm4b:s13+s14], $0x1, s18, s14, $0xb8;
	[tilespmem:$0x3310] =	vst v63  }
0x13a: {  	s30 =	rddreg [dreg:$0x1c]  }
0x13b: {  	[tilespmem:s30], [sflag:$0x2] =	stream.indirect.gather [hbm4b:s13+s14], $0x1, s25, s14, $0xb8;
	[tilespmem:$0x3310] =	vst v63  }
0x13c: {  	s20 =	simm.s32 $0x2310;
	s31 =	rddreg [dreg:$0x1d]  }
0x13d: {  	[tilespmem:s31], [sflag:$0x2] =	stream.indirect.gather [hbm4b:s13+s14], $0x1, s20, s14, $0xb8;
	[tilespmem:$0x3310] =	vst v63  }
0x13e: {  	s22 =	simm.s32 $0x2390;
	s15 =	rddreg [dreg:$0x1e]  }
0x13f: {  	[tilespmem:s15], [sflag:$0x2] =	stream.indirect.gather [hbm4b:s13+s14], $0x1, s22, s14, $0xb8;
	[tilespmem:$0x3310] =	vst v63  }
0x140: {  	s24 =	rddreg [dreg:$0x1f]  }
0x141: {  	[tilespmem:s5], [sflag:$0x2] =	stream.indirect.gather [hbm4b:s12+s14], $0x1, s21, s14, $0xb8;
	[tilespmem:$0x3310] =	vst v63  }
0x142: {  	s25 =	sld [smem:$0x7F5]  }
0x143: {  	[tilespmem:s24], [sflag:$0x2] =	stream.indirect.gather [hbm4b:s12+s14], $0x1, s19, s14, $0xb8;
	[tilespmem:$0x3310] =	vst v63  }
0x144: {  	s26 =	sld [smem:$0x7F6]  }
0x145: {  	[tilespmem:s25], [sflag:$0x2] =	stream.indirect.gather [hbm4b:s12+s14], $0x1, s18, s14, $0xb8;
	[tilespmem:$0x3310] =	vst v63  }
0x146: {  	s17 =	simm.s32 $0x2290;
	s28 =	sld [smem:$0x7F7]  }
0x147: {  	[tilespmem:s26], [sflag:$0x2] =	stream.indirect.gather [hbm4b:s12+s14], $0x1, s17, s14, $0xb8;
	[tilespmem:$0x3310] =	vst v63  }
0x148: {  	s29 =	sld [smem:$0x7F8]  }
0x149: {  	[tilespmem:s28], [sflag:$0x2] =	stream.indirect.gather [hbm4b:s12+s14], $0x1, s20, s14, $0xb8;
	[tilespmem:$0x3310] =	vst v63  }
0x14a: {  	[smem:$0x7F2] =	sst s12  }
0x14b: {  	[tilespmem:s29], [sflag:$0x2] =	stream.indirect.gather [hbm4b:s12+s14], $0x1, s22, s14, $0xb8;
	[tilespmem:$0x3310] =	vst v63  }
0x14c: {  	s12 =	sld [smem:$0x7F9]  }
0x14d: {  	[tilespmem:s4], [sflag:$0x2] =	stream.indirect.gather [hbm4b:s10+s14], $0x1, s21, s14, $0xb8;
	[tilespmem:$0x3310] =	vst v63  }
0x14e: {  	s15 =	sld [smem:$0x7FA]  }
0x14f: {  	[tilespmem:s12], [sflag:$0x2] =	stream.indirect.gather [hbm4b:s10+s14], $0x1, s19, s14, $0xb8;
	[tilespmem:$0x3310] =	vst v63  }
0x150: {  	s20 =	sld [smem:$0x7FB]  }
0x151: {  	[tilespmem:s15], [sflag:$0x2] =	stream.indirect.gather [hbm4b:s10+s14], $0x1, s18, s14, $0xb8;
	[tilespmem:$0x3310] =	vst v63  }
0x152: {  	s22 =	sld [smem:$0x7FC]  }
0x153: {  	[tilespmem:s20], [sflag:$0x2] =	stream.indirect.gather [hbm4b:s10+s14], $0x1, s17, s14, $0xb8;
	[tilespmem:$0x3310] =	vst v63  }
0x154: {  	s30 =	simm.s32 $0x2310;
	s24 =	sld [smem:$0x7FD]  }
0x155: {  	[tilespmem:s22], [sflag:$0x2] =	stream.indirect.gather [hbm4b:s10+s14], $0x1, s30, s14, $0xb8;
	[tilespmem:$0x3310] =	vst v63  }
0x156: {  	[smem:$0x7F3] =	sst s10;
	s31 =	simm.s32 $0x2390  }
0x157: {  	[tilespmem:s24], [sflag:$0x2] =	stream.indirect.gather [hbm4b:s10+s14], $0x1, s31, s14, $0xb8;
	[tilespmem:$0x3310] =	vst v63  }
0x158: {  	_ =	swait.ge [sflag:s11], $0x80  }
0x159: {  	[sflag:s11] =	ssyncset.done $0x0  }
0x15a: {  	[sflag:s11] =	ssyncadd.s32 $0xFFFFFF80  }
0x15b: {  	_ =	swait.ge [sflag:s11], $0x80  }
0x15c: {  	[sflag:s11] =	ssyncset.done $0x0  }
0x15d: {  	[sflag:s11] =	ssyncadd.s32 $0xFFFFFF80  }
0x15e: {  	_ =	swait.ge [sflag:s11], $0x80  }
0x15f: {  	[sflag:s11] =	ssyncset.done $0x0  }
0x160: {  	[sflag:s11] =	ssyncadd.s32 $0xFFFFFF80  }
0x161: {  	_ =	swait.ge [sflag:s11], $0x80  }
0x162: {  	[sflag:s11] =	ssyncset.done $0x0  }
0x163: {  	[sflag:s11] =	ssyncadd.s32 $0xFFFFFF80  }
0x164: {  	_ =	swait.ge [sflag:s11], $0x80  }
0x165: {  	[sflag:s11] =	ssyncset.done $0x0  }
0x166: {  	[sflag:s11] =	ssyncadd.s32 $0xFFFFFF80  }
0x167: {  	_ =	swait.ge [sflag:s11], $0x80  }
0x168: {  	[sflag:s11] =	ssyncset.done $0x0  }
0x169: {  	[sflag:s11] =	ssyncadd.s32 $0xFFFFFF80  }
0x16a: {  	_ =	swait.ge [sflag:s11], $0x80  }
0x16b: {  	[sflag:s11] =	ssyncset.done $0x0  }
0x16c: {  	[sflag:s11] =	ssyncadd.s32 $0xFFFFFF80  }
0x16d: {  	_ =	swait.ge [sflag:s11], $0x80  }
0x16e: {  	[sflag:s11] =	ssyncset.done $0x0  }
0x16f: {  	[sflag:s11] =	ssyncadd.s32 $0xFFFFFF80  }
0x170: {  	_ =	swait.ge [sflag:s11], $0x80  }
0x171: {  	[sflag:s11] =	ssyncset.done $0x0  }
0x172: {  	[sflag:s11] =	ssyncadd.s32 $0xFFFFFF80  }
0x173: {  	_ =	swait.ge [sflag:s11], $0x80  }
0x174: {  	[sflag:s11] =	ssyncset.done $0x0  }
0x175: {  	[sflag:s11] =	ssyncadd.s32 $0xFFFFFF80  }
0x176: {  	_ =	swait.ge [sflag:s11], $0x80  }
0x177: {  	[sflag:s11] =	ssyncset.done $0x0  }
0x178: {  	[sflag:s11] =	ssyncadd.s32 $0xFFFFFF80  }
0x179: {  	_ =	swait.ge [sflag:s11], $0x80  }
0x17a: {  	[sflag:s11] =	ssyncset.done $0x0  }
0x17b: {  	[sflag:s11] =	ssyncadd.s32 $0xFFFFFF80  }
0x17c: {  	_ =	swait.ge [sflag:s11], $0x80  }
0x17d: {  	[sflag:s11] =	ssyncset.done $0x0  }
0x17e: {  	[sflag:s11] =	ssyncadd.s32 $0xFFFFFF80  }
0x17f: {  	_ =	swait.ge [sflag:s11], $0x80  }
0x180: {  	[sflag:s11] =	ssyncset.done $0x0  }
0x181: {  	[sflag:s11] =	ssyncadd.s32 $0xFFFFFF80  }
0x182: {  	_ =	swait.ge [sflag:s11], $0x80  }
0x183: {  	[sflag:s11] =	ssyncset.done $0x0  }
0x184: {  	[sflag:s11] =	ssyncadd.s32 $0xFFFFFF80  }
0x185: {  	_ =	swait.ge [sflag:s11], $0x80  }
0x186: {  	[sflag:s11] =	ssyncset.done $0x0  }
0x187: {  	[sflag:s11] =	ssyncadd.s32 $0xFFFFFF80  }
0x188: {  	_ =	swait.ge [sflag:s11], $0x80  }
0x189: {  	[sflag:s11] =	ssyncset.done $0x0  }
0x18a: {  	[sflag:s11] =	ssyncadd.s32 $0xFFFFFF80  }
0x18b: {  	_ =	swait.ge [sflag:s11], $0x80  }
0x18c: {  	[sflag:s11] =	ssyncset.done $0x0  }
0x18d: {  	[sflag:s11] =	ssyncadd.s32 $0xFFFFFF80  }
0x18e: {  	_ =	swait.ge [sflag:s11], $0x80  }
0x18f: {  	[sflag:s11] =	ssyncset.done $0x0  }
0x190: {  	[sflag:s11] =	ssyncadd.s32 $0xFFFFFF80  }
0x191: {  	_ =	swait.ge [sflag:s11], $0x80  }
0x192: {  	[sflag:s11] =	ssyncset.done $0x0  }
0x193: {  	[sflag:s11] =	ssyncadd.s32 $0xFFFFFF80  }
0x194: {  	_ =	swait.ge [sflag:s11], $0x80  }
0x195: {  	[sflag:s11] =	ssyncset.done $0x0  }
0x196: {  	[sflag:s11] =	ssyncadd.s32 $0xFFFFFF80  }
0x197: {  	_ =	swait.ge [sflag:s11], $0x80  }
0x198: {  	[sflag:s11] =	ssyncset.done $0x0  }
0x199: {  	[sflag:s11] =	ssyncadd.s32 $0xFFFFFF80  }
0x19a: {  	_ =	swait.ge [sflag:s11], $0x80  }
0x19b: {  	[sflag:s11] =	ssyncset.done $0x0  }
0x19c: {  	[sflag:s11] =	ssyncadd.s32 $0xFFFFFF80  }
0x19d: {  	_ =	swait.ge [sflag:s11], $0x80  }
0x19e: {  	[sflag:s11] =	ssyncset.done $0x0  }
0x19f: {  	[sflag:s11] =	ssyncadd.s32 $0xFFFFFF80  }
0x1a0: {  	_ =	swait.ge [sflag:s11], $0x80  }
0x1a1: {  	[sflag:s11] =	ssyncset.done $0x0  }
0x1a2: {  	[sflag:s11] =	ssyncadd.s32 $0xFFFFFF80  }
0x1a3: {  	_ =	swait.ge [sflag:s11], $0x80  }
0x1a4: {  	[sflag:s11] =	ssyncset.done $0x0  }
0x1a5: {  	[sflag:s11] =	ssyncadd.s32 $0xFFFFFF80  }
0x1a6: {  	_ =	swait.ge [sflag:s11], $0x80  }
0x1a7: {  	[sflag:s11] =	ssyncset.done $0x0  }
0x1a8: {  	[sflag:s11] =	ssyncadd.s32 $0xFFFFFF80  }
0x1a9: {  	_ =	swait.ge [sflag:s11], $0x80  }
0x1aa: {  	[sflag:s11] =	ssyncset.done $0x0  }
0x1ab: {  	[sflag:s11] =	ssyncadd.s32 $0xFFFFFF80  }
0x1ac: {  	_ =	swait.ge [sflag:s11], $0x80  }
0x1ad: {  	[sflag:s11] =	ssyncset.done $0x0  }
0x1ae: {  	[sflag:s11] =	ssyncadd.s32 $0xFFFFFF80  }
0x1af: {  	_ =	swait.ge [sflag:s11], $0x80  }
0x1b0: {  	[sflag:s11] =	ssyncset.done $0x0  }
0x1b1: {  	s2 =	simm.s32 $0x0;
	s25 =	rddreg [dreg:$0xb];
	[sflag:s11] =	ssyncadd.s32 $0xFFFFFF80  }
0x1b2: {  	[hbm4b:s25+s2] =	stream.linear.scatter [tilespmem:s8], [sflag:$0x3], $0x300, $0x38;
	[tilespmem:$0x3310] =	vst v63  }
0x1b3: {  	_ =	swait.ge [sflag:s3], $0x300  }
0x1b4: {  	[sflag:s3] =	ssyncset.done $0x0  }
0x1b5: {  	s26 =	rddreg [dreg:$0xc];
	[sflag:s3] =	ssyncadd.s32 $0xFFFFFD00  }
0x1b6: {  	[hbm4b:s26+s2] =	stream.linear.scatter [tilespmem:s9], [sflag:$0x3], $0x300, $0x38;
	[tilespmem:$0x3310] =	vst v63  }
0x1b7: {  	_ =	swait.ge [sflag:s3], $0x300  }
0x1b8: {  	[sflag:s3] =	ssyncset.done $0x0  }
0x1b9: {  	s28 =	rddreg [dreg:$0xd];
	[sflag:s3] =	ssyncadd.s32 $0xFFFFFD00  }
0x1ba: {  	[hbm4b:s28+s2] =	stream.linear.scatter [tilespmem:s7], [sflag:$0x3], $0x300, $0x38;
	[tilespmem:$0x3310] =	vst v63  }
0x1bb: {  	_ =	swait.ge [sflag:s3], $0x300  }
0x1bc: {  	[sflag:s3] =	ssyncset.done $0x0  }
0x1bd: {  	s29 =	rddreg [dreg:$0xe];
	[sflag:s3] =	ssyncadd.s32 $0xFFFFFD00  }
0x1be: {  	[hbm4b:s29+s2] =	stream.linear.scatter [tilespmem:s5], [sflag:$0x3], $0x300, $0x38;
	[tilespmem:$0x3310] =	vst v63  }
0x1bf: {  	_ =	swait.ge [sflag:s3], $0x300  }
0x1c0: {  	s31 =	sld [smem:$0x7F4];
	_ =	sdelay $0x2  }
0x1c1: {  	p1 =	sne.s32 s31, $0x1  }
.Ltmp1:
0x1c2: {  	[sflag:s3] =	ssyncset.done $0x0;
	(pc) =	sbr.rel @!p1 .LBB2_6-.Ltmp1, $4  }
0x1c3: {  	s30 =	rddreg [dreg:$0xf];
	[sflag:s3] =	ssyncadd.s32 $0xFFFFFD00  }
0x1c4: {  	[hbm4b:s30+s2] =	stream.linear.scatter [tilespmem:s4], [sflag:$0x3], $0x300, $0x38;
	[tilespmem:$0x3310] =	vst v63  }
0x1c5: {  	p0 =	por $0x1, $0x1;
	s22 =	simm.s32 $0x2410;
	_ =	swait.ge [sflag:s3], $0x300  }
0x1c6: {  	s0 =	sadd.s32 $0xFFFFFFFF, s31;
	s1 =	rddreg [dreg:$0x4];
	[sflag:s3] =	ssyncset.done $0x0  }
0x1c7: {  	s19 =	simm.s32 $0x608  }
0x1c8: {  	s28 =	simm.s32 $0x1188;
	s30 =	simm.s32 $0x1208;
	s24 =	simm.s32 $0x1308  }
0x1c9: {  	s31 =	simm.s32 $0x1388;
	s29 =	simm.s32 $0x988;
	s26 =	simm.s32 $0xA08  }
0x1ca: {  	s18 =	simm.s32 $0x1588;
	s20 =	simm.s32 $0x1608;
	s25 =	simm.s32 $0x1688  }
.LBB2_3:
0x1cb: {  	[sflag:s3] =	ssyncadd.s32 $0xFFFFFD00;
	s4 =	simm.s32 $0x1B08  }
0x1cc: {  	[tilespmem:s4], [sflag:$0x3] =	stream.linear.gather [hbm4b:s1+s2], $0x608, $0x38;
	[tilespmem:$0x3310] =	vst v63  }
0x1cd: {  	_ =	swait.ge [sflag:s3], $0x608  }
0x1ce: {  	[sflag:s3] =	ssyncset.done $0x0  }
0x1cf: {  	s12 =	rddreg [dreg:$0x5];
	[sflag:s3] =	ssyncadd.s32 $0xFFFFF9F8  }
0x1d0: {  	[spmem:s12] =	stream.linear.scatter [tilespmem:s4], [sflag:$0x3], $0x608, $0x38;
	[tilespmem:$0x3310] =	vst v63  }
0x1d1: {  	_ =	swait.ge [sflag:s3], $0x608  }
0x1d2: {  	[sflag:s3] =	ssyncset.done $0x0  }
0x1d3: {  	s13 =	rddreg [dreg:$0x6];
	[sflag:s3] =	ssyncadd.s32 $0xFFFFF9F8  }
0x1d4: {  	[tilespmem:s19], [sflag:$0x3] =	stream.linear.gather [hbm4b:s13+s2], $0xA80, $0x38;
	[tilespmem:$0x3310] =	vst v63  }
0x1d5: {  	_ =	swait.ge [sflag:s3], $0xA80  }
0x1d6: {  	[sflag:s3] =	ssyncset.done $0x0  }
0x1d7: {  	s6 =	simm.s32 $0x1088;
	s15 =	rddreg [dreg:$0x7];
	[sflag:s3] =	ssyncadd.s32 $0xFFFFF580  }
0x1d8: {  	[tilespmem:s6], [sflag:$0x3] =	stream.linear.gather [hbm4b:s15+s2], $0xA80, $0x38;
	[tilespmem:$0x3310] =	vst v63  }
0x1d9: {  	_ =	swait.ge [sflag:s3], $0xA80  }
0x1da: {  	[sflag:s3] =	ssyncset.done $0x0  }
0x1db: {  	[sflag:s3] =	ssyncadd.s32 $0xFFFFF580  }
0x1dc: {  	[spmem:s16] =	stream.indirect.scatter [tilespmem:s6], [sflag:$0x1], $0x1, s19, s14, $0xb8;
	[tilespmem:$0x3310] =	vst v63  }
0x1dd: {  	s17 =	simm.s32 $0x688;
	s5 =	simm.s32 $0x1108  }
0x1de: {  	[spmem:s16] =	stream.indirect.scatter [tilespmem:s5], [sflag:$0x1], $0x1, s17, s14, $0xb8;
	[tilespmem:$0x3310] =	vst v63  }
0x1df: {  	s21 =	simm.s32 $0x708  }
0x1e0: {  	[spmem:s16] =	stream.indirect.scatter [tilespmem:s28], [sflag:$0x1], $0x1, s21, s14, $0xb8;
	[tilespmem:$0x3310] =	vst v63  }
0x1e1: {  	s2 =	simm.s32 $0x788  }
0x1e2: {  	[spmem:s16] =	stream.indirect.scatter [tilespmem:s30], [sflag:$0x1], $0x1, s2, s14, $0xb8;
	[tilespmem:$0x3310] =	vst v63  }
0x1e3: {  	s9 =	simm.s32 $0x1288;
	s4 =	simm.s32 $0x808  }
0x1e4: {  	[spmem:s16] =	stream.indirect.scatter [tilespmem:s9], [sflag:$0x1], $0x1, s4, s14, $0xb8;
	[tilespmem:$0x3310] =	vst v63  }
0x1e5: {  	s7 =	simm.s32 $0x888  }
0x1e6: {  	[spmem:s16] =	stream.indirect.scatter [tilespmem:s24], [sflag:$0x1], $0x1, s7, s14, $0xb8;
	[tilespmem:$0x3310] =	vst v63  }
0x1e7: {  	s8 =	simm.s32 $0x908  }
0x1e8: {  	[spmem:s16] =	stream.indirect.scatter [tilespmem:s31], [sflag:$0x1], $0x1, s8, s14, $0xb8;
	[tilespmem:$0x3310] =	vst v63  }
0x1e9: {  	s10 =	simm.s32 $0x1408  }
0x1ea: {  	[spmem:s16] =	stream.indirect.scatter [tilespmem:s10], [sflag:$0x1], $0x1, s29, s14, $0xb8;
	[tilespmem:$0x3310] =	vst v63  }
0x1eb: {  	s12 =	simm.s32 $0x1488  }
0x1ec: {  	[spmem:s16] =	stream.indirect.scatter [tilespmem:s12], [sflag:$0x1], $0x1, s26, s14, $0xb8;
	[tilespmem:$0x3310] =	vst v63  }
0x1ed: {  	s13 =	simm.s32 $0x1508;
	s21 =	simm.s32 $0xA88  }
0x1ee: {  	[spmem:s16] =	stream.indirect.scatter [tilespmem:s13], [sflag:$0x1], $0x1, s21, s14, $0xb8;
	[tilespmem:$0x3310] =	vst v63  }
0x1ef: {  	s15 =	simm.s32 $0xB08  }
0x1f0: {  	[spmem:s16] =	stream.indirect.scatter [tilespmem:s18], [sflag:$0x1], $0x1, s15, s14, $0xb8;
	[tilespmem:$0x3310] =	vst v63  }
0x1f1: {  	s17 =	simm.s32 $0xB88  }
0x1f2: {  	[spmem:s16] =	stream.indirect.scatter [tilespmem:s20], [sflag:$0x1], $0x1, s17, s14, $0xb8;
	[tilespmem:$0x3310] =	vst v63  }
0x1f3: {  	s2 =	simm.s32 $0xC08  }
0x1f4: {  	[spmem:s16] =	stream.indirect.scatter [tilespmem:s25], [sflag:$0x1], $0x1, s2, s14, $0xb8;
	[tilespmem:$0x3310] =	vst v63  }
0x1f5: {  	s4 =	simm.s32 $0xC88;
	s2 =	simm.s32 $0x1708  }
0x1f6: {  	[spmem:s16] =	stream.indirect.scatter [tilespmem:s2], [sflag:$0x1], $0x1, s4, s14, $0xb8;
	[tilespmem:$0x3310] =	vst v63  }
0x1f7: {  	s7 =	simm.s32 $0xD08;
	s4 =	simm.s32 $0x1788  }
0x1f8: {  	[spmem:s16] =	stream.indirect.scatter [tilespmem:s4], [sflag:$0x1], $0x1, s7, s14, $0xb8;
	[tilespmem:$0x3310] =	vst v63  }
0x1f9: {  	s10 =	simm.s32 $0xD88;
	s7 =	simm.s32 $0x1808  }
0x1fa: {  	[spmem:s16] =	stream.indirect.scatter [tilespmem:s7], [sflag:$0x1], $0x1, s10, s14, $0xb8;
	[tilespmem:$0x3310] =	vst v63  }
0x1fb: {  	s12 =	simm.s32 $0xE08;
	s10 =	simm.s32 $0x1888  }
0x1fc: {  	[spmem:s16] =	stream.indirect.scatter [tilespmem:s10], [sflag:$0x1], $0x1, s12, s14, $0xb8;
	[tilespmem:$0x3310] =	vst v63  }
0x1fd: {  	s13 =	simm.s32 $0xE88;
	s12 =	simm.s32 $0x1908  }
0x1fe: {  	[spmem:s16] =	stream.indirect.scatter [tilespmem:s12], [sflag:$0x1], $0x1, s13, s14, $0xb8;
	[tilespmem:$0x3310] =	vst v63  }
0x1ff: {  	s15 =	simm.s32 $0xF08;
	s13 =	simm.s32 $0x1988  }
0x200: {  	[spmem:s16] =	stream.indirect.scatter [tilespmem:s13], [sflag:$0x1], $0x1, s15, s14, $0xb8;
	[tilespmem:$0x3310] =	vst v63  }
0x201: {  	s17 =	simm.s32 $0xF88;
	s15 =	simm.s32 $0x1A08  }
0x202: {  	[spmem:s16] =	stream.indirect.scatter [tilespmem:s15], [sflag:$0x1], $0x1, s17, s14, $0xb8;
	[tilespmem:$0x3310] =	vst v63  }
0x203: {  	s1 =	simm.s32 $0x1008;
	s17 =	simm.s32 $0x1A88  }
0x204: {  	[spmem:s16] =	stream.indirect.scatter [tilespmem:s17], [sflag:$0x1], $0x1, s1, s14, $0xb8;
	[tilespmem:$0x3310] =	vst v63  }
0x205: {  	_ =	swait.ge [sflag:s23], $0x80  }
0x206: {  	[sflag:s23] =	ssyncset.done $0x0  }
0x207: {  	[sflag:s23] =	ssyncadd.s32 $0xFFFFFF80  }
0x208: {  	_ =	swait.ge [sflag:s23], $0x80  }
0x209: {  	[sflag:s23] =	ssyncset.done $0x0  }
0x20a: {  	[sflag:s23] =	ssyncadd.s32 $0xFFFFFF80  }
0x20b: {  	_ =	swait.ge [sflag:s23], $0x80  }
0x20c: {  	[sflag:s23] =	ssyncset.done $0x0  }
0x20d: {  	[sflag:s23] =	ssyncadd.s32 $0xFFFFFF80  }
0x20e: {  	_ =	swait.ge [sflag:s23], $0x80  }
0x20f: {  	[sflag:s23] =	ssyncset.done $0x0  }
0x210: {  	[sflag:s23] =	ssyncadd.s32 $0xFFFFFF80  }
0x211: {  	_ =	swait.ge [sflag:s23], $0x80  }
0x212: {  	[sflag:s23] =	ssyncset.done $0x0  }
0x213: {  	[sflag:s23] =	ssyncadd.s32 $0xFFFFFF80  }
0x214: {  	_ =	swait.ge [sflag:s23], $0x80  }
0x215: {  	[sflag:s23] =	ssyncset.done $0x0  }
0x216: {  	[sflag:s23] =	ssyncadd.s32 $0xFFFFFF80  }
0x217: {  	_ =	swait.ge [sflag:s23], $0x80  }
0x218: {  	[sflag:s23] =	ssyncset.done $0x0  }
0x219: {  	[sflag:s23] =	ssyncadd.s32 $0xFFFFFF80  }
0x21a: {  	_ =	swait.ge [sflag:s23], $0x80  }
0x21b: {  	[sflag:s23] =	ssyncset.done $0x0  }
0x21c: {  	[sflag:s23] =	ssyncadd.s32 $0xFFFFFF80  }
0x21d: {  	_ =	swait.ge [sflag:s23], $0x80  }
0x21e: {  	[sflag:s23] =	ssyncset.done $0x0  }
0x21f: {  	[sflag:s23] =	ssyncadd.s32 $0xFFFFFF80  }
0x220: {  	_ =	swait.ge [sflag:s23], $0x80  }
0x221: {  	[sflag:s23] =	ssyncset.done $0x0  }
0x222: {  	[sflag:s23] =	ssyncadd.s32 $0xFFFFFF80  }
0x223: {  	_ =	swait.ge [sflag:s23], $0x80  }
0x224: {  	[sflag:s23] =	ssyncset.done $0x0  }
0x225: {  	[sflag:s23] =	ssyncadd.s32 $0xFFFFFF80  }
0x226: {  	_ =	swait.ge [sflag:s23], $0x80  }
0x227: {  	[sflag:s23] =	ssyncset.done $0x0  }
0x228: {  	[sflag:s23] =	ssyncadd.s32 $0xFFFFFF80  }
0x229: {  	_ =	swait.ge [sflag:s23], $0x80  }
0x22a: {  	[sflag:s23] =	ssyncset.done $0x0  }
0x22b: {  	[sflag:s23] =	ssyncadd.s32 $0xFFFFFF80  }
0x22c: {  	_ =	swait.ge [sflag:s23], $0x80  }
0x22d: {  	[sflag:s23] =	ssyncset.done $0x0  }
0x22e: {  	[sflag:s23] =	ssyncadd.s32 $0xFFFFFF80  }
0x22f: {  	_ =	swait.ge [sflag:s23], $0x80  }
0x230: {  	[sflag:s23] =	ssyncset.done $0x0  }
0x231: {  	[sflag:s23] =	ssyncadd.s32 $0xFFFFFF80  }
0x232: {  	_ =	swait.ge [sflag:s23], $0x80  }
0x233: {  	[sflag:s23] =	ssyncset.done $0x0  }
0x234: {  	[sflag:s23] =	ssyncadd.s32 $0xFFFFFF80  }
0x235: {  	_ =	swait.ge [sflag:s23], $0x80  }
0x236: {  	[sflag:s23] =	ssyncset.done $0x0  }
0x237: {  	[sflag:s23] =	ssyncadd.s32 $0xFFFFFF80  }
0x238: {  	_ =	swait.ge [sflag:s23], $0x80  }
0x239: {  	[sflag:s23] =	ssyncset.done $0x0  }
0x23a: {  	[sflag:s23] =	ssyncadd.s32 $0xFFFFFF80  }
0x23b: {  	_ =	swait.ge [sflag:s23], $0x80  }
0x23c: {  	[sflag:s23] =	ssyncset.done $0x0  }
0x23d: {  	[sflag:s23] =	ssyncadd.s32 $0xFFFFFF80  }
0x23e: {  	_ =	swait.ge [sflag:s23], $0x80  }
0x23f: {  	[sflag:s23] =	ssyncset.done $0x0  }
0x240: {  	[sflag:s23] =	ssyncadd.s32 $0xFFFFFF80  }
0x241: {  	_ =	swait.ge [sflag:s23], $0x80  }
0x242: {  	[sflag:s23] =	ssyncset.done $0x0  }
0x243: {  	s8 =	simm.s32 $0x0;
	s1 =	rddreg [dreg:$0x8];
	[sflag:s23] =	ssyncadd.s32 $0xFFFFFF80  }
0x244: {  	[tilespmem:s19], [sflag:$0x3] =	stream.linear.gather [hbm4b:s1+s8], $0xA80, $0x38;
	[tilespmem:$0x3310] =	vst v63  }
0x245: {  	_ =	swait.ge [sflag:s3], $0xA80  }
0x246: {  	[sflag:s3] =	ssyncset.done $0x0  }
0x247: {  	s1 =	rddreg [dreg:$0x9];
	[sflag:s3] =	ssyncadd.s32 $0xFFFFF580  }
0x248: {  	[tilespmem:s6], [sflag:$0x3] =	stream.linear.gather [hbm4b:s1+s8], $0xA80, $0x38;
	[tilespmem:$0x3310] =	vst v63  }
0x249: {  	_ =	swait.ge [sflag:s3], $0xA80  }
0x24a: {  	[sflag:s3] =	ssyncset.done $0x0  }
0x24b: {  	[sflag:s3] =	ssyncadd.s32 $0xFFFFF580  }
0x24c: {  	[spmem:s16] =	stream.indirect.scatter [tilespmem:s6], [sflag:$0x1], $0x1, s19, s14, $0xb8;
	[tilespmem:$0x3310] =	vst v63  }
0x24d: {  	s8 =	simm.s32 $0x688  }
0x24e: {  	[spmem:s16] =	stream.indirect.scatter [tilespmem:s5], [sflag:$0x1], $0x1, s8, s14, $0xb8;
	[tilespmem:$0x3310] =	vst v63  }
0x24f: {  	s5 =	simm.s32 $0x708  }
0x250: {  	[spmem:s16] =	stream.indirect.scatter [tilespmem:s28], [sflag:$0x1], $0x1, s5, s14, $0xb8;
	[tilespmem:$0x3310] =	vst v63  }
0x251: {  	s6 =	simm.s32 $0x788  }
0x252: {  	[spmem:s16] =	stream.indirect.scatter [tilespmem:s30], [sflag:$0x1], $0x1, s6, s14, $0xb8;
	[tilespmem:$0x3310] =	vst v63  }
0x253: {  	s8 =	simm.s32 $0x808  }
0x254: {  	[spmem:s16] =	stream.indirect.scatter [tilespmem:s9], [sflag:$0x1], $0x1, s8, s14, $0xb8;
	[tilespmem:$0x3310] =	vst v63  }
0x255: {  	s9 =	simm.s32 $0x888  }
0x256: {  	[spmem:s16] =	stream.indirect.scatter [tilespmem:s24], [sflag:$0x1], $0x1, s9, s14, $0xb8;
	[tilespmem:$0x3310] =	vst v63  }
0x257: {  	s5 =	simm.s32 $0x908  }
0x258: {  	[spmem:s16] =	stream.indirect.scatter [tilespmem:s31], [sflag:$0x1], $0x1, s5, s14, $0xb8;
	[tilespmem:$0x3310] =	vst v63  }
0x259: {  	s6 =	simm.s32 $0x1408  }
0x25a: {  	[spmem:s16] =	stream.indirect.scatter [tilespmem:s6], [sflag:$0x1], $0x1, s29, s14, $0xb8;
	[tilespmem:$0x3310] =	vst v63  }
0x25b: {  	s8 =	simm.s32 $0x1488  }
0x25c: {  	[spmem:s16] =	stream.indirect.scatter [tilespmem:s8], [sflag:$0x1], $0x1, s26, s14, $0xb8;
	[tilespmem:$0x3310] =	vst v63  }
0x25d: {  	s9 =	simm.s32 $0x1508  }
0x25e: {  	[spmem:s16] =	stream.indirect.scatter [tilespmem:s9], [sflag:$0x1], $0x1, s21, s14, $0xb8;
	[tilespmem:$0x3310] =	vst v63  }
0x25f: {  	s5 =	simm.s32 $0xB08  }
0x260: {  	[spmem:s16] =	stream.indirect.scatter [tilespmem:s18], [sflag:$0x1], $0x1, s5, s14, $0xb8;
	[tilespmem:$0x3310] =	vst v63  }
0x261: {  	s6 =	simm.s32 $0xB88  }
0x262: {  	[spmem:s16] =	stream.indirect.scatter [tilespmem:s20], [sflag:$0x1], $0x1, s6, s14, $0xb8;
	[tilespmem:$0x3310] =	vst v63  }
0x263: {  	s8 =	simm.s32 $0xC08  }
0x264: {  	[spmem:s16] =	stream.indirect.scatter [tilespmem:s25], [sflag:$0x1], $0x1, s8, s14, $0xb8;
	[tilespmem:$0x3310] =	vst v63  }
0x265: {  	s9 =	simm.s32 $0xC88  }
0x266: {  	[spmem:s16] =	stream.indirect.scatter [tilespmem:s2], [sflag:$0x1], $0x1, s9, s14, $0xb8;
	[tilespmem:$0x3310] =	vst v63  }
0x267: {  	s5 =	simm.s32 $0xD08  }
0x268: {  	[spmem:s16] =	stream.indirect.scatter [tilespmem:s4], [sflag:$0x1], $0x1, s5, s14, $0xb8;
	[tilespmem:$0x3310] =	vst v63  }
0x269: {  	s6 =	simm.s32 $0xD88  }
0x26a: {  	[spmem:s16] =	stream.indirect.scatter [tilespmem:s7], [sflag:$0x1], $0x1, s6, s14, $0xb8;
	[tilespmem:$0x3310] =	vst v63  }
0x26b: {  	s8 =	simm.s32 $0xE08  }
0x26c: {  	[spmem:s16] =	stream.indirect.scatter [tilespmem:s10], [sflag:$0x1], $0x1, s8, s14, $0xb8;
	[tilespmem:$0x3310] =	vst v63  }
0x26d: {  	s9 =	simm.s32 $0xE88  }
0x26e: {  	[spmem:s16] =	stream.indirect.scatter [tilespmem:s12], [sflag:$0x1], $0x1, s9, s14, $0xb8;
	[tilespmem:$0x3310] =	vst v63  }
0x26f: {  	s10 =	simm.s32 $0xF08  }
0x270: {  	[spmem:s16] =	stream.indirect.scatter [tilespmem:s13], [sflag:$0x1], $0x1, s10, s14, $0xb8;
	[tilespmem:$0x3310] =	vst v63  }
0x271: {  	s12 =	simm.s32 $0xF88  }
0x272: {  	[spmem:s16] =	stream.indirect.scatter [tilespmem:s15], [sflag:$0x1], $0x1, s12, s14, $0xb8;
	[tilespmem:$0x3310] =	vst v63  }
0x273: {  	s13 =	simm.s32 $0x1008  }
0x274: {  	[spmem:s16] =	stream.indirect.scatter [tilespmem:s17], [sflag:$0x1], $0x1, s13, s14, $0xb8;
	[tilespmem:$0x3310] =	vst v63  }
0x275: {  	_ =	swait.ge [sflag:s23], $0x80  }
0x276: {  	[sflag:s23] =	ssyncset.done $0x0  }
0x277: {  	[sflag:s23] =	ssyncadd.s32 $0xFFFFFF80  }
0x278: {  	_ =	swait.ge [sflag:s23], $0x80  }
0x279: {  	[sflag:s23] =	ssyncset.done $0x0  }
0x27a: {  	[sflag:s23] =	ssyncadd.s32 $0xFFFFFF80  }
0x27b: {  	_ =	swait.ge [sflag:s23], $0x80  }
0x27c: {  	[sflag:s23] =	ssyncset.done $0x0  }
0x27d: {  	[sflag:s23] =	ssyncadd.s32 $0xFFFFFF80  }
0x27e: {  	_ =	swait.ge [sflag:s23], $0x80  }
0x27f: {  	[sflag:s23] =	ssyncset.done $0x0  }
0x280: {  	[sflag:s23] =	ssyncadd.s32 $0xFFFFFF80  }
0x281: {  	_ =	swait.ge [sflag:s23], $0x80  }
0x282: {  	[sflag:s23] =	ssyncset.done $0x0  }
0x283: {  	[sflag:s23] =	ssyncadd.s32 $0xFFFFFF80  }
0x284: {  	_ =	swait.ge [sflag:s23], $0x80  }
0x285: {  	[sflag:s23] =	ssyncset.done $0x0  }
0x286: {  	[sflag:s23] =	ssyncadd.s32 $0xFFFFFF80  }
0x287: {  	_ =	swait.ge [sflag:s23], $0x80  }
0x288: {  	[sflag:s23] =	ssyncset.done $0x0  }
0x289: {  	[sflag:s23] =	ssyncadd.s32 $0xFFFFFF80  }
0x28a: {  	_ =	swait.ge [sflag:s23], $0x80  }
0x28b: {  	[sflag:s23] =	ssyncset.done $0x0  }
0x28c: {  	[sflag:s23] =	ssyncadd.s32 $0xFFFFFF80  }
0x28d: {  	_ =	swait.ge [sflag:s23], $0x80  }
0x28e: {  	[sflag:s23] =	ssyncset.done $0x0  }
0x28f: {  	[sflag:s23] =	ssyncadd.s32 $0xFFFFFF80  }
0x290: {  	_ =	swait.ge [sflag:s23], $0x80  }
0x291: {  	[sflag:s23] =	ssyncset.done $0x0  }
0x292: {  	[sflag:s23] =	ssyncadd.s32 $0xFFFFFF80  }
0x293: {  	_ =	swait.ge [sflag:s23], $0x80  }
0x294: {  	[sflag:s23] =	ssyncset.done $0x0  }
0x295: {  	[sflag:s23] =	ssyncadd.s32 $0xFFFFFF80  }
0x296: {  	_ =	swait.ge [sflag:s23], $0x80  }
0x297: {  	[sflag:s23] =	ssyncset.done $0x0  }
0x298: {  	[sflag:s23] =	ssyncadd.s32 $0xFFFFFF80  }
0x299: {  	_ =	swait.ge [sflag:s23], $0x80  }
0x29a: {  	[sflag:s23] =	ssyncset.done $0x0  }
0x29b: {  	[sflag:s23] =	ssyncadd.s32 $0xFFFFFF80  }
0x29c: {  	_ =	swait.ge [sflag:s23], $0x80  }
0x29d: {  	[sflag:s23] =	ssyncset.done $0x0  }
0x29e: {  	[sflag:s23] =	ssyncadd.s32 $0xFFFFFF80  }
0x29f: {  	_ =	swait.ge [sflag:s23], $0x80  }
0x2a0: {  	[sflag:s23] =	ssyncset.done $0x0  }
0x2a1: {  	[sflag:s23] =	ssyncadd.s32 $0xFFFFFF80  }
0x2a2: {  	_ =	swait.ge [sflag:s23], $0x80  }
0x2a3: {  	[sflag:s23] =	ssyncset.done $0x0  }
0x2a4: {  	[sflag:s23] =	ssyncadd.s32 $0xFFFFFF80  }
0x2a5: {  	_ =	swait.ge [sflag:s23], $0x80  }
0x2a6: {  	[sflag:s23] =	ssyncset.done $0x0  }
0x2a7: {  	[sflag:s23] =	ssyncadd.s32 $0xFFFFFF80  }
0x2a8: {  	_ =	swait.ge [sflag:s23], $0x80  }
0x2a9: {  	[sflag:s23] =	ssyncset.done $0x0  }
0x2aa: {  	[sflag:s23] =	ssyncadd.s32 $0xFFFFFF80  }
0x2ab: {  	_ =	swait.ge [sflag:s23], $0x80  }
0x2ac: {  	[sflag:s23] =	ssyncset.done $0x0  }
0x2ad: {  	[sflag:s23] =	ssyncadd.s32 $0xFFFFFF80  }
0x2ae: {  	_ =	swait.ge [sflag:s23], $0x80  }
0x2af: {  	[sflag:s23] =	ssyncset.done $0x0  }
0x2b0: {  	[sflag:s23] =	ssyncadd.s32 $0xFFFFFF80  }
0x2b1: {  	_ =	swait.ge [sflag:s23], $0x80  }
0x2b2: {  	[sflag:s23] =	ssyncset.done $0x0  }
0x2b3: {  	[sflag:s23] =	ssyncadd.s32 $0xFFFFFF80  }
0x2b4: {  	[bflag:$0x0] =	sbarrier.arrive $0xFFFF  }
0x2b5: {  	s21 =	simm.s32 $0x2110;
	s15 =	rddreg [dreg:$0xa]  }
0x2b6: {  	[tilespmem:s21], [sflag:$0x3] =	stream.linear.gather [spmem:s15], $0x300, $0x38;
	[tilespmem:$0x3310] =	vst v63  }
0x2b7: {  	_ =	swait.ge [sflag:s3], $0x300  }
0x2b8: {  	s9 =	sld [smem:$0x7EF]  }
0x2b9: {  	[sflag:s3] =	ssyncset.done $0x0  }
0x2ba: {  	[sflag:s3] =	ssyncadd.s32 $0xFFFFFD00  }
0x2bb: {  	[tilespmem:s22], [sflag:$0x2] =	stream.indirect.gather [hbm4b:s9+s14], $0x1, s21, s14, $0xb8;
	[tilespmem:$0x3310] =	vst v63  }
0x2bc: {  	s15 =	simm.s32 $0x2190;
	s17 =	rddreg [dreg:$0x10]  }
0x2bd: {  	[tilespmem:s17], [sflag:$0x2] =	stream.indirect.gather [hbm4b:s9+s14], $0x1, s15, s14, $0xb8;
	[tilespmem:$0x3310] =	vst v63  }
0x2be: {  	s13 =	simm.s32 $0x2210;
	s22 =	rddreg [dreg:$0x11]  }
0x2bf: {  	[tilespmem:s22], [sflag:$0x2] =	stream.indirect.gather [hbm4b:s9+s14], $0x1, s13, s14, $0xb8;
	[tilespmem:$0x3310] =	vst v63  }
0x2c0: {  	s12 =	simm.s32 $0x2290;
	s6 =	rddreg [dreg:$0x12]  }
0x2c1: {  	[tilespmem:s6], [sflag:$0x2] =	stream.indirect.gather [hbm4b:s9+s14], $0x1, s12, s14, $0xb8;
	[tilespmem:$0x3310] =	vst v63  }
0x2c2: {  	s10 =	rddreg [dreg:$0x13];
	s6 =	simm.s32 $0x2310  }
0x2c3: {  	[tilespmem:s10], [sflag:$0x2] =	stream.indirect.gather [hbm4b:s9+s14], $0x1, s6, s14, $0xb8;
	[tilespmem:$0x3310] =	vst v63  }
0x2c4: {  	s17 =	rddreg [dreg:$0x14];
	s10 =	simm.s32 $0x2390  }
0x2c5: {  	[tilespmem:s17], [sflag:$0x2] =	stream.indirect.gather [hbm4b:s9+s14], $0x1, s10, s14, $0xb8;
	[tilespmem:$0x3310] =	vst v63  }
0x2c6: {  	s17 =	sld [smem:$0x7F0];
	_ =	sdelay $0x1  }
0x2c7: {  	s9 =	simm.s32 $0x2710  }
0x2c8: {  	[tilespmem:s9], [sflag:$0x2] =	stream.indirect.gather [hbm4b:s17+s14], $0x1, s21, s14, $0xb8;
	[tilespmem:$0x3310] =	vst v63  }
0x2c9: {  	s22 =	rddreg [dreg:$0x15]  }
0x2ca: {  	[tilespmem:s22], [sflag:$0x2] =	stream.indirect.gather [hbm4b:s17+s14], $0x1, s15, s14, $0xb8;
	[tilespmem:$0x3310] =	vst v63  }
0x2cb: {  	s4 =	rddreg [dreg:$0x16]  }
0x2cc: {  	[tilespmem:s4], [sflag:$0x2] =	stream.indirect.gather [hbm4b:s17+s14], $0x1, s13, s14, $0xb8;
	[tilespmem:$0x3310] =	vst v63  }
0x2cd: {  	s22 =	rddreg [dreg:$0x17]  }
0x2ce: {  	[tilespmem:s22], [sflag:$0x2] =	stream.indirect.gather [hbm4b:s17+s14], $0x1, s12, s14, $0xb8;
	[tilespmem:$0x3310] =	vst v63  }
0x2cf: {  	s4 =	rddreg [dreg:$0x18]  }
0x2d0: {  	[tilespmem:s4], [sflag:$0x2] =	stream.indirect.gather [hbm4b:s17+s14], $0x1, s6, s14, $0xb8;
	[tilespmem:$0x3310] =	vst v63  }
0x2d1: {  	s22 =	rddreg [dreg:$0x19]  }
0x2d2: {  	[tilespmem:s22], [sflag:$0x2] =	stream.indirect.gather [hbm4b:s17+s14], $0x1, s10, s14, $0xb8;
	[tilespmem:$0x3310] =	vst v63  }
0x2d3: {  	s17 =	sld [smem:$0x7F1];
	_ =	sdelay $0x1  }
0x2d4: {  	s8 =	simm.s32 $0x2A10  }
0x2d5: {  	[tilespmem:s8], [sflag:$0x2] =	stream.indirect.gather [hbm4b:s17+s14], $0x1, s21, s14, $0xb8;
	[tilespmem:$0x3310] =	vst v63  }
0x2d6: {  	s22 =	rddreg [dreg:$0x1a]  }
0x2d7: {  	[tilespmem:s22], [sflag:$0x2] =	stream.indirect.gather [hbm4b:s17+s14], $0x1, s15, s14, $0xb8;
	[tilespmem:$0x3310] =	vst v63  }
0x2d8: {  	s4 =	rddreg [dreg:$0x1b]  }
0x2d9: {  	[tilespmem:s4], [sflag:$0x2] =	stream.indirect.gather [hbm4b:s17+s14], $0x1, s13, s14, $0xb8;
	[tilespmem:$0x3310] =	vst v63  }
0x2da: {  	s22 =	rddreg [dreg:$0x1c]  }
0x2db: {  	[tilespmem:s22], [sflag:$0x2] =	stream.indirect.gather [hbm4b:s17+s14], $0x1, s12, s14, $0xb8;
	[tilespmem:$0x3310] =	vst v63  }
0x2dc: {  	s4 =	rddreg [dreg:$0x1d]  }
0x2dd: {  	[tilespmem:s4], [sflag:$0x2] =	stream.indirect.gather [hbm4b:s17+s14], $0x1, s6, s14, $0xb8;
	[tilespmem:$0x3310] =	vst v63  }
0x2de: {  	s22 =	rddreg [dreg:$0x1e]  }
0x2df: {  	[tilespmem:s22], [sflag:$0x2] =	stream.indirect.gather [hbm4b:s17+s14], $0x1, s10, s14, $0xb8;
	[tilespmem:$0x3310] =	vst v63  }
0x2e0: {  	s17 =	sld [smem:$0x7F2];
	_ =	sdelay $0x1  }
0x2e1: {  	s7 =	simm.s32 $0x2D10;
	s4 =	sld [smem:$0x7F5]  }
0x2e2: {  	[tilespmem:s7], [sflag:$0x2] =	stream.indirect.gather [hbm4b:s17+s14], $0x1, s21, s14, $0xb8;
	[tilespmem:$0x3310] =	vst v63  }
0x2e3: {  	s22 =	rddreg [dreg:$0x1f]  }
0x2e4: {  	[tilespmem:s22], [sflag:$0x2] =	stream.indirect.gather [hbm4b:s17+s14], $0x1, s15, s14, $0xb8;
	[tilespmem:$0x3310] =	vst v63  }
0x2e5: {  	s22 =	sld [smem:$0x7F6]  }
0x2e6: {  	[tilespmem:s4], [sflag:$0x2] =	stream.indirect.gather [hbm4b:s17+s14], $0x1, s13, s14, $0xb8;
	[tilespmem:$0x3310] =	vst v63  }
0x2e7: {  	s4 =	sld [smem:$0x7F7]  }
0x2e8: {  	[tilespmem:s22], [sflag:$0x2] =	stream.indirect.gather [hbm4b:s17+s14], $0x1, s12, s14, $0xb8;
	[tilespmem:$0x3310] =	vst v63  }
0x2e9: {  	s22 =	sld [smem:$0x7F8]  }
0x2ea: {  	[tilespmem:s4], [sflag:$0x2] =	stream.indirect.gather [hbm4b:s17+s14], $0x1, s6, s14, $0xb8;
	[tilespmem:$0x3310] =	vst v63  }
0x2eb: {  	_ = 	snop  }
0x2ec: {  	[tilespmem:s22], [sflag:$0x2] =	stream.indirect.gather [hbm4b:s17+s14], $0x1, s10, s14, $0xb8;
	[tilespmem:$0x3310] =	vst v63  }
0x2ed: {  	s17 =	sld [smem:$0x7F3];
	_ =	sdelay $0x1  }
0x2ee: {  	s5 =	simm.s32 $0x3010;
	s22 =	sld [smem:$0x7F9]  }
0x2ef: {  	[tilespmem:s5], [sflag:$0x2] =	stream.indirect.gather [hbm4b:s17+s14], $0x1, s21, s14, $0xb8;
	[tilespmem:$0x3310] =	vst v63  }
0x2f0: {  	s4 =	sld [smem:$0x7FA]  }
0x2f1: {  	[tilespmem:s22], [sflag:$0x2] =	stream.indirect.gather [hbm4b:s17+s14], $0x1, s15, s14, $0xb8;
	[tilespmem:$0x3310] =	vst v63  }
0x2f2: {  	s22 =	sld [smem:$0x7FB]  }
0x2f3: {  	[tilespmem:s4], [sflag:$0x2] =	stream.indirect.gather [hbm4b:s17+s14], $0x1, s13, s14, $0xb8;
	[tilespmem:$0x3310] =	vst v63  }
0x2f4: {  	s15 =	sld [smem:$0x7FC]  }
0x2f5: {  	[tilespmem:s22], [sflag:$0x2] =	stream.indirect.gather [hbm4b:s17+s14], $0x1, s12, s14, $0xb8;
	[tilespmem:$0x3310] =	vst v63  }
0x2f6: {  	s22 =	sld [smem:$0x7FD]  }
0x2f7: {  	[tilespmem:s15], [sflag:$0x2] =	stream.indirect.gather [hbm4b:s17+s14], $0x1, s6, s14, $0xb8;
	[tilespmem:$0x3310] =	vst v63  }
0x2f8: {  	_ = 	snop  }
0x2f9: {  	[tilespmem:s22], [sflag:$0x2] =	stream.indirect.gather [hbm4b:s17+s14], $0x1, s10, s14, $0xb8;
	[tilespmem:$0x3310] =	vst v63  }
0x2fa: {  	_ =	swait.ge [sflag:s11], $0x80  }
0x2fb: {  	[sflag:s11] =	ssyncset.done $0x0  }
0x2fc: {  	[sflag:s11] =	ssyncadd.s32 $0xFFFFFF80  }
0x2fd: {  	_ =	swait.ge [sflag:s11], $0x80  }
0x2fe: {  	[sflag:s11] =	ssyncset.done $0x0  }
0x2ff: {  	[sflag:s11] =	ssyncadd.s32 $0xFFFFFF80  }
0x300: {  	_ =	swait.ge [sflag:s11], $0x80  }
0x301: {  	[sflag:s11] =	ssyncset.done $0x0  }
0x302: {  	[sflag:s11] =	ssyncadd.s32 $0xFFFFFF80  }
0x303: {  	_ =	swait.ge [sflag:s11], $0x80  }
0x304: {  	[sflag:s11] =	ssyncset.done $0x0  }
0x305: {  	[sflag:s11] =	ssyncadd.s32 $0xFFFFFF80  }
0x306: {  	_ =	swait.ge [sflag:s11], $0x80  }
0x307: {  	[sflag:s11] =	ssyncset.done $0x0  }
0x308: {  	[sflag:s11] =	ssyncadd.s32 $0xFFFFFF80  }
0x309: {  	_ =	swait.ge [sflag:s11], $0x80  }
0x30a: {  	[sflag:s11] =	ssyncset.done $0x0  }
0x30b: {  	[sflag:s11] =	ssyncadd.s32 $0xFFFFFF80  }
0x30c: {  	_ =	swait.ge [sflag:s11], $0x80  }
0x30d: {  	[sflag:s11] =	ssyncset.done $0x0  }
0x30e: {  	[sflag:s11] =	ssyncadd.s32 $0xFFFFFF80  }
0x30f: {  	_ =	swait.ge [sflag:s11], $0x80  }
0x310: {  	[sflag:s11] =	ssyncset.done $0x0  }
0x311: {  	[sflag:s11] =	ssyncadd.s32 $0xFFFFFF80  }
0x312: {  	_ =	swait.ge [sflag:s11], $0x80  }
0x313: {  	[sflag:s11] =	ssyncset.done $0x0  }
0x314: {  	[sflag:s11] =	ssyncadd.s32 $0xFFFFFF80  }
0x315: {  	_ =	swait.ge [sflag:s11], $0x80  }
0x316: {  	[sflag:s11] =	ssyncset.done $0x0  }
0x317: {  	[sflag:s11] =	ssyncadd.s32 $0xFFFFFF80  }
0x318: {  	_ =	swait.ge [sflag:s11], $0x80  }
0x319: {  	[sflag:s11] =	ssyncset.done $0x0  }
0x31a: {  	[sflag:s11] =	ssyncadd.s32 $0xFFFFFF80  }
0x31b: {  	_ =	swait.ge [sflag:s11], $0x80  }
0x31c: {  	[sflag:s11] =	ssyncset.done $0x0  }
0x31d: {  	[sflag:s11] =	ssyncadd.s32 $0xFFFFFF80  }
0x31e: {  	_ =	swait.ge [sflag:s11], $0x80  }
0x31f: {  	[sflag:s11] =	ssyncset.done $0x0  }
0x320: {  	[sflag:s11] =	ssyncadd.s32 $0xFFFFFF80  }
0x321: {  	_ =	swait.ge [sflag:s11], $0x80  }
0x322: {  	[sflag:s11] =	ssyncset.done $0x0  }
0x323: {  	[sflag:s11] =	ssyncadd.s32 $0xFFFFFF80  }
0x324: {  	_ =	swait.ge [sflag:s11], $0x80  }
0x325: {  	[sflag:s11] =	ssyncset.done $0x0  }
0x326: {  	[sflag:s11] =	ssyncadd.s32 $0xFFFFFF80  }
0x327: {  	_ =	swait.ge [sflag:s11], $0x80  }
0x328: {  	[sflag:s11] =	ssyncset.done $0x0  }
0x329: {  	[sflag:s11] =	ssyncadd.s32 $0xFFFFFF80  }
0x32a: {  	_ =	swait.ge [sflag:s11], $0x80  }
0x32b: {  	[sflag:s11] =	ssyncset.done $0x0  }
0x32c: {  	[sflag:s11] =	ssyncadd.s32 $0xFFFFFF80  }
0x32d: {  	_ =	swait.ge [sflag:s11], $0x80  }
0x32e: {  	[sflag:s11] =	ssyncset.done $0x0  }
0x32f: {  	[sflag:s11] =	ssyncadd.s32 $0xFFFFFF80  }
0x330: {  	_ =	swait.ge [sflag:s11], $0x80  }
0x331: {  	[sflag:s11] =	ssyncset.done $0x0  }
0x332: {  	[sflag:s11] =	ssyncadd.s32 $0xFFFFFF80  }
0x333: {  	_ =	swait.ge [sflag:s11], $0x80  }
0x334: {  	[sflag:s11] =	ssyncset.done $0x0  }
0x335: {  	[sflag:s11] =	ssyncadd.s32 $0xFFFFFF80  }
0x336: {  	_ =	swait.ge [sflag:s11], $0x80  }
0x337: {  	[sflag:s11] =	ssyncset.done $0x0  }
0x338: {  	[sflag:s11] =	ssyncadd.s32 $0xFFFFFF80  }
0x339: {  	_ =	swait.ge [sflag:s11], $0x80  }
0x33a: {  	[sflag:s11] =	ssyncset.done $0x0  }
0x33b: {  	[sflag:s11] =	ssyncadd.s32 $0xFFFFFF80  }
0x33c: {  	_ =	swait.ge [sflag:s11], $0x80  }
0x33d: {  	[sflag:s11] =	ssyncset.done $0x0  }
0x33e: {  	[sflag:s11] =	ssyncadd.s32 $0xFFFFFF80  }
0x33f: {  	_ =	swait.ge [sflag:s11], $0x80  }
0x340: {  	[sflag:s11] =	ssyncset.done $0x0  }
0x341: {  	[sflag:s11] =	ssyncadd.s32 $0xFFFFFF80  }
0x342: {  	_ =	swait.ge [sflag:s11], $0x80  }
0x343: {  	[sflag:s11] =	ssyncset.done $0x0  }
0x344: {  	[sflag:s11] =	ssyncadd.s32 $0xFFFFFF80  }
0x345: {  	_ =	swait.ge [sflag:s11], $0x80  }
0x346: {  	[sflag:s11] =	ssyncset.done $0x0  }
0x347: {  	[sflag:s11] =	ssyncadd.s32 $0xFFFFFF80  }
0x348: {  	_ =	swait.ge [sflag:s11], $0x80  }
0x349: {  	[sflag:s11] =	ssyncset.done $0x0  }
0x34a: {  	[sflag:s11] =	ssyncadd.s32 $0xFFFFFF80  }
0x34b: {  	_ =	swait.ge [sflag:s11], $0x80  }
0x34c: {  	[sflag:s11] =	ssyncset.done $0x0  }
0x34d: {  	[sflag:s11] =	ssyncadd.s32 $0xFFFFFF80  }
0x34e: {  	_ =	swait.ge [sflag:s11], $0x80  }
0x34f: {  	[sflag:s11] =	ssyncset.done $0x0  }
0x350: {  	[sflag:s11] =	ssyncadd.s32 $0xFFFFFF80  }
0x351: {  	_ =	swait.ge [sflag:s11], $0x80  }
0x352: {  	s2 =	simm.s32 $0x0;
	[sflag:s11] =	ssyncset.done $0x0  }
0x353: {  	s8 =	simm.s32 $0x2410;
	s10 =	rddreg [dreg:$0xb];
	[sflag:s11] =	ssyncadd.s32 $0xFFFFFF80  }
0x354: {  	[hbm4b:s10+s2] =	stream.linear.scatter [tilespmem:s8], [sflag:$0x3], $0x300, $0x38;
	[tilespmem:$0x3310] =	vst v63  }
0x355: {  	_ =	swait.ge [sflag:s3], $0x300  }
0x356: {  	[sflag:s3] =	ssyncset.done $0x0  }
0x357: {  	s12 =	rddreg [dreg:$0xc];
	[sflag:s3] =	ssyncadd.s32 $0xFFFFFD00  }
0x358: {  	[hbm4b:s12+s2] =	stream.linear.scatter [tilespmem:s9], [sflag:$0x3], $0x300, $0x38;
	[tilespmem:$0x3310] =	vst v63  }
0x359: {  	_ =	swait.ge [sflag:s3], $0x300  }
0x35a: {  	[sflag:s3] =	ssyncset.done $0x0  }
0x35b: {  	s7 =	simm.s32 $0x2A10;
	s13 =	rddreg [dreg:$0xd];
	[sflag:s3] =	ssyncadd.s32 $0xFFFFFD00  }
0x35c: {  	[hbm4b:s13+s2] =	stream.linear.scatter [tilespmem:s7], [sflag:$0x3], $0x300, $0x38;
	[tilespmem:$0x3310] =	vst v63  }
0x35d: {  	_ =	swait.ge [sflag:s3], $0x300  }
0x35e: {  	[sflag:s3] =	ssyncset.done $0x0  }
0x35f: {  	s5 =	simm.s32 $0x2D10;
	s15 =	rddreg [dreg:$0xe];
	[sflag:s3] =	ssyncadd.s32 $0xFFFFFD00  }
0x360: {  	[hbm4b:s15+s2] =	stream.linear.scatter [tilespmem:s5], [sflag:$0x3], $0x300, $0x38;
	[tilespmem:$0x3310] =	vst v63  }
0x361: {  	p1 =	sne.s32 s0, $0x1;
	_ =	swait.ge [sflag:s3], $0x300  }
.Ltmp2:
0x362: {  	[sflag:s3] =	ssyncset.done $0x0;
	(pc) =	sbr.rel @p1 .LBB2_3-.Ltmp2, $4  }
0x363: {  	s4 =	simm.s32 $0x3010;
	s17 =	rddreg [dreg:$0xf];
	[sflag:s3] =	ssyncadd.s32 $0xFFFFFD00  }
0x364: {  	[hbm4b:s17+s2] =	stream.linear.scatter [tilespmem:s4], [sflag:$0x3], $0x300, $0x38;
	[tilespmem:$0x3310] =	vst v63  }
0x365: {  	s0 =	sadd.s32 $0xFFFFFFFF, s0;
	_ =	swait.ge [sflag:s3], $0x300  }
0x366: {  	s22 =	simm.s32 $0x2410;
	s1 =	rddreg [dreg:$0x4];
	[sflag:s3] =	ssyncset.done $0x0  }
0x367: {  	s10 =	sld [smem:$0x7F3]  }
0x368: {  	s24 =	simm.s32 $0x608;
	s12 =	sld [smem:$0x7F2]  }
0x369: {  	s17 =	simm.s32 $0x1088;
	s18 =	simm.s32 $0x2310;
	s13 =	sld [smem:$0x7F1]  }
0x36a: {  	s19 =	simm.s32 $0x2390;
	s20 =	simm.s32 $0x2290;
	s15 =	sld [smem:$0x7F0]  }
0x36b: {  	s22 =	simm.s32 $0x2210;
	s25 =	simm.s32 $0x2190;
	s8 =	sld [smem:$0x7EF]  }
.LBB2_5:
0x36c: {  	[sflag:s3] =	ssyncadd.s32 @p0 $0xFFFFFD00;
	s9 =	simm.s32 $0x1B08  }
0x36d: {  	[tilespmem:s9], [sflag:$0x3] =	stream.linear.gather [hbm4b:s1+s2], $0x608, $0x38;
	[tilespmem:$0x3310] =	vst v63  }
0x36e: {  	_ =	swait.ge [sflag:s3], $0x608  }
0x36f: {  	[sflag:s3] =	ssyncset.done $0x0  }
0x370: {  	s0 =	rddreg [dreg:$0x5];
	[sflag:s3] =	ssyncadd.s32 $0xFFFFF9F8  }
0x371: {  	[spmem:s0] =	stream.linear.scatter [tilespmem:s9], [sflag:$0x3], $0x608, $0x38;
	[tilespmem:$0x3310] =	vst v63  }
0x372: {  	_ =	swait.ge [sflag:s3], $0x608  }
0x373: {  	[sflag:s3] =	ssyncset.done $0x0  }
0x374: {  	s30 =	rddreg [dreg:$0x6];
	[sflag:s3] =	ssyncadd.s32 $0xFFFFF9F8  }
0x375: {  	[tilespmem:s24], [sflag:$0x3] =	stream.linear.gather [hbm4b:s30+s2], $0xA80, $0x38;
	[tilespmem:$0x3310] =	vst v63  }
0x376: {  	_ =	swait.ge [sflag:s3], $0xA80  }
0x377: {  	[sflag:s3] =	ssyncset.done $0x0  }
0x378: {  	s31 =	rddreg [dreg:$0x7];
	[sflag:s3] =	ssyncadd.s32 $0xFFFFF580  }
0x379: {  	[tilespmem:s17], [sflag:$0x3] =	stream.linear.gather [hbm4b:s31+s2], $0xA80, $0x38;
	[tilespmem:$0x3310] =	vst v63  }
0x37a: {  	_ =	swait.ge [sflag:s3], $0xA80  }
0x37b: {  	[sflag:s3] =	ssyncset.done $0x0  }
0x37c: {  	[sflag:s3] =	ssyncadd.s32 $0xFFFFF580  }
0x37d: {  	[spmem:s16] =	stream.indirect.scatter [tilespmem:s17], [sflag:$0x1], $0x1, s24, s14, $0xb8;
	[tilespmem:$0x3310] =	vst v63  }
0x37e: {  	s6 =	simm.s32 $0x688;
	s1 =	simm.s32 $0x1108  }
0x37f: {  	[spmem:s16] =	stream.indirect.scatter [tilespmem:s1], [sflag:$0x1], $0x1, s6, s14, $0xb8;
	[tilespmem:$0x3310] =	vst v63  }
0x380: {  	s26 =	simm.s32 $0x1188;
	s9 =	simm.s32 $0x708  }
0x381: {  	[spmem:s16] =	stream.indirect.scatter [tilespmem:s26], [sflag:$0x1], $0x1, s9, s14, $0xb8;
	[tilespmem:$0x3310] =	vst v63  }
0x382: {  	s28 =	simm.s32 $0x788;
	s29 =	simm.s32 $0x1208  }
0x383: {  	[spmem:s16] =	stream.indirect.scatter [tilespmem:s29], [sflag:$0x1], $0x1, s28, s14, $0xb8;
	[tilespmem:$0x3310] =	vst v63  }
0x384: {  	s30 =	simm.s32 $0x808;
	s31 =	simm.s32 $0x1288  }
0x385: {  	[spmem:s16] =	stream.indirect.scatter [tilespmem:s31], [sflag:$0x1], $0x1, s30, s14, $0xb8;
	[tilespmem:$0x3310] =	vst v63  }
0x386: {  	s9 =	simm.s32 $0x888;
	s26 =	simm.s32 $0x1308  }
0x387: {  	[spmem:s16] =	stream.indirect.scatter [tilespmem:s26], [sflag:$0x1], $0x1, s9, s14, $0xb8;
	[tilespmem:$0x3310] =	vst v63  }
0x388: {  	s28 =	simm.s32 $0x908;
	s29 =	simm.s32 $0x1388  }
0x389: {  	[spmem:s16] =	stream.indirect.scatter [tilespmem:s29], [sflag:$0x1], $0x1, s28, s14, $0xb8;
	[tilespmem:$0x3310] =	vst v63  }
0x38a: {  	s30 =	simm.s32 $0x988;
	s31 =	simm.s32 $0x1408  }
0x38b: {  	[spmem:s16] =	stream.indirect.scatter [tilespmem:s31], [sflag:$0x1], $0x1, s30, s14, $0xb8;
	[tilespmem:$0x3310] =	vst v63  }
0x38c: {  	s9 =	simm.s32 $0xA08;
	s26 =	simm.s32 $0x1488  }
0x38d: {  	[spmem:s16] =	stream.indirect.scatter [tilespmem:s26], [sflag:$0x1], $0x1, s9, s14, $0xb8;
	[tilespmem:$0x3310] =	vst v63  }
0x38e: {  	s28 =	simm.s32 $0xA88;
	s29 =	simm.s32 $0x1508  }
0x38f: {  	[spmem:s16] =	stream.indirect.scatter [tilespmem:s29], [sflag:$0x1], $0x1, s28, s14, $0xb8;
	[tilespmem:$0x3310] =	vst v63  }
0x390: {  	s30 =	simm.s32 $0xB08;
	s31 =	simm.s32 $0x1588  }
0x391: {  	[spmem:s16] =	stream.indirect.scatter [tilespmem:s31], [sflag:$0x1], $0x1, s30, s14, $0xb8;
	[tilespmem:$0x3310] =	vst v63  }
0x392: {  	s9 =	simm.s32 $0xB88;
	s26 =	simm.s32 $0x1608  }
0x393: {  	[spmem:s16] =	stream.indirect.scatter [tilespmem:s26], [sflag:$0x1], $0x1, s9, s14, $0xb8;
	[tilespmem:$0x3310] =	vst v63  }
0x394: {  	s28 =	simm.s32 $0xC08;
	s29 =	simm.s32 $0x1688  }
0x395: {  	[spmem:s16] =	stream.indirect.scatter [tilespmem:s29], [sflag:$0x1], $0x1, s28, s14, $0xb8;
	[tilespmem:$0x3310] =	vst v63  }
0x396: {  	s30 =	simm.s32 $0xC88;
	s31 =	simm.s32 $0x1708  }
0x397: {  	[spmem:s16] =	stream.indirect.scatter [tilespmem:s31], [sflag:$0x1], $0x1, s30, s14, $0xb8;
	[tilespmem:$0x3310] =	vst v63  }
0x398: {  	s9 =	simm.s32 $0xD08;
	s26 =	simm.s32 $0x1788  }
0x399: {  	[spmem:s16] =	stream.indirect.scatter [tilespmem:s26], [sflag:$0x1], $0x1, s9, s14, $0xb8;
	[tilespmem:$0x3310] =	vst v63  }
0x39a: {  	s28 =	simm.s32 $0xD88;
	s29 =	simm.s32 $0x1808  }
0x39b: {  	[spmem:s16] =	stream.indirect.scatter [tilespmem:s29], [sflag:$0x1], $0x1, s28, s14, $0xb8;
	[tilespmem:$0x3310] =	vst v63  }
0x39c: {  	s30 =	simm.s32 $0xE08;
	s31 =	simm.s32 $0x1888  }
0x39d: {  	[spmem:s16] =	stream.indirect.scatter [tilespmem:s31], [sflag:$0x1], $0x1, s30, s14, $0xb8;
	[tilespmem:$0x3310] =	vst v63  }
0x39e: {  	s9 =	simm.s32 $0xE88;
	s30 =	simm.s32 $0x1908  }
0x39f: {  	[spmem:s16] =	stream.indirect.scatter [tilespmem:s30], [sflag:$0x1], $0x1, s9, s14, $0xb8;
	[tilespmem:$0x3310] =	vst v63  }
0x3a0: {  	s28 =	simm.s32 $0x1988;
	s31 =	simm.s32 $0xF08  }
0x3a1: {  	[spmem:s16] =	stream.indirect.scatter [tilespmem:s28], [sflag:$0x1], $0x1, s31, s14, $0xb8;
	[tilespmem:$0x3310] =	vst v63  }
0x3a2: {  	s29 =	simm.s32 $0xF88;
	s9 =	simm.s32 $0x1A08  }
0x3a3: {  	[spmem:s16] =	stream.indirect.scatter [tilespmem:s9], [sflag:$0x1], $0x1, s29, s14, $0xb8;
	[tilespmem:$0x3310] =	vst v63  }
0x3a4: {  	s1 =	simm.s32 $0x1A88;
	s26 =	simm.s32 $0x1008  }
0x3a5: {  	[spmem:s16] =	stream.indirect.scatter [tilespmem:s1], [sflag:$0x1], $0x1, s26, s14, $0xb8;
	[tilespmem:$0x3310] =	vst v63  }
0x3a6: {  	_ =	swait.ge [sflag:s23], $0x80  }
0x3a7: {  	[sflag:s23] =	ssyncset.done $0x0  }
0x3a8: {  	[sflag:s23] =	ssyncadd.s32 $0xFFFFFF80  }
0x3a9: {  	_ =	swait.ge [sflag:s23], $0x80  }
0x3aa: {  	[sflag:s23] =	ssyncset.done $0x0  }
0x3ab: {  	[sflag:s23] =	ssyncadd.s32 $0xFFFFFF80  }
0x3ac: {  	_ =	swait.ge [sflag:s23], $0x80  }
0x3ad: {  	[sflag:s23] =	ssyncset.done $0x0  }
0x3ae: {  	[sflag:s23] =	ssyncadd.s32 $0xFFFFFF80  }
0x3af: {  	_ =	swait.ge [sflag:s23], $0x80  }
0x3b0: {  	[sflag:s23] =	ssyncset.done $0x0  }
0x3b1: {  	[sflag:s23] =	ssyncadd.s32 $0xFFFFFF80  }
0x3b2: {  	_ =	swait.ge [sflag:s23], $0x80  }
0x3b3: {  	[sflag:s23] =	ssyncset.done $0x0  }
0x3b4: {  	[sflag:s23] =	ssyncadd.s32 $0xFFFFFF80  }
0x3b5: {  	_ =	swait.ge [sflag:s23], $0x80  }
0x3b6: {  	[sflag:s23] =	ssyncset.done $0x0  }
0x3b7: {  	[sflag:s23] =	ssyncadd.s32 $0xFFFFFF80  }
0x3b8: {  	_ =	swait.ge [sflag:s23], $0x80  }
0x3b9: {  	[sflag:s23] =	ssyncset.done $0x0  }
0x3ba: {  	[sflag:s23] =	ssyncadd.s32 $0xFFFFFF80  }
0x3bb: {  	_ =	swait.ge [sflag:s23], $0x80  }
0x3bc: {  	[sflag:s23] =	ssyncset.done $0x0  }
0x3bd: {  	[sflag:s23] =	ssyncadd.s32 $0xFFFFFF80  }
0x3be: {  	_ =	swait.ge [sflag:s23], $0x80  }
0x3bf: {  	[sflag:s23] =	ssyncset.done $0x0  }
0x3c0: {  	[sflag:s23] =	ssyncadd.s32 $0xFFFFFF80  }
0x3c1: {  	_ =	swait.ge [sflag:s23], $0x80  }
0x3c2: {  	[sflag:s23] =	ssyncset.done $0x0  }
0x3c3: {  	[sflag:s23] =	ssyncadd.s32 $0xFFFFFF80  }
0x3c4: {  	_ =	swait.ge [sflag:s23], $0x80  }
0x3c5: {  	[sflag:s23] =	ssyncset.done $0x0  }
0x3c6: {  	[sflag:s23] =	ssyncadd.s32 $0xFFFFFF80  }
0x3c7: {  	_ =	swait.ge [sflag:s23], $0x80  }
0x3c8: {  	[sflag:s23] =	ssyncset.done $0x0  }
0x3c9: {  	[sflag:s23] =	ssyncadd.s32 $0xFFFFFF80  }
0x3ca: {  	_ =	swait.ge [sflag:s23], $0x80  }
0x3cb: {  	[sflag:s23] =	ssyncset.done $0x0  }
0x3cc: {  	[sflag:s23] =	ssyncadd.s32 $0xFFFFFF80  }
0x3cd: {  	_ =	swait.ge [sflag:s23], $0x80  }
0x3ce: {  	[sflag:s23] =	ssyncset.done $0x0  }
0x3cf: {  	[sflag:s23] =	ssyncadd.s32 $0xFFFFFF80  }
0x3d0: {  	_ =	swait.ge [sflag:s23], $0x80  }
0x3d1: {  	[sflag:s23] =	ssyncset.done $0x0  }
0x3d2: {  	[sflag:s23] =	ssyncadd.s32 $0xFFFFFF80  }
0x3d3: {  	_ =	swait.ge [sflag:s23], $0x80  }
0x3d4: {  	[sflag:s23] =	ssyncset.done $0x0  }
0x3d5: {  	[sflag:s23] =	ssyncadd.s32 $0xFFFFFF80  }
0x3d6: {  	_ =	swait.ge [sflag:s23], $0x80  }
0x3d7: {  	[sflag:s23] =	ssyncset.done $0x0  }
0x3d8: {  	[sflag:s23] =	ssyncadd.s32 $0xFFFFFF80  }
0x3d9: {  	_ =	swait.ge [sflag:s23], $0x80  }
0x3da: {  	[sflag:s23] =	ssyncset.done $0x0  }
0x3db: {  	[sflag:s23] =	ssyncadd.s32 $0xFFFFFF80  }
0x3dc: {  	_ =	swait.ge [sflag:s23], $0x80  }
0x3dd: {  	[sflag:s23] =	ssyncset.done $0x0  }
0x3de: {  	[sflag:s23] =	ssyncadd.s32 $0xFFFFFF80  }
0x3df: {  	_ =	swait.ge [sflag:s23], $0x80  }
0x3e0: {  	[sflag:s23] =	ssyncset.done $0x0  }
0x3e1: {  	[sflag:s23] =	ssyncadd.s32 $0xFFFFFF80  }
0x3e2: {  	_ =	swait.ge [sflag:s23], $0x80  }
0x3e3: {  	[sflag:s23] =	ssyncset.done $0x0  }
0x3e4: {  	s0 =	rddreg [dreg:$0x8];
	[sflag:s23] =	ssyncadd.s32 $0xFFFFFF80  }
0x3e5: {  	[tilespmem:s24], [sflag:$0x3] =	stream.linear.gather [hbm4b:s0+s2], $0xA80, $0x38;
	[tilespmem:$0x3310] =	vst v63  }
0x3e6: {  	_ =	swait.ge [sflag:s3], $0xA80  }
0x3e7: {  	[sflag:s3] =	ssyncset.done $0x0  }
0x3e8: {  	s0 =	rddreg [dreg:$0x9];
	[sflag:s3] =	ssyncadd.s32 $0xFFFFF580  }
0x3e9: {  	[tilespmem:s17], [sflag:$0x3] =	stream.linear.gather [hbm4b:s0+s2], $0xA80, $0x38;
	[tilespmem:$0x3310] =	vst v63  }
0x3ea: {  	_ =	swait.ge [sflag:s3], $0xA80  }
0x3eb: {  	[sflag:s3] =	ssyncset.done $0x0  }
0x3ec: {  	[sflag:s3] =	ssyncadd.s32 $0xFFFFF580  }
0x3ed: {  	[spmem:s16] =	stream.indirect.scatter [tilespmem:s17], [sflag:$0x1], $0x1, s24, s14, $0xb8;
	[tilespmem:$0x3310] =	vst v63  }
0x3ee: {  	s24 =	simm.s32 $0x1108  }
0x3ef: {  	[spmem:s16] =	stream.indirect.scatter [tilespmem:s24], [sflag:$0x1], $0x1, s6, s14, $0xb8;
	[tilespmem:$0x3310] =	vst v63  }
0x3f0: {  	s17 =	simm.s32 $0x708;
	s24 =	simm.s32 $0x1188  }
0x3f1: {  	[spmem:s16] =	stream.indirect.scatter [tilespmem:s24], [sflag:$0x1], $0x1, s17, s14, $0xb8;
	[tilespmem:$0x3310] =	vst v63  }
0x3f2: {  	s17 =	simm.s32 $0x788;
	s24 =	simm.s32 $0x1208  }
0x3f3: {  	[spmem:s16] =	stream.indirect.scatter [tilespmem:s24], [sflag:$0x1], $0x1, s17, s14, $0xb8;
	[tilespmem:$0x3310] =	vst v63  }
0x3f4: {  	s17 =	simm.s32 $0x808;
	s24 =	simm.s32 $0x1288  }
0x3f5: {  	[spmem:s16] =	stream.indirect.scatter [tilespmem:s24], [sflag:$0x1], $0x1, s17, s14, $0xb8;
	[tilespmem:$0x3310] =	vst v63  }
0x3f6: {  	s17 =	simm.s32 $0x888;
	s24 =	simm.s32 $0x1308  }
0x3f7: {  	[spmem:s16] =	stream.indirect.scatter [tilespmem:s24], [sflag:$0x1], $0x1, s17, s14, $0xb8;
	[tilespmem:$0x3310] =	vst v63  }
0x3f8: {  	s17 =	simm.s32 $0x908;
	s24 =	simm.s32 $0x1388  }
0x3f9: {  	[spmem:s16] =	stream.indirect.scatter [tilespmem:s24], [sflag:$0x1], $0x1, s17, s14, $0xb8;
	[tilespmem:$0x3310] =	vst v63  }
0x3fa: {  	s17 =	simm.s32 $0x988;
	s24 =	simm.s32 $0x1408  }
0x3fb: {  	[spmem:s16] =	stream.indirect.scatter [tilespmem:s24], [sflag:$0x1], $0x1, s17, s14, $0xb8;
	[tilespmem:$0x3310] =	vst v63  }
0x3fc: {  	s17 =	simm.s32 $0xA08;
	s24 =	simm.s32 $0x1488  }
0x3fd: {  	[spmem:s16] =	stream.indirect.scatter [tilespmem:s24], [sflag:$0x1], $0x1, s17, s14, $0xb8;
	[tilespmem:$0x3310] =	vst v63  }
0x3fe: {  	s17 =	simm.s32 $0xA88;
	s24 =	simm.s32 $0x1508  }
0x3ff: {  	[spmem:s16] =	stream.indirect.scatter [tilespmem:s24], [sflag:$0x1], $0x1, s17, s14, $0xb8;
	[tilespmem:$0x3310] =	vst v63  }
0x400: {  	s17 =	simm.s32 $0xB08;
	s24 =	simm.s32 $0x1588  }
0x401: {  	[spmem:s16] =	stream.indirect.scatter [tilespmem:s24], [sflag:$0x1], $0x1, s17, s14, $0xb8;
	[tilespmem:$0x3310] =	vst v63  }
0x402: {  	s17 =	simm.s32 $0xB88;
	s24 =	simm.s32 $0x1608  }
0x403: {  	[spmem:s16] =	stream.indirect.scatter [tilespmem:s24], [sflag:$0x1], $0x1, s17, s14, $0xb8;
	[tilespmem:$0x3310] =	vst v63  }
0x404: {  	s17 =	simm.s32 $0xC08;
	s24 =	simm.s32 $0x1688  }
0x405: {  	[spmem:s16] =	stream.indirect.scatter [tilespmem:s24], [sflag:$0x1], $0x1, s17, s14, $0xb8;
	[tilespmem:$0x3310] =	vst v63  }
0x406: {  	s17 =	simm.s32 $0xC88;
	s24 =	simm.s32 $0x1708  }
0x407: {  	[spmem:s16] =	stream.indirect.scatter [tilespmem:s24], [sflag:$0x1], $0x1, s17, s14, $0xb8;
	[tilespmem:$0x3310] =	vst v63  }
0x408: {  	s17 =	simm.s32 $0xD08;
	s24 =	simm.s32 $0x1788  }
0x409: {  	[spmem:s16] =	stream.indirect.scatter [tilespmem:s24], [sflag:$0x1], $0x1, s17, s14, $0xb8;
	[tilespmem:$0x3310] =	vst v63  }
0x40a: {  	s17 =	simm.s32 $0xD88;
	s24 =	simm.s32 $0x1808  }
0x40b: {  	[spmem:s16] =	stream.indirect.scatter [tilespmem:s24], [sflag:$0x1], $0x1, s17, s14, $0xb8;
	[tilespmem:$0x3310] =	vst v63  }
0x40c: {  	s17 =	simm.s32 $0xE08;
	s24 =	simm.s32 $0x1888  }
0x40d: {  	[spmem:s16] =	stream.indirect.scatter [tilespmem:s24], [sflag:$0x1], $0x1, s17, s14, $0xb8;
	[tilespmem:$0x3310] =	vst v63  }
0x40e: {  	s6 =	simm.s32 $0xE88  }
0x40f: {  	[spmem:s16] =	stream.indirect.scatter [tilespmem:s30], [sflag:$0x1], $0x1, s6, s14, $0xb8;
	[tilespmem:$0x3310] =	vst v63  }
0x410: {  	_ = 	snop  }
0x411: {  	[spmem:s16] =	stream.indirect.scatter [tilespmem:s28], [sflag:$0x1], $0x1, s31, s14, $0xb8;
	[tilespmem:$0x3310] =	vst v63  }
0x412: {  	_ = 	snop  }
0x413: {  	[spmem:s16] =	stream.indirect.scatter [tilespmem:s9], [sflag:$0x1], $0x1, s29, s14, $0xb8;
	[tilespmem:$0x3310] =	vst v63  }
0x414: {  	_ = 	snop  }
0x415: {  	[spmem:s16] =	stream.indirect.scatter [tilespmem:s1], [sflag:$0x1], $0x1, s26, s14, $0xb8;
	[tilespmem:$0x3310] =	vst v63  }
0x416: {  	_ =	swait.ge [sflag:s23], $0x80  }
0x417: {  	[sflag:s23] =	ssyncset.done $0x0  }
0x418: {  	[sflag:s23] =	ssyncadd.s32 $0xFFFFFF80  }
0x419: {  	_ =	swait.ge [sflag:s23], $0x80  }
0x41a: {  	[sflag:s23] =	ssyncset.done $0x0  }
0x41b: {  	[sflag:s23] =	ssyncadd.s32 $0xFFFFFF80  }
0x41c: {  	_ =	swait.ge [sflag:s23], $0x80  }
0x41d: {  	[sflag:s23] =	ssyncset.done $0x0  }
0x41e: {  	[sflag:s23] =	ssyncadd.s32 $0xFFFFFF80  }
0x41f: {  	_ =	swait.ge [sflag:s23], $0x80  }
0x420: {  	[sflag:s23] =	ssyncset.done $0x0  }
0x421: {  	[sflag:s23] =	ssyncadd.s32 $0xFFFFFF80  }
0x422: {  	_ =	swait.ge [sflag:s23], $0x80  }
0x423: {  	[sflag:s23] =	ssyncset.done $0x0  }
0x424: {  	[sflag:s23] =	ssyncadd.s32 $0xFFFFFF80  }
0x425: {  	_ =	swait.ge [sflag:s23], $0x80  }
0x426: {  	[sflag:s23] =	ssyncset.done $0x0  }
0x427: {  	[sflag:s23] =	ssyncadd.s32 $0xFFFFFF80  }
0x428: {  	_ =	swait.ge [sflag:s23], $0x80  }
0x429: {  	[sflag:s23] =	ssyncset.done $0x0  }
0x42a: {  	[sflag:s23] =	ssyncadd.s32 $0xFFFFFF80  }
0x42b: {  	_ =	swait.ge [sflag:s23], $0x80  }
0x42c: {  	[sflag:s23] =	ssyncset.done $0x0  }
0x42d: {  	[sflag:s23] =	ssyncadd.s32 $0xFFFFFF80  }
0x42e: {  	_ =	swait.ge [sflag:s23], $0x80  }
0x42f: {  	[sflag:s23] =	ssyncset.done $0x0  }
0x430: {  	[sflag:s23] =	ssyncadd.s32 $0xFFFFFF80  }
0x431: {  	_ =	swait.ge [sflag:s23], $0x80  }
0x432: {  	[sflag:s23] =	ssyncset.done $0x0  }
0x433: {  	[sflag:s23] =	ssyncadd.s32 $0xFFFFFF80  }
0x434: {  	_ =	swait.ge [sflag:s23], $0x80  }
0x435: {  	[sflag:s23] =	ssyncset.done $0x0  }
0x436: {  	[sflag:s23] =	ssyncadd.s32 $0xFFFFFF80  }
0x437: {  	_ =	swait.ge [sflag:s23], $0x80  }
0x438: {  	[sflag:s23] =	ssyncset.done $0x0  }
0x439: {  	[sflag:s23] =	ssyncadd.s32 $0xFFFFFF80  }
0x43a: {  	_ =	swait.ge [sflag:s23], $0x80  }
0x43b: {  	[sflag:s23] =	ssyncset.done $0x0  }
0x43c: {  	[sflag:s23] =	ssyncadd.s32 $0xFFFFFF80  }
0x43d: {  	_ =	swait.ge [sflag:s23], $0x80  }
0x43e: {  	[sflag:s23] =	ssyncset.done $0x0  }
0x43f: {  	[sflag:s23] =	ssyncadd.s32 $0xFFFFFF80  }
0x440: {  	_ =	swait.ge [sflag:s23], $0x80  }
0x441: {  	[sflag:s23] =	ssyncset.done $0x0  }
0x442: {  	[sflag:s23] =	ssyncadd.s32 $0xFFFFFF80  }
0x443: {  	_ =	swait.ge [sflag:s23], $0x80  }
0x444: {  	[sflag:s23] =	ssyncset.done $0x0  }
0x445: {  	[sflag:s23] =	ssyncadd.s32 $0xFFFFFF80  }
0x446: {  	_ =	swait.ge [sflag:s23], $0x80  }
0x447: {  	[sflag:s23] =	ssyncset.done $0x0  }
0x448: {  	[sflag:s23] =	ssyncadd.s32 $0xFFFFFF80  }
0x449: {  	_ =	swait.ge [sflag:s23], $0x80  }
0x44a: {  	[sflag:s23] =	ssyncset.done $0x0  }
0x44b: {  	[sflag:s23] =	ssyncadd.s32 $0xFFFFFF80  }
0x44c: {  	_ =	swait.ge [sflag:s23], $0x80  }
0x44d: {  	[sflag:s23] =	ssyncset.done $0x0  }
0x44e: {  	[sflag:s23] =	ssyncadd.s32 $0xFFFFFF80  }
0x44f: {  	_ =	swait.ge [sflag:s23], $0x80  }
0x450: {  	[sflag:s23] =	ssyncset.done $0x0  }
0x451: {  	[sflag:s23] =	ssyncadd.s32 $0xFFFFFF80  }
0x452: {  	_ =	swait.ge [sflag:s23], $0x80  }
0x453: {  	[sflag:s23] =	ssyncset.done $0x0  }
0x454: {  	[sflag:s23] =	ssyncadd.s32 $0xFFFFFF80  }
0x455: {  	[bflag:$0x0] =	sbarrier.arrive $0xFFFF  }
0x456: {  	s17 =	rddreg [dreg:$0xa]  }
0x457: {  	[tilespmem:s21], [sflag:$0x3] =	stream.linear.gather [spmem:s17], $0x300, $0x38;
	[tilespmem:$0x3310] =	vst v63  }
0x458: {  	_ =	swait.ge [sflag:s3], $0x300  }
0x459: {  	[sflag:s3] =	ssyncset.done $0x0  }
0x45a: {  	s6 =	simm.s32 $0x2410;
	[sflag:s3] =	ssyncadd.s32 $0xFFFFFD00  }
0x45b: {  	[tilespmem:s6], [sflag:$0x2] =	stream.indirect.gather [hbm4b:s8+s14], $0x1, s21, s14, $0xb8;
	[tilespmem:$0x3310] =	vst v63  }
0x45c: {  	s23 =	rddreg [dreg:$0x10]  }
0x45d: {  	[tilespmem:s23], [sflag:$0x2] =	stream.indirect.gather [hbm4b:s8+s14], $0x1, s25, s14, $0xb8;
	[tilespmem:$0x3310] =	vst v63  }
0x45e: {  	s24 =	rddreg [dreg:$0x11]  }
0x45f: {  	[tilespmem:s24], [sflag:$0x2] =	stream.indirect.gather [hbm4b:s8+s14], $0x1, s22, s14, $0xb8;
	[tilespmem:$0x3310] =	vst v63  }
0x460: {  	s26 =	rddreg [dreg:$0x12]  }
0x461: {  	[tilespmem:s26], [sflag:$0x2] =	stream.indirect.gather [hbm4b:s8+s14], $0x1, s20, s14, $0xb8;
	[tilespmem:$0x3310] =	vst v63  }
0x462: {  	s28 =	rddreg [dreg:$0x13]  }
0x463: {  	[tilespmem:s28], [sflag:$0x2] =	stream.indirect.gather [hbm4b:s8+s14], $0x1, s18, s14, $0xb8;
	[tilespmem:$0x3310] =	vst v63  }
0x464: {  	s29 =	rddreg [dreg:$0x14]  }
0x465: {  	[tilespmem:s29], [sflag:$0x2] =	stream.indirect.gather [hbm4b:s8+s14], $0x1, s19, s14, $0xb8;
	[tilespmem:$0x3310] =	vst v63  }
0x466: {  	s9 =	simm.s32 $0x2710  }
0x467: {  	[tilespmem:s9], [sflag:$0x2] =	stream.indirect.gather [hbm4b:s15+s14], $0x1, s21, s14, $0xb8;
	[tilespmem:$0x3310] =	vst v63  }
0x468: {  	s30 =	rddreg [dreg:$0x15]  }
0x469: {  	[tilespmem:s30], [sflag:$0x2] =	stream.indirect.gather [hbm4b:s15+s14], $0x1, s25, s14, $0xb8;
	[tilespmem:$0x3310] =	vst v63  }
0x46a: {  	s31 =	rddreg [dreg:$0x16]  }
0x46b: {  	[tilespmem:s31], [sflag:$0x2] =	stream.indirect.gather [hbm4b:s15+s14], $0x1, s22, s14, $0xb8;
	[tilespmem:$0x3310] =	vst v63  }
0x46c: {  	s8 =	rddreg [dreg:$0x17]  }
0x46d: {  	[tilespmem:s8], [sflag:$0x2] =	stream.indirect.gather [hbm4b:s15+s14], $0x1, s20, s14, $0xb8;
	[tilespmem:$0x3310] =	vst v63  }
0x46e: {  	s16 =	rddreg [dreg:$0x18]  }
0x46f: {  	[tilespmem:s16], [sflag:$0x2] =	stream.indirect.gather [hbm4b:s15+s14], $0x1, s18, s14, $0xb8;
	[tilespmem:$0x3310] =	vst v63  }
0x470: {  	s17 =	rddreg [dreg:$0x19]  }
0x471: {  	[tilespmem:s17], [sflag:$0x2] =	stream.indirect.gather [hbm4b:s15+s14], $0x1, s19, s14, $0xb8;
	[tilespmem:$0x3310] =	vst v63  }
0x472: {  	_ = 	snop  }
0x473: {  	[tilespmem:s7], [sflag:$0x2] =	stream.indirect.gather [hbm4b:s13+s14], $0x1, s21, s14, $0xb8;
	[tilespmem:$0x3310] =	vst v63  }
0x474: {  	s23 =	rddreg [dreg:$0x1a]  }
0x475: {  	[tilespmem:s23], [sflag:$0x2] =	stream.indirect.gather [hbm4b:s13+s14], $0x1, s25, s14, $0xb8;
	[tilespmem:$0x3310] =	vst v63  }
0x476: {  	s24 =	rddreg [dreg:$0x1b]  }
0x477: {  	[tilespmem:s24], [sflag:$0x2] =	stream.indirect.gather [hbm4b:s13+s14], $0x1, s22, s14, $0xb8;
	[tilespmem:$0x3310] =	vst v63  }
0x478: {  	s26 =	rddreg [dreg:$0x1c]  }
0x479: {  	[tilespmem:s26], [sflag:$0x2] =	stream.indirect.gather [hbm4b:s13+s14], $0x1, s20, s14, $0xb8;
	[tilespmem:$0x3310] =	vst v63  }
0x47a: {  	s28 =	rddreg [dreg:$0x1d]  }
0x47b: {  	[tilespmem:s28], [sflag:$0x2] =	stream.indirect.gather [hbm4b:s13+s14], $0x1, s18, s14, $0xb8;
	[tilespmem:$0x3310] =	vst v63  }
0x47c: {  	s29 =	rddreg [dreg:$0x1e]  }
0x47d: {  	[tilespmem:s29], [sflag:$0x2] =	stream.indirect.gather [hbm4b:s13+s14], $0x1, s19, s14, $0xb8;
	[tilespmem:$0x3310] =	vst v63  }
0x47e: {  	s30 =	rddreg [dreg:$0x1f]  }
0x47f: {  	[tilespmem:s5], [sflag:$0x2] =	stream.indirect.gather [hbm4b:s12+s14], $0x1, s21, s14, $0xb8;
	[tilespmem:$0x3310] =	vst v63  }
0x480: {  	s31 =	sld [smem:$0x7F5]  }
0x481: {  	[tilespmem:s30], [sflag:$0x2] =	stream.indirect.gather [hbm4b:s12+s14], $0x1, s25, s14, $0xb8;
	[tilespmem:$0x3310] =	vst v63  }
0x482: {  	s8 =	sld [smem:$0x7F6]  }
0x483: {  	[tilespmem:s31], [sflag:$0x2] =	stream.indirect.gather [hbm4b:s12+s14], $0x1, s22, s14, $0xb8;
	[tilespmem:$0x3310] =	vst v63  }
0x484: {  	s13 =	sld [smem:$0x7F7]  }
0x485: {  	[tilespmem:s8], [sflag:$0x2] =	stream.indirect.gather [hbm4b:s12+s14], $0x1, s20, s14, $0xb8;
	[tilespmem:$0x3310] =	vst v63  }
0x486: {  	s15 =	sld [smem:$0x7F8]  }
0x487: {  	[tilespmem:s13], [sflag:$0x2] =	stream.indirect.gather [hbm4b:s12+s14], $0x1, s18, s14, $0xb8;
	[tilespmem:$0x3310] =	vst v63  }
0x488: {  	_ = 	snop  }
0x489: {  	[tilespmem:s15], [sflag:$0x2] =	stream.indirect.gather [hbm4b:s12+s14], $0x1, s19, s14, $0xb8;
	[tilespmem:$0x3310] =	vst v63  }
0x48a: {  	s16 =	sld [smem:$0x7F9]  }
0x48b: {  	[tilespmem:s4], [sflag:$0x2] =	stream.indirect.gather [hbm4b:s10+s14], $0x1, s21, s14, $0xb8;
	[tilespmem:$0x3310] =	vst v63  }
0x48c: {  	s17 =	sld [smem:$0x7FA]  }
0x48d: {  	[tilespmem:s16], [sflag:$0x2] =	stream.indirect.gather [hbm4b:s10+s14], $0x1, s25, s14, $0xb8;
	[tilespmem:$0x3310] =	vst v63  }
0x48e: {  	s21 =	sld [smem:$0x7FB]  }
0x48f: {  	[tilespmem:s17], [sflag:$0x2] =	stream.indirect.gather [hbm4b:s10+s14], $0x1, s22, s14, $0xb8;
	[tilespmem:$0x3310] =	vst v63  }
0x490: {  	s23 =	sld [smem:$0x7FC]  }
0x491: {  	[tilespmem:s21], [sflag:$0x2] =	stream.indirect.gather [hbm4b:s10+s14], $0x1, s20, s14, $0xb8;
	[tilespmem:$0x3310] =	vst v63  }
0x492: {  	s24 =	sld [smem:$0x7FD]  }
0x493: {  	[tilespmem:s23], [sflag:$0x2] =	stream.indirect.gather [hbm4b:s10+s14], $0x1, s18, s14, $0xb8;
	[tilespmem:$0x3310] =	vst v63  }
0x494: {  	_ = 	snop  }
0x495: {  	[tilespmem:s24], [sflag:$0x2] =	stream.indirect.gather [hbm4b:s10+s14], $0x1, s19, s14, $0xb8;
	[tilespmem:$0x3310] =	vst v63  }
0x496: {  	_ =	swait.ge [sflag:s11], $0x80  }
0x497: {  	[sflag:s11] =	ssyncset.done $0x0  }
0x498: {  	[sflag:s11] =	ssyncadd.s32 $0xFFFFFF80  }
0x499: {  	_ =	swait.ge [sflag:s11], $0x80  }
0x49a: {  	[sflag:s11] =	ssyncset.done $0x0  }
0x49b: {  	[sflag:s11] =	ssyncadd.s32 $0xFFFFFF80  }
0x49c: {  	_ =	swait.ge [sflag:s11], $0x80  }
0x49d: {  	[sflag:s11] =	ssyncset.done $0x0  }
0x49e: {  	[sflag:s11] =	ssyncadd.s32 $0xFFFFFF80  }
0x49f: {  	_ =	swait.ge [sflag:s11], $0x80  }
0x4a0: {  	[sflag:s11] =	ssyncset.done $0x0  }
0x4a1: {  	[sflag:s11] =	ssyncadd.s32 $0xFFFFFF80  }
0x4a2: {  	_ =	swait.ge [sflag:s11], $0x80  }
0x4a3: {  	[sflag:s11] =	ssyncset.done $0x0  }
0x4a4: {  	[sflag:s11] =	ssyncadd.s32 $0xFFFFFF80  }
0x4a5: {  	_ =	swait.ge [sflag:s11], $0x80  }
0x4a6: {  	[sflag:s11] =	ssyncset.done $0x0  }
0x4a7: {  	[sflag:s11] =	ssyncadd.s32 $0xFFFFFF80  }
0x4a8: {  	_ =	swait.ge [sflag:s11], $0x80  }
0x4a9: {  	[sflag:s11] =	ssyncset.done $0x0  }
0x4aa: {  	[sflag:s11] =	ssyncadd.s32 $0xFFFFFF80  }
0x4ab: {  	_ =	swait.ge [sflag:s11], $0x80  }
0x4ac: {  	[sflag:s11] =	ssyncset.done $0x0  }
0x4ad: {  	[sflag:s11] =	ssyncadd.s32 $0xFFFFFF80  }
0x4ae: {  	_ =	swait.ge [sflag:s11], $0x80  }
0x4af: {  	[sflag:s11] =	ssyncset.done $0x0  }
0x4b0: {  	[sflag:s11] =	ssyncadd.s32 $0xFFFFFF80  }
0x4b1: {  	_ =	swait.ge [sflag:s11], $0x80  }
0x4b2: {  	[sflag:s11] =	ssyncset.done $0x0  }
0x4b3: {  	[sflag:s11] =	ssyncadd.s32 $0xFFFFFF80  }
0x4b4: {  	_ =	swait.ge [sflag:s11], $0x80  }
0x4b5: {  	[sflag:s11] =	ssyncset.done $0x0  }
0x4b6: {  	[sflag:s11] =	ssyncadd.s32 $0xFFFFFF80  }
0x4b7: {  	_ =	swait.ge [sflag:s11], $0x80  }
0x4b8: {  	[sflag:s11] =	ssyncset.done $0x0  }
0x4b9: {  	[sflag:s11] =	ssyncadd.s32 $0xFFFFFF80  }
0x4ba: {  	_ =	swait.ge [sflag:s11], $0x80  }
0x4bb: {  	[sflag:s11] =	ssyncset.done $0x0  }
0x4bc: {  	[sflag:s11] =	ssyncadd.s32 $0xFFFFFF80  }
0x4bd: {  	_ =	swait.ge [sflag:s11], $0x80  }
0x4be: {  	[sflag:s11] =	ssyncset.done $0x0  }
0x4bf: {  	[sflag:s11] =	ssyncadd.s32 $0xFFFFFF80  }
0x4c0: {  	_ =	swait.ge [sflag:s11], $0x80  }
0x4c1: {  	[sflag:s11] =	ssyncset.done $0x0  }
0x4c2: {  	[sflag:s11] =	ssyncadd.s32 $0xFFFFFF80  }
0x4c3: {  	_ =	swait.ge [sflag:s11], $0x80  }
0x4c4: {  	[sflag:s11] =	ssyncset.done $0x0  }
0x4c5: {  	[sflag:s11] =	ssyncadd.s32 $0xFFFFFF80  }
0x4c6: {  	_ =	swait.ge [sflag:s11], $0x80  }
0x4c7: {  	[sflag:s11] =	ssyncset.done $0x0  }
0x4c8: {  	[sflag:s11] =	ssyncadd.s32 $0xFFFFFF80  }
0x4c9: {  	_ =	swait.ge [sflag:s11], $0x80  }
0x4ca: {  	[sflag:s11] =	ssyncset.done $0x0  }
0x4cb: {  	[sflag:s11] =	ssyncadd.s32 $0xFFFFFF80  }
0x4cc: {  	_ =	swait.ge [sflag:s11], $0x80  }
0x4cd: {  	[sflag:s11] =	ssyncset.done $0x0  }
0x4ce: {  	[sflag:s11] =	ssyncadd.s32 $0xFFFFFF80  }
0x4cf: {  	_ =	swait.ge [sflag:s11], $0x80  }
0x4d0: {  	[sflag:s11] =	ssyncset.done $0x0  }
0x4d1: {  	[sflag:s11] =	ssyncadd.s32 $0xFFFFFF80  }
0x4d2: {  	_ =	swait.ge [sflag:s11], $0x80  }
0x4d3: {  	[sflag:s11] =	ssyncset.done $0x0  }
0x4d4: {  	[sflag:s11] =	ssyncadd.s32 $0xFFFFFF80  }
0x4d5: {  	_ =	swait.ge [sflag:s11], $0x80  }
0x4d6: {  	[sflag:s11] =	ssyncset.done $0x0  }
0x4d7: {  	[sflag:s11] =	ssyncadd.s32 $0xFFFFFF80  }
0x4d8: {  	_ =	swait.ge [sflag:s11], $0x80  }
0x4d9: {  	[sflag:s11] =	ssyncset.done $0x0  }
0x4da: {  	[sflag:s11] =	ssyncadd.s32 $0xFFFFFF80  }
0x4db: {  	_ =	swait.ge [sflag:s11], $0x80  }
0x4dc: {  	[sflag:s11] =	ssyncset.done $0x0  }
0x4dd: {  	[sflag:s11] =	ssyncadd.s32 $0xFFFFFF80  }
0x4de: {  	_ =	swait.ge [sflag:s11], $0x80  }
0x4df: {  	[sflag:s11] =	ssyncset.done $0x0  }
0x4e0: {  	[sflag:s11] =	ssyncadd.s32 $0xFFFFFF80  }
0x4e1: {  	_ =	swait.ge [sflag:s11], $0x80  }
0x4e2: {  	[sflag:s11] =	ssyncset.done $0x0  }
0x4e3: {  	[sflag:s11] =	ssyncadd.s32 $0xFFFFFF80  }
0x4e4: {  	_ =	swait.ge [sflag:s11], $0x80  }
0x4e5: {  	[sflag:s11] =	ssyncset.done $0x0  }
0x4e6: {  	[sflag:s11] =	ssyncadd.s32 $0xFFFFFF80  }
0x4e7: {  	_ =	swait.ge [sflag:s11], $0x80  }
0x4e8: {  	[sflag:s11] =	ssyncset.done $0x0  }
0x4e9: {  	[sflag:s11] =	ssyncadd.s32 $0xFFFFFF80  }
0x4ea: {  	_ =	swait.ge [sflag:s11], $0x80  }
0x4eb: {  	[sflag:s11] =	ssyncset.done $0x0  }
0x4ec: {  	[sflag:s11] =	ssyncadd.s32 $0xFFFFFF80  }
0x4ed: {  	_ =	swait.ge [sflag:s11], $0x80  }
0x4ee: {  	[sflag:s11] =	ssyncset.done $0x0  }
0x4ef: {  	s25 =	rddreg [dreg:$0xb];
	[sflag:s11] =	ssyncadd.s32 $0xFFFFFF80  }
0x4f0: {  	[hbm4b:s25+s2] =	stream.linear.scatter [tilespmem:s6], [sflag:$0x3], $0x300, $0x38;
	[tilespmem:$0x3310] =	vst v63  }
0x4f1: {  	_ =	swait.ge [sflag:s3], $0x300  }
0x4f2: {  	[sflag:s3] =	ssyncset.done $0x0  }
0x4f3: {  	s26 =	rddreg [dreg:$0xc];
	[sflag:s3] =	ssyncadd.s32 $0xFFFFFD00  }
0x4f4: {  	[hbm4b:s26+s2] =	stream.linear.scatter [tilespmem:s9], [sflag:$0x3], $0x300, $0x38;
	[tilespmem:$0x3310] =	vst v63  }
0x4f5: {  	_ =	swait.ge [sflag:s3], $0x300  }
0x4f6: {  	[sflag:s3] =	ssyncset.done $0x0  }
0x4f7: {  	s28 =	rddreg [dreg:$0xd];
	[sflag:s3] =	ssyncadd.s32 $0xFFFFFD00  }
0x4f8: {  	[hbm4b:s28+s2] =	stream.linear.scatter [tilespmem:s7], [sflag:$0x3], $0x300, $0x38;
	[tilespmem:$0x3310] =	vst v63  }
0x4f9: {  	_ =	swait.ge [sflag:s3], $0x300  }
0x4fa: {  	[sflag:s3] =	ssyncset.done $0x0  }
0x4fb: {  	s29 =	rddreg [dreg:$0xe];
	[sflag:s3] =	ssyncadd.s32 $0xFFFFFD00  }
0x4fc: {  	[hbm4b:s29+s2] =	stream.linear.scatter [tilespmem:s5], [sflag:$0x3], $0x300, $0x38;
	[tilespmem:$0x3310] =	vst v63  }
0x4fd: {  	_ =	swait.ge [sflag:s3], $0x300  }
0x4fe: {  	[sflag:s3] =	ssyncset.done $0x0  }
0x4ff: {  	s30 =	rddreg [dreg:$0xf];
	[sflag:s3] =	ssyncadd.s32 $0xFFFFFD00  }
0x500: {  	[hbm4b:s30+s2] =	stream.linear.scatter [tilespmem:s4], [sflag:$0x3], $0x300, $0x38;
	[tilespmem:$0x3310] =	vst v63  }
0x501: {  	_ =	swait.ge [sflag:s3], $0x300  }
0x502: {  	[sflag:s3] =	ssyncset.done $0x0  }
0x503: {  	[sflag:s3] =	ssyncadd.s32 $0xFFFFFD00  }
0x504: {  	_ =	sfence.sel $0x180000  }
0x505: {  	[bflag:$0x0] =	sbarrier.arrive $0xFFFF  }
0x506: {  	_ =	strace $0x90000047  }
0x507: {  	s31 =	stileid.u32;
	[bflag:$0x2] =	sbarrier.arrive $0xFFFF  }
0x508: {  	p0 =	sne.s32 s31, $0x0;
	s0 =	rddreg [dreg:$0x3]  }
0x509: {  	s0 =	sadd.s32 @!p0 $0x100000, s0  }
0x50a: {  	[sflag:s0] =	ssyncadd.tile.s32 @!p0 $0x1;
	_ =	shalt  }
.LBB2_6:
.Ltmp3:
0x50b: {  	s10 =	sld [smem:$0x7F3];
	(pc) =	sbr.rel .LBB2_5-.Ltmp3, $4  }
0x50c: {  	s24 =	simm.s32 $0x608;
	s12 =	sld [smem:$0x7F2]  }
0x50d: {  	s17 =	simm.s32 $0x1088;
	s18 =	simm.s32 $0x2310;
	s13 =	sld [smem:$0x7F1]  }
0x50e: {  	s19 =	simm.s32 $0x2390;
	s20 =	simm.s32 $0x2290;
	s15 =	sld [smem:$0x7F0]  }
0x50f: {  	s22 =	simm.s32 $0x2210;
	s25 =	simm.s32 $0x2190;
	s8 =	sld [smem:$0x7EF]  }
.Lfunc_end2:
_tile_overlayer_lowered:
.L_overlay_start_2:
0x510: {  	(tag) =	ssettag $0x2  }
0x511: {  	s0 =	rddreg [dreg:$0x0];
	s2 =	stileid.u32  }
0x512: {  	s1 =	rddreg [dreg:$0x1];
	p0 =	sne.s32 s2, $0x0  }
0x513: {  	s3 =	rddreg [dreg:$0x2];
	[bflag:$0x3] =	sbarrier.arrive $0xFFFF;
	s2 =	simm.s32 @!p0 $0x1C03  }
0x514: {  	[timem:s3], [sflag:s2] =	dma.local @!p0 [hbm:s0], s1  }
0x515: {  	s0 =	simm.s32 @!p0 $0x3  }
0x516: {  	_ =	swait.ge @!p0 [sflag:s0], s1  }
0x517: {  	s1 =	ssub.s32 @!p0 $0x0, s1;
	[sflag:s0] =	ssyncset.done @!p0 $0x0  }
0x518: {  	[sflag:s0] =	ssyncadd.s32 @!p0 s1  }
0x519: {  	[bflag:$0x3] =	sbarrier.arrive $0xFFFF  }
0x51a: {  	_ =	shalt  }

</sc_bundles>
